<compile_context>
chip_gen: v7x
topology: tpu7x:2x2x1
jax: 0.10.2.dev20260603
libtpu: 0.0.44.dev20260713+nightly
codegen_flags: <defaults>
</compile_context>

<pallas_src>
import functools

import jax
import jax.numpy as jnp
import numpy as np
from jax import lax
from jax.experimental import pallas as pl
from jax.experimental.pallas import tpu as pltpu
from jax.experimental.pallas import tpu_sc as plsc

NC = 2
NS = 16
NW = NC * NS
L = 16

H = 224
W = 224
OUT = H // 2
B = 4
C = 96
TC_C = 40
SC_C = C - TC_C
SC_IMG = B * SC_C
RB = 8
SUBS = OUT // RB
NBLK_W = SC_IMG * SUBS // NW
GROUPS = OUT // L
HB = 8


def _fuzzy_math(x0, x1, x2, x3):
    m_inner = (x1 + x2) * 0.5
    m_all = ((x0 + x1) + (x2 + x3)) * 0.25
    v_avg = (m_inner + m_all) * 0.5
    w0 = jnp.abs(x0 - v_avg)
    w1 = jnp.abs(x1 - v_avg)
    w2 = jnp.abs(x2 - v_avg)
    w3 = jnp.abs(x3 - v_avg)
    s0 = (w1 + w2) * 0.5 + 1e-4
    s1 = ((w0 + w1) + (w2 + w3)) * 0.25 + 1e-4

    r0 = 1.0 / s0
    r1 = 1.0 / s1
    c0 = (r0 * r0) * -0.5
    c1 = (r1 * r1) * -0.5

    def gauss(xm, mu, c):
        d = xm - mu
        return jnp.exp((d * d) * c)

    p00 = gauss(x0, m_inner, c0)
    p0i = gauss(x1, m_inner, c0)
    p03 = gauss(x3, m_inner, c0)
    p10 = gauss(x0, m_all, c1)
    p11 = gauss(x1, m_all, c1)
    p12 = gauss(x2, m_all, c1)
    p13 = gauss(x3, m_all, c1)

    thresh = jnp.minimum(
        jnp.minimum(jnp.maximum(p00, p10), jnp.maximum(p0i, p11)),
        jnp.minimum(jnp.maximum(p0i, p12), jnp.maximum(p03, p13)))
    q0 = p00 + p10
    q1 = p0i + p11
    q2 = p0i + p12
    q3 = p03 + p13

    primary = q1 >= (thresh + thresh)
    secondary = jnp.logical_and(jnp.logical_not(primary), s1 < 0.001)
    num = (q0 * x0 + q1 * x1) + (q2 * x2 + q3 * x3)
    den = (q0 + q1) + (q2 + q3)
    denoised = num / den
    return jnp.where(primary, m_all, jnp.where(secondary, v_avg, denoised))


def _fuzzy_body(x_hbm, o_hbm, in0, in1, out0, out1, si0, si1, so0, so1):
    wid = lax.axis_index("s") * NC + lax.axis_index("c")
    iota = lax.iota(jnp.int32, L)
    col0 = iota * 2
    col1 = col0 + 1
    blk_lo = wid * NBLK_W
    blk_hi = blk_lo + NBLK_W - 1

    def in_start(blk, buf, sem):
        img = blk // SUBS
        sub = blk % SUBS
        b_ = img // SC_C
        c_ = TC_C + (img % SC_C)
        pltpu.async_copy(
            x_hbm.at[b_, c_, pl.ds(sub * (2 * RB), 2 * RB), :], buf, sem)

    def in_wait(buf, sem):
        pltpu.make_async_copy(
            x_hbm.at[0, 0, pl.ds(0, 2 * RB), :], buf, sem).wait()

    def out_start(blk, buf, sem):
        img = blk // SUBS
        sub = blk % SUBS
        b_ = img // SC_C
        c_ = img % SC_C
        pltpu.async_copy(
            buf, o_hbm.at[b_, c_, pl.ds(sub * RB, RB), :], sem)

    def out_wait(buf, sem):
        pltpu.make_async_copy(
            buf, o_hbm.at[0, 0, pl.ds(0, RB), :], sem).wait()

    def compute(in_v, out_v):
        @plsc.parallel_loop(0, RB, unroll=2)
        def row_body(r):
            for g in range(GROUPS):
                w0 = in_v.at[2 * r, pl.ds(g * (2 * L), 2 * L)]
                w1 = in_v.at[2 * r + 1, pl.ds(g * (2 * L), 2 * L)]
                x0 = plsc.load_gather(w0, [col0])
                x1 = plsc.load_gather(w0, [col1])
                x2 = plsc.load_gather(w1, [col0])
                x3 = plsc.load_gather(w1, [col1])
                out_v[r, pl.ds(g * L, L)] = _fuzzy_math(x0, x1, x2, x3)

    in_start(blk_lo, in0, si0)
    in_start(blk_lo + 1, in1, si1)

    def pair_body(j, carry):
        b = blk_lo + j * 2
        in_wait(in0, si0)

        @pl.when(j > 0)
        def _():
            out_wait(out0, so0)

        compute(in0, out0)
        out_start(b, out0, so0)
        in_start(jnp.minimum(b + 2, blk_hi), in0, si0)

        in_wait(in1, si1)

        @pl.when(j > 0)
        def _():
            out_wait(out1, so1)

        compute(in1, out1)
        out_start(b + 1, out1, so1)
        in_start(jnp.minimum(b + 3, blk_hi), in1, si1)
        return carry

    lax.fori_loop(0, NBLK_W // 2, pair_body, 0)
    out_wait(out0, so0)
    out_wait(out1, so1)
    in_wait(in0, si0)
    in_wait(in1, si1)


_mesh = plsc.VectorSubcoreMesh(core_axis_name="c", subcore_axis_name="s",
                               num_cores=NC, num_subcores=NS)

_fuzzy_call = pl.kernel(
    _fuzzy_body,
    out_type=jax.ShapeDtypeStruct((B, SC_C, OUT, OUT), jnp.float32),
    mesh=_mesh,
    scratch_types=[
        pltpu.VMEM((2 * RB, W), jnp.float32),
        pltpu.VMEM((2 * RB, W), jnp.float32),
        pltpu.VMEM((RB, OUT), jnp.float32),
        pltpu.VMEM((RB, OUT), jnp.float32),
        pltpu.SemaphoreType.DMA,
        pltpu.SemaphoreType.DMA,
        pltpu.SemaphoreType.DMA,
        pltpu.SemaphoreType.DMA,
    ],
    compiler_params=pltpu.CompilerParams(needs_layout_passes=False),
)


def _tc_body(x_ref, se_ref, so_ref, o_ref):
    se = se_ref[...]
    so = so_ref[...]
    x = x_ref[0].reshape(TC_C * 2 * HB, W)
    xh = x.astype(jnp.bfloat16).astype(jnp.float32)
    xr = x - xh
    xm = xr.astype(jnp.bfloat16).astype(jnp.float32)
    xl = xr - xm
    def dot3(sel):
        d = lambda a: jax.lax.dot(a, sel, preferred_element_type=jnp.float32)
        return (d(xh) + d(xm)) + d(xl)
    ye = dot3(se).reshape(TC_C, 2 * HB, OUT)
    yo = dot3(so).reshape(TC_C, 2 * HB, OUT)
    for hb in range(HB):
        x0 = ye[:, 2 * hb, :]
        x1 = yo[:, 2 * hb, :]
        x2 = ye[:, 2 * hb + 1, :]
        x3 = yo[:, 2 * hb + 1, :]
        o_ref[0, :, hb, :] = _fuzzy_math(x0, x1, x2, x3)


_tc_call = pl.pallas_call(
    _tc_body,
    grid=(B, OUT // HB),
    in_specs=[
        pl.BlockSpec((1, TC_C, 2 * HB, W), lambda b, h: (b, 0, h, 0)),
        pl.BlockSpec((W, OUT), lambda b, h: (0, 0)),
        pl.BlockSpec((W, OUT), lambda b, h: (0, 0)),
    ],
    out_specs=pl.BlockSpec((1, TC_C, HB, OUT), lambda b, h: (b, 0, h, 0)),
    out_shape=jax.ShapeDtypeStruct((B, TC_C, OUT, OUT), jnp.float32),
)

_SEL_EVEN = (np.arange(W)[:, None] == 2 * np.arange(OUT)[None, :]
             ).astype(np.float32)
_SEL_ODD = (np.arange(W)[:, None] == 2 * np.arange(OUT)[None, :] + 1
            ).astype(np.float32)


@jax.jit
def kernel(x):
    sc_out = _fuzzy_call(x)
    tc_out = _tc_call(x, jnp.asarray(_SEL_EVEN), jnp.asarray(_SEL_ODD))
    return jnp.concatenate([tc_out, sc_out], axis=1)

# --- scband reference (transcript-rebuilt; emitter-appended) ---
"""Pipeline reference for scband-fuzzy-type2-4123168604216 (READ-ONLY COPY).

The authoritative reference and input builder live on the scoring server;
editing this copy changes nothing except your own understanding.
"""

import jax, jax.numpy as jnp
import numpy as np

KERNEL_SIZE = 2
STRIDE = 2


def setup_inputs(seed: int = 0) -> dict:
    key = jax.random.key(seed)
    x = jax.random.normal(key, (4, 96, 224, 224), dtype=jnp.float32)
    return {"x": x}


def reference(x):
    p = KERNEL_SIZE
    s = STRIDE
    n = p * p
    h = (n + 1) // 2
    B, C, H, W = x.shape
    out = H // p
    xf = x.reshape(B * C, H, W)
    # unfold into non-overlapping p x p windows (stride == kernel_size)
    xf = xf.reshape(B * C, out, p, out, p).transpose(0, 1, 3, 2, 4).reshape(B * C, out, out, n)
    # membership
    kmm = xf.mean(axis=-1, keepdims=True)
    if p % 2 == 0:
        for k in range(h - 1):
            kmm = jnp.concatenate([xf[:, :, :, h - k - 1:h + k + 1].mean(axis=-1, keepdims=True), kmm], axis=-1)
    else:
        for k in range(h - 1):
            kmm = jnp.concatenate([xf[:, :, :, h - k - 1:h + k].mean(axis=-1, keepdims=True), kmm], axis=-1)
    v_avg = kmm.mean(axis=-1, keepdims=True)
    # var_vec
    omega = jnp.abs(xf - v_avg)
    sigma = omega.mean(axis=-1, keepdims=True)
    if h % 2 == 1:
        for k in range(h - 1):
            sigma = jnp.concatenate([omega[:, :, :, h - k - 1:h + k].mean(axis=-1, keepdims=True), sigma], axis=-1)
    else:
        for k in range(h - 1):
            sigma = jnp.concatenate([omega[:, :, :, h - k - 1:h + k + 1].mean(axis=-1, keepdims=True), sigma], axis=-1)
    sigma = sigma + 0.0001
    # delta: pi[b,i,j,a,m] = exp(-0.5 * ((x_m - kmm_a)/sigma_a)^2)
    xrep = xf[:, :, :, None, :]
    kmmrep = kmm[:, :, :, :, None]
    sigmarep = sigma[:, :, :, :, None]
    z = (xrep - kmmrep) / sigmarep
    pi = jnp.exp(-0.5 * z * z)
    mx = pi.max(axis=3)
    thresh = mx.min(axis=3, keepdims=True)
    avg_pi = pi.mean(axis=3)
    # masks
    mask_primary = avg_pi[:, :, :, h - 1:h] >= thresh
    s_condition = sigma[:, :, :, h - 1:h] < 0.001
    mask_secondary = jnp.logical_and(jnp.logical_not(mask_primary), s_condition)
    # pooled values per branch
    mean_x = xf.mean(axis=-1, keepdims=True)
    denoised = (avg_pi * xf).sum(axis=-1, keepdims=True) / avg_pi.sum(axis=-1, keepdims=True)
    pooled = jnp.where(mask_primary, mean_x, jnp.where(mask_secondary, v_avg, denoised))
    return pooled.reshape(B, C, out, out)

if __name__ == "__main__":
    import jax
    _d = setup_inputs()
    print(jax.jit(kernel)(*tuple(_d.values())))

</pallas_src>

<mosaic_0001>
#map = affine_map<(d0, d1) -> (0, 0, 0, 0)>
module attributes {stable_mosaic.version = 14 : i64} {
  func.func @_fuzzy_body(%arg0: i32, %arg1: i32, %arg2: memref<4x96x224x224xf32, #tpu.memory_space<hbm>>, %arg3: memref<4x56x112x112xf32, #tpu.memory_space<hbm>>, %arg4: memref<16x224xf32, #tpu.memory_space<vmem>>, %arg5: memref<16x224xf32, #tpu.memory_space<vmem>>, %arg6: memref<8x112xf32, #tpu.memory_space<vmem>>, %arg7: memref<8x112xf32, #tpu.memory_space<vmem>>, %arg8: memref<!tpu.dma_semaphore, #tpu.memory_space<semaphore_mem>>, %arg9: memref<!tpu.dma_semaphore, #tpu.memory_space<semaphore_mem>>, %arg10: memref<!tpu.dma_semaphore, #tpu.memory_space<semaphore_mem>>, %arg11: memref<!tpu.dma_semaphore, #tpu.memory_space<semaphore_mem>>) attributes {dimension_semantics = [#tpu.dimension_semantics<core_parallel>, #tpu.dimension_semantics<subcore_parallel>], iteration_bounds = array<i64: 2, 16>, scalar_prefetch = 0 : i64, scratch_operands = 8 : i64, tpu.core_type = #tpu.core_type<sc_vector_subcore>, window_params = [{transform_indices = #map}, {transform_indices = #map}]} {
    %mul3A = arith.constant 2 : i32
    %mul3A_0 = arith.muli %arg1, %mul3A : i32
    %add3A = arith.addi %mul3A_0, %arg0 : i32
    %iota3A = tpu.iota {dimensions = array<i32: 0>} : vector<16xi32>
    %mul3A_1 = arith.constant 2 : i32
    %mul3A_2 = vector.broadcast %mul3A_1 : i32 to vector<16xi32>
    %mul3A_3 = arith.muli %iota3A, %mul3A_2 : vector<16xi32>
    %add3A_4 = arith.constant 1 : i32
    %add3A_5 = vector.broadcast %add3A_4 : i32 to vector<16xi32>
    %add3A_6 = arith.addi %mul3A_3, %add3A_5 : vector<16xi32>
    %mul3A_7 = arith.constant 98 : i32
    %mul3A_8 = arith.muli %add3A, %mul3A_7 : i32
    %add3A_9 = arith.constant 98 : i32
    %add3A_10 = arith.addi %mul3A_8, %add3A_9 : i32
    %sub3A = arith.constant 1 : i32
    %sub3A_11 = arith.subi %add3A_10, %sub3A : i32
    %jit3A = arith.constant 14 : i32
    %div3A = arith.divsi %mul3A_8, %jit3A : i32
    %sign3A = arith.constant 0 : i32
    %sign3A_12 = arith.cmpi sgt, %mul3A_8, %sign3A : i32
    %sign3A_13 = arith.extui %sign3A_12 : i1 to i32
    %sign3A_14 = arith.constant 0 : i32
    %sign3A_15 = arith.cmpi slt, %mul3A_8, %sign3A_14 : i32
    %sign3A_16 = arith.extui %sign3A_15 : i1 to i32
    %sign3A_17 = arith.subi %sign3A_13, %sign3A_16 : i32
    %sign3A_18 = arith.constant 0 : i32
    %sign3A_19 = arith.cmpi sgt, %jit3A, %sign3A_18 : i32
    %sign3A_20 = arith.extui %sign3A_19 : i1 to i32
    %sign3A_21 = arith.constant 0 : i32
    %sign3A_22 = arith.cmpi slt, %jit3A, %sign3A_21 : i32
    %sign3A_23 = arith.extui %sign3A_22 : i1 to i32
    %sign3A_24 = arith.subi %sign3A_20, %sign3A_23 : i32
    %ne3A = arith.cmpi ne, %sign3A_17, %sign3A_24 : i32
    %rem3A = arith.remsi %mul3A_8, %jit3A : i32
    %ne3A_25 = arith.constant 0 : i32
    %ne3A_26 = arith.cmpi ne, %rem3A, %ne3A_25 : i32
    %and3A = arith.andi %ne3A, %ne3A_26 : i1
    %sub3A_27 = arith.constant 1 : i32
    %sub3A_28 = arith.subi %div3A, %sub3A_27 : i32
    %select_n3A = arith.select %and3A, %sub3A_28, %div3A : i32
    %jit3A_29 = arith.constant 14 : i32
    %eq3A = arith.constant 0 : i32
    %eq3A_30 = arith.cmpi eq, %jit3A_29, %eq3A : i32
    %jit3A_31 = arith.constant 1 : i32
    %select_n3A_32 = arith.select %eq3A_30, %jit3A_31, %jit3A_29 : i32
    %rem3A_33 = arith.remsi %mul3A_8, %select_n3A_32 : i32
    %ne3A_34 = arith.constant 0 : i32
    %ne3A_35 = arith.cmpi ne, %rem3A_33, %ne3A_34 : i32
    %lt3A = arith.constant 0 : i32
    %lt3A_36 = arith.cmpi slt, %rem3A_33, %lt3A : i32
    %lt3A_37 = arith.constant 0 : i32
    %lt3A_38 = arith.cmpi slt, %select_n3A_32, %lt3A_37 : i32
    %ne3A_39 = arith.xori %lt3A_36, %lt3A_38 : i1
    %and3A_40 = arith.andi %ne3A_39, %ne3A_35 : i1
    %add3A_41 = arith.addi %rem3A_33, %select_n3A_32 : i32
    %select_n3A_42 = arith.select %and3A_40, %add3A_41, %rem3A_33 : i32
    %jit3A_43 = arith.constant 56 : i32
    %div3A_44 = arith.divsi %select_n3A, %jit3A_43 : i32
    %sign3A_45 = arith.constant 0 : i32
    %sign3A_46 = arith.cmpi sgt, %select_n3A, %sign3A_45 : i32
    %sign3A_47 = arith.extui %sign3A_46 : i1 to i32
    %sign3A_48 = arith.constant 0 : i32
    %sign3A_49 = arith.cmpi slt, %select_n3A, %sign3A_48 : i32
    %sign3A_50 = arith.extui %sign3A_49 : i1 to i32
    %sign3A_51 = arith.subi %sign3A_47, %sign3A_50 : i32
    %sign3A_52 = arith.constant 0 : i32
    %sign3A_53 = arith.cmpi sgt, %jit3A_43, %sign3A_52 : i32
    %sign3A_54 = arith.extui %sign3A_53 : i1 to i32
    %sign3A_55 = arith.constant 0 : i32
    %sign3A_56 = arith.cmpi slt, %jit3A_43, %sign3A_55 : i32
    %sign3A_57 = arith.extui %sign3A_56 : i1 to i32
    %sign3A_58 = arith.subi %sign3A_54, %sign3A_57 : i32
    %ne3A_59 = arith.cmpi ne, %sign3A_51, %sign3A_58 : i32
    %rem3A_60 = arith.remsi %select_n3A, %jit3A_43 : i32
    %ne3A_61 = arith.constant 0 : i32
    %ne3A_62 = arith.cmpi ne, %rem3A_60, %ne3A_61 : i32
    %and3A_63 = arith.andi %ne3A_59, %ne3A_62 : i1
    %sub3A_64 = arith.constant 1 : i32
    %sub3A_65 = arith.subi %div3A_44, %sub3A_64 : i32
    %select_n3A_66 = arith.select %and3A_63, %sub3A_65, %div3A_44 : i32
    %jit3A_67 = arith.constant 56 : i32
    %eq3A_68 = arith.constant 0 : i32
    %eq3A_69 = arith.cmpi eq, %jit3A_67, %eq3A_68 : i32
    %jit3A_70 = arith.constant 1 : i32
    %select_n3A_71 = arith.select %eq3A_69, %jit3A_70, %jit3A_67 : i32
    %rem3A_72 = arith.remsi %select_n3A, %select_n3A_71 : i32
    %ne3A_73 = arith.constant 0 : i32
    %ne3A_74 = arith.cmpi ne, %rem3A_72, %ne3A_73 : i32
    %lt3A_75 = arith.constant 0 : i32
    %lt3A_76 = arith.cmpi slt, %rem3A_72, %lt3A_75 : i32
    %lt3A_77 = arith.constant 0 : i32
    %lt3A_78 = arith.cmpi slt, %select_n3A_71, %lt3A_77 : i32
    %ne3A_79 = arith.xori %lt3A_76, %lt3A_78 : i1
    %and3A_80 = arith.andi %ne3A_79, %ne3A_74 : i1
    %add3A_81 = arith.addi %rem3A_72, %select_n3A_71 : i32
    %select_n3A_82 = arith.select %and3A_80, %add3A_81, %rem3A_72 : i32
    %add3A_83 = arith.constant 40 : i32
    %add3A_84 = arith.addi %add3A_83, %select_n3A_82 : i32
    %mul3A_85 = arith.constant 16 : i32
    %mul3A_86 = arith.muli %select_n3A_42, %mul3A_85 : i32
    %dma_start3A = arith.constant 0 : i32
    %dma_start3A_87 = tpu.memref_slice %arg2[%select_n3A_66, %add3A_84, %mul3A_86, %dma_start3A] : memref<4x96x224x224xf32, #tpu.memory_space<hbm>> -> memref<1x1x16x224xf32, #tpu.memory_space<hbm>>
    %dma_start3A_88 = tpu.memref_squeeze %dma_start3A_87 : memref<1x1x16x224xf32, #tpu.memory_space<hbm>> -> memref<16x224xf32, #tpu.memory_space<hbm>>
    %dma_start3A_89 = arith.constant 0 : i32
    %dma_start3A_90 = tpu.memref_slice %arg2[%select_n3A_66, %add3A_84, %mul3A_86, %dma_start3A_89] : memref<4x96x224x224xf32, #tpu.memory_space<hbm>> -> memref<1x1x16x224xf32, #tpu.memory_space<hbm>>
    %dma_start3A_91 = tpu.memref_squeeze %dma_start3A_90 : memref<1x1x16x224xf32, #tpu.memory_space<hbm>> -> memref<16x224xf32, #tpu.memory_space<hbm>>
    tpu.enqueue_dma source(%dma_start3A_91 : memref<16x224xf32, #tpu.memory_space<hbm>>) target(%arg4 : memref<16x224xf32, #tpu.memory_space<vmem>>) target_semaphore(%arg8 : memref<!tpu.dma_semaphore, #tpu.memory_space<semaphore_mem>>)
    %add3A_92 = arith.constant 1 : i32
    %add3A_93 = arith.addi %mul3A_8, %add3A_92 : i32
    %jit3A_94 = arith.constant 14 : i32
    %div3A_95 = arith.divsi %add3A_93, %jit3A_94 : i32
    %sign3A_96 = arith.constant 0 : i32
    %sign3A_97 = arith.cmpi sgt, %add3A_93, %sign3A_96 : i32
    %sign3A_98 = arith.extui %sign3A_97 : i1 to i32
    %sign3A_99 = arith.constant 0 : i32
    %sign3A_100 = arith.cmpi slt, %add3A_93, %sign3A_99 : i32
    %sign3A_101 = arith.extui %sign3A_100 : i1 to i32
    %sign3A_102 = arith.subi %sign3A_98, %sign3A_101 : i32
    %sign3A_103 = arith.constant 0 : i32
    %sign3A_104 = arith.cmpi sgt, %jit3A_94, %sign3A_103 : i32
    %sign3A_105 = arith.extui %sign3A_104 : i1 to i32
    %sign3A_106 = arith.constant 0 : i32
    %sign3A_107 = arith.cmpi slt, %jit3A_94, %sign3A_106 : i32
    %sign3A_108 = arith.extui %sign3A_107 : i1 to i32
    %sign3A_109 = arith.subi %sign3A_105, %sign3A_108 : i32
    %ne3A_110 = arith.cmpi ne, %sign3A_102, %sign3A_109 : i32
    %rem3A_111 = arith.remsi %add3A_93, %jit3A_94 : i32
    %ne3A_112 = arith.constant 0 : i32
    %ne3A_113 = arith.cmpi ne, %rem3A_111, %ne3A_112 : i32
    %and3A_114 = arith.andi %ne3A_110, %ne3A_113 : i1
    %sub3A_115 = arith.constant 1 : i32
    %sub3A_116 = arith.subi %div3A_95, %sub3A_115 : i32
    %select_n3A_117 = arith.select %and3A_114, %sub3A_116, %div3A_95 : i32
    %jit3A_118 = arith.constant 14 : i32
    %eq3A_119 = arith.constant 0 : i32
    %eq3A_120 = arith.cmpi eq, %jit3A_118, %eq3A_119 : i32
    %jit3A_121 = arith.constant 1 : i32
    %select_n3A_122 = arith.select %eq3A_120, %jit3A_121, %jit3A_118 : i32
    %rem3A_123 = arith.remsi %add3A_93, %select_n3A_122 : i32
    %ne3A_124 = arith.constant 0 : i32
    %ne3A_125 = arith.cmpi ne, %rem3A_123, %ne3A_124 : i32
    %lt3A_126 = arith.constant 0 : i32
    %lt3A_127 = arith.cmpi slt, %rem3A_123, %lt3A_126 : i32
    %lt3A_128 = arith.constant 0 : i32
    %lt3A_129 = arith.cmpi slt, %select_n3A_122, %lt3A_128 : i32
    %ne3A_130 = arith.xori %lt3A_127, %lt3A_129 : i1
    %and3A_131 = arith.andi %ne3A_130, %ne3A_125 : i1
    %add3A_132 = arith.addi %rem3A_123, %select_n3A_122 : i32
    %select_n3A_133 = arith.select %and3A_131, %add3A_132, %rem3A_123 : i32
    %jit3A_134 = arith.constant 56 : i32
    %div3A_135 = arith.divsi %select_n3A_117, %jit3A_134 : i32
    %sign3A_136 = arith.constant 0 : i32
    %sign3A_137 = arith.cmpi sgt, %select_n3A_117, %sign3A_136 : i32
    %sign3A_138 = arith.extui %sign3A_137 : i1 to i32
    %sign3A_139 = arith.constant 0 : i32
    %sign3A_140 = arith.cmpi slt, %select_n3A_117, %sign3A_139 : i32
    %sign3A_141 = arith.extui %sign3A_140 : i1 to i32
    %sign3A_142 = arith.subi %sign3A_138, %sign3A_141 : i32
    %sign3A_143 = arith.constant 0 : i32
    %sign3A_144 = arith.cmpi sgt, %jit3A_134, %sign3A_143 : i32
    %sign3A_145 = arith.extui %sign3A_144 : i1 to i32
    %sign3A_146 = arith.constant 0 : i32
    %sign3A_147 = arith.cmpi slt, %jit3A_134, %sign3A_146 : i32
    %sign3A_148 = arith.extui %sign3A_147 : i1 to i32
    %sign3A_149 = arith.subi %sign3A_145, %sign3A_148 : i32
    %ne3A_150 = arith.cmpi ne, %sign3A_142, %sign3A_149 : i32
    %rem3A_151 = arith.remsi %select_n3A_117, %jit3A_134 : i32
    %ne3A_152 = arith.constant 0 : i32
    %ne3A_153 = arith.cmpi ne, %rem3A_151, %ne3A_152 : i32
    %and3A_154 = arith.andi %ne3A_150, %ne3A_153 : i1
    %sub3A_155 = arith.constant 1 : i32
    %sub3A_156 = arith.subi %div3A_135, %sub3A_155 : i32
    %select_n3A_157 = arith.select %and3A_154, %sub3A_156, %div3A_135 : i32
    %jit3A_158 = arith.constant 56 : i32
    %eq3A_159 = arith.constant 0 : i32
    %eq3A_160 = arith.cmpi eq, %jit3A_158, %eq3A_159 : i32
    %jit3A_161 = arith.constant 1 : i32
    %select_n3A_162 = arith.select %eq3A_160, %jit3A_161, %jit3A_158 : i32
    %rem3A_163 = arith.remsi %select_n3A_117, %select_n3A_162 : i32
    %ne3A_164 = arith.constant 0 : i32
    %ne3A_165 = arith.cmpi ne, %rem3A_163, %ne3A_164 : i32
    %lt3A_166 = arith.constant 0 : i32
    %lt3A_167 = arith.cmpi slt, %rem3A_163, %lt3A_166 : i32
    %lt3A_168 = arith.constant 0 : i32
    %lt3A_169 = arith.cmpi slt, %select_n3A_162, %lt3A_168 : i32
    %ne3A_170 = arith.xori %lt3A_167, %lt3A_169 : i1
    %and3A_171 = arith.andi %ne3A_170, %ne3A_165 : i1
    %add3A_172 = arith.addi %rem3A_163, %select_n3A_162 : i32
    %select_n3A_173 = arith.select %and3A_171, %add3A_172, %rem3A_163 : i32
    %add3A_174 = arith.constant 40 : i32
    %add3A_175 = arith.addi %add3A_174, %select_n3A_173 : i32
    %mul3A_176 = arith.constant 16 : i32
    %mul3A_177 = arith.muli %select_n3A_133, %mul3A_176 : i32
    %dma_start3A_178 = arith.constant 0 : i32
    %dma_start3A_179 = tpu.memref_slice %arg2[%select_n3A_157, %add3A_175, %mul3A_177, %dma_start3A_178] : memref<4x96x224x224xf32, #tpu.memory_space<hbm>> -> memref<1x1x16x224xf32, #tpu.memory_space<hbm>>
    %dma_start3A_180 = tpu.memref_squeeze %dma_start3A_179 : memref<1x1x16x224xf32, #tpu.memory_space<hbm>> -> memref<16x224xf32, #tpu.memory_space<hbm>>
    %dma_start3A_181 = arith.constant 0 : i32
    %dma_start3A_182 = tpu.memref_slice %arg2[%select_n3A_157, %add3A_175, %mul3A_177, %dma_start3A_181] : memref<4x96x224x224xf32, #tpu.memory_space<hbm>> -> memref<1x1x16x224xf32, #tpu.memory_space<hbm>>
    %dma_start3A_183 = tpu.memref_squeeze %dma_start3A_182 : memref<1x1x16x224xf32, #tpu.memory_space<hbm>> -> memref<16x224xf32, #tpu.memory_space<hbm>>
    tpu.enqueue_dma source(%dma_start3A_183 : memref<16x224xf32, #tpu.memory_space<hbm>>) target(%arg5 : memref<16x224xf32, #tpu.memory_space<vmem>>) target_semaphore(%arg9 : memref<!tpu.dma_semaphore, #tpu.memory_space<semaphore_mem>>)
    %scan3A = arith.constant 0 : i32
    %scan3A_184 = arith.constant 0 : i32
    %scan3A_185 = arith.constant 49 : i32
    %scan3A_186 = arith.addi %scan3A_184, %scan3A_185 : i32
    %scan3A_187 = arith.constant 1 : i32
    scf.for %scan3A_228 = %scan3A_184 to %scan3A_186 step %scan3A_187  : i32 {
      %mul3A_229 = arith.constant 2 : i32
      %mul3A_230 = arith.muli %scan3A_228, %mul3A_229 : i32
      %add3A_231 = arith.addi %mul3A_8, %mul3A_230 : i32
      %dma_wait3A_232 = arith.constant 0 : i32
      %dma_wait3A_233 = arith.constant 0 : i32
      %dma_wait3A_234 = arith.constant 0 : i32
      %dma_wait3A_235 = arith.constant 0 : i32
      %dma_wait3A_236 = tpu.memref_slice %arg2[%dma_wait3A_232, %dma_wait3A_233, %dma_wait3A_234, %dma_wait3A_235] : memref<4x96x224x224xf32, #tpu.memory_space<hbm>> -> memref<1x1x16x224xf32, #tpu.memory_space<hbm>>
      %dma_wait3A_237 = tpu.memref_squeeze %dma_wait3A_236 : memref<1x1x16x224xf32, #tpu.memory_space<hbm>> -> memref<16x224xf32, #tpu.memory_space<hbm>>
      %dma_wait3A_238 = arith.constant 0 : i32
      %dma_wait3A_239 = arith.constant 0 : i32
      %dma_wait3A_240 = tpu.memref_slice %arg2[%dma_wait3A_232, %dma_wait3A_233, %dma_wait3A_238, %dma_wait3A_239] : memref<4x96x224x224xf32, #tpu.memory_space<hbm>> -> memref<1x1x16x224xf32, #tpu.memory_space<hbm>>
      %dma_wait3A_241 = tpu.memref_squeeze %dma_wait3A_240 : memref<1x1x16x224xf32, #tpu.memory_space<hbm>> -> memref<16x224xf32, #tpu.memory_space<hbm>>
      tpu.wait_dma2 semaphore(%arg8 : memref<!tpu.dma_semaphore, #tpu.memory_space<semaphore_mem>>) src(%dma_wait3A_241 : memref<16x224xf32, #tpu.memory_space<hbm>>) dst(%arg4 : memref<16x224xf32, #tpu.memory_space<vmem>>)
      %gt3A = arith.constant 0 : i32
      %gt3A_242 = arith.cmpi sgt, %scan3A_228, %gt3A : i32
      %convert_element_type3A = arith.extui %gt3A_242 : i1 to i32
      %cond3A = arith.constant 0 : i32
      %cond3A_243 = arith.cmpi ne, %convert_element_type3A, %cond3A : i32
      scf.if %cond3A_243 {
        %dma_wait3A_627 = arith.constant 0 : i32
        %dma_wait3A_628 = arith.constant 0 : i32
        %dma_wait3A_629 = arith.constant 0 : i32
        %dma_wait3A_630 = arith.constant 0 : i32
        %dma_wait3A_631 = tpu.memref_slice %arg3[%dma_wait3A_627, %dma_wait3A_628, %dma_wait3A_629, %dma_wait3A_630] : memref<4x56x112x112xf32, #tpu.memory_space<hbm>> -> memref<1x1x8x112xf32, #tpu.memory_space<hbm>>
        %dma_wait3A_632 = tpu.memref_squeeze %dma_wait3A_631 : memref<1x1x8x112xf32, #tpu.memory_space<hbm>> -> memref<8x112xf32, #tpu.memory_space<hbm>>
        %dma_wait3A_633 = arith.constant 0 : i32
        %dma_wait3A_634 = arith.constant 0 : i32
        %dma_wait3A_635 = tpu.memref_slice %arg3[%dma_wait3A_627, %dma_wait3A_628, %dma_wait3A_633, %dma_wait3A_634] : memref<4x56x112x112xf32, #tpu.memory_space<hbm>> -> memref<1x1x8x112xf32, #tpu.memory_space<hbm>>
        %dma_wait3A_636 = tpu.memref_squeeze %dma_wait3A_635 : memref<1x1x8x112xf32, #tpu.memory_space<hbm>> -> memref<8x112xf32, #tpu.memory_space<hbm>>
        tpu.wait_dma2 semaphore(%arg10 : memref<!tpu.dma_semaphore, #tpu.memory_space<semaphore_mem>>) src(%arg6 : memref<8x112xf32, #tpu.memory_space<vmem>>) dst(%dma_wait3A_636 : memref<8x112xf32, #tpu.memory_space<hbm>>)
      } else {
      }
      %parallel_loop3A = arith.constant 0 : i32
      %parallel_loop3A_244 = arith.constant 8 : i32
      %parallel_loop3A_245 = arith.constant 1 : i32
      scf.for %parallel_loop3A_627 = %parallel_loop3A to %parallel_loop3A_244 step %parallel_loop3A_245  : i32 {
        %parallel_loop3A_628 = arith.constant 2 : i32
        %parallel_loop3A_629 = arith.muli %parallel_loop3A_628, %parallel_loop3A_627 : i32
        %parallel_loop3A_630 = arith.constant 2 : i32
        %parallel_loop3A_631 = arith.muli %parallel_loop3A_630, %parallel_loop3A_627 : i32
        %parallel_loop3A_632 = arith.constant 1 : i32
        %parallel_loop3A_633 = arith.addi %parallel_loop3A_631, %parallel_loop3A_632 : i32
        %parallel_loop3A_634 = arith.constant 0 : i32
        %parallel_loop3A_635 = tpu.memref_slice %arg4[%parallel_loop3A_629, %parallel_loop3A_634] : memref<16x224xf32, #tpu.memory_space<vmem>> -> memref<1x32xf32, #tpu.memory_space<vmem>>
        %parallel_loop3A_636 = tpu.memref_squeeze %parallel_loop3A_635 : memref<1x32xf32, #tpu.memory_space<vmem>> -> memref<32xf32, #tpu.memory_space<vmem>>
        %parallel_loop3A_637 = tpu.vector_load_idx %parallel_loop3A_636[%mul3A_3] : memref<32xf32, #tpu.memory_space<vmem>>[vector<16xi32>], vector<16xf32>,
        %parallel_loop3A_638 = arith.constant 0 : i32
        %parallel_loop3A_639 = tpu.memref_slice %arg4[%parallel_loop3A_629, %parallel_loop3A_638] : memref<16x224xf32, #tpu.memory_space<vmem>> -> memref<1x32xf32, #tpu.memory_space<vmem>>
        %parallel_loop3A_640 = tpu.memref_squeeze %parallel_loop3A_639 : memref<1x32xf32, #tpu.memory_space<vmem>> -> memref<32xf32, #tpu.memory_space<vmem>>
        %parallel_loop3A_641 = tpu.vector_load_idx %parallel_loop3A_640[%add3A_6] : memref<32xf32, #tpu.memory_space<vmem>>[vector<16xi32>], vector<16xf32>,
        %parallel_loop3A_642 = arith.constant 0 : i32
        %parallel_loop3A_643 = tpu.memref_slice %arg4[%parallel_loop3A_633, %parallel_loop3A_642] : memref<16x224xf32, #tpu.memory_space<vmem>> -> memref<1x32xf32, #tpu.memory_space<vmem>>
        %parallel_loop3A_644 = tpu.memref_squeeze %parallel_loop3A_643 : memref<1x32xf32, #tpu.memory_space<vmem>> -> memref<32xf32, #tpu.memory_space<vmem>>
        %parallel_loop3A_645 = tpu.vector_load_idx %parallel_loop3A_644[%mul3A_3] : memref<32xf32, #tpu.memory_space<vmem>>[vector<16xi32>], vector<16xf32>,
        %parallel_loop3A_646 = arith.constant 0 : i32
        %parallel_loop3A_647 = tpu.memref_slice %arg4[%parallel_loop3A_633, %parallel_loop3A_646] : memref<16x224xf32, #tpu.memory_space<vmem>> -> memref<1x32xf32, #tpu.memory_space<vmem>>
        %parallel_loop3A_648 = tpu.memref_squeeze %parallel_loop3A_647 : memref<1x32xf32, #tpu.memory_space<vmem>> -> memref<32xf32, #tpu.memory_space<vmem>>
        %parallel_loop3A_649 = tpu.vector_load_idx %parallel_loop3A_648[%add3A_6] : memref<32xf32, #tpu.memory_space<vmem>>[vector<16xi32>], vector<16xf32>,
        %parallel_loop3A_650 = arith.addf %parallel_loop3A_641, %parallel_loop3A_645 : vector<16xf32>
        %parallel_loop3A_651 = arith.constant 5.000000e-01 : f32
        %parallel_loop3A_652 = vector.broadcast %parallel_loop3A_651 : f32 to vector<16xf32>
        %parallel_loop3A_653 = arith.mulf %parallel_loop3A_650, %parallel_loop3A_652 : vector<16xf32>
        %parallel_loop3A_654 = arith.addf %parallel_loop3A_637, %parallel_loop3A_641 : vector<16xf32>
        %parallel_loop3A_655 = arith.addf %parallel_loop3A_645, %parallel_loop3A_649 : vector<16xf32>
        %parallel_loop3A_656 = arith.addf %parallel_loop3A_654, %parallel_loop3A_655 : vector<16xf32>
        %parallel_loop3A_657 = arith.constant 2.500000e-01 : f32
        %parallel_loop3A_658 = vector.broadcast %parallel_loop3A_657 : f32 to vector<16xf32>
        %parallel_loop3A_659 = arith.mulf %parallel_loop3A_656, %parallel_loop3A_658 : vector<16xf32>
        %parallel_loop3A_660 = arith.addf %parallel_loop3A_653, %parallel_loop3A_659 : vector<16xf32>
        %parallel_loop3A_661 = arith.constant 5.000000e-01 : f32
        %parallel_loop3A_662 = vector.broadcast %parallel_loop3A_661 : f32 to vector<16xf32>
        %parallel_loop3A_663 = arith.mulf %parallel_loop3A_660, %parallel_loop3A_662 : vector<16xf32>
        %parallel_loop3A_664 = arith.subf %parallel_loop3A_637, %parallel_loop3A_663 : vector<16xf32>
        %parallel_loop3A_665 = math.absf %parallel_loop3A_664 : vector<16xf32>
        %parallel_loop3A_666 = arith.subf %parallel_loop3A_641, %parallel_loop3A_663 : vector<16xf32>
        %parallel_loop3A_667 = math.absf %parallel_loop3A_666 : vector<16xf32>
        %parallel_loop3A_668 = arith.subf %parallel_loop3A_645, %parallel_loop3A_663 : vector<16xf32>
        %parallel_loop3A_669 = math.absf %parallel_loop3A_668 : vector<16xf32>
        %parallel_loop3A_670 = arith.subf %parallel_loop3A_649, %parallel_loop3A_663 : vector<16xf32>
        %parallel_loop3A_671 = math.absf %parallel_loop3A_670 : vector<16xf32>
        %parallel_loop3A_672 = arith.addf %parallel_loop3A_667, %parallel_loop3A_669 : vector<16xf32>
        %parallel_loop3A_673 = arith.constant 5.000000e-01 : f32
        %parallel_loop3A_674 = vector.broadcast %parallel_loop3A_673 : f32 to vector<16xf32>
        %parallel_loop3A_675 = arith.mulf %parallel_loop3A_672, %parallel_loop3A_674 : vector<16xf32>
        %parallel_loop3A_676 = arith.constant 9.99999974E-5 : f32
        %parallel_loop3A_677 = vector.broadcast %parallel_loop3A_676 : f32 to vector<16xf32>
        %parallel_loop3A_678 = arith.addf %parallel_loop3A_675, %parallel_loop3A_677 : vector<16xf32>
        %parallel_loop3A_679 = arith.addf %parallel_loop3A_665, %parallel_loop3A_667 : vector<16xf32>
        %parallel_loop3A_680 = arith.addf %parallel_loop3A_669, %parallel_loop3A_671 : vector<16xf32>
        %parallel_loop3A_681 = arith.addf %parallel_loop3A_679, %parallel_loop3A_680 : vector<16xf32>
        %parallel_loop3A_682 = arith.constant 2.500000e-01 : f32
        %parallel_loop3A_683 = vector.broadcast %parallel_loop3A_682 : f32 to vector<16xf32>
        %parallel_loop3A_684 = arith.mulf %parallel_loop3A_681, %parallel_loop3A_683 : vector<16xf32>
        %parallel_loop3A_685 = arith.constant 9.99999974E-5 : f32
        %parallel_loop3A_686 = vector.broadcast %parallel_loop3A_685 : f32 to vector<16xf32>
        %parallel_loop3A_687 = arith.addf %parallel_loop3A_684, %parallel_loop3A_686 : vector<16xf32>
        %parallel_loop3A_688 = arith.constant 1.000000e+00 : f32
        %parallel_loop3A_689 = vector.broadcast %parallel_loop3A_688 : f32 to vector<16xf32>
        %parallel_loop3A_690 = arith.divf %parallel_loop3A_689, %parallel_loop3A_678 : vector<16xf32>
        %parallel_loop3A_691 = arith.constant 1.000000e+00 : f32
        %parallel_loop3A_692 = vector.broadcast %parallel_loop3A_691 : f32 to vector<16xf32>
        %parallel_loop3A_693 = arith.divf %parallel_loop3A_692, %parallel_loop3A_687 : vector<16xf32>
        %parallel_loop3A_694 = arith.mulf %parallel_loop3A_690, %parallel_loop3A_690 : vector<16xf32>
        %parallel_loop3A_695 = arith.constant -5.000000e-01 : f32
        %parallel_loop3A_696 = vector.broadcast %parallel_loop3A_695 : f32 to vector<16xf32>
        %parallel_loop3A_697 = arith.mulf %parallel_loop3A_694, %parallel_loop3A_696 : vector<16xf32>
        %parallel_loop3A_698 = arith.mulf %parallel_loop3A_693, %parallel_loop3A_693 : vector<16xf32>
        %parallel_loop3A_699 = arith.constant -5.000000e-01 : f32
        %parallel_loop3A_700 = vector.broadcast %parallel_loop3A_699 : f32 to vector<16xf32>
        %parallel_loop3A_701 = arith.mulf %parallel_loop3A_698, %parallel_loop3A_700 : vector<16xf32>
        %parallel_loop3A_702 = arith.subf %parallel_loop3A_637, %parallel_loop3A_653 : vector<16xf32>
        %parallel_loop3A_703 = arith.mulf %parallel_loop3A_702, %parallel_loop3A_702 : vector<16xf32>
        %parallel_loop3A_704 = arith.mulf %parallel_loop3A_703, %parallel_loop3A_697 : vector<16xf32>
        %parallel_loop3A_705 = math.exp %parallel_loop3A_704 : vector<16xf32>
        %parallel_loop3A_706 = arith.subf %parallel_loop3A_641, %parallel_loop3A_653 : vector<16xf32>
        %parallel_loop3A_707 = arith.mulf %parallel_loop3A_706, %parallel_loop3A_706 : vector<16xf32>
        %parallel_loop3A_708 = arith.mulf %parallel_loop3A_707, %parallel_loop3A_697 : vector<16xf32>
        %parallel_loop3A_709 = math.exp %parallel_loop3A_708 : vector<16xf32>
        %parallel_loop3A_710 = arith.subf %parallel_loop3A_649, %parallel_loop3A_653 : vector<16xf32>
        %parallel_loop3A_711 = arith.mulf %parallel_loop3A_710, %parallel_loop3A_710 : vector<16xf32>
        %parallel_loop3A_712 = arith.mulf %parallel_loop3A_711, %parallel_loop3A_697 : vector<16xf32>
        %parallel_loop3A_713 = math.exp %parallel_loop3A_712 : vector<16xf32>
        %parallel_loop3A_714 = arith.subf %parallel_loop3A_637, %parallel_loop3A_659 : vector<16xf32>
        %parallel_loop3A_715 = arith.mulf %parallel_loop3A_714, %parallel_loop3A_714 : vector<16xf32>
        %parallel_loop3A_716 = arith.mulf %parallel_loop3A_715, %parallel_loop3A_701 : vector<16xf32>
        %parallel_loop3A_717 = math.exp %parallel_loop3A_716 : vector<16xf32>
        %parallel_loop3A_718 = arith.subf %parallel_loop3A_641, %parallel_loop3A_659 : vector<16xf32>
        %parallel_loop3A_719 = arith.mulf %parallel_loop3A_718, %parallel_loop3A_718 : vector<16xf32>
        %parallel_loop3A_720 = arith.mulf %parallel_loop3A_719, %parallel_loop3A_701 : vector<16xf32>
        %parallel_loop3A_721 = math.exp %parallel_loop3A_720 : vector<16xf32>
        %parallel_loop3A_722 = arith.subf %parallel_loop3A_645, %parallel_loop3A_659 : vector<16xf32>
        %parallel_loop3A_723 = arith.mulf %parallel_loop3A_722, %parallel_loop3A_722 : vector<16xf32>
        %parallel_loop3A_724 = arith.mulf %parallel_loop3A_723, %parallel_loop3A_701 : vector<16xf32>
        %parallel_loop3A_725 = math.exp %parallel_loop3A_724 : vector<16xf32>
        %parallel_loop3A_726 = arith.subf %parallel_loop3A_649, %parallel_loop3A_659 : vector<16xf32>
        %parallel_loop3A_727 = arith.mulf %parallel_loop3A_726, %parallel_loop3A_726 : vector<16xf32>
        %parallel_loop3A_728 = arith.mulf %parallel_loop3A_727, %parallel_loop3A_701 : vector<16xf32>
        %parallel_loop3A_729 = math.exp %parallel_loop3A_728 : vector<16xf32>
        %parallel_loop3A_730 = arith.maximumf %parallel_loop3A_705, %parallel_loop3A_717 : vector<16xf32>
        %parallel_loop3A_731 = arith.maximumf %parallel_loop3A_709, %parallel_loop3A_721 : vector<16xf32>
        %parallel_loop3A_732 = arith.minimumf %parallel_loop3A_730, %parallel_loop3A_731 : vector<16xf32>
        %parallel_loop3A_733 = arith.maximumf %parallel_loop3A_709, %parallel_loop3A_725 : vector<16xf32>
        %parallel_loop3A_734 = arith.maximumf %parallel_loop3A_713, %parallel_loop3A_729 : vector<16xf32>
        %parallel_loop3A_735 = arith.minimumf %parallel_loop3A_733, %parallel_loop3A_734 : vector<16xf32>
        %parallel_loop3A_736 = arith.minimumf %parallel_loop3A_732, %parallel_loop3A_735 : vector<16xf32>
        %parallel_loop3A_737 = arith.addf %parallel_loop3A_705, %parallel_loop3A_717 : vector<16xf32>
        %parallel_loop3A_738 = arith.addf %parallel_loop3A_709, %parallel_loop3A_721 : vector<16xf32>
        %parallel_loop3A_739 = arith.addf %parallel_loop3A_709, %parallel_loop3A_725 : vector<16xf32>
        %parallel_loop3A_740 = arith.addf %parallel_loop3A_713, %parallel_loop3A_729 : vector<16xf32>
        %parallel_loop3A_741 = arith.addf %parallel_loop3A_736, %parallel_loop3A_736 : vector<16xf32>
        %parallel_loop3A_742 = arith.cmpf oge, %parallel_loop3A_738, %parallel_loop3A_741 : vector<16xf32>
        %parallel_loop3A_743 = arith.constant dense<true> : vector<16xi1>
        %parallel_loop3A_744 = arith.xori %parallel_loop3A_742, %parallel_loop3A_743 : vector<16xi1>
        %parallel_loop3A_745 = arith.constant 1.000000e-03 : f32
        %parallel_loop3A_746 = vector.broadcast %parallel_loop3A_745 : f32 to vector<16xf32>
        %parallel_loop3A_747 = arith.cmpf olt, %parallel_loop3A_687, %parallel_loop3A_746 : vector<16xf32>
        %parallel_loop3A_748 = arith.andi %parallel_loop3A_744, %parallel_loop3A_747 : vector<16xi1>
        %parallel_loop3A_749 = arith.mulf %parallel_loop3A_737, %parallel_loop3A_637 : vector<16xf32>
        %parallel_loop3A_750 = arith.mulf %parallel_loop3A_738, %parallel_loop3A_641 : vector<16xf32>
        %parallel_loop3A_751 = arith.addf %parallel_loop3A_749, %parallel_loop3A_750 : vector<16xf32>
        %parallel_loop3A_752 = arith.mulf %parallel_loop3A_739, %parallel_loop3A_645 : vector<16xf32>
        %parallel_loop3A_753 = arith.mulf %parallel_loop3A_740, %parallel_loop3A_649 : vector<16xf32>
        %parallel_loop3A_754 = arith.addf %parallel_loop3A_752, %parallel_loop3A_753 : vector<16xf32>
        %parallel_loop3A_755 = arith.addf %parallel_loop3A_751, %parallel_loop3A_754 : vector<16xf32>
        %parallel_loop3A_756 = arith.addf %parallel_loop3A_737, %parallel_loop3A_738 : vector<16xf32>
        %parallel_loop3A_757 = arith.addf %parallel_loop3A_739, %parallel_loop3A_740 : vector<16xf32>
        %parallel_loop3A_758 = arith.addf %parallel_loop3A_756, %parallel_loop3A_757 : vector<16xf32>
        %parallel_loop3A_759 = arith.divf %parallel_loop3A_755, %parallel_loop3A_758 : vector<16xf32>
        %parallel_loop3A_760 = arith.select %parallel_loop3A_748, %parallel_loop3A_663, %parallel_loop3A_759 : vector<16xi1>, vector<16xf32>
        %parallel_loop3A_761 = arith.select %parallel_loop3A_742, %parallel_loop3A_659, %parallel_loop3A_760 : vector<16xi1>, vector<16xf32>
        %parallel_loop3A_762 = arith.index_cast %parallel_loop3A_627 : i32 to index
        %parallel_loop3A_763 = arith.constant 0 : index
        %parallel_loop3A_764 = tpu.vector_load %arg6[%parallel_loop3A_762, %parallel_loop3A_763] {strides = array<i32>} : memref<8x112xf32, #tpu.memory_space<vmem>>, vector<16xf32>,
        tpu.vector_store %arg6[%parallel_loop3A_762, %parallel_loop3A_763], %parallel_loop3A_761 {strides = array<i32>} : memref<8x112xf32, #tpu.memory_space<vmem>>, vector<16xf32>,
        %parallel_loop3A_765 = arith.constant 2 : i32
        %parallel_loop3A_766 = arith.muli %parallel_loop3A_765, %parallel_loop3A_627 : i32
        %parallel_loop3A_767 = arith.constant 2 : i32
        %parallel_loop3A_768 = arith.muli %parallel_loop3A_767, %parallel_loop3A_627 : i32
        %parallel_loop3A_769 = arith.constant 1 : i32
        %parallel_loop3A_770 = arith.addi %parallel_loop3A_768, %parallel_loop3A_769 : i32
        %parallel_loop3A_771 = arith.constant 32 : i32
        %parallel_loop3A_772 = tpu.memref_slice %arg4[%parallel_loop3A_766, %parallel_loop3A_771] : memref<16x224xf32, #tpu.memory_space<vmem>> -> memref<1x32xf32, #tpu.memory_space<vmem>>
        %parallel_loop3A_773 = tpu.memref_squeeze %parallel_loop3A_772 : memref<1x32xf32, #tpu.memory_space<vmem>> -> memref<32xf32, #tpu.memory_space<vmem>>
        %parallel_loop3A_774 = tpu.vector_load_idx %parallel_loop3A_773[%mul3A_3] : memref<32xf32, #tpu.memory_space<vmem>>[vector<16xi32>], vector<16xf32>,
        %parallel_loop3A_775 = arith.constant 32 : i32
        %parallel_loop3A_776 = tpu.memref_slice %arg4[%parallel_loop3A_766, %parallel_loop3A_775] : memref<16x224xf32, #tpu.memory_space<vmem>> -> memref<1x32xf32, #tpu.memory_space<vmem>>
        %parallel_loop3A_777 = tpu.memref_squeeze %parallel_loop3A_776 : memref<1x32xf32, #tpu.memory_space<vmem>> -> memref<32xf32, #tpu.memory_space<vmem>>
        %parallel_loop3A_778 = tpu.vector_load_idx %parallel_loop3A_777[%add3A_6] : memref<32xf32, #tpu.memory_space<vmem>>[vector<16xi32>], vector<16xf32>,
        %parallel_loop3A_779 = arith.constant 32 : i32
        %parallel_loop3A_780 = tpu.memref_slice %arg4[%parallel_loop3A_770, %parallel_loop3A_779] : memref<16x224xf32, #tpu.memory_space<vmem>> -> memref<1x32xf32, #tpu.memory_space<vmem>>
        %parallel_loop3A_781 = tpu.memref_squeeze %parallel_loop3A_780 : memref<1x32xf32, #tpu.memory_space<vmem>> -> memref<32xf32, #tpu.memory_space<vmem>>
        %parallel_loop3A_782 = tpu.vector_load_idx %parallel_loop3A_781[%mul3A_3] : memref<32xf32, #tpu.memory_space<vmem>>[vector<16xi32>], vector<16xf32>,
        %parallel_loop3A_783 = arith.constant 32 : i32
        %parallel_loop3A_784 = tpu.memref_slice %arg4[%parallel_loop3A_770, %parallel_loop3A_783] : memref<16x224xf32, #tpu.memory_space<vmem>> -> memref<1x32xf32, #tpu.memory_space<vmem>>
        %parallel_loop3A_785 = tpu.memref_squeeze %parallel_loop3A_784 : memref<1x32xf32, #tpu.memory_space<vmem>> -> memref<32xf32, #tpu.memory_space<vmem>>
        %parallel_loop3A_786 = tpu.vector_load_idx %parallel_loop3A_785[%add3A_6] : memref<32xf32, #tpu.memory_space<vmem>>[vector<16xi32>], vector<16xf32>,
        %parallel_loop3A_787 = arith.addf %parallel_loop3A_778, %parallel_loop3A_782 : vector<16xf32>
        %parallel_loop3A_788 = arith.constant 5.000000e-01 : f32
        %parallel_loop3A_789 = vector.broadcast %parallel_loop3A_788 : f32 to vector<16xf32>
        %parallel_loop3A_790 = arith.mulf %parallel_loop3A_787, %parallel_loop3A_789 : vector<16xf32>
        %parallel_loop3A_791 = arith.addf %parallel_loop3A_774, %parallel_loop3A_778 : vector<16xf32>
        %parallel_loop3A_792 = arith.addf %parallel_loop3A_782, %parallel_loop3A_786 : vector<16xf32>
        %parallel_loop3A_793 = arith.addf %parallel_loop3A_791, %parallel_loop3A_792 : vector<16xf32>
        %parallel_loop3A_794 = arith.constant 2.500000e-01 : f32
        %parallel_loop3A_795 = vector.broadcast %parallel_loop3A_794 : f32 to vector<16xf32>
        %parallel_loop3A_796 = arith.mulf %parallel_loop3A_793, %parallel_loop3A_795 : vector<16xf32>
        %parallel_loop3A_797 = arith.addf %parallel_loop3A_790, %parallel_loop3A_796 : vector<16xf32>
        %parallel_loop3A_798 = arith.constant 5.000000e-01 : f32
        %parallel_loop3A_799 = vector.broadcast %parallel_loop3A_798 : f32 to vector<16xf32>
        %parallel_loop3A_800 = arith.mulf %parallel_loop3A_797, %parallel_loop3A_799 : vector<16xf32>
        %parallel_loop3A_801 = arith.subf %parallel_loop3A_774, %parallel_loop3A_800 : vector<16xf32>
        %parallel_loop3A_802 = math.absf %parallel_loop3A_801 : vector<16xf32>
        %parallel_loop3A_803 = arith.subf %parallel_loop3A_778, %parallel_loop3A_800 : vector<16xf32>
        %parallel_loop3A_804 = math.absf %parallel_loop3A_803 : vector<16xf32>
        %parallel_loop3A_805 = arith.subf %parallel_loop3A_782, %parallel_loop3A_800 : vector<16xf32>
        %parallel_loop3A_806 = math.absf %parallel_loop3A_805 : vector<16xf32>
        %parallel_loop3A_807 = arith.subf %parallel_loop3A_786, %parallel_loop3A_800 : vector<16xf32>
        %parallel_loop3A_808 = math.absf %parallel_loop3A_807 : vector<16xf32>
        %parallel_loop3A_809 = arith.addf %parallel_loop3A_804, %parallel_loop3A_806 : vector<16xf32>
        %parallel_loop3A_810 = arith.constant 5.000000e-01 : f32
        %parallel_loop3A_811 = vector.broadcast %parallel_loop3A_810 : f32 to vector<16xf32>
        %parallel_loop3A_812 = arith.mulf %parallel_loop3A_809, %parallel_loop3A_811 : vector<16xf32>
        %parallel_loop3A_813 = arith.constant 9.99999974E-5 : f32
        %parallel_loop3A_814 = vector.broadcast %parallel_loop3A_813 : f32 to vector<16xf32>
        %parallel_loop3A_815 = arith.addf %parallel_loop3A_812, %parallel_loop3A_814 : vector<16xf32>
        %parallel_loop3A_816 = arith.addf %parallel_loop3A_802, %parallel_loop3A_804 : vector<16xf32>
        %parallel_loop3A_817 = arith.addf %parallel_loop3A_806, %parallel_loop3A_808 : vector<16xf32>
        %parallel_loop3A_818 = arith.addf %parallel_loop3A_816, %parallel_loop3A_817 : vector<16xf32>
        %parallel_loop3A_819 = arith.constant 2.500000e-01 : f32
        %parallel_loop3A_820 = vector.broadcast %parallel_loop3A_819 : f32 to vector<16xf32>
        %parallel_loop3A_821 = arith.mulf %parallel_loop3A_818, %parallel_loop3A_820 : vector<16xf32>
        %parallel_loop3A_822 = arith.constant 9.99999974E-5 : f32
        %parallel_loop3A_823 = vector.broadcast %parallel_loop3A_822 : f32 to vector<16xf32>
        %parallel_loop3A_824 = arith.addf %parallel_loop3A_821, %parallel_loop3A_823 : vector<16xf32>
        %parallel_loop3A_825 = arith.constant 1.000000e+00 : f32
        %parallel_loop3A_826 = vector.broadcast %parallel_loop3A_825 : f32 to vector<16xf32>
        %parallel_loop3A_827 = arith.divf %parallel_loop3A_826, %parallel_loop3A_815 : vector<16xf32>
        %parallel_loop3A_828 = arith.constant 1.000000e+00 : f32
        %parallel_loop3A_829 = vector.broadcast %parallel_loop3A_828 : f32 to vector<16xf32>
        %parallel_loop3A_830 = arith.divf %parallel_loop3A_829, %parallel_loop3A_824 : vector<16xf32>
        %parallel_loop3A_831 = arith.mulf %parallel_loop3A_827, %parallel_loop3A_827 : vector<16xf32>
        %parallel_loop3A_832 = arith.constant -5.000000e-01 : f32
        %parallel_loop3A_833 = vector.broadcast %parallel_loop3A_832 : f32 to vector<16xf32>
        %parallel_loop3A_834 = arith.mulf %parallel_loop3A_831, %parallel_loop3A_833 : vector<16xf32>
        %parallel_loop3A_835 = arith.mulf %parallel_loop3A_830, %parallel_loop3A_830 : vector<16xf32>
        %parallel_loop3A_836 = arith.constant -5.000000e-01 : f32
        %parallel_loop3A_837 = vector.broadcast %parallel_loop3A_836 : f32 to vector<16xf32>
        %parallel_loop3A_838 = arith.mulf %parallel_loop3A_835, %parallel_loop3A_837 : vector<16xf32>
        %parallel_loop3A_839 = arith.subf %parallel_loop3A_774, %parallel_loop3A_790 : vector<16xf32>
        %parallel_loop3A_840 = arith.mulf %parallel_loop3A_839, %parallel_loop3A_839 : vector<16xf32>
        %parallel_loop3A_841 = arith.mulf %parallel_loop3A_840, %parallel_loop3A_834 : vector<16xf32>
        %parallel_loop3A_842 = math.exp %parallel_loop3A_841 : vector<16xf32>
        %parallel_loop3A_843 = arith.subf %parallel_loop3A_778, %parallel_loop3A_790 : vector<16xf32>
        %parallel_loop3A_844 = arith.mulf %parallel_loop3A_843, %parallel_loop3A_843 : vector<16xf32>
        %parallel_loop3A_845 = arith.mulf %parallel_loop3A_844, %parallel_loop3A_834 : vector<16xf32>
        %parallel_loop3A_846 = math.exp %parallel_loop3A_845 : vector<16xf32>
        %parallel_loop3A_847 = arith.subf %parallel_loop3A_786, %parallel_loop3A_790 : vector<16xf32>
        %parallel_loop3A_848 = arith.mulf %parallel_loop3A_847, %parallel_loop3A_847 : vector<16xf32>
        %parallel_loop3A_849 = arith.mulf %parallel_loop3A_848, %parallel_loop3A_834 : vector<16xf32>
        %parallel_loop3A_850 = math.exp %parallel_loop3A_849 : vector<16xf32>
        %parallel_loop3A_851 = arith.subf %parallel_loop3A_774, %parallel_loop3A_796 : vector<16xf32>
        %parallel_loop3A_852 = arith.mulf %parallel_loop3A_851, %parallel_loop3A_851 : vector<16xf32>
        %parallel_loop3A_853 = arith.mulf %parallel_loop3A_852, %parallel_loop3A_838 : vector<16xf32>
        %parallel_loop3A_854 = math.exp %parallel_loop3A_853 : vector<16xf32>
        %parallel_loop3A_855 = arith.subf %parallel_loop3A_778, %parallel_loop3A_796 : vector<16xf32>
        %parallel_loop3A_856 = arith.mulf %parallel_loop3A_855, %parallel_loop3A_855 : vector<16xf32>
        %parallel_loop3A_857 = arith.mulf %parallel_loop3A_856, %parallel_loop3A_838 : vector<16xf32>
        %parallel_loop3A_858 = math.exp %parallel_loop3A_857 : vector<16xf32>
        %parallel_loop3A_859 = arith.subf %parallel_loop3A_782, %parallel_loop3A_796 : vector<16xf32>
        %parallel_loop3A_860 = arith.mulf %parallel_loop3A_859, %parallel_loop3A_859 : vector<16xf32>
        %parallel_loop3A_861 = arith.mulf %parallel_loop3A_860, %parallel_loop3A_838 : vector<16xf32>
        %parallel_loop3A_862 = math.exp %parallel_loop3A_861 : vector<16xf32>
        %parallel_loop3A_863 = arith.subf %parallel_loop3A_786, %parallel_loop3A_796 : vector<16xf32>
        %parallel_loop3A_864 = arith.mulf %parallel_loop3A_863, %parallel_loop3A_863 : vector<16xf32>
        %parallel_loop3A_865 = arith.mulf %parallel_loop3A_864, %parallel_loop3A_838 : vector<16xf32>
        %parallel_loop3A_866 = math.exp %parallel_loop3A_865 : vector<16xf32>
        %parallel_loop3A_867 = arith.maximumf %parallel_loop3A_842, %parallel_loop3A_854 : vector<16xf32>
        %parallel_loop3A_868 = arith.maximumf %parallel_loop3A_846, %parallel_loop3A_858 : vector<16xf32>
        %parallel_loop3A_869 = arith.minimumf %parallel_loop3A_867, %parallel_loop3A_868 : vector<16xf32>
        %parallel_loop3A_870 = arith.maximumf %parallel_loop3A_846, %parallel_loop3A_862 : vector<16xf32>
        %parallel_loop3A_871 = arith.maximumf %parallel_loop3A_850, %parallel_loop3A_866 : vector<16xf32>
        %parallel_loop3A_872 = arith.minimumf %parallel_loop3A_870, %parallel_loop3A_871 : vector<16xf32>
        %parallel_loop3A_873 = arith.minimumf %parallel_loop3A_869, %parallel_loop3A_872 : vector<16xf32>
        %parallel_loop3A_874 = arith.addf %parallel_loop3A_842, %parallel_loop3A_854 : vector<16xf32>
        %parallel_loop3A_875 = arith.addf %parallel_loop3A_846, %parallel_loop3A_858 : vector<16xf32>
        %parallel_loop3A_876 = arith.addf %parallel_loop3A_846, %parallel_loop3A_862 : vector<16xf32>
        %parallel_loop3A_877 = arith.addf %parallel_loop3A_850, %parallel_loop3A_866 : vector<16xf32>
        %parallel_loop3A_878 = arith.addf %parallel_loop3A_873, %parallel_loop3A_873 : vector<16xf32>
        %parallel_loop3A_879 = arith.cmpf oge, %parallel_loop3A_875, %parallel_loop3A_878 : vector<16xf32>
        %parallel_loop3A_880 = arith.constant dense<true> : vector<16xi1>
        %parallel_loop3A_881 = arith.xori %parallel_loop3A_879, %parallel_loop3A_880 : vector<16xi1>
        %parallel_loop3A_882 = arith.constant 1.000000e-03 : f32
        %parallel_loop3A_883 = vector.broadcast %parallel_loop3A_882 : f32 to vector<16xf32>
        %parallel_loop3A_884 = arith.cmpf olt, %parallel_loop3A_824, %parallel_loop3A_883 : vector<16xf32>
        %parallel_loop3A_885 = arith.andi %parallel_loop3A_881, %parallel_loop3A_884 : vector<16xi1>
        %parallel_loop3A_886 = arith.mulf %parallel_loop3A_874, %parallel_loop3A_774 : vector<16xf32>
        %parallel_loop3A_887 = arith.mulf %parallel_loop3A_875, %parallel_loop3A_778 : vector<16xf32>
        %parallel_loop3A_888 = arith.addf %parallel_loop3A_886, %parallel_loop3A_887 : vector<16xf32>
        %parallel_loop3A_889 = arith.mulf %parallel_loop3A_876, %parallel_loop3A_782 : vector<16xf32>
        %parallel_loop3A_890 = arith.mulf %parallel_loop3A_877, %parallel_loop3A_786 : vector<16xf32>
        %parallel_loop3A_891 = arith.addf %parallel_loop3A_889, %parallel_loop3A_890 : vector<16xf32>
        %parallel_loop3A_892 = arith.addf %parallel_loop3A_888, %parallel_loop3A_891 : vector<16xf32>
        %parallel_loop3A_893 = arith.addf %parallel_loop3A_874, %parallel_loop3A_875 : vector<16xf32>
        %parallel_loop3A_894 = arith.addf %parallel_loop3A_876, %parallel_loop3A_877 : vector<16xf32>
        %parallel_loop3A_895 = arith.addf %parallel_loop3A_893, %parallel_loop3A_894 : vector<16xf32>
        %parallel_loop3A_896 = arith.divf %parallel_loop3A_892, %parallel_loop3A_895 : vector<16xf32>
        %parallel_loop3A_897 = arith.select %parallel_loop3A_885, %parallel_loop3A_800, %parallel_loop3A_896 : vector<16xi1>, vector<16xf32>
        %parallel_loop3A_898 = arith.select %parallel_loop3A_879, %parallel_loop3A_796, %parallel_loop3A_897 : vector<16xi1>, vector<16xf32>
        %parallel_loop3A_899 = arith.index_cast %parallel_loop3A_627 : i32 to index
        %parallel_loop3A_900 = arith.constant 16 : index
        %parallel_loop3A_901 = tpu.vector_load %arg6[%parallel_loop3A_899, %parallel_loop3A_900] {strides = array<i32>} : memref<8x112xf32, #tpu.memory_space<vmem>>, vector<16xf32>,
        tpu.vector_store %arg6[%parallel_loop3A_899, %parallel_loop3A_900], %parallel_loop3A_898 {strides = array<i32>} : memref<8x112xf32, #tpu.memory_space<vmem>>, vector<16xf32>,
        %parallel_loop3A_902 = arith.constant 2 : i32
        %parallel_loop3A_903 = arith.muli %parallel_loop3A_902, %parallel_loop3A_627 : i32
        %parallel_loop3A_904 = arith.constant 2 : i32
        %parallel_loop3A_905 = arith.muli %parallel_loop3A_904, %parallel_loop3A_627 : i32
        %parallel_loop3A_906 = arith.constant 1 : i32
        %parallel_loop3A_907 = arith.addi %parallel_loop3A_905, %parallel_loop3A_906 : i32
        %parallel_loop3A_908 = arith.constant 64 : i32
        %parallel_loop3A_909 = tpu.memref_slice %arg4[%parallel_loop3A_903, %parallel_loop3A_908] : memref<16x224xf32, #tpu.memory_space<vmem>> -> memref<1x32xf32, #tpu.memory_space<vmem>>
        %parallel_loop3A_910 = tpu.memref_squeeze %parallel_loop3A_909 : memref<1x32xf32, #tpu.memory_space<vmem>> -> memref<32xf32, #tpu.memory_space<vmem>>
        %parallel_loop3A_911 = tpu.vector_load_idx %parallel_loop3A_910[%mul3A_3] : memref<32xf32, #tpu.memory_space<vmem>>[vector<16xi32>], vector<16xf32>,
        %parallel_loop3A_912 = arith.constant 64 : i32
        %parallel_loop3A_913 = tpu.memref_slice %arg4[%parallel_loop3A_903, %parallel_loop3A_912] : memref<16x224xf32, #tpu.memory_space<vmem>> -> memref<1x32xf32, #tpu.memory_space<vmem>>
        %parallel_loop3A_914 = tpu.memref_squeeze %parallel_loop3A_913 : memref<1x32xf32, #tpu.memory_space<vmem>> -> memref<32xf32, #tpu.memory_space<vmem>>
        %parallel_loop3A_915 = tpu.vector_load_idx %parallel_loop3A_914[%add3A_6] : memref<32xf32, #tpu.memory_space<vmem>>[vector<16xi32>], vector<16xf32>,
        %parallel_loop3A_916 = arith.constant 64 : i32
        %parallel_loop3A_917 = tpu.memref_slice %arg4[%parallel_loop3A_907, %parallel_loop3A_916] : memref<16x224xf32, #tpu.memory_space<vmem>> -> memref<1x32xf32, #tpu.memory_space<vmem>>
        %parallel_loop3A_918 = tpu.memref_squeeze %parallel_loop3A_917 : memref<1x32xf32, #tpu.memory_space<vmem>> -> memref<32xf32, #tpu.memory_space<vmem>>
        %parallel_loop3A_919 = tpu.vector_load_idx %parallel_loop3A_918[%mul3A_3] : memref<32xf32, #tpu.memory_space<vmem>>[vector<16xi32>], vector<16xf32>,
        %parallel_loop3A_920 = arith.constant 64 : i32
        %parallel_loop3A_921 = tpu.memref_slice %arg4[%parallel_loop3A_907, %parallel_loop3A_920] : memref<16x224xf32, #tpu.memory_space<vmem>> -> memref<1x32xf32, #tpu.memory_space<vmem>>
        %parallel_loop3A_922 = tpu.memref_squeeze %parallel_loop3A_921 : memref<1x32xf32, #tpu.memory_space<vmem>> -> memref<32xf32, #tpu.memory_space<vmem>>
        %parallel_loop3A_923 = tpu.vector_load_idx %parallel_loop3A_922[%add3A_6] : memref<32xf32, #tpu.memory_space<vmem>>[vector<16xi32>], vector<16xf32>,
        %parallel_loop3A_924 = arith.addf %parallel_loop3A_915, %parallel_loop3A_919 : vector<16xf32>
        %parallel_loop3A_925 = arith.constant 5.000000e-01 : f32
        %parallel_loop3A_926 = vector.broadcast %parallel_loop3A_925 : f32 to vector<16xf32>
        %parallel_loop3A_927 = arith.mulf %parallel_loop3A_924, %parallel_loop3A_926 : vector<16xf32>
        %parallel_loop3A_928 = arith.addf %parallel_loop3A_911, %parallel_loop3A_915 : vector<16xf32>
        %parallel_loop3A_929 = arith.addf %parallel_loop3A_919, %parallel_loop3A_923 : vector<16xf32>
        %parallel_loop3A_930 = arith.addf %parallel_loop3A_928, %parallel_loop3A_929 : vector<16xf32>
        %parallel_loop3A_931 = arith.constant 2.500000e-01 : f32
        %parallel_loop3A_932 = vector.broadcast %parallel_loop3A_931 : f32 to vector<16xf32>
        %parallel_loop3A_933 = arith.mulf %parallel_loop3A_930, %parallel_loop3A_932 : vector<16xf32>
        %parallel_loop3A_934 = arith.addf %parallel_loop3A_927, %parallel_loop3A_933 : vector<16xf32>
        %parallel_loop3A_935 = arith.constant 5.000000e-01 : f32
        %parallel_loop3A_936 = vector.broadcast %parallel_loop3A_935 : f32 to vector<16xf32>
        %parallel_loop3A_937 = arith.mulf %parallel_loop3A_934, %parallel_loop3A_936 : vector<16xf32>
        %parallel_loop3A_938 = arith.subf %parallel_loop3A_911, %parallel_loop3A_937 : vector<16xf32>
        %parallel_loop3A_939 = math.absf %parallel_loop3A_938 : vector<16xf32>
        %parallel_loop3A_940 = arith.subf %parallel_loop3A_915, %parallel_loop3A_937 : vector<16xf32>
        %parallel_loop3A_941 = math.absf %parallel_loop3A_940 : vector<16xf32>
        %parallel_loop3A_942 = arith.subf %parallel_loop3A_919, %parallel_loop3A_937 : vector<16xf32>
        %parallel_loop3A_943 = math.absf %parallel_loop3A_942 : vector<16xf32>
        %parallel_loop3A_944 = arith.subf %parallel_loop3A_923, %parallel_loop3A_937 : vector<16xf32>
        %parallel_loop3A_945 = math.absf %parallel_loop3A_944 : vector<16xf32>
        %parallel_loop3A_946 = arith.addf %parallel_loop3A_941, %parallel_loop3A_943 : vector<16xf32>
        %parallel_loop3A_947 = arith.constant 5.000000e-01 : f32
        %parallel_loop3A_948 = vector.broadcast %parallel_loop3A_947 : f32 to vector<16xf32>
        %parallel_loop3A_949 = arith.mulf %parallel_loop3A_946, %parallel_loop3A_948 : vector<16xf32>
        %parallel_loop3A_950 = arith.constant 9.99999974E-5 : f32
        %parallel_loop3A_951 = vector.broadcast %parallel_loop3A_950 : f32 to vector<16xf32>
        %parallel_loop3A_952 = arith.addf %parallel_loop3A_949, %parallel_loop3A_951 : vector<16xf32>
        %parallel_loop3A_953 = arith.addf %parallel_loop3A_939, %parallel_loop3A_941 : vector<16xf32>
        %parallel_loop3A_954 = arith.addf %parallel_loop3A_943, %parallel_loop3A_945 : vector<16xf32>
        %parallel_loop3A_955 = arith.addf %parallel_loop3A_953, %parallel_loop3A_954 : vector<16xf32>
        %parallel_loop3A_956 = arith.constant 2.500000e-01 : f32
        %parallel_loop3A_957 = vector.broadcast %parallel_loop3A_956 : f32 to vector<16xf32>
        %parallel_loop3A_958 = arith.mulf %parallel_loop3A_955, %parallel_loop3A_957 : vector<16xf32>
        %parallel_loop3A_959 = arith.constant 9.99999974E-5 : f32
        %parallel_loop3A_960 = vector.broadcast %parallel_loop3A_959 : f32 to vector<16xf32>
        %parallel_loop3A_961 = arith.addf %parallel_loop3A_958, %parallel_loop3A_960 : vector<16xf32>
        %parallel_loop3A_962 = arith.constant 1.000000e+00 : f32
        %parallel_loop3A_963 = vector.broadcast %parallel_loop3A_962 : f32 to vector<16xf32>
        %parallel_loop3A_964 = arith.divf %parallel_loop3A_963, %parallel_loop3A_952 : vector<16xf32>
        %parallel_loop3A_965 = arith.constant 1.000000e+00 : f32
        %parallel_loop3A_966 = vector.broadcast %parallel_loop3A_965 : f32 to vector<16xf32>
        %parallel_loop3A_967 = arith.divf %parallel_loop3A_966, %parallel_loop3A_961 : vector<16xf32>
        %parallel_loop3A_968 = arith.mulf %parallel_loop3A_964, %parallel_loop3A_964 : vector<16xf32>
        %parallel_loop3A_969 = arith.constant -5.000000e-01 : f32
        %parallel_loop3A_970 = vector.broadcast %parallel_loop3A_969 : f32 to vector<16xf32>
        %parallel_loop3A_971 = arith.mulf %parallel_loop3A_968, %parallel_loop3A_970 : vector<16xf32>
        %parallel_loop3A_972 = arith.mulf %parallel_loop3A_967, %parallel_loop3A_967 : vector<16xf32>
        %parallel_loop3A_973 = arith.constant -5.000000e-01 : f32
        %parallel_loop3A_974 = vector.broadcast %parallel_loop3A_973 : f32 to vector<16xf32>
        %parallel_loop3A_975 = arith.mulf %parallel_loop3A_972, %parallel_loop3A_974 : vector<16xf32>
        %parallel_loop3A_976 = arith.subf %parallel_loop3A_911, %parallel_loop3A_927 : vector<16xf32>
        %parallel_loop3A_977 = arith.mulf %parallel_loop3A_976, %parallel_loop3A_976 : vector<16xf32>
        %parallel_loop3A_978 = arith.mulf %parallel_loop3A_977, %parallel_loop3A_971 : vector<16xf32>
        %parallel_loop3A_979 = math.exp %parallel_loop3A_978 : vector<16xf32>
        %parallel_loop3A_980 = arith.subf %parallel_loop3A_915, %parallel_loop3A_927 : vector<16xf32>
        %parallel_loop3A_981 = arith.mulf %parallel_loop3A_980, %parallel_loop3A_980 : vector<16xf32>
        %parallel_loop3A_982 = arith.mulf %parallel_loop3A_981, %parallel_loop3A_971 : vector<16xf32>
        %parallel_loop3A_983 = math.exp %parallel_loop3A_982 : vector<16xf32>
        %parallel_loop3A_984 = arith.subf %parallel_loop3A_923, %parallel_loop3A_927 : vector<16xf32>
        %parallel_loop3A_985 = arith.mulf %parallel_loop3A_984, %parallel_loop3A_984 : vector<16xf32>
        %parallel_loop3A_986 = arith.mulf %parallel_loop3A_985, %parallel_loop3A_971 : vector<16xf32>
        %parallel_loop3A_987 = math.exp %parallel_loop3A_986 : vector<16xf32>
        %parallel_loop3A_988 = arith.subf %parallel_loop3A_911, %parallel_loop3A_933 : vector<16xf32>
        %parallel_loop3A_989 = arith.mulf %parallel_loop3A_988, %parallel_loop3A_988 : vector<16xf32>
        %parallel_loop3A_990 = arith.mulf %parallel_loop3A_989, %parallel_loop3A_975 : vector<16xf32>
        %parallel_loop3A_991 = math.exp %parallel_loop3A_990 : vector<16xf32>
        %parallel_loop3A_992 = arith.subf %parallel_loop3A_915, %parallel_loop3A_933 : vector<16xf32>
        %parallel_loop3A_993 = arith.mulf %parallel_loop3A_992, %parallel_loop3A_992 : vector<16xf32>
        %parallel_loop3A_994 = arith.mulf %parallel_loop3A_993, %parallel_loop3A_975 : vector<16xf32>
        %parallel_loop3A_995 = math.exp %parallel_loop3A_994 : vector<16xf32>
        %parallel_loop3A_996 = arith.subf %parallel_loop3A_919, %parallel_loop3A_933 : vector<16xf32>
        %parallel_loop3A_997 = arith.mulf %parallel_loop3A_996, %parallel_loop3A_996 : vector<16xf32>
        %parallel_loop3A_998 = arith.mulf %parallel_loop3A_997, %parallel_loop3A_975 : vector<16xf32>
        %parallel_loop3A_999 = math.exp %parallel_loop3A_998 : vector<16xf32>
        %parallel_loop3A_1000 = arith.subf %parallel_loop3A_923, %parallel_loop3A_933 : vector<16xf32>
        %parallel_loop3A_1001 = arith.mulf %parallel_loop3A_1000, %parallel_loop3A_1000 : vector<16xf32>
        %parallel_loop3A_1002 = arith.mulf %parallel_loop3A_1001, %parallel_loop3A_975 : vector<16xf32>
        %parallel_loop3A_1003 = math.exp %parallel_loop3A_1002 : vector<16xf32>
        %parallel_loop3A_1004 = arith.maximumf %parallel_loop3A_979, %parallel_loop3A_991 : vector<16xf32>
        %parallel_loop3A_1005 = arith.maximumf %parallel_loop3A_983, %parallel_loop3A_995 : vector<16xf32>
        %parallel_loop3A_1006 = arith.minimumf %parallel_loop3A_1004, %parallel_loop3A_1005 : vector<16xf32>
        %parallel_loop3A_1007 = arith.maximumf %parallel_loop3A_983, %parallel_loop3A_999 : vector<16xf32>
        %parallel_loop3A_1008 = arith.maximumf %parallel_loop3A_987, %parallel_loop3A_1003 : vector<16xf32>
        %parallel_loop3A_1009 = arith.minimumf %parallel_loop3A_1007, %parallel_loop3A_1008 : vector<16xf32>
        %parallel_loop3A_1010 = arith.minimumf %parallel_loop3A_1006, %parallel_loop3A_1009 : vector<16xf32>
        %parallel_loop3A_1011 = arith.addf %parallel_loop3A_979, %parallel_loop3A_991 : vector<16xf32>
        %parallel_loop3A_1012 = arith.addf %parallel_loop3A_983, %parallel_loop3A_995 : vector<16xf32>
        %parallel_loop3A_1013 = arith.addf %parallel_loop3A_983, %parallel_loop3A_999 : vector<16xf32>
        %parallel_loop3A_1014 = arith.addf %parallel_loop3A_987, %parallel_loop3A_1003 : vector<16xf32>
        %parallel_loop3A_1015 = arith.addf %parallel_loop3A_1010, %parallel_loop3A_1010 : vector<16xf32>
        %parallel_loop3A_1016 = arith.cmpf oge, %parallel_loop3A_1012, %parallel_loop3A_1015 : vector<16xf32>
        %parallel_loop3A_1017 = arith.constant dense<true> : vector<16xi1>
        %parallel_loop3A_1018 = arith.xori %parallel_loop3A_1016, %parallel_loop3A_1017 : vector<16xi1>
        %parallel_loop3A_1019 = arith.constant 1.000000e-03 : f32
        %parallel_loop3A_1020 = vector.broadcast %parallel_loop3A_1019 : f32 to vector<16xf32>
        %parallel_loop3A_1021 = arith.cmpf olt, %parallel_loop3A_961, %parallel_loop3A_1020 : vector<16xf32>
        %parallel_loop3A_1022 = arith.andi %parallel_loop3A_1018, %parallel_loop3A_1021 : vector<16xi1>
        %parallel_loop3A_1023 = arith.mulf %parallel_loop3A_1011, %parallel_loop3A_911 : vector<16xf32>
        %parallel_loop3A_1024 = arith.mulf %parallel_loop3A_1012, %parallel_loop3A_915 : vector<16xf32>
        %parallel_loop3A_1025 = arith.addf %parallel_loop3A_1023, %parallel_loop3A_1024 : vector<16xf32>
        %parallel_loop3A_1026 = arith.mulf %parallel_loop3A_1013, %parallel_loop3A_919 : vector<16xf32>
        %parallel_loop3A_1027 = arith.mulf %parallel_loop3A_1014, %parallel_loop3A_923 : vector<16xf32>
        %parallel_loop3A_1028 = arith.addf %parallel_loop3A_1026, %parallel_loop3A_1027 : vector<16xf32>
        %parallel_loop3A_1029 = arith.addf %parallel_loop3A_1025, %parallel_loop3A_1028 : vector<16xf32>
        %parallel_loop3A_1030 = arith.addf %parallel_loop3A_1011, %parallel_loop3A_1012 : vector<16xf32>
        %parallel_loop3A_1031 = arith.addf %parallel_loop3A_1013, %parallel_loop3A_1014 : vector<16xf32>
        %parallel_loop3A_1032 = arith.addf %parallel_loop3A_1030, %parallel_loop3A_1031 : vector<16xf32>
        %parallel_loop3A_1033 = arith.divf %parallel_loop3A_1029, %parallel_loop3A_1032 : vector<16xf32>
        %parallel_loop3A_1034 = arith.select %parallel_loop3A_1022, %parallel_loop3A_937, %parallel_loop3A_1033 : vector<16xi1>, vector<16xf32>
        %parallel_loop3A_1035 = arith.select %parallel_loop3A_1016, %parallel_loop3A_933, %parallel_loop3A_1034 : vector<16xi1>, vector<16xf32>
        %parallel_loop3A_1036 = arith.index_cast %parallel_loop3A_627 : i32 to index
        %parallel_loop3A_1037 = arith.constant 32 : index
        %parallel_loop3A_1038 = tpu.vector_load %arg6[%parallel_loop3A_1036, %parallel_loop3A_1037] {strides = array<i32>} : memref<8x112xf32, #tpu.memory_space<vmem>>, vector<16xf32>,
        tpu.vector_store %arg6[%parallel_loop3A_1036, %parallel_loop3A_1037], %parallel_loop3A_1035 {strides = array<i32>} : memref<8x112xf32, #tpu.memory_space<vmem>>, vector<16xf32>,
        %parallel_loop3A_1039 = arith.constant 2 : i32
        %parallel_loop3A_1040 = arith.muli %parallel_loop3A_1039, %parallel_loop3A_627 : i32
        %parallel_loop3A_1041 = arith.constant 2 : i32
        %parallel_loop3A_1042 = arith.muli %parallel_loop3A_1041, %parallel_loop3A_627 : i32
        %parallel_loop3A_1043 = arith.constant 1 : i32
        %parallel_loop3A_1044 = arith.addi %parallel_loop3A_1042, %parallel_loop3A_1043 : i32
        %parallel_loop3A_1045 = arith.constant 96 : i32
        %parallel_loop3A_1046 = tpu.memref_slice %arg4[%parallel_loop3A_1040, %parallel_loop3A_1045] : memref<16x224xf32, #tpu.memory_space<vmem>> -> memref<1x32xf32, #tpu.memory_space<vmem>>
        %parallel_loop3A_1047 = tpu.memref_squeeze %parallel_loop3A_1046 : memref<1x32xf32, #tpu.memory_space<vmem>> -> memref<32xf32, #tpu.memory_space<vmem>>
        %parallel_loop3A_1048 = tpu.vector_load_idx %parallel_loop3A_1047[%mul3A_3] : memref<32xf32, #tpu.memory_space<vmem>>[vector<16xi32>], vector<16xf32>,
        %parallel_loop3A_1049 = arith.constant 96 : i32
        %parallel_loop3A_1050 = tpu.memref_slice %arg4[%parallel_loop3A_1040, %parallel_loop3A_1049] : memref<16x224xf32, #tpu.memory_space<vmem>> -> memref<1x32xf32, #tpu.memory_space<vmem>>
        %parallel_loop3A_1051 = tpu.memref_squeeze %parallel_loop3A_1050 : memref<1x32xf32, #tpu.memory_space<vmem>> -> memref<32xf32, #tpu.memory_space<vmem>>
        %parallel_loop3A_1052 = tpu.vector_load_idx %parallel_loop3A_1051[%add3A_6] : memref<32xf32, #tpu.memory_space<vmem>>[vector<16xi32>], vector<16xf32>,
        %parallel_loop3A_1053 = arith.constant 96 : i32
        %parallel_loop3A_1054 = tpu.memref_slice %arg4[%parallel_loop3A_1044, %parallel_loop3A_1053] : memref<16x224xf32, #tpu.memory_space<vmem>> -> memref<1x32xf32, #tpu.memory_space<vmem>>
        %parallel_loop3A_1055 = tpu.memref_squeeze %parallel_loop3A_1054 : memref<1x32xf32, #tpu.memory_space<vmem>> -> memref<32xf32, #tpu.memory_space<vmem>>
        %parallel_loop3A_1056 = tpu.vector_load_idx %parallel_loop3A_1055[%mul3A_3] : memref<32xf32, #tpu.memory_space<vmem>>[vector<16xi32>], vector<16xf32>,
        %parallel_loop3A_1057 = arith.constant 96 : i32
        %parallel_loop3A_1058 = tpu.memref_slice %arg4[%parallel_loop3A_1044, %parallel_loop3A_1057] : memref<16x224xf32, #tpu.memory_space<vmem>> -> memref<1x32xf32, #tpu.memory_space<vmem>>
        %parallel_loop3A_1059 = tpu.memref_squeeze %parallel_loop3A_1058 : memref<1x32xf32, #tpu.memory_space<vmem>> -> memref<32xf32, #tpu.memory_space<vmem>>
        %parallel_loop3A_1060 = tpu.vector_load_idx %parallel_loop3A_1059[%add3A_6] : memref<32xf32, #tpu.memory_space<vmem>>[vector<16xi32>], vector<16xf32>,
        %parallel_loop3A_1061 = arith.addf %parallel_loop3A_1052, %parallel_loop3A_1056 : vector<16xf32>
        %parallel_loop3A_1062 = arith.constant 5.000000e-01 : f32
        %parallel_loop3A_1063 = vector.broadcast %parallel_loop3A_1062 : f32 to vector<16xf32>
        %parallel_loop3A_1064 = arith.mulf %parallel_loop3A_1061, %parallel_loop3A_1063 : vector<16xf32>
        %parallel_loop3A_1065 = arith.addf %parallel_loop3A_1048, %parallel_loop3A_1052 : vector<16xf32>
        %parallel_loop3A_1066 = arith.addf %parallel_loop3A_1056, %parallel_loop3A_1060 : vector<16xf32>
        %parallel_loop3A_1067 = arith.addf %parallel_loop3A_1065, %parallel_loop3A_1066 : vector<16xf32>
        %parallel_loop3A_1068 = arith.constant 2.500000e-01 : f32
        %parallel_loop3A_1069 = vector.broadcast %parallel_loop3A_1068 : f32 to vector<16xf32>
        %parallel_loop3A_1070 = arith.mulf %parallel_loop3A_1067, %parallel_loop3A_1069 : vector<16xf32>
        %parallel_loop3A_1071 = arith.addf %parallel_loop3A_1064, %parallel_loop3A_1070 : vector<16xf32>
        %parallel_loop3A_1072 = arith.constant 5.000000e-01 : f32
        %parallel_loop3A_1073 = vector.broadcast %parallel_loop3A_1072 : f32 to vector<16xf32>
        %parallel_loop3A_1074 = arith.mulf %parallel_loop3A_1071, %parallel_loop3A_1073 : vector<16xf32>
        %parallel_loop3A_1075 = arith.subf %parallel_loop3A_1048, %parallel_loop3A_1074 : vector<16xf32>
        %parallel_loop3A_1076 = math.absf %parallel_loop3A_1075 : vector<16xf32>
        %parallel_loop3A_1077 = arith.subf %parallel_loop3A_1052, %parallel_loop3A_1074 : vector<16xf32>
        %parallel_loop3A_1078 = math.absf %parallel_loop3A_1077 : vector<16xf32>
        %parallel_loop3A_1079 = arith.subf %parallel_loop3A_1056, %parallel_loop3A_1074 : vector<16xf32>
        %parallel_loop3A_1080 = math.absf %parallel_loop3A_1079 : vector<16xf32>
        %parallel_loop3A_1081 = arith.subf %parallel_loop3A_1060, %parallel_loop3A_1074 : vector<16xf32>
        %parallel_loop3A_1082 = math.absf %parallel_loop3A_1081 : vector<16xf32>
        %parallel_loop3A_1083 = arith.addf %parallel_loop3A_1078, %parallel_loop3A_1080 : vector<16xf32>
        %parallel_loop3A_1084 = arith.constant 5.000000e-01 : f32
        %parallel_loop3A_1085 = vector.broadcast %parallel_loop3A_1084 : f32 to vector<16xf32>
        %parallel_loop3A_1086 = arith.mulf %parallel_loop3A_1083, %parallel_loop3A_1085 : vector<16xf32>
        %parallel_loop3A_1087 = arith.constant 9.99999974E-5 : f32
        %parallel_loop3A_1088 = vector.broadcast %parallel_loop3A_1087 : f32 to vector<16xf32>
        %parallel_loop3A_1089 = arith.addf %parallel_loop3A_1086, %parallel_loop3A_1088 : vector<16xf32>
        %parallel_loop3A_1090 = arith.addf %parallel_loop3A_1076, %parallel_loop3A_1078 : vector<16xf32>
        %parallel_loop3A_1091 = arith.addf %parallel_loop3A_1080, %parallel_loop3A_1082 : vector<16xf32>
        %parallel_loop3A_1092 = arith.addf %parallel_loop3A_1090, %parallel_loop3A_1091 : vector<16xf32>
        %parallel_loop3A_1093 = arith.constant 2.500000e-01 : f32
        %parallel_loop3A_1094 = vector.broadcast %parallel_loop3A_1093 : f32 to vector<16xf32>
        %parallel_loop3A_1095 = arith.mulf %parallel_loop3A_1092, %parallel_loop3A_1094 : vector<16xf32>
        %parallel_loop3A_1096 = arith.constant 9.99999974E-5 : f32
        %parallel_loop3A_1097 = vector.broadcast %parallel_loop3A_1096 : f32 to vector<16xf32>
        %parallel_loop3A_1098 = arith.addf %parallel_loop3A_1095, %parallel_loop3A_1097 : vector<16xf32>
        %parallel_loop3A_1099 = arith.constant 1.000000e+00 : f32
        %parallel_loop3A_1100 = vector.broadcast %parallel_loop3A_1099 : f32 to vector<16xf32>
        %parallel_loop3A_1101 = arith.divf %parallel_loop3A_1100, %parallel_loop3A_1089 : vector<16xf32>
        %parallel_loop3A_1102 = arith.constant 1.000000e+00 : f32
        %parallel_loop3A_1103 = vector.broadcast %parallel_loop3A_1102 : f32 to vector<16xf32>
        %parallel_loop3A_1104 = arith.divf %parallel_loop3A_1103, %parallel_loop3A_1098 : vector<16xf32>
        %parallel_loop3A_1105 = arith.mulf %parallel_loop3A_1101, %parallel_loop3A_1101 : vector<16xf32>
        %parallel_loop3A_1106 = arith.constant -5.000000e-01 : f32
        %parallel_loop3A_1107 = vector.broadcast %parallel_loop3A_1106 : f32 to vector<16xf32>
        %parallel_loop3A_1108 = arith.mulf %parallel_loop3A_1105, %parallel_loop3A_1107 : vector<16xf32>
        %parallel_loop3A_1109 = arith.mulf %parallel_loop3A_1104, %parallel_loop3A_1104 : vector<16xf32>
        %parallel_loop3A_1110 = arith.constant -5.000000e-01 : f32
        %parallel_loop3A_1111 = vector.broadcast %parallel_loop3A_1110 : f32 to vector<16xf32>
        %parallel_loop3A_1112 = arith.mulf %parallel_loop3A_1109, %parallel_loop3A_1111 : vector<16xf32>
        %parallel_loop3A_1113 = arith.subf %parallel_loop3A_1048, %parallel_loop3A_1064 : vector<16xf32>
        %parallel_loop3A_1114 = arith.mulf %parallel_loop3A_1113, %parallel_loop3A_1113 : vector<16xf32>
        %parallel_loop3A_1115 = arith.mulf %parallel_loop3A_1114, %parallel_loop3A_1108 : vector<16xf32>
        %parallel_loop3A_1116 = math.exp %parallel_loop3A_1115 : vector<16xf32>
        %parallel_loop3A_1117 = arith.subf %parallel_loop3A_1052, %parallel_loop3A_1064 : vector<16xf32>
        %parallel_loop3A_1118 = arith.mulf %parallel_loop3A_1117, %parallel_loop3A_1117 : vector<16xf32>
        %parallel_loop3A_1119 = arith.mulf %parallel_loop3A_1118, %parallel_loop3A_1108 : vector<16xf32>
        %parallel_loop3A_1120 = math.exp %parallel_loop3A_1119 : vector<16xf32>
        %parallel_loop3A_1121 = arith.subf %parallel_loop3A_1060, %parallel_loop3A_1064 : vector<16xf32>
        %parallel_loop3A_1122 = arith.mulf %parallel_loop3A_1121, %parallel_loop3A_1121 : vector<16xf32>
        %parallel_loop3A_1123 = arith.mulf %parallel_loop3A_1122, %parallel_loop3A_1108 : vector<16xf32>
        %parallel_loop3A_1124 = math.exp %parallel_loop3A_1123 : vector<16xf32>
        %parallel_loop3A_1125 = arith.subf %parallel_loop3A_1048, %parallel_loop3A_1070 : vector<16xf32>
        %parallel_loop3A_1126 = arith.mulf %parallel_loop3A_1125, %parallel_loop3A_1125 : vector<16xf32>
        %parallel_loop3A_1127 = arith.mulf %parallel_loop3A_1126, %parallel_loop3A_1112 : vector<16xf32>
        %parallel_loop3A_1128 = math.exp %parallel_loop3A_1127 : vector<16xf32>
        %parallel_loop3A_1129 = arith.subf %parallel_loop3A_1052, %parallel_loop3A_1070 : vector<16xf32>
        %parallel_loop3A_1130 = arith.mulf %parallel_loop3A_1129, %parallel_loop3A_1129 : vector<16xf32>
        %parallel_loop3A_1131 = arith.mulf %parallel_loop3A_1130, %parallel_loop3A_1112 : vector<16xf32>
        %parallel_loop3A_1132 = math.exp %parallel_loop3A_1131 : vector<16xf32>
        %parallel_loop3A_1133 = arith.subf %parallel_loop3A_1056, %parallel_loop3A_1070 : vector<16xf32>
        %parallel_loop3A_1134 = arith.mulf %parallel_loop3A_1133, %parallel_loop3A_1133 : vector<16xf32>
        %parallel_loop3A_1135 = arith.mulf %parallel_loop3A_1134, %parallel_loop3A_1112 : vector<16xf32>
        %parallel_loop3A_1136 = math.exp %parallel_loop3A_1135 : vector<16xf32>
        %parallel_loop3A_1137 = arith.subf %parallel_loop3A_1060, %parallel_loop3A_1070 : vector<16xf32>
        %parallel_loop3A_1138 = arith.mulf %parallel_loop3A_1137, %parallel_loop3A_1137 : vector<16xf32>
        %parallel_loop3A_1139 = arith.mulf %parallel_loop3A_1138, %parallel_loop3A_1112 : vector<16xf32>
        %parallel_loop3A_1140 = math.exp %parallel_loop3A_1139 : vector<16xf32>
        %parallel_loop3A_1141 = arith.maximumf %parallel_loop3A_1116, %parallel_loop3A_1128 : vector<16xf32>
        %parallel_loop3A_1142 = arith.maximumf %parallel_loop3A_1120, %parallel_loop3A_1132 : vector<16xf32>
        %parallel_loop3A_1143 = arith.minimumf %parallel_loop3A_1141, %parallel_loop3A_1142 : vector<16xf32>
        %parallel_loop3A_1144 = arith.maximumf %parallel_loop3A_1120, %parallel_loop3A_1136 : vector<16xf32>
        %parallel_loop3A_1145 = arith.maximumf %parallel_loop3A_1124, %parallel_loop3A_1140 : vector<16xf32>
        %parallel_loop3A_1146 = arith.minimumf %parallel_loop3A_1144, %parallel_loop3A_1145 : vector<16xf32>
        %parallel_loop3A_1147 = arith.minimumf %parallel_loop3A_1143, %parallel_loop3A_1146 : vector<16xf32>
        %parallel_loop3A_1148 = arith.addf %parallel_loop3A_1116, %parallel_loop3A_1128 : vector<16xf32>
        %parallel_loop3A_1149 = arith.addf %parallel_loop3A_1120, %parallel_loop3A_1132 : vector<16xf32>
        %parallel_loop3A_1150 = arith.addf %parallel_loop3A_1120, %parallel_loop3A_1136 : vector<16xf32>
        %parallel_loop3A_1151 = arith.addf %parallel_loop3A_1124, %parallel_loop3A_1140 : vector<16xf32>
        %parallel_loop3A_1152 = arith.addf %parallel_loop3A_1147, %parallel_loop3A_1147 : vector<16xf32>
        %parallel_loop3A_1153 = arith.cmpf oge, %parallel_loop3A_1149, %parallel_loop3A_1152 : vector<16xf32>
        %parallel_loop3A_1154 = arith.constant dense<true> : vector<16xi1>
        %parallel_loop3A_1155 = arith.xori %parallel_loop3A_1153, %parallel_loop3A_1154 : vector<16xi1>
        %parallel_loop3A_1156 = arith.constant 1.000000e-03 : f32
        %parallel_loop3A_1157 = vector.broadcast %parallel_loop3A_1156 : f32 to vector<16xf32>
        %parallel_loop3A_1158 = arith.cmpf olt, %parallel_loop3A_1098, %parallel_loop3A_1157 : vector<16xf32>
        %parallel_loop3A_1159 = arith.andi %parallel_loop3A_1155, %parallel_loop3A_1158 : vector<16xi1>
        %parallel_loop3A_1160 = arith.mulf %parallel_loop3A_1148, %parallel_loop3A_1048 : vector<16xf32>
        %parallel_loop3A_1161 = arith.mulf %parallel_loop3A_1149, %parallel_loop3A_1052 : vector<16xf32>
        %parallel_loop3A_1162 = arith.addf %parallel_loop3A_1160, %parallel_loop3A_1161 : vector<16xf32>
        %parallel_loop3A_1163 = arith.mulf %parallel_loop3A_1150, %parallel_loop3A_1056 : vector<16xf32>
        %parallel_loop3A_1164 = arith.mulf %parallel_loop3A_1151, %parallel_loop3A_1060 : vector<16xf32>
        %parallel_loop3A_1165 = arith.addf %parallel_loop3A_1163, %parallel_loop3A_1164 : vector<16xf32>
        %parallel_loop3A_1166 = arith.addf %parallel_loop3A_1162, %parallel_loop3A_1165 : vector<16xf32>
        %parallel_loop3A_1167 = arith.addf %parallel_loop3A_1148, %parallel_loop3A_1149 : vector<16xf32>
        %parallel_loop3A_1168 = arith.addf %parallel_loop3A_1150, %parallel_loop3A_1151 : vector<16xf32>
        %parallel_loop3A_1169 = arith.addf %parallel_loop3A_1167, %parallel_loop3A_1168 : vector<16xf32>
        %parallel_loop3A_1170 = arith.divf %parallel_loop3A_1166, %parallel_loop3A_1169 : vector<16xf32>
        %parallel_loop3A_1171 = arith.select %parallel_loop3A_1159, %parallel_loop3A_1074, %parallel_loop3A_1170 : vector<16xi1>, vector<16xf32>
        %parallel_loop3A_1172 = arith.select %parallel_loop3A_1153, %parallel_loop3A_1070, %parallel_loop3A_1171 : vector<16xi1>, vector<16xf32>
        %parallel_loop3A_1173 = arith.index_cast %parallel_loop3A_627 : i32 to index
        %parallel_loop3A_1174 = arith.constant 48 : index
        %parallel_loop3A_1175 = tpu.vector_load %arg6[%parallel_loop3A_1173, %parallel_loop3A_1174] {strides = array<i32>} : memref<8x112xf32, #tpu.memory_space<vmem>>, vector<16xf32>,
        tpu.vector_store %arg6[%parallel_loop3A_1173, %parallel_loop3A_1174], %parallel_loop3A_1172 {strides = array<i32>} : memref<8x112xf32, #tpu.memory_space<vmem>>, vector<16xf32>,
        %parallel_loop3A_1176 = arith.constant 2 : i32
        %parallel_loop3A_1177 = arith.muli %parallel_loop3A_1176, %parallel_loop3A_627 : i32
        %parallel_loop3A_1178 = arith.constant 2 : i32
        %parallel_loop3A_1179 = arith.muli %parallel_loop3A_1178, %parallel_loop3A_627 : i32
        %parallel_loop3A_1180 = arith.constant 1 : i32
        %parallel_loop3A_1181 = arith.addi %parallel_loop3A_1179, %parallel_loop3A_1180 : i32
        %parallel_loop3A_1182 = arith.constant 128 : i32
        %parallel_loop3A_1183 = tpu.memref_slice %arg4[%parallel_loop3A_1177, %parallel_loop3A_1182] : memref<16x224xf32, #tpu.memory_space<vmem>> -> memref<1x32xf32, #tpu.memory_space<vmem>>
        %parallel_loop3A_1184 = tpu.memref_squeeze %parallel_loop3A_1183 : memref<1x32xf32, #tpu.memory_space<vmem>> -> memref<32xf32, #tpu.memory_space<vmem>>
        %parallel_loop3A_1185 = tpu.vector_load_idx %parallel_loop3A_1184[%mul3A_3] : memref<32xf32, #tpu.memory_space<vmem>>[vector<16xi32>], vector<16xf32>,
        %parallel_loop3A_1186 = arith.constant 128 : i32
        %parallel_loop3A_1187 = tpu.memref_slice %arg4[%parallel_loop3A_1177, %parallel_loop3A_1186] : memref<16x224xf32, #tpu.memory_space<vmem>> -> memref<1x32xf32, #tpu.memory_space<vmem>>
        %parallel_loop3A_1188 = tpu.memref_squeeze %parallel_loop3A_1187 : memref<1x32xf32, #tpu.memory_space<vmem>> -> memref<32xf32, #tpu.memory_space<vmem>>
        %parallel_loop3A_1189 = tpu.vector_load_idx %parallel_loop3A_1188[%add3A_6] : memref<32xf32, #tpu.memory_space<vmem>>[vector<16xi32>], vector<16xf32>,
        %parallel_loop3A_1190 = arith.constant 128 : i32
        %parallel_loop3A_1191 = tpu.memref_slice %arg4[%parallel_loop3A_1181, %parallel_loop3A_1190] : memref<16x224xf32, #tpu.memory_space<vmem>> -> memref<1x32xf32, #tpu.memory_space<vmem>>
        %parallel_loop3A_1192 = tpu.memref_squeeze %parallel_loop3A_1191 : memref<1x32xf32, #tpu.memory_space<vmem>> -> memref<32xf32, #tpu.memory_space<vmem>>
        %parallel_loop3A_1193 = tpu.vector_load_idx %parallel_loop3A_1192[%mul3A_3] : memref<32xf32, #tpu.memory_space<vmem>>[vector<16xi32>], vector<16xf32>,
        %parallel_loop3A_1194 = arith.constant 128 : i32
        %parallel_loop3A_1195 = tpu.memref_slice %arg4[%parallel_loop3A_1181, %parallel_loop3A_1194] : memref<16x224xf32, #tpu.memory_space<vmem>> -> memref<1x32xf32, #tpu.memory_space<vmem>>
        %parallel_loop3A_1196 = tpu.memref_squeeze %parallel_loop3A_1195 : memref<1x32xf32, #tpu.memory_space<vmem>> -> memref<32xf32, #tpu.memory_space<vmem>>
        %parallel_loop3A_1197 = tpu.vector_load_idx %parallel_loop3A_1196[%add3A_6] : memref<32xf32, #tpu.memory_space<vmem>>[vector<16xi32>], vector<16xf32>,
        %parallel_loop3A_1198 = arith.addf %parallel_loop3A_1189, %parallel_loop3A_1193 : vector<16xf32>
        %parallel_loop3A_1199 = arith.constant 5.000000e-01 : f32
        %parallel_loop3A_1200 = vector.broadcast %parallel_loop3A_1199 : f32 to vector<16xf32>
        %parallel_loop3A_1201 = arith.mulf %parallel_loop3A_1198, %parallel_loop3A_1200 : vector<16xf32>
        %parallel_loop3A_1202 = arith.addf %parallel_loop3A_1185, %parallel_loop3A_1189 : vector<16xf32>
        %parallel_loop3A_1203 = arith.addf %parallel_loop3A_1193, %parallel_loop3A_1197 : vector<16xf32>
        %parallel_loop3A_1204 = arith.addf %parallel_loop3A_1202, %parallel_loop3A_1203 : vector<16xf32>
        %parallel_loop3A_1205 = arith.constant 2.500000e-01 : f32
        %parallel_loop3A_1206 = vector.broadcast %parallel_loop3A_1205 : f32 to vector<16xf32>
        %parallel_loop3A_1207 = arith.mulf %parallel_loop3A_1204, %parallel_loop3A_1206 : vector<16xf32>
        %parallel_loop3A_1208 = arith.addf %parallel_loop3A_1201, %parallel_loop3A_1207 : vector<16xf32>
        %parallel_loop3A_1209 = arith.constant 5.000000e-01 : f32
        %parallel_loop3A_1210 = vector.broadcast %parallel_loop3A_1209 : f32 to vector<16xf32>
        %parallel_loop3A_1211 = arith.mulf %parallel_loop3A_1208, %parallel_loop3A_1210 : vector<16xf32>
        %parallel_loop3A_1212 = arith.subf %parallel_loop3A_1185, %parallel_loop3A_1211 : vector<16xf32>
        %parallel_loop3A_1213 = math.absf %parallel_loop3A_1212 : vector<16xf32>
        %parallel_loop3A_1214 = arith.subf %parallel_loop3A_1189, %parallel_loop3A_1211 : vector<16xf32>
        %parallel_loop3A_1215 = math.absf %parallel_loop3A_1214 : vector<16xf32>
        %parallel_loop3A_1216 = arith.subf %parallel_loop3A_1193, %parallel_loop3A_1211 : vector<16xf32>
        %parallel_loop3A_1217 = math.absf %parallel_loop3A_1216 : vector<16xf32>
        %parallel_loop3A_1218 = arith.subf %parallel_loop3A_1197, %parallel_loop3A_1211 : vector<16xf32>
        %parallel_loop3A_1219 = math.absf %parallel_loop3A_1218 : vector<16xf32>
        %parallel_loop3A_1220 = arith.addf %parallel_loop3A_1215, %parallel_loop3A_1217 : vector<16xf32>
        %parallel_loop3A_1221 = arith.constant 5.000000e-01 : f32
        %parallel_loop3A_1222 = vector.broadcast %parallel_loop3A_1221 : f32 to vector<16xf32>
        %parallel_loop3A_1223 = arith.mulf %parallel_loop3A_1220, %parallel_loop3A_1222 : vector<16xf32>
        %parallel_loop3A_1224 = arith.constant 9.99999974E-5 : f32
        %parallel_loop3A_1225 = vector.broadcast %parallel_loop3A_1224 : f32 to vector<16xf32>
        %parallel_loop3A_1226 = arith.addf %parallel_loop3A_1223, %parallel_loop3A_1225 : vector<16xf32>
        %parallel_loop3A_1227 = arith.addf %parallel_loop3A_1213, %parallel_loop3A_1215 : vector<16xf32>
        %parallel_loop3A_1228 = arith.addf %parallel_loop3A_1217, %parallel_loop3A_1219 : vector<16xf32>
        %parallel_loop3A_1229 = arith.addf %parallel_loop3A_1227, %parallel_loop3A_1228 : vector<16xf32>
        %parallel_loop3A_1230 = arith.constant 2.500000e-01 : f32
        %parallel_loop3A_1231 = vector.broadcast %parallel_loop3A_1230 : f32 to vector<16xf32>
        %parallel_loop3A_1232 = arith.mulf %parallel_loop3A_1229, %parallel_loop3A_1231 : vector<16xf32>
        %parallel_loop3A_1233 = arith.constant 9.99999974E-5 : f32
        %parallel_loop3A_1234 = vector.broadcast %parallel_loop3A_1233 : f32 to vector<16xf32>
        %parallel_loop3A_1235 = arith.addf %parallel_loop3A_1232, %parallel_loop3A_1234 : vector<16xf32>
        %parallel_loop3A_1236 = arith.constant 1.000000e+00 : f32
        %parallel_loop3A_1237 = vector.broadcast %parallel_loop3A_1236 : f32 to vector<16xf32>
        %parallel_loop3A_1238 = arith.divf %parallel_loop3A_1237, %parallel_loop3A_1226 : vector<16xf32>
        %parallel_loop3A_1239 = arith.constant 1.000000e+00 : f32
        %parallel_loop3A_1240 = vector.broadcast %parallel_loop3A_1239 : f32 to vector<16xf32>
        %parallel_loop3A_1241 = arith.divf %parallel_loop3A_1240, %parallel_loop3A_1235 : vector<16xf32>
        %parallel_loop3A_1242 = arith.mulf %parallel_loop3A_1238, %parallel_loop3A_1238 : vector<16xf32>
        %parallel_loop3A_1243 = arith.constant -5.000000e-01 : f32
        %parallel_loop3A_1244 = vector.broadcast %parallel_loop3A_1243 : f32 to vector<16xf32>
        %parallel_loop3A_1245 = arith.mulf %parallel_loop3A_1242, %parallel_loop3A_1244 : vector<16xf32>
        %parallel_loop3A_1246 = arith.mulf %parallel_loop3A_1241, %parallel_loop3A_1241 : vector<16xf32>
        %parallel_loop3A_1247 = arith.constant -5.000000e-01 : f32
        %parallel_loop3A_1248 = vector.broadcast %parallel_loop3A_1247 : f32 to vector<16xf32>
        %parallel_loop3A_1249 = arith.mulf %parallel_loop3A_1246, %parallel_loop3A_1248 : vector<16xf32>
        %parallel_loop3A_1250 = arith.subf %parallel_loop3A_1185, %parallel_loop3A_1201 : vector<16xf32>
        %parallel_loop3A_1251 = arith.mulf %parallel_loop3A_1250, %parallel_loop3A_1250 : vector<16xf32>
        %parallel_loop3A_1252 = arith.mulf %parallel_loop3A_1251, %parallel_loop3A_1245 : vector<16xf32>
        %parallel_loop3A_1253 = math.exp %parallel_loop3A_1252 : vector<16xf32>
        %parallel_loop3A_1254 = arith.subf %parallel_loop3A_1189, %parallel_loop3A_1201 : vector<16xf32>
        %parallel_loop3A_1255 = arith.mulf %parallel_loop3A_1254, %parallel_loop3A_1254 : vector<16xf32>
        %parallel_loop3A_1256 = arith.mulf %parallel_loop3A_1255, %parallel_loop3A_1245 : vector<16xf32>
        %parallel_loop3A_1257 = math.exp %parallel_loop3A_1256 : vector<16xf32>
        %parallel_loop3A_1258 = arith.subf %parallel_loop3A_1197, %parallel_loop3A_1201 : vector<16xf32>
        %parallel_loop3A_1259 = arith.mulf %parallel_loop3A_1258, %parallel_loop3A_1258 : vector<16xf32>
        %parallel_loop3A_1260 = arith.mulf %parallel_loop3A_1259, %parallel_loop3A_1245 : vector<16xf32>
        %parallel_loop3A_1261 = math.exp %parallel_loop3A_1260 : vector<16xf32>
        %parallel_loop3A_1262 = arith.subf %parallel_loop3A_1185, %parallel_loop3A_1207 : vector<16xf32>
        %parallel_loop3A_1263 = arith.mulf %parallel_loop3A_1262, %parallel_loop3A_1262 : vector<16xf32>
        %parallel_loop3A_1264 = arith.mulf %parallel_loop3A_1263, %parallel_loop3A_1249 : vector<16xf32>
        %parallel_loop3A_1265 = math.exp %parallel_loop3A_1264 : vector<16xf32>
        %parallel_loop3A_1266 = arith.subf %parallel_loop3A_1189, %parallel_loop3A_1207 : vector<16xf32>
        %parallel_loop3A_1267 = arith.mulf %parallel_loop3A_1266, %parallel_loop3A_1266 : vector<16xf32>
        %parallel_loop3A_1268 = arith.mulf %parallel_loop3A_1267, %parallel_loop3A_1249 : vector<16xf32>
        %parallel_loop3A_1269 = math.exp %parallel_loop3A_1268 : vector<16xf32>
        %parallel_loop3A_1270 = arith.subf %parallel_loop3A_1193, %parallel_loop3A_1207 : vector<16xf32>
        %parallel_loop3A_1271 = arith.mulf %parallel_loop3A_1270, %parallel_loop3A_1270 : vector<16xf32>
        %parallel_loop3A_1272 = arith.mulf %parallel_loop3A_1271, %parallel_loop3A_1249 : vector<16xf32>
        %parallel_loop3A_1273 = math.exp %parallel_loop3A_1272 : vector<16xf32>
        %parallel_loop3A_1274 = arith.subf %parallel_loop3A_1197, %parallel_loop3A_1207 : vector<16xf32>
        %parallel_loop3A_1275 = arith.mulf %parallel_loop3A_1274, %parallel_loop3A_1274 : vector<16xf32>
        %parallel_loop3A_1276 = arith.mulf %parallel_loop3A_1275, %parallel_loop3A_1249 : vector<16xf32>
        %parallel_loop3A_1277 = math.exp %parallel_loop3A_1276 : vector<16xf32>
        %parallel_loop3A_1278 = arith.maximumf %parallel_loop3A_1253, %parallel_loop3A_1265 : vector<16xf32>
        %parallel_loop3A_1279 = arith.maximumf %parallel_loop3A_1257, %parallel_loop3A_1269 : vector<16xf32>
        %parallel_loop3A_1280 = arith.minimumf %parallel_loop3A_1278, %parallel_loop3A_1279 : vector<16xf32>
        %parallel_loop3A_1281 = arith.maximumf %parallel_loop3A_1257, %parallel_loop3A_1273 : vector<16xf32>
        %parallel_loop3A_1282 = arith.maximumf %parallel_loop3A_1261, %parallel_loop3A_1277 : vector<16xf32>
        %parallel_loop3A_1283 = arith.minimumf %parallel_loop3A_1281, %parallel_loop3A_1282 : vector<16xf32>
        %parallel_loop3A_1284 = arith.minimumf %parallel_loop3A_1280, %parallel_loop3A_1283 : vector<16xf32>
        %parallel_loop3A_1285 = arith.addf %parallel_loop3A_1253, %parallel_loop3A_1265 : vector<16xf32>
        %parallel_loop3A_1286 = arith.addf %parallel_loop3A_1257, %parallel_loop3A_1269 : vector<16xf32>
        %parallel_loop3A_1287 = arith.addf %parallel_loop3A_1257, %parallel_loop3A_1273 : vector<16xf32>
        %parallel_loop3A_1288 = arith.addf %parallel_loop3A_1261, %parallel_loop3A_1277 : vector<16xf32>
        %parallel_loop3A_1289 = arith.addf %parallel_loop3A_1284, %parallel_loop3A_1284 : vector<16xf32>
        %parallel_loop3A_1290 = arith.cmpf oge, %parallel_loop3A_1286, %parallel_loop3A_1289 : vector<16xf32>
        %parallel_loop3A_1291 = arith.constant dense<true> : vector<16xi1>
        %parallel_loop3A_1292 = arith.xori %parallel_loop3A_1290, %parallel_loop3A_1291 : vector<16xi1>
        %parallel_loop3A_1293 = arith.constant 1.000000e-03 : f32
        %parallel_loop3A_1294 = vector.broadcast %parallel_loop3A_1293 : f32 to vector<16xf32>
        %parallel_loop3A_1295 = arith.cmpf olt, %parallel_loop3A_1235, %parallel_loop3A_1294 : vector<16xf32>
        %parallel_loop3A_1296 = arith.andi %parallel_loop3A_1292, %parallel_loop3A_1295 : vector<16xi1>
        %parallel_loop3A_1297 = arith.mulf %parallel_loop3A_1285, %parallel_loop3A_1185 : vector<16xf32>
        %parallel_loop3A_1298 = arith.mulf %parallel_loop3A_1286, %parallel_loop3A_1189 : vector<16xf32>
        %parallel_loop3A_1299 = arith.addf %parallel_loop3A_1297, %parallel_loop3A_1298 : vector<16xf32>
        %parallel_loop3A_1300 = arith.mulf %parallel_loop3A_1287, %parallel_loop3A_1193 : vector<16xf32>
        %parallel_loop3A_1301 = arith.mulf %parallel_loop3A_1288, %parallel_loop3A_1197 : vector<16xf32>
        %parallel_loop3A_1302 = arith.addf %parallel_loop3A_1300, %parallel_loop3A_1301 : vector<16xf32>
        %parallel_loop3A_1303 = arith.addf %parallel_loop3A_1299, %parallel_loop3A_1302 : vector<16xf32>
        %parallel_loop3A_1304 = arith.addf %parallel_loop3A_1285, %parallel_loop3A_1286 : vector<16xf32>
        %parallel_loop3A_1305 = arith.addf %parallel_loop3A_1287, %parallel_loop3A_1288 : vector<16xf32>
        %parallel_loop3A_1306 = arith.addf %parallel_loop3A_1304, %parallel_loop3A_1305 : vector<16xf32>
        %parallel_loop3A_1307 = arith.divf %parallel_loop3A_1303, %parallel_loop3A_1306 : vector<16xf32>
        %parallel_loop3A_1308 = arith.select %parallel_loop3A_1296, %parallel_loop3A_1211, %parallel_loop3A_1307 : vector<16xi1>, vector<16xf32>
        %parallel_loop3A_1309 = arith.select %parallel_loop3A_1290, %parallel_loop3A_1207, %parallel_loop3A_1308 : vector<16xi1>, vector<16xf32>
        %parallel_loop3A_1310 = arith.index_cast %parallel_loop3A_627 : i32 to index
        %parallel_loop3A_1311 = arith.constant 64 : index
        %parallel_loop3A_1312 = tpu.vector_load %arg6[%parallel_loop3A_1310, %parallel_loop3A_1311] {strides = array<i32>} : memref<8x112xf32, #tpu.memory_space<vmem>>, vector<16xf32>,
        tpu.vector_store %arg6[%parallel_loop3A_1310, %parallel_loop3A_1311], %parallel_loop3A_1309 {strides = array<i32>} : memref<8x112xf32, #tpu.memory_space<vmem>>, vector<16xf32>,
        %parallel_loop3A_1313 = arith.constant 2 : i32
        %parallel_loop3A_1314 = arith.muli %parallel_loop3A_1313, %parallel_loop3A_627 : i32
        %parallel_loop3A_1315 = arith.constant 2 : i32
        %parallel_loop3A_1316 = arith.muli %parallel_loop3A_1315, %parallel_loop3A_627 : i32
        %parallel_loop3A_1317 = arith.constant 1 : i32
        %parallel_loop3A_1318 = arith.addi %parallel_loop3A_1316, %parallel_loop3A_1317 : i32
        %parallel_loop3A_1319 = arith.constant 160 : i32
        %parallel_loop3A_1320 = tpu.memref_slice %arg4[%parallel_loop3A_1314, %parallel_loop3A_1319] : memref<16x224xf32, #tpu.memory_space<vmem>> -> memref<1x32xf32, #tpu.memory_space<vmem>>
        %parallel_loop3A_1321 = tpu.memref_squeeze %parallel_loop3A_1320 : memref<1x32xf32, #tpu.memory_space<vmem>> -> memref<32xf32, #tpu.memory_space<vmem>>
        %parallel_loop3A_1322 = tpu.vector_load_idx %parallel_loop3A_1321[%mul3A_3] : memref<32xf32, #tpu.memory_space<vmem>>[vector<16xi32>], vector<16xf32>,
        %parallel_loop3A_1323 = arith.constant 160 : i32
        %parallel_loop3A_1324 = tpu.memref_slice %arg4[%parallel_loop3A_1314, %parallel_loop3A_1323] : memref<16x224xf32, #tpu.memory_space<vmem>> -> memref<1x32xf32, #tpu.memory_space<vmem>>
        %parallel_loop3A_1325 = tpu.memref_squeeze %parallel_loop3A_1324 : memref<1x32xf32, #tpu.memory_space<vmem>> -> memref<32xf32, #tpu.memory_space<vmem>>
        %parallel_loop3A_1326 = tpu.vector_load_idx %parallel_loop3A_1325[%add3A_6] : memref<32xf32, #tpu.memory_space<vmem>>[vector<16xi32>], vector<16xf32>,
        %parallel_loop3A_1327 = arith.constant 160 : i32
        %parallel_loop3A_1328 = tpu.memref_slice %arg4[%parallel_loop3A_1318, %parallel_loop3A_1327] : memref<16x224xf32, #tpu.memory_space<vmem>> -> memref<1x32xf32, #tpu.memory_space<vmem>>
        %parallel_loop3A_1329 = tpu.memref_squeeze %parallel_loop3A_1328 : memref<1x32xf32, #tpu.memory_space<vmem>> -> memref<32xf32, #tpu.memory_space<vmem>>
        %parallel_loop3A_1330 = tpu.vector_load_idx %parallel_loop3A_1329[%mul3A_3] : memref<32xf32, #tpu.memory_space<vmem>>[vector<16xi32>], vector<16xf32>,
        %parallel_loop3A_1331 = arith.constant 160 : i32
        %parallel_loop3A_1332 = tpu.memref_slice %arg4[%parallel_loop3A_1318, %parallel_loop3A_1331] : memref<16x224xf32, #tpu.memory_space<vmem>> -> memref<1x32xf32, #tpu.memory_space<vmem>>
        %parallel_loop3A_1333 = tpu.memref_squeeze %parallel_loop3A_1332 : memref<1x32xf32, #tpu.memory_space<vmem>> -> memref<32xf32, #tpu.memory_space<vmem>>
        %parallel_loop3A_1334 = tpu.vector_load_idx %parallel_loop3A_1333[%add3A_6] : memref<32xf32, #tpu.memory_space<vmem>>[vector<16xi32>], vector<16xf32>,
        %parallel_loop3A_1335 = arith.addf %parallel_loop3A_1326, %parallel_loop3A_1330 : vector<16xf32>
        %parallel_loop3A_1336 = arith.constant 5.000000e-01 : f32
        %parallel_loop3A_1337 = vector.broadcast %parallel_loop3A_1336 : f32 to vector<16xf32>
        %parallel_loop3A_1338 = arith.mulf %parallel_loop3A_1335, %parallel_loop3A_1337 : vector<16xf32>
        %parallel_loop3A_1339 = arith.addf %parallel_loop3A_1322, %parallel_loop3A_1326 : vector<16xf32>
        %parallel_loop3A_1340 = arith.addf %parallel_loop3A_1330, %parallel_loop3A_1334 : vector<16xf32>
        %parallel_loop3A_1341 = arith.addf %parallel_loop3A_1339, %parallel_loop3A_1340 : vector<16xf32>
        %parallel_loop3A_1342 = arith.constant 2.500000e-01 : f32
        %parallel_loop3A_1343 = vector.broadcast %parallel_loop3A_1342 : f32 to vector<16xf32>
        %parallel_loop3A_1344 = arith.mulf %parallel_loop3A_1341, %parallel_loop3A_1343 : vector<16xf32>
        %parallel_loop3A_1345 = arith.addf %parallel_loop3A_1338, %parallel_loop3A_1344 : vector<16xf32>
        %parallel_loop3A_1346 = arith.constant 5.000000e-01 : f32
        %parallel_loop3A_1347 = vector.broadcast %parallel_loop3A_1346 : f32 to vector<16xf32>
        %parallel_loop3A_1348 = arith.mulf %parallel_loop3A_1345, %parallel_loop3A_1347 : vector<16xf32>
        %parallel_loop3A_1349 = arith.subf %parallel_loop3A_1322, %parallel_loop3A_1348 : vector<16xf32>
        %parallel_loop3A_1350 = math.absf %parallel_loop3A_1349 : vector<16xf32>
        %parallel_loop3A_1351 = arith.subf %parallel_loop3A_1326, %parallel_loop3A_1348 : vector<16xf32>
        %parallel_loop3A_1352 = math.absf %parallel_loop3A_1351 : vector<16xf32>
        %parallel_loop3A_1353 = arith.subf %parallel_loop3A_1330, %parallel_loop3A_1348 : vector<16xf32>
        %parallel_loop3A_1354 = math.absf %parallel_loop3A_1353 : vector<16xf32>
        %parallel_loop3A_1355 = arith.subf %parallel_loop3A_1334, %parallel_loop3A_1348 : vector<16xf32>
        %parallel_loop3A_1356 = math.absf %parallel_loop3A_1355 : vector<16xf32>
        %parallel_loop3A_1357 = arith.addf %parallel_loop3A_1352, %parallel_loop3A_1354 : vector<16xf32>
        %parallel_loop3A_1358 = arith.constant 5.000000e-01 : f32
        %parallel_loop3A_1359 = vector.broadcast %parallel_loop3A_1358 : f32 to vector<16xf32>
        %parallel_loop3A_1360 = arith.mulf %parallel_loop3A_1357, %parallel_loop3A_1359 : vector<16xf32>
        %parallel_loop3A_1361 = arith.constant 9.99999974E-5 : f32
        %parallel_loop3A_1362 = vector.broadcast %parallel_loop3A_1361 : f32 to vector<16xf32>
        %parallel_loop3A_1363 = arith.addf %parallel_loop3A_1360, %parallel_loop3A_1362 : vector<16xf32>
        %parallel_loop3A_1364 = arith.addf %parallel_loop3A_1350, %parallel_loop3A_1352 : vector<16xf32>
        %parallel_loop3A_1365 = arith.addf %parallel_loop3A_1354, %parallel_loop3A_1356 : vector<16xf32>
        %parallel_loop3A_1366 = arith.addf %parallel_loop3A_1364, %parallel_loop3A_1365 : vector<16xf32>
        %parallel_loop3A_1367 = arith.constant 2.500000e-01 : f32
        %parallel_loop3A_1368 = vector.broadcast %parallel_loop3A_1367 : f32 to vector<16xf32>
        %parallel_loop3A_1369 = arith.mulf %parallel_loop3A_1366, %parallel_loop3A_1368 : vector<16xf32>
        %parallel_loop3A_1370 = arith.constant 9.99999974E-5 : f32
        %parallel_loop3A_1371 = vector.broadcast %parallel_loop3A_1370 : f32 to vector<16xf32>
        %parallel_loop3A_1372 = arith.addf %parallel_loop3A_1369, %parallel_loop3A_1371 : vector<16xf32>
        %parallel_loop3A_1373 = arith.constant 1.000000e+00 : f32
        %parallel_loop3A_1374 = vector.broadcast %parallel_loop3A_1373 : f32 to vector<16xf32>
        %parallel_loop3A_1375 = arith.divf %parallel_loop3A_1374, %parallel_loop3A_1363 : vector<16xf32>
        %parallel_loop3A_1376 = arith.constant 1.000000e+00 : f32
        %parallel_loop3A_1377 = vector.broadcast %parallel_loop3A_1376 : f32 to vector<16xf32>
        %parallel_loop3A_1378 = arith.divf %parallel_loop3A_1377, %parallel_loop3A_1372 : vector<16xf32>
        %parallel_loop3A_1379 = arith.mulf %parallel_loop3A_1375, %parallel_loop3A_1375 : vector<16xf32>
        %parallel_loop3A_1380 = arith.constant -5.000000e-01 : f32
        %parallel_loop3A_1381 = vector.broadcast %parallel_loop3A_1380 : f32 to vector<16xf32>
        %parallel_loop3A_1382 = arith.mulf %parallel_loop3A_1379, %parallel_loop3A_1381 : vector<16xf32>
        %parallel_loop3A_1383 = arith.mulf %parallel_loop3A_1378, %parallel_loop3A_1378 : vector<16xf32>
        %parallel_loop3A_1384 = arith.constant -5.000000e-01 : f32
        %parallel_loop3A_1385 = vector.broadcast %parallel_loop3A_1384 : f32 to vector<16xf32>
        %parallel_loop3A_1386 = arith.mulf %parallel_loop3A_1383, %parallel_loop3A_1385 : vector<16xf32>
        %parallel_loop3A_1387 = arith.subf %parallel_loop3A_1322, %parallel_loop3A_1338 : vector<16xf32>
        %parallel_loop3A_1388 = arith.mulf %parallel_loop3A_1387, %parallel_loop3A_1387 : vector<16xf32>
        %parallel_loop3A_1389 = arith.mulf %parallel_loop3A_1388, %parallel_loop3A_1382 : vector<16xf32>
        %parallel_loop3A_1390 = math.exp %parallel_loop3A_1389 : vector<16xf32>
        %parallel_loop3A_1391 = arith.subf %parallel_loop3A_1326, %parallel_loop3A_1338 : vector<16xf32>
        %parallel_loop3A_1392 = arith.mulf %parallel_loop3A_1391, %parallel_loop3A_1391 : vector<16xf32>
        %parallel_loop3A_1393 = arith.mulf %parallel_loop3A_1392, %parallel_loop3A_1382 : vector<16xf32>
        %parallel_loop3A_1394 = math.exp %parallel_loop3A_1393 : vector<16xf32>
        %parallel_loop3A_1395 = arith.subf %parallel_loop3A_1334, %parallel_loop3A_1338 : vector<16xf32>
        %parallel_loop3A_1396 = arith.mulf %parallel_loop3A_1395, %parallel_loop3A_1395 : vector<16xf32>
        %parallel_loop3A_1397 = arith.mulf %parallel_loop3A_1396, %parallel_loop3A_1382 : vector<16xf32>
        %parallel_loop3A_1398 = math.exp %parallel_loop3A_1397 : vector<16xf32>
        %parallel_loop3A_1399 = arith.subf %parallel_loop3A_1322, %parallel_loop3A_1344 : vector<16xf32>
        %parallel_loop3A_1400 = arith.mulf %parallel_loop3A_1399, %parallel_loop3A_1399 : vector<16xf32>
        %parallel_loop3A_1401 = arith.mulf %parallel_loop3A_1400, %parallel_loop3A_1386 : vector<16xf32>
        %parallel_loop3A_1402 = math.exp %parallel_loop3A_1401 : vector<16xf32>
        %parallel_loop3A_1403 = arith.subf %parallel_loop3A_1326, %parallel_loop3A_1344 : vector<16xf32>
        %parallel_loop3A_1404 = arith.mulf %parallel_loop3A_1403, %parallel_loop3A_1403 : vector<16xf32>
        %parallel_loop3A_1405 = arith.mulf %parallel_loop3A_1404, %parallel_loop3A_1386 : vector<16xf32>
        %parallel_loop3A_1406 = math.exp %parallel_loop3A_1405 : vector<16xf32>
        %parallel_loop3A_1407 = arith.subf %parallel_loop3A_1330, %parallel_loop3A_1344 : vector<16xf32>
        %parallel_loop3A_1408 = arith.mulf %parallel_loop3A_1407, %parallel_loop3A_1407 : vector<16xf32>
        %parallel_loop3A_1409 = arith.mulf %parallel_loop3A_1408, %parallel_loop3A_1386 : vector<16xf32>
        %parallel_loop3A_1410 = math.exp %parallel_loop3A_1409 : vector<16xf32>
        %parallel_loop3A_1411 = arith.subf %parallel_loop3A_1334, %parallel_loop3A_1344 : vector<16xf32>
        %parallel_loop3A_1412 = arith.mulf %parallel_loop3A_1411, %parallel_loop3A_1411 : vector<16xf32>
        %parallel_loop3A_1413 = arith.mulf %parallel_loop3A_1412, %parallel_loop3A_1386 : vector<16xf32>
        %parallel_loop3A_1414 = math.exp %parallel_loop3A_1413 : vector<16xf32>
        %parallel_loop3A_1415 = arith.maximumf %parallel_loop3A_1390, %parallel_loop3A_1402 : vector<16xf32>
        %parallel_loop3A_1416 = arith.maximumf %parallel_loop3A_1394, %parallel_loop3A_1406 : vector<16xf32>
        %parallel_loop3A_1417 = arith.minimumf %parallel_loop3A_1415, %parallel_loop3A_1416 : vector<16xf32>
        %parallel_loop3A_1418 = arith.maximumf %parallel_loop3A_1394, %parallel_loop3A_1410 : vector<16xf32>
        %parallel_loop3A_1419 = arith.maximumf %parallel_loop3A_1398, %parallel_loop3A_1414 : vector<16xf32>
        %parallel_loop3A_1420 = arith.minimumf %parallel_loop3A_1418, %parallel_loop3A_1419 : vector<16xf32>
        %parallel_loop3A_1421 = arith.minimumf %parallel_loop3A_1417, %parallel_loop3A_1420 : vector<16xf32>
        %parallel_loop3A_1422 = arith.addf %parallel_loop3A_1390, %parallel_loop3A_1402 : vector<16xf32>
        %parallel_loop3A_1423 = arith.addf %parallel_loop3A_1394, %parallel_loop3A_1406 : vector<16xf32>
        %parallel_loop3A_1424 = arith.addf %parallel_loop3A_1394, %parallel_loop3A_1410 : vector<16xf32>
        %parallel_loop3A_1425 = arith.addf %parallel_loop3A_1398, %parallel_loop3A_1414 : vector<16xf32>
        %parallel_loop3A_1426 = arith.addf %parallel_loop3A_1421, %parallel_loop3A_1421 : vector<16xf32>
        %parallel_loop3A_1427 = arith.cmpf oge, %parallel_loop3A_1423, %parallel_loop3A_1426 : vector<16xf32>
        %parallel_loop3A_1428 = arith.constant dense<true> : vector<16xi1>
        %parallel_loop3A_1429 = arith.xori %parallel_loop3A_1427, %parallel_loop3A_1428 : vector<16xi1>
        %parallel_loop3A_1430 = arith.constant 1.000000e-03 : f32
        %parallel_loop3A_1431 = vector.broadcast %parallel_loop3A_1430 : f32 to vector<16xf32>
        %parallel_loop3A_1432 = arith.cmpf olt, %parallel_loop3A_1372, %parallel_loop3A_1431 : vector<16xf32>
        %parallel_loop3A_1433 = arith.andi %parallel_loop3A_1429, %parallel_loop3A_1432 : vector<16xi1>
        %parallel_loop3A_1434 = arith.mulf %parallel_loop3A_1422, %parallel_loop3A_1322 : vector<16xf32>
        %parallel_loop3A_1435 = arith.mulf %parallel_loop3A_1423, %parallel_loop3A_1326 : vector<16xf32>
        %parallel_loop3A_1436 = arith.addf %parallel_loop3A_1434, %parallel_loop3A_1435 : vector<16xf32>
        %parallel_loop3A_1437 = arith.mulf %parallel_loop3A_1424, %parallel_loop3A_1330 : vector<16xf32>
        %parallel_loop3A_1438 = arith.mulf %parallel_loop3A_1425, %parallel_loop3A_1334 : vector<16xf32>
        %parallel_loop3A_1439 = arith.addf %parallel_loop3A_1437, %parallel_loop3A_1438 : vector<16xf32>
        %parallel_loop3A_1440 = arith.addf %parallel_loop3A_1436, %parallel_loop3A_1439 : vector<16xf32>
        %parallel_loop3A_1441 = arith.addf %parallel_loop3A_1422, %parallel_loop3A_1423 : vector<16xf32>
        %parallel_loop3A_1442 = arith.addf %parallel_loop3A_1424, %parallel_loop3A_1425 : vector<16xf32>
        %parallel_loop3A_1443 = arith.addf %parallel_loop3A_1441, %parallel_loop3A_1442 : vector<16xf32>
        %parallel_loop3A_1444 = arith.divf %parallel_loop3A_1440, %parallel_loop3A_1443 : vector<16xf32>
        %parallel_loop3A_1445 = arith.select %parallel_loop3A_1433, %parallel_loop3A_1348, %parallel_loop3A_1444 : vector<16xi1>, vector<16xf32>
        %parallel_loop3A_1446 = arith.select %parallel_loop3A_1427, %parallel_loop3A_1344, %parallel_loop3A_1445 : vector<16xi1>, vector<16xf32>
        %parallel_loop3A_1447 = arith.index_cast %parallel_loop3A_627 : i32 to index
        %parallel_loop3A_1448 = arith.constant 80 : index
        %parallel_loop3A_1449 = tpu.vector_load %arg6[%parallel_loop3A_1447, %parallel_loop3A_1448] {strides = array<i32>} : memref<8x112xf32, #tpu.memory_space<vmem>>, vector<16xf32>,
        tpu.vector_store %arg6[%parallel_loop3A_1447, %parallel_loop3A_1448], %parallel_loop3A_1446 {strides = array<i32>} : memref<8x112xf32, #tpu.memory_space<vmem>>, vector<16xf32>,
        %parallel_loop3A_1450 = arith.constant 2 : i32
        %parallel_loop3A_1451 = arith.muli %parallel_loop3A_1450, %parallel_loop3A_627 : i32
        %parallel_loop3A_1452 = arith.constant 2 : i32
        %parallel_loop3A_1453 = arith.muli %parallel_loop3A_1452, %parallel_loop3A_627 : i32
        %parallel_loop3A_1454 = arith.constant 1 : i32
        %parallel_loop3A_1455 = arith.addi %parallel_loop3A_1453, %parallel_loop3A_1454 : i32
        %parallel_loop3A_1456 = arith.constant 192 : i32
        %parallel_loop3A_1457 = tpu.memref_slice %arg4[%parallel_loop3A_1451, %parallel_loop3A_1456] : memref<16x224xf32, #tpu.memory_space<vmem>> -> memref<1x32xf32, #tpu.memory_space<vmem>>
        %parallel_loop3A_1458 = tpu.memref_squeeze %parallel_loop3A_1457 : memref<1x32xf32, #tpu.memory_space<vmem>> -> memref<32xf32, #tpu.memory_space<vmem>>
        %parallel_loop3A_1459 = tpu.vector_load_idx %parallel_loop3A_1458[%mul3A_3] : memref<32xf32, #tpu.memory_space<vmem>>[vector<16xi32>], vector<16xf32>,
        %parallel_loop3A_1460 = arith.constant 192 : i32
        %parallel_loop3A_1461 = tpu.memref_slice %arg4[%parallel_loop3A_1451, %parallel_loop3A_1460] : memref<16x224xf32, #tpu.memory_space<vmem>> -> memref<1x32xf32, #tpu.memory_space<vmem>>
        %parallel_loop3A_1462 = tpu.memref_squeeze %parallel_loop3A_1461 : memref<1x32xf32, #tpu.memory_space<vmem>> -> memref<32xf32, #tpu.memory_space<vmem>>
        %parallel_loop3A_1463 = tpu.vector_load_idx %parallel_loop3A_1462[%add3A_6] : memref<32xf32, #tpu.memory_space<vmem>>[vector<16xi32>], vector<16xf32>,
        %parallel_loop3A_1464 = arith.constant 192 : i32
        %parallel_loop3A_1465 = tpu.memref_slice %arg4[%parallel_loop3A_1455, %parallel_loop3A_1464] : memref<16x224xf32, #tpu.memory_space<vmem>> -> memref<1x32xf32, #tpu.memory_space<vmem>>
        %parallel_loop3A_1466 = tpu.memref_squeeze %parallel_loop3A_1465 : memref<1x32xf32, #tpu.memory_space<vmem>> -> memref<32xf32, #tpu.memory_space<vmem>>
        %parallel_loop3A_1467 = tpu.vector_load_idx %parallel_loop3A_1466[%mul3A_3] : memref<32xf32, #tpu.memory_space<vmem>>[vector<16xi32>], vector<16xf32>,
        %parallel_loop3A_1468 = arith.constant 192 : i32
        %parallel_loop3A_1469 = tpu.memref_slice %arg4[%parallel_loop3A_1455, %parallel_loop3A_1468] : memref<16x224xf32, #tpu.memory_space<vmem>> -> memref<1x32xf32, #tpu.memory_space<vmem>>
        %parallel_loop3A_1470 = tpu.memref_squeeze %parallel_loop3A_1469 : memref<1x32xf32, #tpu.memory_space<vmem>> -> memref<32xf32, #tpu.memory_space<vmem>>
        %parallel_loop3A_1471 = tpu.vector_load_idx %parallel_loop3A_1470[%add3A_6] : memref<32xf32, #tpu.memory_space<vmem>>[vector<16xi32>], vector<16xf32>,
        %parallel_loop3A_1472 = arith.addf %parallel_loop3A_1463, %parallel_loop3A_1467 : vector<16xf32>
        %parallel_loop3A_1473 = arith.constant 5.000000e-01 : f32
        %parallel_loop3A_1474 = vector.broadcast %parallel_loop3A_1473 : f32 to vector<16xf32>
        %parallel_loop3A_1475 = arith.mulf %parallel_loop3A_1472, %parallel_loop3A_1474 : vector<16xf32>
        %parallel_loop3A_1476 = arith.addf %parallel_loop3A_1459, %parallel_loop3A_1463 : vector<16xf32>
        %parallel_loop3A_1477 = arith.addf %parallel_loop3A_1467, %parallel_loop3A_1471 : vector<16xf32>
        %parallel_loop3A_1478 = arith.addf %parallel_loop3A_1476, %parallel_loop3A_1477 : vector<16xf32>
        %parallel_loop3A_1479 = arith.constant 2.500000e-01 : f32
        %parallel_loop3A_1480 = vector.broadcast %parallel_loop3A_1479 : f32 to vector<16xf32>
        %parallel_loop3A_1481 = arith.mulf %parallel_loop3A_1478, %parallel_loop3A_1480 : vector<16xf32>
        %parallel_loop3A_1482 = arith.addf %parallel_loop3A_1475, %parallel_loop3A_1481 : vector<16xf32>
        %parallel_loop3A_1483 = arith.constant 5.000000e-01 : f32
        %parallel_loop3A_1484 = vector.broadcast %parallel_loop3A_1483 : f32 to vector<16xf32>
        %parallel_loop3A_1485 = arith.mulf %parallel_loop3A_1482, %parallel_loop3A_1484 : vector<16xf32>
        %parallel_loop3A_1486 = arith.subf %parallel_loop3A_1459, %parallel_loop3A_1485 : vector<16xf32>
        %parallel_loop3A_1487 = math.absf %parallel_loop3A_1486 : vector<16xf32>
        %parallel_loop3A_1488 = arith.subf %parallel_loop3A_1463, %parallel_loop3A_1485 : vector<16xf32>
        %parallel_loop3A_1489 = math.absf %parallel_loop3A_1488 : vector<16xf32>
        %parallel_loop3A_1490 = arith.subf %parallel_loop3A_1467, %parallel_loop3A_1485 : vector<16xf32>
        %parallel_loop3A_1491 = math.absf %parallel_loop3A_1490 : vector<16xf32>
        %parallel_loop3A_1492 = arith.subf %parallel_loop3A_1471, %parallel_loop3A_1485 : vector<16xf32>
        %parallel_loop3A_1493 = math.absf %parallel_loop3A_1492 : vector<16xf32>
        %parallel_loop3A_1494 = arith.addf %parallel_loop3A_1489, %parallel_loop3A_1491 : vector<16xf32>
        %parallel_loop3A_1495 = arith.constant 5.000000e-01 : f32
        %parallel_loop3A_1496 = vector.broadcast %parallel_loop3A_1495 : f32 to vector<16xf32>
        %parallel_loop3A_1497 = arith.mulf %parallel_loop3A_1494, %parallel_loop3A_1496 : vector<16xf32>
        %parallel_loop3A_1498 = arith.constant 9.99999974E-5 : f32
        %parallel_loop3A_1499 = vector.broadcast %parallel_loop3A_1498 : f32 to vector<16xf32>
        %parallel_loop3A_1500 = arith.addf %parallel_loop3A_1497, %parallel_loop3A_1499 : vector<16xf32>
        %parallel_loop3A_1501 = arith.addf %parallel_loop3A_1487, %parallel_loop3A_1489 : vector<16xf32>
        %parallel_loop3A_1502 = arith.addf %parallel_loop3A_1491, %parallel_loop3A_1493 : vector<16xf32>
        %parallel_loop3A_1503 = arith.addf %parallel_loop3A_1501, %parallel_loop3A_1502 : vector<16xf32>
        %parallel_loop3A_1504 = arith.constant 2.500000e-01 : f32
        %parallel_loop3A_1505 = vector.broadcast %parallel_loop3A_1504 : f32 to vector<16xf32>
        %parallel_loop3A_1506 = arith.mulf %parallel_loop3A_1503, %parallel_loop3A_1505 : vector<16xf32>
        %parallel_loop3A_1507 = arith.constant 9.99999974E-5 : f32
        %parallel_loop3A_1508 = vector.broadcast %parallel_loop3A_1507 : f32 to vector<16xf32>
        %parallel_loop3A_1509 = arith.addf %parallel_loop3A_1506, %parallel_loop3A_1508 : vector<16xf32>
        %parallel_loop3A_1510 = arith.constant 1.000000e+00 : f32
        %parallel_loop3A_1511 = vector.broadcast %parallel_loop3A_1510 : f32 to vector<16xf32>
        %parallel_loop3A_1512 = arith.divf %parallel_loop3A_1511, %parallel_loop3A_1500 : vector<16xf32>
        %parallel_loop3A_1513 = arith.constant 1.000000e+00 : f32
        %parallel_loop3A_1514 = vector.broadcast %parallel_loop3A_1513 : f32 to vector<16xf32>
        %parallel_loop3A_1515 = arith.divf %parallel_loop3A_1514, %parallel_loop3A_1509 : vector<16xf32>
        %parallel_loop3A_1516 = arith.mulf %parallel_loop3A_1512, %parallel_loop3A_1512 : vector<16xf32>
        %parallel_loop3A_1517 = arith.constant -5.000000e-01 : f32
        %parallel_loop3A_1518 = vector.broadcast %parallel_loop3A_1517 : f32 to vector<16xf32>
        %parallel_loop3A_1519 = arith.mulf %parallel_loop3A_1516, %parallel_loop3A_1518 : vector<16xf32>
        %parallel_loop3A_1520 = arith.mulf %parallel_loop3A_1515, %parallel_loop3A_1515 : vector<16xf32>
        %parallel_loop3A_1521 = arith.constant -5.000000e-01 : f32
        %parallel_loop3A_1522 = vector.broadcast %parallel_loop3A_1521 : f32 to vector<16xf32>
        %parallel_loop3A_1523 = arith.mulf %parallel_loop3A_1520, %parallel_loop3A_1522 : vector<16xf32>
        %parallel_loop3A_1524 = arith.subf %parallel_loop3A_1459, %parallel_loop3A_1475 : vector<16xf32>
        %parallel_loop3A_1525 = arith.mulf %parallel_loop3A_1524, %parallel_loop3A_1524 : vector<16xf32>
        %parallel_loop3A_1526 = arith.mulf %parallel_loop3A_1525, %parallel_loop3A_1519 : vector<16xf32>
        %parallel_loop3A_1527 = math.exp %parallel_loop3A_1526 : vector<16xf32>
        %parallel_loop3A_1528 = arith.subf %parallel_loop3A_1463, %parallel_loop3A_1475 : vector<16xf32>
        %parallel_loop3A_1529 = arith.mulf %parallel_loop3A_1528, %parallel_loop3A_1528 : vector<16xf32>
        %parallel_loop3A_1530 = arith.mulf %parallel_loop3A_1529, %parallel_loop3A_1519 : vector<16xf32>
        %parallel_loop3A_1531 = math.exp %parallel_loop3A_1530 : vector<16xf32>
        %parallel_loop3A_1532 = arith.subf %parallel_loop3A_1471, %parallel_loop3A_1475 : vector<16xf32>
        %parallel_loop3A_1533 = arith.mulf %parallel_loop3A_1532, %parallel_loop3A_1532 : vector<16xf32>
        %parallel_loop3A_1534 = arith.mulf %parallel_loop3A_1533, %parallel_loop3A_1519 : vector<16xf32>
        %parallel_loop3A_1535 = math.exp %parallel_loop3A_1534 : vector<16xf32>
        %parallel_loop3A_1536 = arith.subf %parallel_loop3A_1459, %parallel_loop3A_1481 : vector<16xf32>
        %parallel_loop3A_1537 = arith.mulf %parallel_loop3A_1536, %parallel_loop3A_1536 : vector<16xf32>
        %parallel_loop3A_1538 = arith.mulf %parallel_loop3A_1537, %parallel_loop3A_1523 : vector<16xf32>
        %parallel_loop3A_1539 = math.exp %parallel_loop3A_1538 : vector<16xf32>
        %parallel_loop3A_1540 = arith.subf %parallel_loop3A_1463, %parallel_loop3A_1481 : vector<16xf32>
        %parallel_loop3A_1541 = arith.mulf %parallel_loop3A_1540, %parallel_loop3A_1540 : vector<16xf32>
        %parallel_loop3A_1542 = arith.mulf %parallel_loop3A_1541, %parallel_loop3A_1523 : vector<16xf32>
        %parallel_loop3A_1543 = math.exp %parallel_loop3A_1542 : vector<16xf32>
        %parallel_loop3A_1544 = arith.subf %parallel_loop3A_1467, %parallel_loop3A_1481 : vector<16xf32>
        %parallel_loop3A_1545 = arith.mulf %parallel_loop3A_1544, %parallel_loop3A_1544 : vector<16xf32>
        %parallel_loop3A_1546 = arith.mulf %parallel_loop3A_1545, %parallel_loop3A_1523 : vector<16xf32>
        %parallel_loop3A_1547 = math.exp %parallel_loop3A_1546 : vector<16xf32>
        %parallel_loop3A_1548 = arith.subf %parallel_loop3A_1471, %parallel_loop3A_1481 : vector<16xf32>
        %parallel_loop3A_1549 = arith.mulf %parallel_loop3A_1548, %parallel_loop3A_1548 : vector<16xf32>
        %parallel_loop3A_1550 = arith.mulf %parallel_loop3A_1549, %parallel_loop3A_1523 : vector<16xf32>
        %parallel_loop3A_1551 = math.exp %parallel_loop3A_1550 : vector<16xf32>
        %parallel_loop3A_1552 = arith.maximumf %parallel_loop3A_1527, %parallel_loop3A_1539 : vector<16xf32>
        %parallel_loop3A_1553 = arith.maximumf %parallel_loop3A_1531, %parallel_loop3A_1543 : vector<16xf32>
        %parallel_loop3A_1554 = arith.minimumf %parallel_loop3A_1552, %parallel_loop3A_1553 : vector<16xf32>
        %parallel_loop3A_1555 = arith.maximumf %parallel_loop3A_1531, %parallel_loop3A_1547 : vector<16xf32>
        %parallel_loop3A_1556 = arith.maximumf %parallel_loop3A_1535, %parallel_loop3A_1551 : vector<16xf32>
        %parallel_loop3A_1557 = arith.minimumf %parallel_loop3A_1555, %parallel_loop3A_1556 : vector<16xf32>
        %parallel_loop3A_1558 = arith.minimumf %parallel_loop3A_1554, %parallel_loop3A_1557 : vector<16xf32>
        %parallel_loop3A_1559 = arith.addf %parallel_loop3A_1527, %parallel_loop3A_1539 : vector<16xf32>
        %parallel_loop3A_1560 = arith.addf %parallel_loop3A_1531, %parallel_loop3A_1543 : vector<16xf32>
        %parallel_loop3A_1561 = arith.addf %parallel_loop3A_1531, %parallel_loop3A_1547 : vector<16xf32>
        %parallel_loop3A_1562 = arith.addf %parallel_loop3A_1535, %parallel_loop3A_1551 : vector<16xf32>
        %parallel_loop3A_1563 = arith.addf %parallel_loop3A_1558, %parallel_loop3A_1558 : vector<16xf32>
        %parallel_loop3A_1564 = arith.cmpf oge, %parallel_loop3A_1560, %parallel_loop3A_1563 : vector<16xf32>
        %parallel_loop3A_1565 = arith.constant dense<true> : vector<16xi1>
        %parallel_loop3A_1566 = arith.xori %parallel_loop3A_1564, %parallel_loop3A_1565 : vector<16xi1>
        %parallel_loop3A_1567 = arith.constant 1.000000e-03 : f32
        %parallel_loop3A_1568 = vector.broadcast %parallel_loop3A_1567 : f32 to vector<16xf32>
        %parallel_loop3A_1569 = arith.cmpf olt, %parallel_loop3A_1509, %parallel_loop3A_1568 : vector<16xf32>
        %parallel_loop3A_1570 = arith.andi %parallel_loop3A_1566, %parallel_loop3A_1569 : vector<16xi1>
        %parallel_loop3A_1571 = arith.mulf %parallel_loop3A_1559, %parallel_loop3A_1459 : vector<16xf32>
        %parallel_loop3A_1572 = arith.mulf %parallel_loop3A_1560, %parallel_loop3A_1463 : vector<16xf32>
        %parallel_loop3A_1573 = arith.addf %parallel_loop3A_1571, %parallel_loop3A_1572 : vector<16xf32>
        %parallel_loop3A_1574 = arith.mulf %parallel_loop3A_1561, %parallel_loop3A_1467 : vector<16xf32>
        %parallel_loop3A_1575 = arith.mulf %parallel_loop3A_1562, %parallel_loop3A_1471 : vector<16xf32>
        %parallel_loop3A_1576 = arith.addf %parallel_loop3A_1574, %parallel_loop3A_1575 : vector<16xf32>
        %parallel_loop3A_1577 = arith.addf %parallel_loop3A_1573, %parallel_loop3A_1576 : vector<16xf32>
        %parallel_loop3A_1578 = arith.addf %parallel_loop3A_1559, %parallel_loop3A_1560 : vector<16xf32>
        %parallel_loop3A_1579 = arith.addf %parallel_loop3A_1561, %parallel_loop3A_1562 : vector<16xf32>
        %parallel_loop3A_1580 = arith.addf %parallel_loop3A_1578, %parallel_loop3A_1579 : vector<16xf32>
        %parallel_loop3A_1581 = arith.divf %parallel_loop3A_1577, %parallel_loop3A_1580 : vector<16xf32>
        %parallel_loop3A_1582 = arith.select %parallel_loop3A_1570, %parallel_loop3A_1485, %parallel_loop3A_1581 : vector<16xi1>, vector<16xf32>
        %parallel_loop3A_1583 = arith.select %parallel_loop3A_1564, %parallel_loop3A_1481, %parallel_loop3A_1582 : vector<16xi1>, vector<16xf32>
        %parallel_loop3A_1584 = arith.index_cast %parallel_loop3A_627 : i32 to index
        %parallel_loop3A_1585 = arith.constant 96 : index
        %parallel_loop3A_1586 = tpu.vector_load %arg6[%parallel_loop3A_1584, %parallel_loop3A_1585] {strides = array<i32>} : memref<8x112xf32, #tpu.memory_space<vmem>>, vector<16xf32>,
        tpu.vector_store %arg6[%parallel_loop3A_1584, %parallel_loop3A_1585], %parallel_loop3A_1583 {strides = array<i32>} : memref<8x112xf32, #tpu.memory_space<vmem>>, vector<16xf32>,
      } {sc.loop_unroll_factor = 2 : i64, sc.parallel_access}
      %jit3A_246 = arith.constant 14 : i32
      %div3A_247 = arith.divsi %add3A_231, %jit3A_246 : i32
      %sign3A_248 = arith.constant 0 : i32
      %sign3A_249 = arith.cmpi sgt, %add3A_231, %sign3A_248 : i32
      %sign3A_250 = arith.extui %sign3A_249 : i1 to i32
      %sign3A_251 = arith.constant 0 : i32
      %sign3A_252 = arith.cmpi slt, %add3A_231, %sign3A_251 : i32
      %sign3A_253 = arith.extui %sign3A_252 : i1 to i32
      %sign3A_254 = arith.subi %sign3A_250, %sign3A_253 : i32
      %sign3A_255 = arith.constant 0 : i32
      %sign3A_256 = arith.cmpi sgt, %jit3A_246, %sign3A_255 : i32
      %sign3A_257 = arith.extui %sign3A_256 : i1 to i32
      %sign3A_258 = arith.constant 0 : i32
      %sign3A_259 = arith.cmpi slt, %jit3A_246, %sign3A_258 : i32
      %sign3A_260 = arith.extui %sign3A_259 : i1 to i32
      %sign3A_261 = arith.subi %sign3A_257, %sign3A_260 : i32
      %ne3A_262 = arith.cmpi ne, %sign3A_254, %sign3A_261 : i32
      %rem3A_263 = arith.remsi %add3A_231, %jit3A_246 : i32
      %ne3A_264 = arith.constant 0 : i32
      %ne3A_265 = arith.cmpi ne, %rem3A_263, %ne3A_264 : i32
      %and3A_266 = arith.andi %ne3A_262, %ne3A_265 : i1
      %sub3A_267 = arith.constant 1 : i32
      %sub3A_268 = arith.subi %div3A_247, %sub3A_267 : i32
      %select_n3A_269 = arith.select %and3A_266, %sub3A_268, %div3A_247 : i32
      %jit3A_270 = arith.constant 14 : i32
      %eq3A_271 = arith.constant 0 : i32
      %eq3A_272 = arith.cmpi eq, %jit3A_270, %eq3A_271 : i32
      %jit3A_273 = arith.constant 1 : i32
      %select_n3A_274 = arith.select %eq3A_272, %jit3A_273, %jit3A_270 : i32
      %rem3A_275 = arith.remsi %add3A_231, %select_n3A_274 : i32
      %ne3A_276 = arith.constant 0 : i32
      %ne3A_277 = arith.cmpi ne, %rem3A_275, %ne3A_276 : i32
      %lt3A_278 = arith.constant 0 : i32
      %lt3A_279 = arith.cmpi slt, %rem3A_275, %lt3A_278 : i32
      %lt3A_280 = arith.constant 0 : i32
      %lt3A_281 = arith.cmpi slt, %select_n3A_274, %lt3A_280 : i32
      %ne3A_282 = arith.xori %lt3A_279, %lt3A_281 : i1
      %and3A_283 = arith.andi %ne3A_282, %ne3A_277 : i1
      %add3A_284 = arith.addi %rem3A_275, %select_n3A_274 : i32
      %select_n3A_285 = arith.select %and3A_283, %add3A_284, %rem3A_275 : i32
      %jit3A_286 = arith.constant 56 : i32
      %div3A_287 = arith.divsi %select_n3A_269, %jit3A_286 : i32
      %sign3A_288 = arith.constant 0 : i32
      %sign3A_289 = arith.cmpi sgt, %select_n3A_269, %sign3A_288 : i32
      %sign3A_290 = arith.extui %sign3A_289 : i1 to i32
      %sign3A_291 = arith.constant 0 : i32
      %sign3A_292 = arith.cmpi slt, %select_n3A_269, %sign3A_291 : i32
      %sign3A_293 = arith.extui %sign3A_292 : i1 to i32
      %sign3A_294 = arith.subi %sign3A_290, %sign3A_293 : i32
      %sign3A_295 = arith.constant 0 : i32
      %sign3A_296 = arith.cmpi sgt, %jit3A_286, %sign3A_295 : i32
      %sign3A_297 = arith.extui %sign3A_296 : i1 to i32
      %sign3A_298 = arith.constant 0 : i32
      %sign3A_299 = arith.cmpi slt, %jit3A_286, %sign3A_298 : i32
      %sign3A_300 = arith.extui %sign3A_299 : i1 to i32
      %sign3A_301 = arith.subi %sign3A_297, %sign3A_300 : i32
      %ne3A_302 = arith.cmpi ne, %sign3A_294, %sign3A_301 : i32
      %rem3A_303 = arith.remsi %select_n3A_269, %jit3A_286 : i32
      %ne3A_304 = arith.constant 0 : i32
      %ne3A_305 = arith.cmpi ne, %rem3A_303, %ne3A_304 : i32
      %and3A_306 = arith.andi %ne3A_302, %ne3A_305 : i1
      %sub3A_307 = arith.constant 1 : i32
      %sub3A_308 = arith.subi %div3A_287, %sub3A_307 : i32
      %select_n3A_309 = arith.select %and3A_306, %sub3A_308, %div3A_287 : i32
      %jit3A_310 = arith.constant 56 : i32
      %eq3A_311 = arith.constant 0 : i32
      %eq3A_312 = arith.cmpi eq, %jit3A_310, %eq3A_311 : i32
      %jit3A_313 = arith.constant 1 : i32
      %select_n3A_314 = arith.select %eq3A_312, %jit3A_313, %jit3A_310 : i32
      %rem3A_315 = arith.remsi %select_n3A_269, %select_n3A_314 : i32
      %ne3A_316 = arith.constant 0 : i32
      %ne3A_317 = arith.cmpi ne, %rem3A_315, %ne3A_316 : i32
      %lt3A_318 = arith.constant 0 : i32
      %lt3A_319 = arith.cmpi slt, %rem3A_315, %lt3A_318 : i32
      %lt3A_320 = arith.constant 0 : i32
      %lt3A_321 = arith.cmpi slt, %select_n3A_314, %lt3A_320 : i32
      %ne3A_322 = arith.xori %lt3A_319, %lt3A_321 : i1
      %and3A_323 = arith.andi %ne3A_322, %ne3A_317 : i1
      %add3A_324 = arith.addi %rem3A_315, %select_n3A_314 : i32
      %select_n3A_325 = arith.select %and3A_323, %add3A_324, %rem3A_315 : i32
      %mul3A_326 = arith.constant 8 : i32
      %mul3A_327 = arith.muli %select_n3A_285, %mul3A_326 : i32
      %dma_start3A_328 = arith.constant 0 : i32
      %dma_start3A_329 = tpu.memref_slice %arg3[%select_n3A_309, %select_n3A_325, %mul3A_327, %dma_start3A_328] : memref<4x56x112x112xf32, #tpu.memory_space<hbm>> -> memref<1x1x8x112xf32, #tpu.memory_space<hbm>>
      %dma_start3A_330 = tpu.memref_squeeze %dma_start3A_329 : memref<1x1x8x112xf32, #tpu.memory_space<hbm>> -> memref<8x112xf32, #tpu.memory_space<hbm>>
      %dma_start3A_331 = arith.constant 0 : i32
      %dma_start3A_332 = tpu.memref_slice %arg3[%select_n3A_309, %select_n3A_325, %mul3A_327, %dma_start3A_331] : memref<4x56x112x112xf32, #tpu.memory_space<hbm>> -> memref<1x1x8x112xf32, #tpu.memory_space<hbm>>
      %dma_start3A_333 = tpu.memref_squeeze %dma_start3A_332 : memref<1x1x8x112xf32, #tpu.memory_space<hbm>> -> memref<8x112xf32, #tpu.memory_space<hbm>>
      tpu.enqueue_dma source(%arg6 : memref<8x112xf32, #tpu.memory_space<vmem>>) target(%dma_start3A_333 : memref<8x112xf32, #tpu.memory_space<hbm>>) target_semaphore(%arg10 : memref<!tpu.dma_semaphore, #tpu.memory_space<semaphore_mem>>)
      %add3A_334 = arith.constant 2 : i32
      %add3A_335 = arith.addi %add3A_231, %add3A_334 : i32
      %min3A = arith.minsi %add3A_335, %sub3A_11 : i32
      %jit3A_336 = arith.constant 14 : i32
      %div3A_337 = arith.divsi %min3A, %jit3A_336 : i32
      %sign3A_338 = arith.constant 0 : i32
      %sign3A_339 = arith.cmpi sgt, %min3A, %sign3A_338 : i32
      %sign3A_340 = arith.extui %sign3A_339 : i1 to i32
      %sign3A_341 = arith.constant 0 : i32
      %sign3A_342 = arith.cmpi slt, %min3A, %sign3A_341 : i32
      %sign3A_343 = arith.extui %sign3A_342 : i1 to i32
      %sign3A_344 = arith.subi %sign3A_340, %sign3A_343 : i32
      %sign3A_345 = arith.constant 0 : i32
      %sign3A_346 = arith.cmpi sgt, %jit3A_336, %sign3A_345 : i32
      %sign3A_347 = arith.extui %sign3A_346 : i1 to i32
      %sign3A_348 = arith.constant 0 : i32
      %sign3A_349 = arith.cmpi slt, %jit3A_336, %sign3A_348 : i32
      %sign3A_350 = arith.extui %sign3A_349 : i1 to i32
      %sign3A_351 = arith.subi %sign3A_347, %sign3A_350 : i32
      %ne3A_352 = arith.cmpi ne, %sign3A_344, %sign3A_351 : i32
      %rem3A_353 = arith.remsi %min3A, %jit3A_336 : i32
      %ne3A_354 = arith.constant 0 : i32
      %ne3A_355 = arith.cmpi ne, %rem3A_353, %ne3A_354 : i32
      %and3A_356 = arith.andi %ne3A_352, %ne3A_355 : i1
      %sub3A_357 = arith.constant 1 : i32
      %sub3A_358 = arith.subi %div3A_337, %sub3A_357 : i32
      %select_n3A_359 = arith.select %and3A_356, %sub3A_358, %div3A_337 : i32
      %jit3A_360 = arith.constant 14 : i32
      %eq3A_361 = arith.constant 0 : i32
      %eq3A_362 = arith.cmpi eq, %jit3A_360, %eq3A_361 : i32
      %jit3A_363 = arith.constant 1 : i32
      %select_n3A_364 = arith.select %eq3A_362, %jit3A_363, %jit3A_360 : i32
      %rem3A_365 = arith.remsi %min3A, %select_n3A_364 : i32
      %ne3A_366 = arith.constant 0 : i32
      %ne3A_367 = arith.cmpi ne, %rem3A_365, %ne3A_366 : i32
      %lt3A_368 = arith.constant 0 : i32
      %lt3A_369 = arith.cmpi slt, %rem3A_365, %lt3A_368 : i32
      %lt3A_370 = arith.constant 0 : i32
      %lt3A_371 = arith.cmpi slt, %select_n3A_364, %lt3A_370 : i32
      %ne3A_372 = arith.xori %lt3A_369, %lt3A_371 : i1
      %and3A_373 = arith.andi %ne3A_372, %ne3A_367 : i1
      %add3A_374 = arith.addi %rem3A_365, %select_n3A_364 : i32
      %select_n3A_375 = arith.select %and3A_373, %add3A_374, %rem3A_365 : i32
      %jit3A_376 = arith.constant 56 : i32
      %div3A_377 = arith.divsi %select_n3A_359, %jit3A_376 : i32
      %sign3A_378 = arith.constant 0 : i32
      %sign3A_379 = arith.cmpi sgt, %select_n3A_359, %sign3A_378 : i32
      %sign3A_380 = arith.extui %sign3A_379 : i1 to i32
      %sign3A_381 = arith.constant 0 : i32
      %sign3A_382 = arith.cmpi slt, %select_n3A_359, %sign3A_381 : i32
      %sign3A_383 = arith.extui %sign3A_382 : i1 to i32
      %sign3A_384 = arith.subi %sign3A_380, %sign3A_383 : i32
      %sign3A_385 = arith.constant 0 : i32
      %sign3A_386 = arith.cmpi sgt, %jit3A_376, %sign3A_385 : i32
      %sign3A_387 = arith.extui %sign3A_386 : i1 to i32
      %sign3A_388 = arith.constant 0 : i32
      %sign3A_389 = arith.cmpi slt, %jit3A_376, %sign3A_388 : i32
      %sign3A_390 = arith.extui %sign3A_389 : i1 to i32
      %sign3A_391 = arith.subi %sign3A_387, %sign3A_390 : i32
      %ne3A_392 = arith.cmpi ne, %sign3A_384, %sign3A_391 : i32
      %rem3A_393 = arith.remsi %select_n3A_359, %jit3A_376 : i32
      %ne3A_394 = arith.constant 0 : i32
      %ne3A_395 = arith.cmpi ne, %rem3A_393, %ne3A_394 : i32
      %and3A_396 = arith.andi %ne3A_392, %ne3A_395 : i1
      %sub3A_397 = arith.constant 1 : i32
      %sub3A_398 = arith.subi %div3A_377, %sub3A_397 : i32
      %select_n3A_399 = arith.select %and3A_396, %sub3A_398, %div3A_377 : i32
      %jit3A_400 = arith.constant 56 : i32
      %eq3A_401 = arith.constant 0 : i32
      %eq3A_402 = arith.cmpi eq, %jit3A_400, %eq3A_401 : i32
      %jit3A_403 = arith.constant 1 : i32
      %select_n3A_404 = arith.select %eq3A_402, %jit3A_403, %jit3A_400 : i32
      %rem3A_405 = arith.remsi %select_n3A_359, %select_n3A_404 : i32
      %ne3A_406 = arith.constant 0 : i32
      %ne3A_407 = arith.cmpi ne, %rem3A_405, %ne3A_406 : i32
      %lt3A_408 = arith.constant 0 : i32
      %lt3A_409 = arith.cmpi slt, %rem3A_405, %lt3A_408 : i32
      %lt3A_410 = arith.constant 0 : i32
      %lt3A_411 = arith.cmpi slt, %select_n3A_404, %lt3A_410 : i32
      %ne3A_412 = arith.xori %lt3A_409, %lt3A_411 : i1
      %and3A_413 = arith.andi %ne3A_412, %ne3A_407 : i1
      %add3A_414 = arith.addi %rem3A_405, %select_n3A_404 : i32
      %select_n3A_415 = arith.select %and3A_413, %add3A_414, %rem3A_405 : i32
      %add3A_416 = arith.constant 40 : i32
      %add3A_417 = arith.addi %add3A_416, %select_n3A_415 : i32
      %mul3A_418 = arith.constant 16 : i32
      %mul3A_419 = arith.muli %select_n3A_375, %mul3A_418 : i32
      %dma_start3A_420 = arith.constant 0 : i32
      %dma_start3A_421 = tpu.memref_slice %arg2[%select_n3A_399, %add3A_417, %mul3A_419, %dma_start3A_420] : memref<4x96x224x224xf32, #tpu.memory_space<hbm>> -> memref<1x1x16x224xf32, #tpu.memory_space<hbm>>
      %dma_start3A_422 = tpu.memref_squeeze %dma_start3A_421 : memref<1x1x16x224xf32, #tpu.memory_space<hbm>> -> memref<16x224xf32, #tpu.memory_space<hbm>>
      %dma_start3A_423 = arith.constant 0 : i32
      %dma_start3A_424 = tpu.memref_slice %arg2[%select_n3A_399, %add3A_417, %mul3A_419, %dma_start3A_423] : memref<4x96x224x224xf32, #tpu.memory_space<hbm>> -> memref<1x1x16x224xf32, #tpu.memory_space<hbm>>
      %dma_start3A_425 = tpu.memref_squeeze %dma_start3A_424 : memref<1x1x16x224xf32, #tpu.memory_space<hbm>> -> memref<16x224xf32, #tpu.memory_space<hbm>>
      tpu.enqueue_dma source(%dma_start3A_425 : memref<16x224xf32, #tpu.memory_space<hbm>>) target(%arg4 : memref<16x224xf32, #tpu.memory_space<vmem>>) target_semaphore(%arg8 : memref<!tpu.dma_semaphore, #tpu.memory_space<semaphore_mem>>)
      %dma_wait3A_426 = arith.constant 0 : i32
      %dma_wait3A_427 = arith.constant 0 : i32
      %dma_wait3A_428 = arith.constant 0 : i32
      %dma_wait3A_429 = arith.constant 0 : i32
      %dma_wait3A_430 = tpu.memref_slice %arg2[%dma_wait3A_426, %dma_wait3A_427, %dma_wait3A_428, %dma_wait3A_429] : memref<4x96x224x224xf32, #tpu.memory_space<hbm>> -> memref<1x1x16x224xf32, #tpu.memory_space<hbm>>
      %dma_wait3A_431 = tpu.memref_squeeze %dma_wait3A_430 : memref<1x1x16x224xf32, #tpu.memory_space<hbm>> -> memref<16x224xf32, #tpu.memory_space<hbm>>
      %dma_wait3A_432 = arith.constant 0 : i32
      %dma_wait3A_433 = arith.constant 0 : i32
      %dma_wait3A_434 = tpu.memref_slice %arg2[%dma_wait3A_426, %dma_wait3A_427, %dma_wait3A_432, %dma_wait3A_433] : memref<4x96x224x224xf32, #tpu.memory_space<hbm>> -> memref<1x1x16x224xf32, #tpu.memory_space<hbm>>
      %dma_wait3A_435 = tpu.memref_squeeze %dma_wait3A_434 : memref<1x1x16x224xf32, #tpu.memory_space<hbm>> -> memref<16x224xf32, #tpu.memory_space<hbm>>
      tpu.wait_dma2 semaphore(%arg9 : memref<!tpu.dma_semaphore, #tpu.memory_space<semaphore_mem>>) src(%dma_wait3A_435 : memref<16x224xf32, #tpu.memory_space<hbm>>) dst(%arg5 : memref<16x224xf32, #tpu.memory_space<vmem>>)
      %gt3A_436 = arith.constant 0 : i32
      %gt3A_437 = arith.cmpi sgt, %scan3A_228, %gt3A_436 : i32
      %convert_element_type3A_438 = arith.extui %gt3A_437 : i1 to i32
      %cond3A_439 = arith.constant 0 : i32
      %cond3A_440 = arith.cmpi ne, %convert_element_type3A_438, %cond3A_439 : i32
      scf.if %cond3A_440 {
        %dma_wait3A_627 = arith.constant 0 : i32
        %dma_wait3A_628 = arith.constant 0 : i32
        %dma_wait3A_629 = arith.constant 0 : i32
        %dma_wait3A_630 = arith.constant 0 : i32
        %dma_wait3A_631 = tpu.memref_slice %arg3[%dma_wait3A_627, %dma_wait3A_628, %dma_wait3A_629, %dma_wait3A_630] : memref<4x56x112x112xf32, #tpu.memory_space<hbm>> -> memref<1x1x8x112xf32, #tpu.memory_space<hbm>>
        %dma_wait3A_632 = tpu.memref_squeeze %dma_wait3A_631 : memref<1x1x8x112xf32, #tpu.memory_space<hbm>> -> memref<8x112xf32, #tpu.memory_space<hbm>>
        %dma_wait3A_633 = arith.constant 0 : i32
        %dma_wait3A_634 = arith.constant 0 : i32
        %dma_wait3A_635 = tpu.memref_slice %arg3[%dma_wait3A_627, %dma_wait3A_628, %dma_wait3A_633, %dma_wait3A_634] : memref<4x56x112x112xf32, #tpu.memory_space<hbm>> -> memref<1x1x8x112xf32, #tpu.memory_space<hbm>>
        %dma_wait3A_636 = tpu.memref_squeeze %dma_wait3A_635 : memref<1x1x8x112xf32, #tpu.memory_space<hbm>> -> memref<8x112xf32, #tpu.memory_space<hbm>>
        tpu.wait_dma2 semaphore(%arg11 : memref<!tpu.dma_semaphore, #tpu.memory_space<semaphore_mem>>) src(%arg7 : memref<8x112xf32, #tpu.memory_space<vmem>>) dst(%dma_wait3A_636 : memref<8x112xf32, #tpu.memory_space<hbm>>)
      } else {
      }
      %parallel_loop3A_441 = arith.constant 0 : i32
      %parallel_loop3A_442 = arith.constant 8 : i32
      %parallel_loop3A_443 = arith.constant 1 : i32
      scf.for %parallel_loop3A_627 = %parallel_loop3A_441 to %parallel_loop3A_442 step %parallel_loop3A_443  : i32 {
        %parallel_loop3A_628 = arith.constant 2 : i32
        %parallel_loop3A_629 = arith.muli %parallel_loop3A_628, %parallel_loop3A_627 : i32
        %parallel_loop3A_630 = arith.constant 2 : i32
        %parallel_loop3A_631 = arith.muli %parallel_loop3A_630, %parallel_loop3A_627 : i32
        %parallel_loop3A_632 = arith.constant 1 : i32
        %parallel_loop3A_633 = arith.addi %parallel_loop3A_631, %parallel_loop3A_632 : i32
        %parallel_loop3A_634 = arith.constant 0 : i32
        %parallel_loop3A_635 = tpu.memref_slice %arg5[%parallel_loop3A_629, %parallel_loop3A_634] : memref<16x224xf32, #tpu.memory_space<vmem>> -> memref<1x32xf32, #tpu.memory_space<vmem>>
        %parallel_loop3A_636 = tpu.memref_squeeze %parallel_loop3A_635 : memref<1x32xf32, #tpu.memory_space<vmem>> -> memref<32xf32, #tpu.memory_space<vmem>>
        %parallel_loop3A_637 = tpu.vector_load_idx %parallel_loop3A_636[%mul3A_3] : memref<32xf32, #tpu.memory_space<vmem>>[vector<16xi32>], vector<16xf32>,
        %parallel_loop3A_638 = arith.constant 0 : i32
        %parallel_loop3A_639 = tpu.memref_slice %arg5[%parallel_loop3A_629, %parallel_loop3A_638] : memref<16x224xf32, #tpu.memory_space<vmem>> -> memref<1x32xf32, #tpu.memory_space<vmem>>
        %parallel_loop3A_640 = tpu.memref_squeeze %parallel_loop3A_639 : memref<1x32xf32, #tpu.memory_space<vmem>> -> memref<32xf32, #tpu.memory_space<vmem>>
        %parallel_loop3A_641 = tpu.vector_load_idx %parallel_loop3A_640[%add3A_6] : memref<32xf32, #tpu.memory_space<vmem>>[vector<16xi32>], vector<16xf32>,
        %parallel_loop3A_642 = arith.constant 0 : i32
        %parallel_loop3A_643 = tpu.memref_slice %arg5[%parallel_loop3A_633, %parallel_loop3A_642] : memref<16x224xf32, #tpu.memory_space<vmem>> -> memref<1x32xf32, #tpu.memory_space<vmem>>
        %parallel_loop3A_644 = tpu.memref_squeeze %parallel_loop3A_643 : memref<1x32xf32, #tpu.memory_space<vmem>> -> memref<32xf32, #tpu.memory_space<vmem>>
        %parallel_loop3A_645 = tpu.vector_load_idx %parallel_loop3A_644[%mul3A_3] : memref<32xf32, #tpu.memory_space<vmem>>[vector<16xi32>], vector<16xf32>,
        %parallel_loop3A_646 = arith.constant 0 : i32
        %parallel_loop3A_647 = tpu.memref_slice %arg5[%parallel_loop3A_633, %parallel_loop3A_646] : memref<16x224xf32, #tpu.memory_space<vmem>> -> memref<1x32xf32, #tpu.memory_space<vmem>>
        %parallel_loop3A_648 = tpu.memref_squeeze %parallel_loop3A_647 : memref<1x32xf32, #tpu.memory_space<vmem>> -> memref<32xf32, #tpu.memory_space<vmem>>
        %parallel_loop3A_649 = tpu.vector_load_idx %parallel_loop3A_648[%add3A_6] : memref<32xf32, #tpu.memory_space<vmem>>[vector<16xi32>], vector<16xf32>,
        %parallel_loop3A_650 = arith.addf %parallel_loop3A_641, %parallel_loop3A_645 : vector<16xf32>
        %parallel_loop3A_651 = arith.constant 5.000000e-01 : f32
        %parallel_loop3A_652 = vector.broadcast %parallel_loop3A_651 : f32 to vector<16xf32>
        %parallel_loop3A_653 = arith.mulf %parallel_loop3A_650, %parallel_loop3A_652 : vector<16xf32>
        %parallel_loop3A_654 = arith.addf %parallel_loop3A_637, %parallel_loop3A_641 : vector<16xf32>
        %parallel_loop3A_655 = arith.addf %parallel_loop3A_645, %parallel_loop3A_649 : vector<16xf32>
        %parallel_loop3A_656 = arith.addf %parallel_loop3A_654, %parallel_loop3A_655 : vector<16xf32>
        %parallel_loop3A_657 = arith.constant 2.500000e-01 : f32
        %parallel_loop3A_658 = vector.broadcast %parallel_loop3A_657 : f32 to vector<16xf32>
        %parallel_loop3A_659 = arith.mulf %parallel_loop3A_656, %parallel_loop3A_658 : vector<16xf32>
        %parallel_loop3A_660 = arith.addf %parallel_loop3A_653, %parallel_loop3A_659 : vector<16xf32>
        %parallel_loop3A_661 = arith.constant 5.000000e-01 : f32
        %parallel_loop3A_662 = vector.broadcast %parallel_loop3A_661 : f32 to vector<16xf32>
        %parallel_loop3A_663 = arith.mulf %parallel_loop3A_660, %parallel_loop3A_662 : vector<16xf32>
        %parallel_loop3A_664 = arith.subf %parallel_loop3A_637, %parallel_loop3A_663 : vector<16xf32>
        %parallel_loop3A_665 = math.absf %parallel_loop3A_664 : vector<16xf32>
        %parallel_loop3A_666 = arith.subf %parallel_loop3A_641, %parallel_loop3A_663 : vector<16xf32>
        %parallel_loop3A_667 = math.absf %parallel_loop3A_666 : vector<16xf32>
        %parallel_loop3A_668 = arith.subf %parallel_loop3A_645, %parallel_loop3A_663 : vector<16xf32>
        %parallel_loop3A_669 = math.absf %parallel_loop3A_668 : vector<16xf32>
        %parallel_loop3A_670 = arith.subf %parallel_loop3A_649, %parallel_loop3A_663 : vector<16xf32>
        %parallel_loop3A_671 = math.absf %parallel_loop3A_670 : vector<16xf32>
        %parallel_loop3A_672 = arith.addf %parallel_loop3A_667, %parallel_loop3A_669 : vector<16xf32>
        %parallel_loop3A_673 = arith.constant 5.000000e-01 : f32
        %parallel_loop3A_674 = vector.broadcast %parallel_loop3A_673 : f32 to vector<16xf32>
        %parallel_loop3A_675 = arith.mulf %parallel_loop3A_672, %parallel_loop3A_674 : vector<16xf32>
        %parallel_loop3A_676 = arith.constant 9.99999974E-5 : f32
        %parallel_loop3A_677 = vector.broadcast %parallel_loop3A_676 : f32 to vector<16xf32>
        %parallel_loop3A_678 = arith.addf %parallel_loop3A_675, %parallel_loop3A_677 : vector<16xf32>
        %parallel_loop3A_679 = arith.addf %parallel_loop3A_665, %parallel_loop3A_667 : vector<16xf32>
        %parallel_loop3A_680 = arith.addf %parallel_loop3A_669, %parallel_loop3A_671 : vector<16xf32>
        %parallel_loop3A_681 = arith.addf %parallel_loop3A_679, %parallel_loop3A_680 : vector<16xf32>
        %parallel_loop3A_682 = arith.constant 2.500000e-01 : f32
        %parallel_loop3A_683 = vector.broadcast %parallel_loop3A_682 : f32 to vector<16xf32>
        %parallel_loop3A_684 = arith.mulf %parallel_loop3A_681, %parallel_loop3A_683 : vector<16xf32>
        %parallel_loop3A_685 = arith.constant 9.99999974E-5 : f32
        %parallel_loop3A_686 = vector.broadcast %parallel_loop3A_685 : f32 to vector<16xf32>
        %parallel_loop3A_687 = arith.addf %parallel_loop3A_684, %parallel_loop3A_686 : vector<16xf32>
        %parallel_loop3A_688 = arith.constant 1.000000e+00 : f32
        %parallel_loop3A_689 = vector.broadcast %parallel_loop3A_688 : f32 to vector<16xf32>
        %parallel_loop3A_690 = arith.divf %parallel_loop3A_689, %parallel_loop3A_678 : vector<16xf32>
        %parallel_loop3A_691 = arith.constant 1.000000e+00 : f32
        %parallel_loop3A_692 = vector.broadcast %parallel_loop3A_691 : f32 to vector<16xf32>
        %parallel_loop3A_693 = arith.divf %parallel_loop3A_692, %parallel_loop3A_687 : vector<16xf32>
        %parallel_loop3A_694 = arith.mulf %parallel_loop3A_690, %parallel_loop3A_690 : vector<16xf32>
        %parallel_loop3A_695 = arith.constant -5.000000e-01 : f32
        %parallel_loop3A_696 = vector.broadcast %parallel_loop3A_695 : f32 to vector<16xf32>
        %parallel_loop3A_697 = arith.mulf %parallel_loop3A_694, %parallel_loop3A_696 : vector<16xf32>
        %parallel_loop3A_698 = arith.mulf %parallel_loop3A_693, %parallel_loop3A_693 : vector<16xf32>
        %parallel_loop3A_699 = arith.constant -5.000000e-01 : f32
        %parallel_loop3A_700 = vector.broadcast %parallel_loop3A_699 : f32 to vector<16xf32>
        %parallel_loop3A_701 = arith.mulf %parallel_loop3A_698, %parallel_loop3A_700 : vector<16xf32>
        %parallel_loop3A_702 = arith.subf %parallel_loop3A_637, %parallel_loop3A_653 : vector<16xf32>
        %parallel_loop3A_703 = arith.mulf %parallel_loop3A_702, %parallel_loop3A_702 : vector<16xf32>
        %parallel_loop3A_704 = arith.mulf %parallel_loop3A_703, %parallel_loop3A_697 : vector<16xf32>
        %parallel_loop3A_705 = math.exp %parallel_loop3A_704 : vector<16xf32>
        %parallel_loop3A_706 = arith.subf %parallel_loop3A_641, %parallel_loop3A_653 : vector<16xf32>
        %parallel_loop3A_707 = arith.mulf %parallel_loop3A_706, %parallel_loop3A_706 : vector<16xf32>
        %parallel_loop3A_708 = arith.mulf %parallel_loop3A_707, %parallel_loop3A_697 : vector<16xf32>
        %parallel_loop3A_709 = math.exp %parallel_loop3A_708 : vector<16xf32>
        %parallel_loop3A_710 = arith.subf %parallel_loop3A_649, %parallel_loop3A_653 : vector<16xf32>
        %parallel_loop3A_711 = arith.mulf %parallel_loop3A_710, %parallel_loop3A_710 : vector<16xf32>
        %parallel_loop3A_712 = arith.mulf %parallel_loop3A_711, %parallel_loop3A_697 : vector<16xf32>
        %parallel_loop3A_713 = math.exp %parallel_loop3A_712 : vector<16xf32>
        %parallel_loop3A_714 = arith.subf %parallel_loop3A_637, %parallel_loop3A_659 : vector<16xf32>
        %parallel_loop3A_715 = arith.mulf %parallel_loop3A_714, %parallel_loop3A_714 : vector<16xf32>
        %parallel_loop3A_716 = arith.mulf %parallel_loop3A_715, %parallel_loop3A_701 : vector<16xf32>
        %parallel_loop3A_717 = math.exp %parallel_loop3A_716 : vector<16xf32>
        %parallel_loop3A_718 = arith.subf %parallel_loop3A_641, %parallel_loop3A_659 : vector<16xf32>
        %parallel_loop3A_719 = arith.mulf %parallel_loop3A_718, %parallel_loop3A_718 : vector<16xf32>
        %parallel_loop3A_720 = arith.mulf %parallel_loop3A_719, %parallel_loop3A_701 : vector<16xf32>
        %parallel_loop3A_721 = math.exp %parallel_loop3A_720 : vector<16xf32>
        %parallel_loop3A_722 = arith.subf %parallel_loop3A_645, %parallel_loop3A_659 : vector<16xf32>
        %parallel_loop3A_723 = arith.mulf %parallel_loop3A_722, %parallel_loop3A_722 : vector<16xf32>
        %parallel_loop3A_724 = arith.mulf %parallel_loop3A_723, %parallel_loop3A_701 : vector<16xf32>
        %parallel_loop3A_725 = math.exp %parallel_loop3A_724 : vector<16xf32>
        %parallel_loop3A_726 = arith.subf %parallel_loop3A_649, %parallel_loop3A_659 : vector<16xf32>
        %parallel_loop3A_727 = arith.mulf %parallel_loop3A_726, %parallel_loop3A_726 : vector<16xf32>
        %parallel_loop3A_728 = arith.mulf %parallel_loop3A_727, %parallel_loop3A_701 : vector<16xf32>
        %parallel_loop3A_729 = math.exp %parallel_loop3A_728 : vector<16xf32>
        %parallel_loop3A_730 = arith.maximumf %parallel_loop3A_705, %parallel_loop3A_717 : vector<16xf32>
        %parallel_loop3A_731 = arith.maximumf %parallel_loop3A_709, %parallel_loop3A_721 : vector<16xf32>
        %parallel_loop3A_732 = arith.minimumf %parallel_loop3A_730, %parallel_loop3A_731 : vector<16xf32>
        %parallel_loop3A_733 = arith.maximumf %parallel_loop3A_709, %parallel_loop3A_725 : vector<16xf32>
        %parallel_loop3A_734 = arith.maximumf %parallel_loop3A_713, %parallel_loop3A_729 : vector<16xf32>
        %parallel_loop3A_735 = arith.minimumf %parallel_loop3A_733, %parallel_loop3A_734 : vector<16xf32>
        %parallel_loop3A_736 = arith.minimumf %parallel_loop3A_732, %parallel_loop3A_735 : vector<16xf32>
        %parallel_loop3A_737 = arith.addf %parallel_loop3A_705, %parallel_loop3A_717 : vector<16xf32>
        %parallel_loop3A_738 = arith.addf %parallel_loop3A_709, %parallel_loop3A_721 : vector<16xf32>
        %parallel_loop3A_739 = arith.addf %parallel_loop3A_709, %parallel_loop3A_725 : vector<16xf32>
        %parallel_loop3A_740 = arith.addf %parallel_loop3A_713, %parallel_loop3A_729 : vector<16xf32>
        %parallel_loop3A_741 = arith.addf %parallel_loop3A_736, %parallel_loop3A_736 : vector<16xf32>
        %parallel_loop3A_742 = arith.cmpf oge, %parallel_loop3A_738, %parallel_loop3A_741 : vector<16xf32>
        %parallel_loop3A_743 = arith.constant dense<true> : vector<16xi1>
        %parallel_loop3A_744 = arith.xori %parallel_loop3A_742, %parallel_loop3A_743 : vector<16xi1>
        %parallel_loop3A_745 = arith.constant 1.000000e-03 : f32
        %parallel_loop3A_746 = vector.broadcast %parallel_loop3A_745 : f32 to vector<16xf32>
        %parallel_loop3A_747 = arith.cmpf olt, %parallel_loop3A_687, %parallel_loop3A_746 : vector<16xf32>
        %parallel_loop3A_748 = arith.andi %parallel_loop3A_744, %parallel_loop3A_747 : vector<16xi1>
        %parallel_loop3A_749 = arith.mulf %parallel_loop3A_737, %parallel_loop3A_637 : vector<16xf32>
        %parallel_loop3A_750 = arith.mulf %parallel_loop3A_738, %parallel_loop3A_641 : vector<16xf32>
        %parallel_loop3A_751 = arith.addf %parallel_loop3A_749, %parallel_loop3A_750 : vector<16xf32>
        %parallel_loop3A_752 = arith.mulf %parallel_loop3A_739, %parallel_loop3A_645 : vector<16xf32>
        %parallel_loop3A_753 = arith.mulf %parallel_loop3A_740, %parallel_loop3A_649 : vector<16xf32>
        %parallel_loop3A_754 = arith.addf %parallel_loop3A_752, %parallel_loop3A_753 : vector<16xf32>
        %parallel_loop3A_755 = arith.addf %parallel_loop3A_751, %parallel_loop3A_754 : vector<16xf32>
        %parallel_loop3A_756 = arith.addf %parallel_loop3A_737, %parallel_loop3A_738 : vector<16xf32>
        %parallel_loop3A_757 = arith.addf %parallel_loop3A_739, %parallel_loop3A_740 : vector<16xf32>
        %parallel_loop3A_758 = arith.addf %parallel_loop3A_756, %parallel_loop3A_757 : vector<16xf32>
        %parallel_loop3A_759 = arith.divf %parallel_loop3A_755, %parallel_loop3A_758 : vector<16xf32>
        %parallel_loop3A_760 = arith.select %parallel_loop3A_748, %parallel_loop3A_663, %parallel_loop3A_759 : vector<16xi1>, vector<16xf32>
        %parallel_loop3A_761 = arith.select %parallel_loop3A_742, %parallel_loop3A_659, %parallel_loop3A_760 : vector<16xi1>, vector<16xf32>
        %parallel_loop3A_762 = arith.index_cast %parallel_loop3A_627 : i32 to index
        %parallel_loop3A_763 = arith.constant 0 : index
        %parallel_loop3A_764 = tpu.vector_load %arg7[%parallel_loop3A_762, %parallel_loop3A_763] {strides = array<i32>} : memref<8x112xf32, #tpu.memory_space<vmem>>, vector<16xf32>,
        tpu.vector_store %arg7[%parallel_loop3A_762, %parallel_loop3A_763], %parallel_loop3A_761 {strides = array<i32>} : memref<8x112xf32, #tpu.memory_space<vmem>>, vector<16xf32>,
        %parallel_loop3A_765 = arith.constant 2 : i32
        %parallel_loop3A_766 = arith.muli %parallel_loop3A_765, %parallel_loop3A_627 : i32
        %parallel_loop3A_767 = arith.constant 2 : i32
        %parallel_loop3A_768 = arith.muli %parallel_loop3A_767, %parallel_loop3A_627 : i32
        %parallel_loop3A_769 = arith.constant 1 : i32
        %parallel_loop3A_770 = arith.addi %parallel_loop3A_768, %parallel_loop3A_769 : i32
        %parallel_loop3A_771 = arith.constant 32 : i32
        %parallel_loop3A_772 = tpu.memref_slice %arg5[%parallel_loop3A_766, %parallel_loop3A_771] : memref<16x224xf32, #tpu.memory_space<vmem>> -> memref<1x32xf32, #tpu.memory_space<vmem>>
        %parallel_loop3A_773 = tpu.memref_squeeze %parallel_loop3A_772 : memref<1x32xf32, #tpu.memory_space<vmem>> -> memref<32xf32, #tpu.memory_space<vmem>>
        %parallel_loop3A_774 = tpu.vector_load_idx %parallel_loop3A_773[%mul3A_3] : memref<32xf32, #tpu.memory_space<vmem>>[vector<16xi32>], vector<16xf32>,
        %parallel_loop3A_775 = arith.constant 32 : i32
        %parallel_loop3A_776 = tpu.memref_slice %arg5[%parallel_loop3A_766, %parallel_loop3A_775] : memref<16x224xf32, #tpu.memory_space<vmem>> -> memref<1x32xf32, #tpu.memory_space<vmem>>
        %parallel_loop3A_777 = tpu.memref_squeeze %parallel_loop3A_776 : memref<1x32xf32, #tpu.memory_space<vmem>> -> memref<32xf32, #tpu.memory_space<vmem>>
        %parallel_loop3A_778 = tpu.vector_load_idx %parallel_loop3A_777[%add3A_6] : memref<32xf32, #tpu.memory_space<vmem>>[vector<16xi32>], vector<16xf32>,
        %parallel_loop3A_779 = arith.constant 32 : i32
        %parallel_loop3A_780 = tpu.memref_slice %arg5[%parallel_loop3A_770, %parallel_loop3A_779] : memref<16x224xf32, #tpu.memory_space<vmem>> -> memref<1x32xf32, #tpu.memory_space<vmem>>
        %parallel_loop3A_781 = tpu.memref_squeeze %parallel_loop3A_780 : memref<1x32xf32, #tpu.memory_space<vmem>> -> memref<32xf32, #tpu.memory_space<vmem>>
        %parallel_loop3A_782 = tpu.vector_load_idx %parallel_loop3A_781[%mul3A_3] : memref<32xf32, #tpu.memory_space<vmem>>[vector<16xi32>], vector<16xf32>,
        %parallel_loop3A_783 = arith.constant 32 : i32
        %parallel_loop3A_784 = tpu.memref_slice %arg5[%parallel_loop3A_770, %parallel_loop3A_783] : memref<16x224xf32, #tpu.memory_space<vmem>> -> memref<1x32xf32, #tpu.memory_space<vmem>>
        %parallel_loop3A_785 = tpu.memref_squeeze %parallel_loop3A_784 : memref<1x32xf32, #tpu.memory_space<vmem>> -> memref<32xf32, #tpu.memory_space<vmem>>
        %parallel_loop3A_786 = tpu.vector_load_idx %parallel_loop3A_785[%add3A_6] : memref<32xf32, #tpu.memory_space<vmem>>[vector<16xi32>], vector<16xf32>,
        %parallel_loop3A_787 = arith.addf %parallel_loop3A_778, %parallel_loop3A_782 : vector<16xf32>
        %parallel_loop3A_788 = arith.constant 5.000000e-01 : f32
        %parallel_loop3A_789 = vector.broadcast %parallel_loop3A_788 : f32 to vector<16xf32>
        %parallel_loop3A_790 = arith.mulf %parallel_loop3A_787, %parallel_loop3A_789 : vector<16xf32>
        %parallel_loop3A_791 = arith.addf %parallel_loop3A_774, %parallel_loop3A_778 : vector<16xf32>
        %parallel_loop3A_792 = arith.addf %parallel_loop3A_782, %parallel_loop3A_786 : vector<16xf32>
        %parallel_loop3A_793 = arith.addf %parallel_loop3A_791, %parallel_loop3A_792 : vector<16xf32>
        %parallel_loop3A_794 = arith.constant 2.500000e-01 : f32
        %parallel_loop3A_795 = vector.broadcast %parallel_loop3A_794 : f32 to vector<16xf32>
        %parallel_loop3A_796 = arith.mulf %parallel_loop3A_793, %parallel_loop3A_795 : vector<16xf32>
        %parallel_loop3A_797 = arith.addf %parallel_loop3A_790, %parallel_loop3A_796 : vector<16xf32>
        %parallel_loop3A_798 = arith.constant 5.000000e-01 : f32
        %parallel_loop3A_799 = vector.broadcast %parallel_loop3A_798 : f32 to vector<16xf32>
        %parallel_loop3A_800 = arith.mulf %parallel_loop3A_797, %parallel_loop3A_799 : vector<16xf32>
        %parallel_loop3A_801 = arith.subf %parallel_loop3A_774, %parallel_loop3A_800 : vector<16xf32>
        %parallel_loop3A_802 = math.absf %parallel_loop3A_801 : vector<16xf32>
        %parallel_loop3A_803 = arith.subf %parallel_loop3A_778, %parallel_loop3A_800 : vector<16xf32>
        %parallel_loop3A_804 = math.absf %parallel_loop3A_803 : vector<16xf32>
        %parallel_loop3A_805 = arith.subf %parallel_loop3A_782, %parallel_loop3A_800 : vector<16xf32>
        %parallel_loop3A_806 = math.absf %parallel_loop3A_805 : vector<16xf32>
        %parallel_loop3A_807 = arith.subf %parallel_loop3A_786, %parallel_loop3A_800 : vector<16xf32>
        %parallel_loop3A_808 = math.absf %parallel_loop3A_807 : vector<16xf32>
        %parallel_loop3A_809 = arith.addf %parallel_loop3A_804, %parallel_loop3A_806 : vector<16xf32>
        %parallel_loop3A_810 = arith.constant 5.000000e-01 : f32
        %parallel_loop3A_811 = vector.broadcast %parallel_loop3A_810 : f32 to vector<16xf32>
        %parallel_loop3A_812 = arith.mulf %parallel_loop3A_809, %parallel_loop3A_811 : vector<16xf32>
        %parallel_loop3A_813 = arith.constant 9.99999974E-5 : f32
        %parallel_loop3A_814 = vector.broadcast %parallel_loop3A_813 : f32 to vector<16xf32>
        %parallel_loop3A_815 = arith.addf %parallel_loop3A_812, %parallel_loop3A_814 : vector<16xf32>
        %parallel_loop3A_816 = arith.addf %parallel_loop3A_802, %parallel_loop3A_804 : vector<16xf32>
        %parallel_loop3A_817 = arith.addf %parallel_loop3A_806, %parallel_loop3A_808 : vector<16xf32>
        %parallel_loop3A_818 = arith.addf %parallel_loop3A_816, %parallel_loop3A_817 : vector<16xf32>
        %parallel_loop3A_819 = arith.constant 2.500000e-01 : f32
        %parallel_loop3A_820 = vector.broadcast %parallel_loop3A_819 : f32 to vector<16xf32>
        %parallel_loop3A_821 = arith.mulf %parallel_loop3A_818, %parallel_loop3A_820 : vector<16xf32>
        %parallel_loop3A_822 = arith.constant 9.99999974E-5 : f32
        %parallel_loop3A_823 = vector.broadcast %parallel_loop3A_822 : f32 to vector<16xf32>
        %parallel_loop3A_824 = arith.addf %parallel_loop3A_821, %parallel_loop3A_823 : vector<16xf32>
        %parallel_loop3A_825 = arith.constant 1.000000e+00 : f32
        %parallel_loop3A_826 = vector.broadcast %parallel_loop3A_825 : f32 to vector<16xf32>
        %parallel_loop3A_827 = arith.divf %parallel_loop3A_826, %parallel_loop3A_815 : vector<16xf32>
        %parallel_loop3A_828 = arith.constant 1.000000e+00 : f32
        %parallel_loop3A_829 = vector.broadcast %parallel_loop3A_828 : f32 to vector<16xf32>
        %parallel_loop3A_830 = arith.divf %parallel_loop3A_829, %parallel_loop3A_824 : vector<16xf32>
        %parallel_loop3A_831 = arith.mulf %parallel_loop3A_827, %parallel_loop3A_827 : vector<16xf32>
        %parallel_loop3A_832 = arith.constant -5.000000e-01 : f32
        %parallel_loop3A_833 = vector.broadcast %parallel_loop3A_832 : f32 to vector<16xf32>
        %parallel_loop3A_834 = arith.mulf %parallel_loop3A_831, %parallel_loop3A_833 : vector<16xf32>
        %parallel_loop3A_835 = arith.mulf %parallel_loop3A_830, %parallel_loop3A_830 : vector<16xf32>
        %parallel_loop3A_836 = arith.constant -5.000000e-01 : f32
        %parallel_loop3A_837 = vector.broadcast %parallel_loop3A_836 : f32 to vector<16xf32>
        %parallel_loop3A_838 = arith.mulf %parallel_loop3A_835, %parallel_loop3A_837 : vector<16xf32>
        %parallel_loop3A_839 = arith.subf %parallel_loop3A_774, %parallel_loop3A_790 : vector<16xf32>
        %parallel_loop3A_840 = arith.mulf %parallel_loop3A_839, %parallel_loop3A_839 : vector<16xf32>
        %parallel_loop3A_841 = arith.mulf %parallel_loop3A_840, %parallel_loop3A_834 : vector<16xf32>
        %parallel_loop3A_842 = math.exp %parallel_loop3A_841 : vector<16xf32>
        %parallel_loop3A_843 = arith.subf %parallel_loop3A_778, %parallel_loop3A_790 : vector<16xf32>
        %parallel_loop3A_844 = arith.mulf %parallel_loop3A_843, %parallel_loop3A_843 : vector<16xf32>
        %parallel_loop3A_845 = arith.mulf %parallel_loop3A_844, %parallel_loop3A_834 : vector<16xf32>
        %parallel_loop3A_846 = math.exp %parallel_loop3A_845 : vector<16xf32>
        %parallel_loop3A_847 = arith.subf %parallel_loop3A_786, %parallel_loop3A_790 : vector<16xf32>
        %parallel_loop3A_848 = arith.mulf %parallel_loop3A_847, %parallel_loop3A_847 : vector<16xf32>
        %parallel_loop3A_849 = arith.mulf %parallel_loop3A_848, %parallel_loop3A_834 : vector<16xf32>
        %parallel_loop3A_850 = math.exp %parallel_loop3A_849 : vector<16xf32>
        %parallel_loop3A_851 = arith.subf %parallel_loop3A_774, %parallel_loop3A_796 : vector<16xf32>
        %parallel_loop3A_852 = arith.mulf %parallel_loop3A_851, %parallel_loop3A_851 : vector<16xf32>
        %parallel_loop3A_853 = arith.mulf %parallel_loop3A_852, %parallel_loop3A_838 : vector<16xf32>
        %parallel_loop3A_854 = math.exp %parallel_loop3A_853 : vector<16xf32>
        %parallel_loop3A_855 = arith.subf %parallel_loop3A_778, %parallel_loop3A_796 : vector<16xf32>
        %parallel_loop3A_856 = arith.mulf %parallel_loop3A_855, %parallel_loop3A_855 : vector<16xf32>
        %parallel_loop3A_857 = arith.mulf %parallel_loop3A_856, %parallel_loop3A_838 : vector<16xf32>
        %parallel_loop3A_858 = math.exp %parallel_loop3A_857 : vector<16xf32>
        %parallel_loop3A_859 = arith.subf %parallel_loop3A_782, %parallel_loop3A_796 : vector<16xf32>
        %parallel_loop3A_860 = arith.mulf %parallel_loop3A_859, %parallel_loop3A_859 : vector<16xf32>
        %parallel_loop3A_861 = arith.mulf %parallel_loop3A_860, %parallel_loop3A_838 : vector<16xf32>
        %parallel_loop3A_862 = math.exp %parallel_loop3A_861 : vector<16xf32>
        %parallel_loop3A_863 = arith.subf %parallel_loop3A_786, %parallel_loop3A_796 : vector<16xf32>
        %parallel_loop3A_864 = arith.mulf %parallel_loop3A_863, %parallel_loop3A_863 : vector<16xf32>
        %parallel_loop3A_865 = arith.mulf %parallel_loop3A_864, %parallel_loop3A_838 : vector<16xf32>
        %parallel_loop3A_866 = math.exp %parallel_loop3A_865 : vector<16xf32>
        %parallel_loop3A_867 = arith.maximumf %parallel_loop3A_842, %parallel_loop3A_854 : vector<16xf32>
        %parallel_loop3A_868 = arith.maximumf %parallel_loop3A_846, %parallel_loop3A_858 : vector<16xf32>
        %parallel_loop3A_869 = arith.minimumf %parallel_loop3A_867, %parallel_loop3A_868 : vector<16xf32>
        %parallel_loop3A_870 = arith.maximumf %parallel_loop3A_846, %parallel_loop3A_862 : vector<16xf32>
        %parallel_loop3A_871 = arith.maximumf %parallel_loop3A_850, %parallel_loop3A_866 : vector<16xf32>
        %parallel_loop3A_872 = arith.minimumf %parallel_loop3A_870, %parallel_loop3A_871 : vector<16xf32>
        %parallel_loop3A_873 = arith.minimumf %parallel_loop3A_869, %parallel_loop3A_872 : vector<16xf32>
        %parallel_loop3A_874 = arith.addf %parallel_loop3A_842, %parallel_loop3A_854 : vector<16xf32>
        %parallel_loop3A_875 = arith.addf %parallel_loop3A_846, %parallel_loop3A_858 : vector<16xf32>
        %parallel_loop3A_876 = arith.addf %parallel_loop3A_846, %parallel_loop3A_862 : vector<16xf32>
        %parallel_loop3A_877 = arith.addf %parallel_loop3A_850, %parallel_loop3A_866 : vector<16xf32>
        %parallel_loop3A_878 = arith.addf %parallel_loop3A_873, %parallel_loop3A_873 : vector<16xf32>
        %parallel_loop3A_879 = arith.cmpf oge, %parallel_loop3A_875, %parallel_loop3A_878 : vector<16xf32>
        %parallel_loop3A_880 = arith.constant dense<true> : vector<16xi1>
        %parallel_loop3A_881 = arith.xori %parallel_loop3A_879, %parallel_loop3A_880 : vector<16xi1>
        %parallel_loop3A_882 = arith.constant 1.000000e-03 : f32
        %parallel_loop3A_883 = vector.broadcast %parallel_loop3A_882 : f32 to vector<16xf32>
        %parallel_loop3A_884 = arith.cmpf olt, %parallel_loop3A_824, %parallel_loop3A_883 : vector<16xf32>
        %parallel_loop3A_885 = arith.andi %parallel_loop3A_881, %parallel_loop3A_884 : vector<16xi1>
        %parallel_loop3A_886 = arith.mulf %parallel_loop3A_874, %parallel_loop3A_774 : vector<16xf32>
        %parallel_loop3A_887 = arith.mulf %parallel_loop3A_875, %parallel_loop3A_778 : vector<16xf32>
        %parallel_loop3A_888 = arith.addf %parallel_loop3A_886, %parallel_loop3A_887 : vector<16xf32>
        %parallel_loop3A_889 = arith.mulf %parallel_loop3A_876, %parallel_loop3A_782 : vector<16xf32>
        %parallel_loop3A_890 = arith.mulf %parallel_loop3A_877, %parallel_loop3A_786 : vector<16xf32>
        %parallel_loop3A_891 = arith.addf %parallel_loop3A_889, %parallel_loop3A_890 : vector<16xf32>
        %parallel_loop3A_892 = arith.addf %parallel_loop3A_888, %parallel_loop3A_891 : vector<16xf32>
        %parallel_loop3A_893 = arith.addf %parallel_loop3A_874, %parallel_loop3A_875 : vector<16xf32>
        %parallel_loop3A_894 = arith.addf %parallel_loop3A_876, %parallel_loop3A_877 : vector<16xf32>
        %parallel_loop3A_895 = arith.addf %parallel_loop3A_893, %parallel_loop3A_894 : vector<16xf32>
        %parallel_loop3A_896 = arith.divf %parallel_loop3A_892, %parallel_loop3A_895 : vector<16xf32>
        %parallel_loop3A_897 = arith.select %parallel_loop3A_885, %parallel_loop3A_800, %parallel_loop3A_896 : vector<16xi1>, vector<16xf32>
        %parallel_loop3A_898 = arith.select %parallel_loop3A_879, %parallel_loop3A_796, %parallel_loop3A_897 : vector<16xi1>, vector<16xf32>
        %parallel_loop3A_899 = arith.index_cast %parallel_loop3A_627 : i32 to index
        %parallel_loop3A_900 = arith.constant 16 : index
        %parallel_loop3A_901 = tpu.vector_load %arg7[%parallel_loop3A_899, %parallel_loop3A_900] {strides = array<i32>} : memref<8x112xf32, #tpu.memory_space<vmem>>, vector<16xf32>,
        tpu.vector_store %arg7[%parallel_loop3A_899, %parallel_loop3A_900], %parallel_loop3A_898 {strides = array<i32>} : memref<8x112xf32, #tpu.memory_space<vmem>>, vector<16xf32>,
        %parallel_loop3A_902 = arith.constant 2 : i32
        %parallel_loop3A_903 = arith.muli %parallel_loop3A_902, %parallel_loop3A_627 : i32
        %parallel_loop3A_904 = arith.constant 2 : i32
        %parallel_loop3A_905 = arith.muli %parallel_loop3A_904, %parallel_loop3A_627 : i32
        %parallel_loop3A_906 = arith.constant 1 : i32
        %parallel_loop3A_907 = arith.addi %parallel_loop3A_905, %parallel_loop3A_906 : i32
        %parallel_loop3A_908 = arith.constant 64 : i32
        %parallel_loop3A_909 = tpu.memref_slice %arg5[%parallel_loop3A_903, %parallel_loop3A_908] : memref<16x224xf32, #tpu.memory_space<vmem>> -> memref<1x32xf32, #tpu.memory_space<vmem>>
        %parallel_loop3A_910 = tpu.memref_squeeze %parallel_loop3A_909 : memref<1x32xf32, #tpu.memory_space<vmem>> -> memref<32xf32, #tpu.memory_space<vmem>>
        %parallel_loop3A_911 = tpu.vector_load_idx %parallel_loop3A_910[%mul3A_3] : memref<32xf32, #tpu.memory_space<vmem>>[vector<16xi32>], vector<16xf32>,
        %parallel_loop3A_912 = arith.constant 64 : i32
        %parallel_loop3A_913 = tpu.memref_slice %arg5[%parallel_loop3A_903, %parallel_loop3A_912] : memref<16x224xf32, #tpu.memory_space<vmem>> -> memref<1x32xf32, #tpu.memory_space<vmem>>
        %parallel_loop3A_914 = tpu.memref_squeeze %parallel_loop3A_913 : memref<1x32xf32, #tpu.memory_space<vmem>> -> memref<32xf32, #tpu.memory_space<vmem>>
        %parallel_loop3A_915 = tpu.vector_load_idx %parallel_loop3A_914[%add3A_6] : memref<32xf32, #tpu.memory_space<vmem>>[vector<16xi32>], vector<16xf32>,
        %parallel_loop3A_916 = arith.constant 64 : i32
        %parallel_loop3A_917 = tpu.memref_slice %arg5[%parallel_loop3A_907, %parallel_loop3A_916] : memref<16x224xf32, #tpu.memory_space<vmem>> -> memref<1x32xf32, #tpu.memory_space<vmem>>
        %parallel_loop3A_918 = tpu.memref_squeeze %parallel_loop3A_917 : memref<1x32xf32, #tpu.memory_space<vmem>> -> memref<32xf32, #tpu.memory_space<vmem>>
        %parallel_loop3A_919 = tpu.vector_load_idx %parallel_loop3A_918[%mul3A_3] : memref<32xf32, #tpu.memory_space<vmem>>[vector<16xi32>], vector<16xf32>,
        %parallel_loop3A_920 = arith.constant 64 : i32
        %parallel_loop3A_921 = tpu.memref_slice %arg5[%parallel_loop3A_907, %parallel_loop3A_920] : memref<16x224xf32, #tpu.memory_space<vmem>> -> memref<1x32xf32, #tpu.memory_space<vmem>>
        %parallel_loop3A_922 = tpu.memref_squeeze %parallel_loop3A_921 : memref<1x32xf32, #tpu.memory_space<vmem>> -> memref<32xf32, #tpu.memory_space<vmem>>
        %parallel_loop3A_923 = tpu.vector_load_idx %parallel_loop3A_922[%add3A_6] : memref<32xf32, #tpu.memory_space<vmem>>[vector<16xi32>], vector<16xf32>,
        %parallel_loop3A_924 = arith.addf %parallel_loop3A_915, %parallel_loop3A_919 : vector<16xf32>
        %parallel_loop3A_925 = arith.constant 5.000000e-01 : f32
        %parallel_loop3A_926 = vector.broadcast %parallel_loop3A_925 : f32 to vector<16xf32>
        %parallel_loop3A_927 = arith.mulf %parallel_loop3A_924, %parallel_loop3A_926 : vector<16xf32>
        %parallel_loop3A_928 = arith.addf %parallel_loop3A_911, %parallel_loop3A_915 : vector<16xf32>
        %parallel_loop3A_929 = arith.addf %parallel_loop3A_919, %parallel_loop3A_923 : vector<16xf32>
        %parallel_loop3A_930 = arith.addf %parallel_loop3A_928, %parallel_loop3A_929 : vector<16xf32>
        %parallel_loop3A_931 = arith.constant 2.500000e-01 : f32
        %parallel_loop3A_932 = vector.broadcast %parallel_loop3A_931 : f32 to vector<16xf32>
        %parallel_loop3A_933 = arith.mulf %parallel_loop3A_930, %parallel_loop3A_932 : vector<16xf32>
        %parallel_loop3A_934 = arith.addf %parallel_loop3A_927, %parallel_loop3A_933 : vector<16xf32>
        %parallel_loop3A_935 = arith.constant 5.000000e-01 : f32
        %parallel_loop3A_936 = vector.broadcast %parallel_loop3A_935 : f32 to vector<16xf32>
        %parallel_loop3A_937 = arith.mulf %parallel_loop3A_934, %parallel_loop3A_936 : vector<16xf32>
        %parallel_loop3A_938 = arith.subf %parallel_loop3A_911, %parallel_loop3A_937 : vector<16xf32>
        %parallel_loop3A_939 = math.absf %parallel_loop3A_938 : vector<16xf32>
        %parallel_loop3A_940 = arith.subf %parallel_loop3A_915, %parallel_loop3A_937 : vector<16xf32>
        %parallel_loop3A_941 = math.absf %parallel_loop3A_940 : vector<16xf32>
        %parallel_loop3A_942 = arith.subf %parallel_loop3A_919, %parallel_loop3A_937 : vector<16xf32>
        %parallel_loop3A_943 = math.absf %parallel_loop3A_942 : vector<16xf32>
        %parallel_loop3A_944 = arith.subf %parallel_loop3A_923, %parallel_loop3A_937 : vector<16xf32>
        %parallel_loop3A_945 = math.absf %parallel_loop3A_944 : vector<16xf32>
        %parallel_loop3A_946 = arith.addf %parallel_loop3A_941, %parallel_loop3A_943 : vector<16xf32>
        %parallel_loop3A_947 = arith.constant 5.000000e-01 : f32
        %parallel_loop3A_948 = vector.broadcast %parallel_loop3A_947 : f32 to vector<16xf32>
        %parallel_loop3A_949 = arith.mulf %parallel_loop3A_946, %parallel_loop3A_948 : vector<16xf32>
        %parallel_loop3A_950 = arith.constant 9.99999974E-5 : f32
        %parallel_loop3A_951 = vector.broadcast %parallel_loop3A_950 : f32 to vector<16xf32>
        %parallel_loop3A_952 = arith.addf %parallel_loop3A_949, %parallel_loop3A_951 : vector<16xf32>
        %parallel_loop3A_953 = arith.addf %parallel_loop3A_939, %parallel_loop3A_941 : vector<16xf32>
        %parallel_loop3A_954 = arith.addf %parallel_loop3A_943, %parallel_loop3A_945 : vector<16xf32>
        %parallel_loop3A_955 = arith.addf %parallel_loop3A_953, %parallel_loop3A_954 : vector<16xf32>
        %parallel_loop3A_956 = arith.constant 2.500000e-01 : f32
        %parallel_loop3A_957 = vector.broadcast %parallel_loop3A_956 : f32 to vector<16xf32>
        %parallel_loop3A_958 = arith.mulf %parallel_loop3A_955, %parallel_loop3A_957 : vector<16xf32>
        %parallel_loop3A_959 = arith.constant 9.99999974E-5 : f32
        %parallel_loop3A_960 = vector.broadcast %parallel_loop3A_959 : f32 to vector<16xf32>
        %parallel_loop3A_961 = arith.addf %parallel_loop3A_958, %parallel_loop3A_960 : vector<16xf32>
        %parallel_loop3A_962 = arith.constant 1.000000e+00 : f32
        %parallel_loop3A_963 = vector.broadcast %parallel_loop3A_962 : f32 to vector<16xf32>
        %parallel_loop3A_964 = arith.divf %parallel_loop3A_963, %parallel_loop3A_952 : vector<16xf32>
        %parallel_loop3A_965 = arith.constant 1.000000e+00 : f32
        %parallel_loop3A_966 = vector.broadcast %parallel_loop3A_965 : f32 to vector<16xf32>
        %parallel_loop3A_967 = arith.divf %parallel_loop3A_966, %parallel_loop3A_961 : vector<16xf32>
        %parallel_loop3A_968 = arith.mulf %parallel_loop3A_964, %parallel_loop3A_964 : vector<16xf32>
        %parallel_loop3A_969 = arith.constant -5.000000e-01 : f32
        %parallel_loop3A_970 = vector.broadcast %parallel_loop3A_969 : f32 to vector<16xf32>
        %parallel_loop3A_971 = arith.mulf %parallel_loop3A_968, %parallel_loop3A_970 : vector<16xf32>
        %parallel_loop3A_972 = arith.mulf %parallel_loop3A_967, %parallel_loop3A_967 : vector<16xf32>
        %parallel_loop3A_973 = arith.constant -5.000000e-01 : f32
        %parallel_loop3A_974 = vector.broadcast %parallel_loop3A_973 : f32 to vector<16xf32>
        %parallel_loop3A_975 = arith.mulf %parallel_loop3A_972, %parallel_loop3A_974 : vector<16xf32>
        %parallel_loop3A_976 = arith.subf %parallel_loop3A_911, %parallel_loop3A_927 : vector<16xf32>
        %parallel_loop3A_977 = arith.mulf %parallel_loop3A_976, %parallel_loop3A_976 : vector<16xf32>
        %parallel_loop3A_978 = arith.mulf %parallel_loop3A_977, %parallel_loop3A_971 : vector<16xf32>
        %parallel_loop3A_979 = math.exp %parallel_loop3A_978 : vector<16xf32>
        %parallel_loop3A_980 = arith.subf %parallel_loop3A_915, %parallel_loop3A_927 : vector<16xf32>
        %parallel_loop3A_981 = arith.mulf %parallel_loop3A_980, %parallel_loop3A_980 : vector<16xf32>
        %parallel_loop3A_982 = arith.mulf %parallel_loop3A_981, %parallel_loop3A_971 : vector<16xf32>
        %parallel_loop3A_983 = math.exp %parallel_loop3A_982 : vector<16xf32>
        %parallel_loop3A_984 = arith.subf %parallel_loop3A_923, %parallel_loop3A_927 : vector<16xf32>
        %parallel_loop3A_985 = arith.mulf %parallel_loop3A_984, %parallel_loop3A_984 : vector<16xf32>
        %parallel_loop3A_986 = arith.mulf %parallel_loop3A_985, %parallel_loop3A_971 : vector<16xf32>
        %parallel_loop3A_987 = math.exp %parallel_loop3A_986 : vector<16xf32>
        %parallel_loop3A_988 = arith.subf %parallel_loop3A_911, %parallel_loop3A_933 : vector<16xf32>
        %parallel_loop3A_989 = arith.mulf %parallel_loop3A_988, %parallel_loop3A_988 : vector<16xf32>
        %parallel_loop3A_990 = arith.mulf %parallel_loop3A_989, %parallel_loop3A_975 : vector<16xf32>
        %parallel_loop3A_991 = math.exp %parallel_loop3A_990 : vector<16xf32>
        %parallel_loop3A_992 = arith.subf %parallel_loop3A_915, %parallel_loop3A_933 : vector<16xf32>
        %parallel_loop3A_993 = arith.mulf %parallel_loop3A_992, %parallel_loop3A_992 : vector<16xf32>
        %parallel_loop3A_994 = arith.mulf %parallel_loop3A_993, %parallel_loop3A_975 : vector<16xf32>
        %parallel_loop3A_995 = math.exp %parallel_loop3A_994 : vector<16xf32>
        %parallel_loop3A_996 = arith.subf %parallel_loop3A_919, %parallel_loop3A_933 : vector<16xf32>
        %parallel_loop3A_997 = arith.mulf %parallel_loop3A_996, %parallel_loop3A_996 : vector<16xf32>
        %parallel_loop3A_998 = arith.mulf %parallel_loop3A_997, %parallel_loop3A_975 : vector<16xf32>
        %parallel_loop3A_999 = math.exp %parallel_loop3A_998 : vector<16xf32>
        %parallel_loop3A_1000 = arith.subf %parallel_loop3A_923, %parallel_loop3A_933 : vector<16xf32>
        %parallel_loop3A_1001 = arith.mulf %parallel_loop3A_1000, %parallel_loop3A_1000 : vector<16xf32>
        %parallel_loop3A_1002 = arith.mulf %parallel_loop3A_1001, %parallel_loop3A_975 : vector<16xf32>
        %parallel_loop3A_1003 = math.exp %parallel_loop3A_1002 : vector<16xf32>
        %parallel_loop3A_1004 = arith.maximumf %parallel_loop3A_979, %parallel_loop3A_991 : vector<16xf32>
        %parallel_loop3A_1005 = arith.maximumf %parallel_loop3A_983, %parallel_loop3A_995 : vector<16xf32>
        %parallel_loop3A_1006 = arith.minimumf %parallel_loop3A_1004, %parallel_loop3A_1005 : vector<16xf32>
        %parallel_loop3A_1007 = arith.maximumf %parallel_loop3A_983, %parallel_loop3A_999 : vector<16xf32>
        %parallel_loop3A_1008 = arith.maximumf %parallel_loop3A_987, %parallel_loop3A_1003 : vector<16xf32>
        %parallel_loop3A_1009 = arith.minimumf %parallel_loop3A_1007, %parallel_loop3A_1008 : vector<16xf32>
        %parallel_loop3A_1010 = arith.minimumf %parallel_loop3A_1006, %parallel_loop3A_1009 : vector<16xf32>
        %parallel_loop3A_1011 = arith.addf %parallel_loop3A_979, %parallel_loop3A_991 : vector<16xf32>
        %parallel_loop3A_1012 = arith.addf %parallel_loop3A_983, %parallel_loop3A_995 : vector<16xf32>
        %parallel_loop3A_1013 = arith.addf %parallel_loop3A_983, %parallel_loop3A_999 : vector<16xf32>
        %parallel_loop3A_1014 = arith.addf %parallel_loop3A_987, %parallel_loop3A_1003 : vector<16xf32>
        %parallel_loop3A_1015 = arith.addf %parallel_loop3A_1010, %parallel_loop3A_1010 : vector<16xf32>
        %parallel_loop3A_1016 = arith.cmpf oge, %parallel_loop3A_1012, %parallel_loop3A_1015 : vector<16xf32>
        %parallel_loop3A_1017 = arith.constant dense<true> : vector<16xi1>
        %parallel_loop3A_1018 = arith.xori %parallel_loop3A_1016, %parallel_loop3A_1017 : vector<16xi1>
        %parallel_loop3A_1019 = arith.constant 1.000000e-03 : f32
        %parallel_loop3A_1020 = vector.broadcast %parallel_loop3A_1019 : f32 to vector<16xf32>
        %parallel_loop3A_1021 = arith.cmpf olt, %parallel_loop3A_961, %parallel_loop3A_1020 : vector<16xf32>
        %parallel_loop3A_1022 = arith.andi %parallel_loop3A_1018, %parallel_loop3A_1021 : vector<16xi1>
        %parallel_loop3A_1023 = arith.mulf %parallel_loop3A_1011, %parallel_loop3A_911 : vector<16xf32>
        %parallel_loop3A_1024 = arith.mulf %parallel_loop3A_1012, %parallel_loop3A_915 : vector<16xf32>
        %parallel_loop3A_1025 = arith.addf %parallel_loop3A_1023, %parallel_loop3A_1024 : vector<16xf32>
        %parallel_loop3A_1026 = arith.mulf %parallel_loop3A_1013, %parallel_loop3A_919 : vector<16xf32>
        %parallel_loop3A_1027 = arith.mulf %parallel_loop3A_1014, %parallel_loop3A_923 : vector<16xf32>
        %parallel_loop3A_1028 = arith.addf %parallel_loop3A_1026, %parallel_loop3A_1027 : vector<16xf32>
        %parallel_loop3A_1029 = arith.addf %parallel_loop3A_1025, %parallel_loop3A_1028 : vector<16xf32>
        %parallel_loop3A_1030 = arith.addf %parallel_loop3A_1011, %parallel_loop3A_1012 : vector<16xf32>
        %parallel_loop3A_1031 = arith.addf %parallel_loop3A_1013, %parallel_loop3A_1014 : vector<16xf32>
        %parallel_loop3A_1032 = arith.addf %parallel_loop3A_1030, %parallel_loop3A_1031 : vector<16xf32>
        %parallel_loop3A_1033 = arith.divf %parallel_loop3A_1029, %parallel_loop3A_1032 : vector<16xf32>
        %parallel_loop3A_1034 = arith.select %parallel_loop3A_1022, %parallel_loop3A_937, %parallel_loop3A_1033 : vector<16xi1>, vector<16xf32>
        %parallel_loop3A_1035 = arith.select %parallel_loop3A_1016, %parallel_loop3A_933, %parallel_loop3A_1034 : vector<16xi1>, vector<16xf32>
        %parallel_loop3A_1036 = arith.index_cast %parallel_loop3A_627 : i32 to index
        %parallel_loop3A_1037 = arith.constant 32 : index
        %parallel_loop3A_1038 = tpu.vector_load %arg7[%parallel_loop3A_1036, %parallel_loop3A_1037] {strides = array<i32>} : memref<8x112xf32, #tpu.memory_space<vmem>>, vector<16xf32>,
        tpu.vector_store %arg7[%parallel_loop3A_1036, %parallel_loop3A_1037], %parallel_loop3A_1035 {strides = array<i32>} : memref<8x112xf32, #tpu.memory_space<vmem>>, vector<16xf32>,
        %parallel_loop3A_1039 = arith.constant 2 : i32
        %parallel_loop3A_1040 = arith.muli %parallel_loop3A_1039, %parallel_loop3A_627 : i32
        %parallel_loop3A_1041 = arith.constant 2 : i32
        %parallel_loop3A_1042 = arith.muli %parallel_loop3A_1041, %parallel_loop3A_627 : i32
        %parallel_loop3A_1043 = arith.constant 1 : i32
        %parallel_loop3A_1044 = arith.addi %parallel_loop3A_1042, %parallel_loop3A_1043 : i32
        %parallel_loop3A_1045 = arith.constant 96 : i32
        %parallel_loop3A_1046 = tpu.memref_slice %arg5[%parallel_loop3A_1040, %parallel_loop3A_1045] : memref<16x224xf32, #tpu.memory_space<vmem>> -> memref<1x32xf32, #tpu.memory_space<vmem>>
        %parallel_loop3A_1047 = tpu.memref_squeeze %parallel_loop3A_1046 : memref<1x32xf32, #tpu.memory_space<vmem>> -> memref<32xf32, #tpu.memory_space<vmem>>
        %parallel_loop3A_1048 = tpu.vector_load_idx %parallel_loop3A_1047[%mul3A_3] : memref<32xf32, #tpu.memory_space<vmem>>[vector<16xi32>], vector<16xf32>,
        %parallel_loop3A_1049 = arith.constant 96 : i32
        %parallel_loop3A_1050 = tpu.memref_slice %arg5[%parallel_loop3A_1040, %parallel_loop3A_1049] : memref<16x224xf32, #tpu.memory_space<vmem>> -> memref<1x32xf32, #tpu.memory_space<vmem>>
        %parallel_loop3A_1051 = tpu.memref_squeeze %parallel_loop3A_1050 : memref<1x32xf32, #tpu.memory_space<vmem>> -> memref<32xf32, #tpu.memory_space<vmem>>
        %parallel_loop3A_1052 = tpu.vector_load_idx %parallel_loop3A_1051[%add3A_6] : memref<32xf32, #tpu.memory_space<vmem>>[vector<16xi32>], vector<16xf32>,
        %parallel_loop3A_1053 = arith.constant 96 : i32
        %parallel_loop3A_1054 = tpu.memref_slice %arg5[%parallel_loop3A_1044, %parallel_loop3A_1053] : memref<16x224xf32, #tpu.memory_space<vmem>> -> memref<1x32xf32, #tpu.memory_space<vmem>>
        %parallel_loop3A_1055 = tpu.memref_squeeze %parallel_loop3A_1054 : memref<1x32xf32, #tpu.memory_space<vmem>> -> memref<32xf32, #tpu.memory_space<vmem>>
        %parallel_loop3A_1056 = tpu.vector_load_idx %parallel_loop3A_1055[%mul3A_3] : memref<32xf32, #tpu.memory_space<vmem>>[vector<16xi32>], vector<16xf32>,
        %parallel_loop3A_1057 = arith.constant 96 : i32
        %parallel_loop3A_1058 = tpu.memref_slice %arg5[%parallel_loop3A_1044, %parallel_loop3A_1057] : memref<16x224xf32, #tpu.memory_space<vmem>> -> memref<1x32xf32, #tpu.memory_space<vmem>>
        %parallel_loop3A_1059 = tpu.memref_squeeze %parallel_loop3A_1058 : memref<1x32xf32, #tpu.memory_space<vmem>> -> memref<32xf32, #tpu.memory_space<vmem>>
        %parallel_loop3A_1060 = tpu.vector_load_idx %parallel_loop3A_1059[%add3A_6] : memref<32xf32, #tpu.memory_space<vmem>>[vector<16xi32>], vector<16xf32>,
        %parallel_loop3A_1061 = arith.addf %parallel_loop3A_1052, %parallel_loop3A_1056 : vector<16xf32>
        %parallel_loop3A_1062 = arith.constant 5.000000e-01 : f32
        %parallel_loop3A_1063 = vector.broadcast %parallel_loop3A_1062 : f32 to vector<16xf32>
        %parallel_loop3A_1064 = arith.mulf %parallel_loop3A_1061, %parallel_loop3A_1063 : vector<16xf32>
        %parallel_loop3A_1065 = arith.addf %parallel_loop3A_1048, %parallel_loop3A_1052 : vector<16xf32>
        %parallel_loop3A_1066 = arith.addf %parallel_loop3A_1056, %parallel_loop3A_1060 : vector<16xf32>
        %parallel_loop3A_1067 = arith.addf %parallel_loop3A_1065, %parallel_loop3A_1066 : vector<16xf32>
        %parallel_loop3A_1068 = arith.constant 2.500000e-01 : f32
        %parallel_loop3A_1069 = vector.broadcast %parallel_loop3A_1068 : f32 to vector<16xf32>
        %parallel_loop3A_1070 = arith.mulf %parallel_loop3A_1067, %parallel_loop3A_1069 : vector<16xf32>
        %parallel_loop3A_1071 = arith.addf %parallel_loop3A_1064, %parallel_loop3A_1070 : vector<16xf32>
        %parallel_loop3A_1072 = arith.constant 5.000000e-01 : f32
        %parallel_loop3A_1073 = vector.broadcast %parallel_loop3A_1072 : f32 to vector<16xf32>
        %parallel_loop3A_1074 = arith.mulf %parallel_loop3A_1071, %parallel_loop3A_1073 : vector<16xf32>
        %parallel_loop3A_1075 = arith.subf %parallel_loop3A_1048, %parallel_loop3A_1074 : vector<16xf32>
        %parallel_loop3A_1076 = math.absf %parallel_loop3A_1075 : vector<16xf32>
        %parallel_loop3A_1077 = arith.subf %parallel_loop3A_1052, %parallel_loop3A_1074 : vector<16xf32>
        %parallel_loop3A_1078 = math.absf %parallel_loop3A_1077 : vector<16xf32>
        %parallel_loop3A_1079 = arith.subf %parallel_loop3A_1056, %parallel_loop3A_1074 : vector<16xf32>
        %parallel_loop3A_1080 = math.absf %parallel_loop3A_1079 : vector<16xf32>
        %parallel_loop3A_1081 = arith.subf %parallel_loop3A_1060, %parallel_loop3A_1074 : vector<16xf32>
        %parallel_loop3A_1082 = math.absf %parallel_loop3A_1081 : vector<16xf32>
        %parallel_loop3A_1083 = arith.addf %parallel_loop3A_1078, %parallel_loop3A_1080 : vector<16xf32>
        %parallel_loop3A_1084 = arith.constant 5.000000e-01 : f32
        %parallel_loop3A_1085 = vector.broadcast %parallel_loop3A_1084 : f32 to vector<16xf32>
        %parallel_loop3A_1086 = arith.mulf %parallel_loop3A_1083, %parallel_loop3A_1085 : vector<16xf32>
        %parallel_loop3A_1087 = arith.constant 9.99999974E-5 : f32
        %parallel_loop3A_1088 = vector.broadcast %parallel_loop3A_1087 : f32 to vector<16xf32>
        %parallel_loop3A_1089 = arith.addf %parallel_loop3A_1086, %parallel_loop3A_1088 : vector<16xf32>
        %parallel_loop3A_1090 = arith.addf %parallel_loop3A_1076, %parallel_loop3A_1078 : vector<16xf32>
        %parallel_loop3A_1091 = arith.addf %parallel_loop3A_1080, %parallel_loop3A_1082 : vector<16xf32>
        %parallel_loop3A_1092 = arith.addf %parallel_loop3A_1090, %parallel_loop3A_1091 : vector<16xf32>
        %parallel_loop3A_1093 = arith.constant 2.500000e-01 : f32
        %parallel_loop3A_1094 = vector.broadcast %parallel_loop3A_1093 : f32 to vector<16xf32>
        %parallel_loop3A_1095 = arith.mulf %parallel_loop3A_1092, %parallel_loop3A_1094 : vector<16xf32>
        %parallel_loop3A_1096 = arith.constant 9.99999974E-5 : f32
        %parallel_loop3A_1097 = vector.broadcast %parallel_loop3A_1096 : f32 to vector<16xf32>
        %parallel_loop3A_1098 = arith.addf %parallel_loop3A_1095, %parallel_loop3A_1097 : vector<16xf32>
        %parallel_loop3A_1099 = arith.constant 1.000000e+00 : f32
        %parallel_loop3A_1100 = vector.broadcast %parallel_loop3A_1099 : f32 to vector<16xf32>
        %parallel_loop3A_1101 = arith.divf %parallel_loop3A_1100, %parallel_loop3A_1089 : vector<16xf32>
        %parallel_loop3A_1102 = arith.constant 1.000000e+00 : f32
        %parallel_loop3A_1103 = vector.broadcast %parallel_loop3A_1102 : f32 to vector<16xf32>
        %parallel_loop3A_1104 = arith.divf %parallel_loop3A_1103, %parallel_loop3A_1098 : vector<16xf32>
        %parallel_loop3A_1105 = arith.mulf %parallel_loop3A_1101, %parallel_loop3A_1101 : vector<16xf32>
        %parallel_loop3A_1106 = arith.constant -5.000000e-01 : f32
        %parallel_loop3A_1107 = vector.broadcast %parallel_loop3A_1106 : f32 to vector<16xf32>
        %parallel_loop3A_1108 = arith.mulf %parallel_loop3A_1105, %parallel_loop3A_1107 : vector<16xf32>
        %parallel_loop3A_1109 = arith.mulf %parallel_loop3A_1104, %parallel_loop3A_1104 : vector<16xf32>
        %parallel_loop3A_1110 = arith.constant -5.000000e-01 : f32
        %parallel_loop3A_1111 = vector.broadcast %parallel_loop3A_1110 : f32 to vector<16xf32>
        %parallel_loop3A_1112 = arith.mulf %parallel_loop3A_1109, %parallel_loop3A_1111 : vector<16xf32>
        %parallel_loop3A_1113 = arith.subf %parallel_loop3A_1048, %parallel_loop3A_1064 : vector<16xf32>
        %parallel_loop3A_1114 = arith.mulf %parallel_loop3A_1113, %parallel_loop3A_1113 : vector<16xf32>
        %parallel_loop3A_1115 = arith.mulf %parallel_loop3A_1114, %parallel_loop3A_1108 : vector<16xf32>
        %parallel_loop3A_1116 = math.exp %parallel_loop3A_1115 : vector<16xf32>
        %parallel_loop3A_1117 = arith.subf %parallel_loop3A_1052, %parallel_loop3A_1064 : vector<16xf32>
        %parallel_loop3A_1118 = arith.mulf %parallel_loop3A_1117, %parallel_loop3A_1117 : vector<16xf32>
        %parallel_loop3A_1119 = arith.mulf %parallel_loop3A_1118, %parallel_loop3A_1108 : vector<16xf32>
        %parallel_loop3A_1120 = math.exp %parallel_loop3A_1119 : vector<16xf32>
        %parallel_loop3A_1121 = arith.subf %parallel_loop3A_1060, %parallel_loop3A_1064 : vector<16xf32>
        %parallel_loop3A_1122 = arith.mulf %parallel_loop3A_1121, %parallel_loop3A_1121 : vector<16xf32>
        %parallel_loop3A_1123 = arith.mulf %parallel_loop3A_1122, %parallel_loop3A_1108 : vector<16xf32>
        %parallel_loop3A_1124 = math.exp %parallel_loop3A_1123 : vector<16xf32>
        %parallel_loop3A_1125 = arith.subf %parallel_loop3A_1048, %parallel_loop3A_1070 : vector<16xf32>
        %parallel_loop3A_1126 = arith.mulf %parallel_loop3A_1125, %parallel_loop3A_1125 : vector<16xf32>
        %parallel_loop3A_1127 = arith.mulf %parallel_loop3A_1126, %parallel_loop3A_1112 : vector<16xf32>
        %parallel_loop3A_1128 = math.exp %parallel_loop3A_1127 : vector<16xf32>
        %parallel_loop3A_1129 = arith.subf %parallel_loop3A_1052, %parallel_loop3A_1070 : vector<16xf32>
        %parallel_loop3A_1130 = arith.mulf %parallel_loop3A_1129, %parallel_loop3A_1129 : vector<16xf32>
        %parallel_loop3A_1131 = arith.mulf %parallel_loop3A_1130, %parallel_loop3A_1112 : vector<16xf32>
        %parallel_loop3A_1132 = math.exp %parallel_loop3A_1131 : vector<16xf32>
        %parallel_loop3A_1133 = arith.subf %parallel_loop3A_1056, %parallel_loop3A_1070 : vector<16xf32>
        %parallel_loop3A_1134 = arith.mulf %parallel_loop3A_1133, %parallel_loop3A_1133 : vector<16xf32>
        %parallel_loop3A_1135 = arith.mulf %parallel_loop3A_1134, %parallel_loop3A_1112 : vector<16xf32>
        %parallel_loop3A_1136 = math.exp %parallel_loop3A_1135 : vector<16xf32>
        %parallel_loop3A_1137 = arith.subf %parallel_loop3A_1060, %parallel_loop3A_1070 : vector<16xf32>
        %parallel_loop3A_1138 = arith.mulf %parallel_loop3A_1137, %parallel_loop3A_1137 : vector<16xf32>
        %parallel_loop3A_1139 = arith.mulf %parallel_loop3A_1138, %parallel_loop3A_1112 : vector<16xf32>
        %parallel_loop3A_1140 = math.exp %parallel_loop3A_1139 : vector<16xf32>
        %parallel_loop3A_1141 = arith.maximumf %parallel_loop3A_1116, %parallel_loop3A_1128 : vector<16xf32>
        %parallel_loop3A_1142 = arith.maximumf %parallel_loop3A_1120, %parallel_loop3A_1132 : vector<16xf32>
        %parallel_loop3A_1143 = arith.minimumf %parallel_loop3A_1141, %parallel_loop3A_1142 : vector<16xf32>
        %parallel_loop3A_1144 = arith.maximumf %parallel_loop3A_1120, %parallel_loop3A_1136 : vector<16xf32>
        %parallel_loop3A_1145 = arith.maximumf %parallel_loop3A_1124, %parallel_loop3A_1140 : vector<16xf32>
        %parallel_loop3A_1146 = arith.minimumf %parallel_loop3A_1144, %parallel_loop3A_1145 : vector<16xf32>
        %parallel_loop3A_1147 = arith.minimumf %parallel_loop3A_1143, %parallel_loop3A_1146 : vector<16xf32>
        %parallel_loop3A_1148 = arith.addf %parallel_loop3A_1116, %parallel_loop3A_1128 : vector<16xf32>
        %parallel_loop3A_1149 = arith.addf %parallel_loop3A_1120, %parallel_loop3A_1132 : vector<16xf32>
        %parallel_loop3A_1150 = arith.addf %parallel_loop3A_1120, %parallel_loop3A_1136 : vector<16xf32>
        %parallel_loop3A_1151 = arith.addf %parallel_loop3A_1124, %parallel_loop3A_1140 : vector<16xf32>
        %parallel_loop3A_1152 = arith.addf %parallel_loop3A_1147, %parallel_loop3A_1147 : vector<16xf32>
        %parallel_loop3A_1153 = arith.cmpf oge, %parallel_loop3A_1149, %parallel_loop3A_1152 : vector<16xf32>
        %parallel_loop3A_1154 = arith.constant dense<true> : vector<16xi1>
        %parallel_loop3A_1155 = arith.xori %parallel_loop3A_1153, %parallel_loop3A_1154 : vector<16xi1>
        %parallel_loop3A_1156 = arith.constant 1.000000e-03 : f32
        %parallel_loop3A_1157 = vector.broadcast %parallel_loop3A_1156 : f32 to vector<16xf32>
        %parallel_loop3A_1158 = arith.cmpf olt, %parallel_loop3A_1098, %parallel_loop3A_1157 : vector<16xf32>
        %parallel_loop3A_1159 = arith.andi %parallel_loop3A_1155, %parallel_loop3A_1158 : vector<16xi1>
        %parallel_loop3A_1160 = arith.mulf %parallel_loop3A_1148, %parallel_loop3A_1048 : vector<16xf32>
        %parallel_loop3A_1161 = arith.mulf %parallel_loop3A_1149, %parallel_loop3A_1052 : vector<16xf32>
        %parallel_loop3A_1162 = arith.addf %parallel_loop3A_1160, %parallel_loop3A_1161 : vector<16xf32>
        %parallel_loop3A_1163 = arith.mulf %parallel_loop3A_1150, %parallel_loop3A_1056 : vector<16xf32>
        %parallel_loop3A_1164 = arith.mulf %parallel_loop3A_1151, %parallel_loop3A_1060 : vector<16xf32>
        %parallel_loop3A_1165 = arith.addf %parallel_loop3A_1163, %parallel_loop3A_1164 : vector<16xf32>
        %parallel_loop3A_1166 = arith.addf %parallel_loop3A_1162, %parallel_loop3A_1165 : vector<16xf32>
        %parallel_loop3A_1167 = arith.addf %parallel_loop3A_1148, %parallel_loop3A_1149 : vector<16xf32>
        %parallel_loop3A_1168 = arith.addf %parallel_loop3A_1150, %parallel_loop3A_1151 : vector<16xf32>
        %parallel_loop3A_1169 = arith.addf %parallel_loop3A_1167, %parallel_loop3A_1168 : vector<16xf32>
        %parallel_loop3A_1170 = arith.divf %parallel_loop3A_1166, %parallel_loop3A_1169 : vector<16xf32>
        %parallel_loop3A_1171 = arith.select %parallel_loop3A_1159, %parallel_loop3A_1074, %parallel_loop3A_1170 : vector<16xi1>, vector<16xf32>
        %parallel_loop3A_1172 = arith.select %parallel_loop3A_1153, %parallel_loop3A_1070, %parallel_loop3A_1171 : vector<16xi1>, vector<16xf32>
        %parallel_loop3A_1173 = arith.index_cast %parallel_loop3A_627 : i32 to index
        %parallel_loop3A_1174 = arith.constant 48 : index
        %parallel_loop3A_1175 = tpu.vector_load %arg7[%parallel_loop3A_1173, %parallel_loop3A_1174] {strides = array<i32>} : memref<8x112xf32, #tpu.memory_space<vmem>>, vector<16xf32>,
        tpu.vector_store %arg7[%parallel_loop3A_1173, %parallel_loop3A_1174], %parallel_loop3A_1172 {strides = array<i32>} : memref<8x112xf32, #tpu.memory_space<vmem>>, vector<16xf32>,
        %parallel_loop3A_1176 = arith.constant 2 : i32
        %parallel_loop3A_1177 = arith.muli %parallel_loop3A_1176, %parallel_loop3A_627 : i32
        %parallel_loop3A_1178 = arith.constant 2 : i32
        %parallel_loop3A_1179 = arith.muli %parallel_loop3A_1178, %parallel_loop3A_627 : i32
        %parallel_loop3A_1180 = arith.constant 1 : i32
        %parallel_loop3A_1181 = arith.addi %parallel_loop3A_1179, %parallel_loop3A_1180 : i32
        %parallel_loop3A_1182 = arith.constant 128 : i32
        %parallel_loop3A_1183 = tpu.memref_slice %arg5[%parallel_loop3A_1177, %parallel_loop3A_1182] : memref<16x224xf32, #tpu.memory_space<vmem>> -> memref<1x32xf32, #tpu.memory_space<vmem>>
        %parallel_loop3A_1184 = tpu.memref_squeeze %parallel_loop3A_1183 : memref<1x32xf32, #tpu.memory_space<vmem>> -> memref<32xf32, #tpu.memory_space<vmem>>
        %parallel_loop3A_1185 = tpu.vector_load_idx %parallel_loop3A_1184[%mul3A_3] : memref<32xf32, #tpu.memory_space<vmem>>[vector<16xi32>], vector<16xf32>,
        %parallel_loop3A_1186 = arith.constant 128 : i32
        %parallel_loop3A_1187 = tpu.memref_slice %arg5[%parallel_loop3A_1177, %parallel_loop3A_1186] : memref<16x224xf32, #tpu.memory_space<vmem>> -> memref<1x32xf32, #tpu.memory_space<vmem>>
        %parallel_loop3A_1188 = tpu.memref_squeeze %parallel_loop3A_1187 : memref<1x32xf32, #tpu.memory_space<vmem>> -> memref<32xf32, #tpu.memory_space<vmem>>
        %parallel_loop3A_1189 = tpu.vector_load_idx %parallel_loop3A_1188[%add3A_6] : memref<32xf32, #tpu.memory_space<vmem>>[vector<16xi32>], vector<16xf32>,
        %parallel_loop3A_1190 = arith.constant 128 : i32
        %parallel_loop3A_1191 = tpu.memref_slice %arg5[%parallel_loop3A_1181, %parallel_loop3A_1190] : memref<16x224xf32, #tpu.memory_space<vmem>> -> memref<1x32xf32, #tpu.memory_space<vmem>>
        %parallel_loop3A_1192 = tpu.memref_squeeze %parallel_loop3A_1191 : memref<1x32xf32, #tpu.memory_space<vmem>> -> memref<32xf32, #tpu.memory_space<vmem>>
        %parallel_loop3A_1193 = tpu.vector_load_idx %parallel_loop3A_1192[%mul3A_3] : memref<32xf32, #tpu.memory_space<vmem>>[vector<16xi32>], vector<16xf32>,
        %parallel_loop3A_1194 = arith.constant 128 : i32
        %parallel_loop3A_1195 = tpu.memref_slice %arg5[%parallel_loop3A_1181, %parallel_loop3A_1194] : memref<16x224xf32, #tpu.memory_space<vmem>> -> memref<1x32xf32, #tpu.memory_space<vmem>>
        %parallel_loop3A_1196 = tpu.memref_squeeze %parallel_loop3A_1195 : memref<1x32xf32, #tpu.memory_space<vmem>> -> memref<32xf32, #tpu.memory_space<vmem>>
        %parallel_loop3A_1197 = tpu.vector_load_idx %parallel_loop3A_1196[%add3A_6] : memref<32xf32, #tpu.memory_space<vmem>>[vector<16xi32>], vector<16xf32>,
        %parallel_loop3A_1198 = arith.addf %parallel_loop3A_1189, %parallel_loop3A_1193 : vector<16xf32>
        %parallel_loop3A_1199 = arith.constant 5.000000e-01 : f32
        %parallel_loop3A_1200 = vector.broadcast %parallel_loop3A_1199 : f32 to vector<16xf32>
        %parallel_loop3A_1201 = arith.mulf %parallel_loop3A_1198, %parallel_loop3A_1200 : vector<16xf32>
        %parallel_loop3A_1202 = arith.addf %parallel_loop3A_1185, %parallel_loop3A_1189 : vector<16xf32>
        %parallel_loop3A_1203 = arith.addf %parallel_loop3A_1193, %parallel_loop3A_1197 : vector<16xf32>
        %parallel_loop3A_1204 = arith.addf %parallel_loop3A_1202, %parallel_loop3A_1203 : vector<16xf32>
        %parallel_loop3A_1205 = arith.constant 2.500000e-01 : f32
        %parallel_loop3A_1206 = vector.broadcast %parallel_loop3A_1205 : f32 to vector<16xf32>
        %parallel_loop3A_1207 = arith.mulf %parallel_loop3A_1204, %parallel_loop3A_1206 : vector<16xf32>
        %parallel_loop3A_1208 = arith.addf %parallel_loop3A_1201, %parallel_loop3A_1207 : vector<16xf32>
        %parallel_loop3A_1209 = arith.constant 5.000000e-01 : f32
        %parallel_loop3A_1210 = vector.broadcast %parallel_loop3A_1209 : f32 to vector<16xf32>
        %parallel_loop3A_1211 = arith.mulf %parallel_loop3A_1208, %parallel_loop3A_1210 : vector<16xf32>
        %parallel_loop3A_1212 = arith.subf %parallel_loop3A_1185, %parallel_loop3A_1211 : vector<16xf32>
        %parallel_loop3A_1213 = math.absf %parallel_loop3A_1212 : vector<16xf32>
        %parallel_loop3A_1214 = arith.subf %parallel_loop3A_1189, %parallel_loop3A_1211 : vector<16xf32>
        %parallel_loop3A_1215 = math.absf %parallel_loop3A_1214 : vector<16xf32>
        %parallel_loop3A_1216 = arith.subf %parallel_loop3A_1193, %parallel_loop3A_1211 : vector<16xf32>
        %parallel_loop3A_1217 = math.absf %parallel_loop3A_1216 : vector<16xf32>
        %parallel_loop3A_1218 = arith.subf %parallel_loop3A_1197, %parallel_loop3A_1211 : vector<16xf32>
        %parallel_loop3A_1219 = math.absf %parallel_loop3A_1218 : vector<16xf32>
        %parallel_loop3A_1220 = arith.addf %parallel_loop3A_1215, %parallel_loop3A_1217 : vector<16xf32>
        %parallel_loop3A_1221 = arith.constant 5.000000e-01 : f32
        %parallel_loop3A_1222 = vector.broadcast %parallel_loop3A_1221 : f32 to vector<16xf32>
        %parallel_loop3A_1223 = arith.mulf %parallel_loop3A_1220, %parallel_loop3A_1222 : vector<16xf32>
        %parallel_loop3A_1224 = arith.constant 9.99999974E-5 : f32
        %parallel_loop3A_1225 = vector.broadcast %parallel_loop3A_1224 : f32 to vector<16xf32>
        %parallel_loop3A_1226 = arith.addf %parallel_loop3A_1223, %parallel_loop3A_1225 : vector<16xf32>
        %parallel_loop3A_1227 = arith.addf %parallel_loop3A_1213, %parallel_loop3A_1215 : vector<16xf32>
        %parallel_loop3A_1228 = arith.addf %parallel_loop3A_1217, %parallel_loop3A_1219 : vector<16xf32>
        %parallel_loop3A_1229 = arith.addf %parallel_loop3A_1227, %parallel_loop3A_1228 : vector<16xf32>
        %parallel_loop3A_1230 = arith.constant 2.500000e-01 : f32
        %parallel_loop3A_1231 = vector.broadcast %parallel_loop3A_1230 : f32 to vector<16xf32>
        %parallel_loop3A_1232 = arith.mulf %parallel_loop3A_1229, %parallel_loop3A_1231 : vector<16xf32>
        %parallel_loop3A_1233 = arith.constant 9.99999974E-5 : f32
        %parallel_loop3A_1234 = vector.broadcast %parallel_loop3A_1233 : f32 to vector<16xf32>
        %parallel_loop3A_1235 = arith.addf %parallel_loop3A_1232, %parallel_loop3A_1234 : vector<16xf32>
        %parallel_loop3A_1236 = arith.constant 1.000000e+00 : f32
        %parallel_loop3A_1237 = vector.broadcast %parallel_loop3A_1236 : f32 to vector<16xf32>
        %parallel_loop3A_1238 = arith.divf %parallel_loop3A_1237, %parallel_loop3A_1226 : vector<16xf32>
        %parallel_loop3A_1239 = arith.constant 1.000000e+00 : f32
        %parallel_loop3A_1240 = vector.broadcast %parallel_loop3A_1239 : f32 to vector<16xf32>
        %parallel_loop3A_1241 = arith.divf %parallel_loop3A_1240, %parallel_loop3A_1235 : vector<16xf32>
        %parallel_loop3A_1242 = arith.mulf %parallel_loop3A_1238, %parallel_loop3A_1238 : vector<16xf32>
        %parallel_loop3A_1243 = arith.constant -5.000000e-01 : f32
        %parallel_loop3A_1244 = vector.broadcast %parallel_loop3A_1243 : f32 to vector<16xf32>
        %parallel_loop3A_1245 = arith.mulf %parallel_loop3A_1242, %parallel_loop3A_1244 : vector<16xf32>
        %parallel_loop3A_1246 = arith.mulf %parallel_loop3A_1241, %parallel_loop3A_1241 : vector<16xf32>
        %parallel_loop3A_1247 = arith.constant -5.000000e-01 : f32
        %parallel_loop3A_1248 = vector.broadcast %parallel_loop3A_1247 : f32 to vector<16xf32>
        %parallel_loop3A_1249 = arith.mulf %parallel_loop3A_1246, %parallel_loop3A_1248 : vector<16xf32>
        %parallel_loop3A_1250 = arith.subf %parallel_loop3A_1185, %parallel_loop3A_1201 : vector<16xf32>
        %parallel_loop3A_1251 = arith.mulf %parallel_loop3A_1250, %parallel_loop3A_1250 : vector<16xf32>
        %parallel_loop3A_1252 = arith.mulf %parallel_loop3A_1251, %parallel_loop3A_1245 : vector<16xf32>
        %parallel_loop3A_1253 = math.exp %parallel_loop3A_1252 : vector<16xf32>
        %parallel_loop3A_1254 = arith.subf %parallel_loop3A_1189, %parallel_loop3A_1201 : vector<16xf32>
        %parallel_loop3A_1255 = arith.mulf %parallel_loop3A_1254, %parallel_loop3A_1254 : vector<16xf32>
        %parallel_loop3A_1256 = arith.mulf %parallel_loop3A_1255, %parallel_loop3A_1245 : vector<16xf32>
        %parallel_loop3A_1257 = math.exp %parallel_loop3A_1256 : vector<16xf32>
        %parallel_loop3A_1258 = arith.subf %parallel_loop3A_1197, %parallel_loop3A_1201 : vector<16xf32>
        %parallel_loop3A_1259 = arith.mulf %parallel_loop3A_1258, %parallel_loop3A_1258 : vector<16xf32>
        %parallel_loop3A_1260 = arith.mulf %parallel_loop3A_1259, %parallel_loop3A_1245 : vector<16xf32>
        %parallel_loop3A_1261 = math.exp %parallel_loop3A_1260 : vector<16xf32>
        %parallel_loop3A_1262 = arith.subf %parallel_loop3A_1185, %parallel_loop3A_1207 : vector<16xf32>
        %parallel_loop3A_1263 = arith.mulf %parallel_loop3A_1262, %parallel_loop3A_1262 : vector<16xf32>
        %parallel_loop3A_1264 = arith.mulf %parallel_loop3A_1263, %parallel_loop3A_1249 : vector<16xf32>
        %parallel_loop3A_1265 = math.exp %parallel_loop3A_1264 : vector<16xf32>
        %parallel_loop3A_1266 = arith.subf %parallel_loop3A_1189, %parallel_loop3A_1207 : vector<16xf32>
        %parallel_loop3A_1267 = arith.mulf %parallel_loop3A_1266, %parallel_loop3A_1266 : vector<16xf32>
        %parallel_loop3A_1268 = arith.mulf %parallel_loop3A_1267, %parallel_loop3A_1249 : vector<16xf32>
        %parallel_loop3A_1269 = math.exp %parallel_loop3A_1268 : vector<16xf32>
        %parallel_loop3A_1270 = arith.subf %parallel_loop3A_1193, %parallel_loop3A_1207 : vector<16xf32>
        %parallel_loop3A_1271 = arith.mulf %parallel_loop3A_1270, %parallel_loop3A_1270 : vector<16xf32>
        %parallel_loop3A_1272 = arith.mulf %parallel_loop3A_1271, %parallel_loop3A_1249 : vector<16xf32>
        %parallel_loop3A_1273 = math.exp %parallel_loop3A_1272 : vector<16xf32>
        %parallel_loop3A_1274 = arith.subf %parallel_loop3A_1197, %parallel_loop3A_1207 : vector<16xf32>
        %parallel_loop3A_1275 = arith.mulf %parallel_loop3A_1274, %parallel_loop3A_1274 : vector<16xf32>
        %parallel_loop3A_1276 = arith.mulf %parallel_loop3A_1275, %parallel_loop3A_1249 : vector<16xf32>
        %parallel_loop3A_1277 = math.exp %parallel_loop3A_1276 : vector<16xf32>
        %parallel_loop3A_1278 = arith.maximumf %parallel_loop3A_1253, %parallel_loop3A_1265 : vector<16xf32>
        %parallel_loop3A_1279 = arith.maximumf %parallel_loop3A_1257, %parallel_loop3A_1269 : vector<16xf32>
        %parallel_loop3A_1280 = arith.minimumf %parallel_loop3A_1278, %parallel_loop3A_1279 : vector<16xf32>
        %parallel_loop3A_1281 = arith.maximumf %parallel_loop3A_1257, %parallel_loop3A_1273 : vector<16xf32>
        %parallel_loop3A_1282 = arith.maximumf %parallel_loop3A_1261, %parallel_loop3A_1277 : vector<16xf32>
        %parallel_loop3A_1283 = arith.minimumf %parallel_loop3A_1281, %parallel_loop3A_1282 : vector<16xf32>
        %parallel_loop3A_1284 = arith.minimumf %parallel_loop3A_1280, %parallel_loop3A_1283 : vector<16xf32>
        %parallel_loop3A_1285 = arith.addf %parallel_loop3A_1253, %parallel_loop3A_1265 : vector<16xf32>
        %parallel_loop3A_1286 = arith.addf %parallel_loop3A_1257, %parallel_loop3A_1269 : vector<16xf32>
        %parallel_loop3A_1287 = arith.addf %parallel_loop3A_1257, %parallel_loop3A_1273 : vector<16xf32>
        %parallel_loop3A_1288 = arith.addf %parallel_loop3A_1261, %parallel_loop3A_1277 : vector<16xf32>
        %parallel_loop3A_1289 = arith.addf %parallel_loop3A_1284, %parallel_loop3A_1284 : vector<16xf32>
        %parallel_loop3A_1290 = arith.cmpf oge, %parallel_loop3A_1286, %parallel_loop3A_1289 : vector<16xf32>
        %parallel_loop3A_1291 = arith.constant dense<true> : vector<16xi1>
        %parallel_loop3A_1292 = arith.xori %parallel_loop3A_1290, %parallel_loop3A_1291 : vector<16xi1>
        %parallel_loop3A_1293 = arith.constant 1.000000e-03 : f32
        %parallel_loop3A_1294 = vector.broadcast %parallel_loop3A_1293 : f32 to vector<16xf32>
        %parallel_loop3A_1295 = arith.cmpf olt, %parallel_loop3A_1235, %parallel_loop3A_1294 : vector<16xf32>
        %parallel_loop3A_1296 = arith.andi %parallel_loop3A_1292, %parallel_loop3A_1295 : vector<16xi1>
        %parallel_loop3A_1297 = arith.mulf %parallel_loop3A_1285, %parallel_loop3A_1185 : vector<16xf32>
        %parallel_loop3A_1298 = arith.mulf %parallel_loop3A_1286, %parallel_loop3A_1189 : vector<16xf32>
        %parallel_loop3A_1299 = arith.addf %parallel_loop3A_1297, %parallel_loop3A_1298 : vector<16xf32>
        %parallel_loop3A_1300 = arith.mulf %parallel_loop3A_1287, %parallel_loop3A_1193 : vector<16xf32>
        %parallel_loop3A_1301 = arith.mulf %parallel_loop3A_1288, %parallel_loop3A_1197 : vector<16xf32>
        %parallel_loop3A_1302 = arith.addf %parallel_loop3A_1300, %parallel_loop3A_1301 : vector<16xf32>
        %parallel_loop3A_1303 = arith.addf %parallel_loop3A_1299, %parallel_loop3A_1302 : vector<16xf32>
        %parallel_loop3A_1304 = arith.addf %parallel_loop3A_1285, %parallel_loop3A_1286 : vector<16xf32>
        %parallel_loop3A_1305 = arith.addf %parallel_loop3A_1287, %parallel_loop3A_1288 : vector<16xf32>
        %parallel_loop3A_1306 = arith.addf %parallel_loop3A_1304, %parallel_loop3A_1305 : vector<16xf32>
        %parallel_loop3A_1307 = arith.divf %parallel_loop3A_1303, %parallel_loop3A_1306 : vector<16xf32>
        %parallel_loop3A_1308 = arith.select %parallel_loop3A_1296, %parallel_loop3A_1211, %parallel_loop3A_1307 : vector<16xi1>, vector<16xf32>
        %parallel_loop3A_1309 = arith.select %parallel_loop3A_1290, %parallel_loop3A_1207, %parallel_loop3A_1308 : vector<16xi1>, vector<16xf32>
        %parallel_loop3A_1310 = arith.index_cast %parallel_loop3A_627 : i32 to index
        %parallel_loop3A_1311 = arith.constant 64 : index
        %parallel_loop3A_1312 = tpu.vector_load %arg7[%parallel_loop3A_1310, %parallel_loop3A_1311] {strides = array<i32>} : memref<8x112xf32, #tpu.memory_space<vmem>>, vector<16xf32>,
        tpu.vector_store %arg7[%parallel_loop3A_1310, %parallel_loop3A_1311], %parallel_loop3A_1309 {strides = array<i32>} : memref<8x112xf32, #tpu.memory_space<vmem>>, vector<16xf32>,
        %parallel_loop3A_1313 = arith.constant 2 : i32
        %parallel_loop3A_1314 = arith.muli %parallel_loop3A_1313, %parallel_loop3A_627 : i32
        %parallel_loop3A_1315 = arith.constant 2 : i32
        %parallel_loop3A_1316 = arith.muli %parallel_loop3A_1315, %parallel_loop3A_627 : i32
        %parallel_loop3A_1317 = arith.constant 1 : i32
        %parallel_loop3A_1318 = arith.addi %parallel_loop3A_1316, %parallel_loop3A_1317 : i32
        %parallel_loop3A_1319 = arith.constant 160 : i32
        %parallel_loop3A_1320 = tpu.memref_slice %arg5[%parallel_loop3A_1314, %parallel_loop3A_1319] : memref<16x224xf32, #tpu.memory_space<vmem>> -> memref<1x32xf32, #tpu.memory_space<vmem>>
        %parallel_loop3A_1321 = tpu.memref_squeeze %parallel_loop3A_1320 : memref<1x32xf32, #tpu.memory_space<vmem>> -> memref<32xf32, #tpu.memory_space<vmem>>
        %parallel_loop3A_1322 = tpu.vector_load_idx %parallel_loop3A_1321[%mul3A_3] : memref<32xf32, #tpu.memory_space<vmem>>[vector<16xi32>], vector<16xf32>,
        %parallel_loop3A_1323 = arith.constant 160 : i32
        %parallel_loop3A_1324 = tpu.memref_slice %arg5[%parallel_loop3A_1314, %parallel_loop3A_1323] : memref<16x224xf32, #tpu.memory_space<vmem>> -> memref<1x32xf32, #tpu.memory_space<vmem>>
        %parallel_loop3A_1325 = tpu.memref_squeeze %parallel_loop3A_1324 : memref<1x32xf32, #tpu.memory_space<vmem>> -> memref<32xf32, #tpu.memory_space<vmem>>
        %parallel_loop3A_1326 = tpu.vector_load_idx %parallel_loop3A_1325[%add3A_6] : memref<32xf32, #tpu.memory_space<vmem>>[vector<16xi32>], vector<16xf32>,
        %parallel_loop3A_1327 = arith.constant 160 : i32
        %parallel_loop3A_1328 = tpu.memref_slice %arg5[%parallel_loop3A_1318, %parallel_loop3A_1327] : memref<16x224xf32, #tpu.memory_space<vmem>> -> memref<1x32xf32, #tpu.memory_space<vmem>>
        %parallel_loop3A_1329 = tpu.memref_squeeze %parallel_loop3A_1328 : memref<1x32xf32, #tpu.memory_space<vmem>> -> memref<32xf32, #tpu.memory_space<vmem>>
        %parallel_loop3A_1330 = tpu.vector_load_idx %parallel_loop3A_1329[%mul3A_3] : memref<32xf32, #tpu.memory_space<vmem>>[vector<16xi32>], vector<16xf32>,
        %parallel_loop3A_1331 = arith.constant 160 : i32
        %parallel_loop3A_1332 = tpu.memref_slice %arg5[%parallel_loop3A_1318, %parallel_loop3A_1331] : memref<16x224xf32, #tpu.memory_space<vmem>> -> memref<1x32xf32, #tpu.memory_space<vmem>>
        %parallel_loop3A_1333 = tpu.memref_squeeze %parallel_loop3A_1332 : memref<1x32xf32, #tpu.memory_space<vmem>> -> memref<32xf32, #tpu.memory_space<vmem>>
        %parallel_loop3A_1334 = tpu.vector_load_idx %parallel_loop3A_1333[%add3A_6] : memref<32xf32, #tpu.memory_space<vmem>>[vector<16xi32>], vector<16xf32>,
        %parallel_loop3A_1335 = arith.addf %parallel_loop3A_1326, %parallel_loop3A_1330 : vector<16xf32>
        %parallel_loop3A_1336 = arith.constant 5.000000e-01 : f32
        %parallel_loop3A_1337 = vector.broadcast %parallel_loop3A_1336 : f32 to vector<16xf32>
        %parallel_loop3A_1338 = arith.mulf %parallel_loop3A_1335, %parallel_loop3A_1337 : vector<16xf32>
        %parallel_loop3A_1339 = arith.addf %parallel_loop3A_1322, %parallel_loop3A_1326 : vector<16xf32>
        %parallel_loop3A_1340 = arith.addf %parallel_loop3A_1330, %parallel_loop3A_1334 : vector<16xf32>
        %parallel_loop3A_1341 = arith.addf %parallel_loop3A_1339, %parallel_loop3A_1340 : vector<16xf32>
        %parallel_loop3A_1342 = arith.constant 2.500000e-01 : f32
        %parallel_loop3A_1343 = vector.broadcast %parallel_loop3A_1342 : f32 to vector<16xf32>
        %parallel_loop3A_1344 = arith.mulf %parallel_loop3A_1341, %parallel_loop3A_1343 : vector<16xf32>
        %parallel_loop3A_1345 = arith.addf %parallel_loop3A_1338, %parallel_loop3A_1344 : vector<16xf32>
        %parallel_loop3A_1346 = arith.constant 5.000000e-01 : f32
        %parallel_loop3A_1347 = vector.broadcast %parallel_loop3A_1346 : f32 to vector<16xf32>
        %parallel_loop3A_1348 = arith.mulf %parallel_loop3A_1345, %parallel_loop3A_1347 : vector<16xf32>
        %parallel_loop3A_1349 = arith.subf %parallel_loop3A_1322, %parallel_loop3A_1348 : vector<16xf32>
        %parallel_loop3A_1350 = math.absf %parallel_loop3A_1349 : vector<16xf32>
        %parallel_loop3A_1351 = arith.subf %parallel_loop3A_1326, %parallel_loop3A_1348 : vector<16xf32>
        %parallel_loop3A_1352 = math.absf %parallel_loop3A_1351 : vector<16xf32>
        %parallel_loop3A_1353 = arith.subf %parallel_loop3A_1330, %parallel_loop3A_1348 : vector<16xf32>
        %parallel_loop3A_1354 = math.absf %parallel_loop3A_1353 : vector<16xf32>
        %parallel_loop3A_1355 = arith.subf %parallel_loop3A_1334, %parallel_loop3A_1348 : vector<16xf32>
        %parallel_loop3A_1356 = math.absf %parallel_loop3A_1355 : vector<16xf32>
        %parallel_loop3A_1357 = arith.addf %parallel_loop3A_1352, %parallel_loop3A_1354 : vector<16xf32>
        %parallel_loop3A_1358 = arith.constant 5.000000e-01 : f32
        %parallel_loop3A_1359 = vector.broadcast %parallel_loop3A_1358 : f32 to vector<16xf32>
        %parallel_loop3A_1360 = arith.mulf %parallel_loop3A_1357, %parallel_loop3A_1359 : vector<16xf32>
        %parallel_loop3A_1361 = arith.constant 9.99999974E-5 : f32
        %parallel_loop3A_1362 = vector.broadcast %parallel_loop3A_1361 : f32 to vector<16xf32>
        %parallel_loop3A_1363 = arith.addf %parallel_loop3A_1360, %parallel_loop3A_1362 : vector<16xf32>
        %parallel_loop3A_1364 = arith.addf %parallel_loop3A_1350, %parallel_loop3A_1352 : vector<16xf32>
        %parallel_loop3A_1365 = arith.addf %parallel_loop3A_1354, %parallel_loop3A_1356 : vector<16xf32>
        %parallel_loop3A_1366 = arith.addf %parallel_loop3A_1364, %parallel_loop3A_1365 : vector<16xf32>
        %parallel_loop3A_1367 = arith.constant 2.500000e-01 : f32
        %parallel_loop3A_1368 = vector.broadcast %parallel_loop3A_1367 : f32 to vector<16xf32>
        %parallel_loop3A_1369 = arith.mulf %parallel_loop3A_1366, %parallel_loop3A_1368 : vector<16xf32>
        %parallel_loop3A_1370 = arith.constant 9.99999974E-5 : f32
        %parallel_loop3A_1371 = vector.broadcast %parallel_loop3A_1370 : f32 to vector<16xf32>
        %parallel_loop3A_1372 = arith.addf %parallel_loop3A_1369, %parallel_loop3A_1371 : vector<16xf32>
        %parallel_loop3A_1373 = arith.constant 1.000000e+00 : f32
        %parallel_loop3A_1374 = vector.broadcast %parallel_loop3A_1373 : f32 to vector<16xf32>
        %parallel_loop3A_1375 = arith.divf %parallel_loop3A_1374, %parallel_loop3A_1363 : vector<16xf32>
        %parallel_loop3A_1376 = arith.constant 1.000000e+00 : f32
        %parallel_loop3A_1377 = vector.broadcast %parallel_loop3A_1376 : f32 to vector<16xf32>
        %parallel_loop3A_1378 = arith.divf %parallel_loop3A_1377, %parallel_loop3A_1372 : vector<16xf32>
        %parallel_loop3A_1379 = arith.mulf %parallel_loop3A_1375, %parallel_loop3A_1375 : vector<16xf32>
        %parallel_loop3A_1380 = arith.constant -5.000000e-01 : f32
        %parallel_loop3A_1381 = vector.broadcast %parallel_loop3A_1380 : f32 to vector<16xf32>
        %parallel_loop3A_1382 = arith.mulf %parallel_loop3A_1379, %parallel_loop3A_1381 : vector<16xf32>
        %parallel_loop3A_1383 = arith.mulf %parallel_loop3A_1378, %parallel_loop3A_1378 : vector<16xf32>
        %parallel_loop3A_1384 = arith.constant -5.000000e-01 : f32
        %parallel_loop3A_1385 = vector.broadcast %parallel_loop3A_1384 : f32 to vector<16xf32>
        %parallel_loop3A_1386 = arith.mulf %parallel_loop3A_1383, %parallel_loop3A_1385 : vector<16xf32>
        %parallel_loop3A_1387 = arith.subf %parallel_loop3A_1322, %parallel_loop3A_1338 : vector<16xf32>
        %parallel_loop3A_1388 = arith.mulf %parallel_loop3A_1387, %parallel_loop3A_1387 : vector<16xf32>
        %parallel_loop3A_1389 = arith.mulf %parallel_loop3A_1388, %parallel_loop3A_1382 : vector<16xf32>
        %parallel_loop3A_1390 = math.exp %parallel_loop3A_1389 : vector<16xf32>
        %parallel_loop3A_1391 = arith.subf %parallel_loop3A_1326, %parallel_loop3A_1338 : vector<16xf32>
        %parallel_loop3A_1392 = arith.mulf %parallel_loop3A_1391, %parallel_loop3A_1391 : vector<16xf32>
        %parallel_loop3A_1393 = arith.mulf %parallel_loop3A_1392, %parallel_loop3A_1382 : vector<16xf32>
        %parallel_loop3A_1394 = math.exp %parallel_loop3A_1393 : vector<16xf32>
        %parallel_loop3A_1395 = arith.subf %parallel_loop3A_1334, %parallel_loop3A_1338 : vector<16xf32>
        %parallel_loop3A_1396 = arith.mulf %parallel_loop3A_1395, %parallel_loop3A_1395 : vector<16xf32>
        %parallel_loop3A_1397 = arith.mulf %parallel_loop3A_1396, %parallel_loop3A_1382 : vector<16xf32>
        %parallel_loop3A_1398 = math.exp %parallel_loop3A_1397 : vector<16xf32>
        %parallel_loop3A_1399 = arith.subf %parallel_loop3A_1322, %parallel_loop3A_1344 : vector<16xf32>
        %parallel_loop3A_1400 = arith.mulf %parallel_loop3A_1399, %parallel_loop3A_1399 : vector<16xf32>
        %parallel_loop3A_1401 = arith.mulf %parallel_loop3A_1400, %parallel_loop3A_1386 : vector<16xf32>
        %parallel_loop3A_1402 = math.exp %parallel_loop3A_1401 : vector<16xf32>
        %parallel_loop3A_1403 = arith.subf %parallel_loop3A_1326, %parallel_loop3A_1344 : vector<16xf32>
        %parallel_loop3A_1404 = arith.mulf %parallel_loop3A_1403, %parallel_loop3A_1403 : vector<16xf32>
        %parallel_loop3A_1405 = arith.mulf %parallel_loop3A_1404, %parallel_loop3A_1386 : vector<16xf32>
        %parallel_loop3A_1406 = math.exp %parallel_loop3A_1405 : vector<16xf32>
        %parallel_loop3A_1407 = arith.subf %parallel_loop3A_1330, %parallel_loop3A_1344 : vector<16xf32>
        %parallel_loop3A_1408 = arith.mulf %parallel_loop3A_1407, %parallel_loop3A_1407 : vector<16xf32>
        %parallel_loop3A_1409 = arith.mulf %parallel_loop3A_1408, %parallel_loop3A_1386 : vector<16xf32>
        %parallel_loop3A_1410 = math.exp %parallel_loop3A_1409 : vector<16xf32>
        %parallel_loop3A_1411 = arith.subf %parallel_loop3A_1334, %parallel_loop3A_1344 : vector<16xf32>
        %parallel_loop3A_1412 = arith.mulf %parallel_loop3A_1411, %parallel_loop3A_1411 : vector<16xf32>
        %parallel_loop3A_1413 = arith.mulf %parallel_loop3A_1412, %parallel_loop3A_1386 : vector<16xf32>
        %parallel_loop3A_1414 = math.exp %parallel_loop3A_1413 : vector<16xf32>
        %parallel_loop3A_1415 = arith.maximumf %parallel_loop3A_1390, %parallel_loop3A_1402 : vector<16xf32>
        %parallel_loop3A_1416 = arith.maximumf %parallel_loop3A_1394, %parallel_loop3A_1406 : vector<16xf32>
        %parallel_loop3A_1417 = arith.minimumf %parallel_loop3A_1415, %parallel_loop3A_1416 : vector<16xf32>
        %parallel_loop3A_1418 = arith.maximumf %parallel_loop3A_1394, %parallel_loop3A_1410 : vector<16xf32>
        %parallel_loop3A_1419 = arith.maximumf %parallel_loop3A_1398, %parallel_loop3A_1414 : vector<16xf32>
        %parallel_loop3A_1420 = arith.minimumf %parallel_loop3A_1418, %parallel_loop3A_1419 : vector<16xf32>
        %parallel_loop3A_1421 = arith.minimumf %parallel_loop3A_1417, %parallel_loop3A_1420 : vector<16xf32>
        %parallel_loop3A_1422 = arith.addf %parallel_loop3A_1390, %parallel_loop3A_1402 : vector<16xf32>
        %parallel_loop3A_1423 = arith.addf %parallel_loop3A_1394, %parallel_loop3A_1406 : vector<16xf32>
        %parallel_loop3A_1424 = arith.addf %parallel_loop3A_1394, %parallel_loop3A_1410 : vector<16xf32>
        %parallel_loop3A_1425 = arith.addf %parallel_loop3A_1398, %parallel_loop3A_1414 : vector<16xf32>
        %parallel_loop3A_1426 = arith.addf %parallel_loop3A_1421, %parallel_loop3A_1421 : vector<16xf32>
        %parallel_loop3A_1427 = arith.cmpf oge, %parallel_loop3A_1423, %parallel_loop3A_1426 : vector<16xf32>
        %parallel_loop3A_1428 = arith.constant dense<true> : vector<16xi1>
        %parallel_loop3A_1429 = arith.xori %parallel_loop3A_1427, %parallel_loop3A_1428 : vector<16xi1>
        %parallel_loop3A_1430 = arith.constant 1.000000e-03 : f32
        %parallel_loop3A_1431 = vector.broadcast %parallel_loop3A_1430 : f32 to vector<16xf32>
        %parallel_loop3A_1432 = arith.cmpf olt, %parallel_loop3A_1372, %parallel_loop3A_1431 : vector<16xf32>
        %parallel_loop3A_1433 = arith.andi %parallel_loop3A_1429, %parallel_loop3A_1432 : vector<16xi1>
        %parallel_loop3A_1434 = arith.mulf %parallel_loop3A_1422, %parallel_loop3A_1322 : vector<16xf32>
        %parallel_loop3A_1435 = arith.mulf %parallel_loop3A_1423, %parallel_loop3A_1326 : vector<16xf32>
        %parallel_loop3A_1436 = arith.addf %parallel_loop3A_1434, %parallel_loop3A_1435 : vector<16xf32>
        %parallel_loop3A_1437 = arith.mulf %parallel_loop3A_1424, %parallel_loop3A_1330 : vector<16xf32>
        %parallel_loop3A_1438 = arith.mulf %parallel_loop3A_1425, %parallel_loop3A_1334 : vector<16xf32>
        %parallel_loop3A_1439 = arith.addf %parallel_loop3A_1437, %parallel_loop3A_1438 : vector<16xf32>
        %parallel_loop3A_1440 = arith.addf %parallel_loop3A_1436, %parallel_loop3A_1439 : vector<16xf32>
        %parallel_loop3A_1441 = arith.addf %parallel_loop3A_1422, %parallel_loop3A_1423 : vector<16xf32>
        %parallel_loop3A_1442 = arith.addf %parallel_loop3A_1424, %parallel_loop3A_1425 : vector<16xf32>
        %parallel_loop3A_1443 = arith.addf %parallel_loop3A_1441, %parallel_loop3A_1442 : vector<16xf32>
        %parallel_loop3A_1444 = arith.divf %parallel_loop3A_1440, %parallel_loop3A_1443 : vector<16xf32>
        %parallel_loop3A_1445 = arith.select %parallel_loop3A_1433, %parallel_loop3A_1348, %parallel_loop3A_1444 : vector<16xi1>, vector<16xf32>
        %parallel_loop3A_1446 = arith.select %parallel_loop3A_1427, %parallel_loop3A_1344, %parallel_loop3A_1445 : vector<16xi1>, vector<16xf32>
        %parallel_loop3A_1447 = arith.index_cast %parallel_loop3A_627 : i32 to index
        %parallel_loop3A_1448 = arith.constant 80 : index
        %parallel_loop3A_1449 = tpu.vector_load %arg7[%parallel_loop3A_1447, %parallel_loop3A_1448] {strides = array<i32>} : memref<8x112xf32, #tpu.memory_space<vmem>>, vector<16xf32>,
        tpu.vector_store %arg7[%parallel_loop3A_1447, %parallel_loop3A_1448], %parallel_loop3A_1446 {strides = array<i32>} : memref<8x112xf32, #tpu.memory_space<vmem>>, vector<16xf32>,
        %parallel_loop3A_1450 = arith.constant 2 : i32
        %parallel_loop3A_1451 = arith.muli %parallel_loop3A_1450, %parallel_loop3A_627 : i32
        %parallel_loop3A_1452 = arith.constant 2 : i32
        %parallel_loop3A_1453 = arith.muli %parallel_loop3A_1452, %parallel_loop3A_627 : i32
        %parallel_loop3A_1454 = arith.constant 1 : i32
        %parallel_loop3A_1455 = arith.addi %parallel_loop3A_1453, %parallel_loop3A_1454 : i32
        %parallel_loop3A_1456 = arith.constant 192 : i32
        %parallel_loop3A_1457 = tpu.memref_slice %arg5[%parallel_loop3A_1451, %parallel_loop3A_1456] : memref<16x224xf32, #tpu.memory_space<vmem>> -> memref<1x32xf32, #tpu.memory_space<vmem>>
        %parallel_loop3A_1458 = tpu.memref_squeeze %parallel_loop3A_1457 : memref<1x32xf32, #tpu.memory_space<vmem>> -> memref<32xf32, #tpu.memory_space<vmem>>
        %parallel_loop3A_1459 = tpu.vector_load_idx %parallel_loop3A_1458[%mul3A_3] : memref<32xf32, #tpu.memory_space<vmem>>[vector<16xi32>], vector<16xf32>,
        %parallel_loop3A_1460 = arith.constant 192 : i32
        %parallel_loop3A_1461 = tpu.memref_slice %arg5[%parallel_loop3A_1451, %parallel_loop3A_1460] : memref<16x224xf32, #tpu.memory_space<vmem>> -> memref<1x32xf32, #tpu.memory_space<vmem>>
        %parallel_loop3A_1462 = tpu.memref_squeeze %parallel_loop3A_1461 : memref<1x32xf32, #tpu.memory_space<vmem>> -> memref<32xf32, #tpu.memory_space<vmem>>
        %parallel_loop3A_1463 = tpu.vector_load_idx %parallel_loop3A_1462[%add3A_6] : memref<32xf32, #tpu.memory_space<vmem>>[vector<16xi32>], vector<16xf32>,
        %parallel_loop3A_1464 = arith.constant 192 : i32
        %parallel_loop3A_1465 = tpu.memref_slice %arg5[%parallel_loop3A_1455, %parallel_loop3A_1464] : memref<16x224xf32, #tpu.memory_space<vmem>> -> memref<1x32xf32, #tpu.memory_space<vmem>>
        %parallel_loop3A_1466 = tpu.memref_squeeze %parallel_loop3A_1465 : memref<1x32xf32, #tpu.memory_space<vmem>> -> memref<32xf32, #tpu.memory_space<vmem>>
        %parallel_loop3A_1467 = tpu.vector_load_idx %parallel_loop3A_1466[%mul3A_3] : memref<32xf32, #tpu.memory_space<vmem>>[vector<16xi32>], vector<16xf32>,
        %parallel_loop3A_1468 = arith.constant 192 : i32
        %parallel_loop3A_1469 = tpu.memref_slice %arg5[%parallel_loop3A_1455, %parallel_loop3A_1468] : memref<16x224xf32, #tpu.memory_space<vmem>> -> memref<1x32xf32, #tpu.memory_space<vmem>>
        %parallel_loop3A_1470 = tpu.memref_squeeze %parallel_loop3A_1469 : memref<1x32xf32, #tpu.memory_space<vmem>> -> memref<32xf32, #tpu.memory_space<vmem>>
        %parallel_loop3A_1471 = tpu.vector_load_idx %parallel_loop3A_1470[%add3A_6] : memref<32xf32, #tpu.memory_space<vmem>>[vector<16xi32>], vector<16xf32>,
        %parallel_loop3A_1472 = arith.addf %parallel_loop3A_1463, %parallel_loop3A_1467 : vector<16xf32>
        %parallel_loop3A_1473 = arith.constant 5.000000e-01 : f32
        %parallel_loop3A_1474 = vector.broadcast %parallel_loop3A_1473 : f32 to vector<16xf32>
        %parallel_loop3A_1475 = arith.mulf %parallel_loop3A_1472, %parallel_loop3A_1474 : vector<16xf32>
        %parallel_loop3A_1476 = arith.addf %parallel_loop3A_1459, %parallel_loop3A_1463 : vector<16xf32>
        %parallel_loop3A_1477 = arith.addf %parallel_loop3A_1467, %parallel_loop3A_1471 : vector<16xf32>
        %parallel_loop3A_1478 = arith.addf %parallel_loop3A_1476, %parallel_loop3A_1477 : vector<16xf32>
        %parallel_loop3A_1479 = arith.constant 2.500000e-01 : f32
        %parallel_loop3A_1480 = vector.broadcast %parallel_loop3A_1479 : f32 to vector<16xf32>
        %parallel_loop3A_1481 = arith.mulf %parallel_loop3A_1478, %parallel_loop3A_1480 : vector<16xf32>
        %parallel_loop3A_1482 = arith.addf %parallel_loop3A_1475, %parallel_loop3A_1481 : vector<16xf32>
        %parallel_loop3A_1483 = arith.constant 5.000000e-01 : f32
        %parallel_loop3A_1484 = vector.broadcast %parallel_loop3A_1483 : f32 to vector<16xf32>
        %parallel_loop3A_1485 = arith.mulf %parallel_loop3A_1482, %parallel_loop3A_1484 : vector<16xf32>
        %parallel_loop3A_1486 = arith.subf %parallel_loop3A_1459, %parallel_loop3A_1485 : vector<16xf32>
        %parallel_loop3A_1487 = math.absf %parallel_loop3A_1486 : vector<16xf32>
        %parallel_loop3A_1488 = arith.subf %parallel_loop3A_1463, %parallel_loop3A_1485 : vector<16xf32>
        %parallel_loop3A_1489 = math.absf %parallel_loop3A_1488 : vector<16xf32>
        %parallel_loop3A_1490 = arith.subf %parallel_loop3A_1467, %parallel_loop3A_1485 : vector<16xf32>
        %parallel_loop3A_1491 = math.absf %parallel_loop3A_1490 : vector<16xf32>
        %parallel_loop3A_1492 = arith.subf %parallel_loop3A_1471, %parallel_loop3A_1485 : vector<16xf32>
        %parallel_loop3A_1493 = math.absf %parallel_loop3A_1492 : vector<16xf32>
        %parallel_loop3A_1494 = arith.addf %parallel_loop3A_1489, %parallel_loop3A_1491 : vector<16xf32>
        %parallel_loop3A_1495 = arith.constant 5.000000e-01 : f32
        %parallel_loop3A_1496 = vector.broadcast %parallel_loop3A_1495 : f32 to vector<16xf32>
        %parallel_loop3A_1497 = arith.mulf %parallel_loop3A_1494, %parallel_loop3A_1496 : vector<16xf32>
        %parallel_loop3A_1498 = arith.constant 9.99999974E-5 : f32
        %parallel_loop3A_1499 = vector.broadcast %parallel_loop3A_1498 : f32 to vector<16xf32>
        %parallel_loop3A_1500 = arith.addf %parallel_loop3A_1497, %parallel_loop3A_1499 : vector<16xf32>
        %parallel_loop3A_1501 = arith.addf %parallel_loop3A_1487, %parallel_loop3A_1489 : vector<16xf32>
        %parallel_loop3A_1502 = arith.addf %parallel_loop3A_1491, %parallel_loop3A_1493 : vector<16xf32>
        %parallel_loop3A_1503 = arith.addf %parallel_loop3A_1501, %parallel_loop3A_1502 : vector<16xf32>
        %parallel_loop3A_1504 = arith.constant 2.500000e-01 : f32
        %parallel_loop3A_1505 = vector.broadcast %parallel_loop3A_1504 : f32 to vector<16xf32>
        %parallel_loop3A_1506 = arith.mulf %parallel_loop3A_1503, %parallel_loop3A_1505 : vector<16xf32>
        %parallel_loop3A_1507 = arith.constant 9.99999974E-5 : f32
        %parallel_loop3A_1508 = vector.broadcast %parallel_loop3A_1507 : f32 to vector<16xf32>
        %parallel_loop3A_1509 = arith.addf %parallel_loop3A_1506, %parallel_loop3A_1508 : vector<16xf32>
        %parallel_loop3A_1510 = arith.constant 1.000000e+00 : f32
        %parallel_loop3A_1511 = vector.broadcast %parallel_loop3A_1510 : f32 to vector<16xf32>
        %parallel_loop3A_1512 = arith.divf %parallel_loop3A_1511, %parallel_loop3A_1500 : vector<16xf32>
        %parallel_loop3A_1513 = arith.constant 1.000000e+00 : f32
        %parallel_loop3A_1514 = vector.broadcast %parallel_loop3A_1513 : f32 to vector<16xf32>
        %parallel_loop3A_1515 = arith.divf %parallel_loop3A_1514, %parallel_loop3A_1509 : vector<16xf32>
        %parallel_loop3A_1516 = arith.mulf %parallel_loop3A_1512, %parallel_loop3A_1512 : vector<16xf32>
        %parallel_loop3A_1517 = arith.constant -5.000000e-01 : f32
        %parallel_loop3A_1518 = vector.broadcast %parallel_loop3A_1517 : f32 to vector<16xf32>
        %parallel_loop3A_1519 = arith.mulf %parallel_loop3A_1516, %parallel_loop3A_1518 : vector<16xf32>
        %parallel_loop3A_1520 = arith.mulf %parallel_loop3A_1515, %parallel_loop3A_1515 : vector<16xf32>
        %parallel_loop3A_1521 = arith.constant -5.000000e-01 : f32
        %parallel_loop3A_1522 = vector.broadcast %parallel_loop3A_1521 : f32 to vector<16xf32>
        %parallel_loop3A_1523 = arith.mulf %parallel_loop3A_1520, %parallel_loop3A_1522 : vector<16xf32>
        %parallel_loop3A_1524 = arith.subf %parallel_loop3A_1459, %parallel_loop3A_1475 : vector<16xf32>
        %parallel_loop3A_1525 = arith.mulf %parallel_loop3A_1524, %parallel_loop3A_1524 : vector<16xf32>
        %parallel_loop3A_1526 = arith.mulf %parallel_loop3A_1525, %parallel_loop3A_1519 : vector<16xf32>
        %parallel_loop3A_1527 = math.exp %parallel_loop3A_1526 : vector<16xf32>
        %parallel_loop3A_1528 = arith.subf %parallel_loop3A_1463, %parallel_loop3A_1475 : vector<16xf32>
        %parallel_loop3A_1529 = arith.mulf %parallel_loop3A_1528, %parallel_loop3A_1528 : vector<16xf32>
        %parallel_loop3A_1530 = arith.mulf %parallel_loop3A_1529, %parallel_loop3A_1519 : vector<16xf32>
        %parallel_loop3A_1531 = math.exp %parallel_loop3A_1530 : vector<16xf32>
        %parallel_loop3A_1532 = arith.subf %parallel_loop3A_1471, %parallel_loop3A_1475 : vector<16xf32>
        %parallel_loop3A_1533 = arith.mulf %parallel_loop3A_1532, %parallel_loop3A_1532 : vector<16xf32>
        %parallel_loop3A_1534 = arith.mulf %parallel_loop3A_1533, %parallel_loop3A_1519 : vector<16xf32>
        %parallel_loop3A_1535 = math.exp %parallel_loop3A_1534 : vector<16xf32>
        %parallel_loop3A_1536 = arith.subf %parallel_loop3A_1459, %parallel_loop3A_1481 : vector<16xf32>
        %parallel_loop3A_1537 = arith.mulf %parallel_loop3A_1536, %parallel_loop3A_1536 : vector<16xf32>
        %parallel_loop3A_1538 = arith.mulf %parallel_loop3A_1537, %parallel_loop3A_1523 : vector<16xf32>
        %parallel_loop3A_1539 = math.exp %parallel_loop3A_1538 : vector<16xf32>
        %parallel_loop3A_1540 = arith.subf %parallel_loop3A_1463, %parallel_loop3A_1481 : vector<16xf32>
        %parallel_loop3A_1541 = arith.mulf %parallel_loop3A_1540, %parallel_loop3A_1540 : vector<16xf32>
        %parallel_loop3A_1542 = arith.mulf %parallel_loop3A_1541, %parallel_loop3A_1523 : vector<16xf32>
        %parallel_loop3A_1543 = math.exp %parallel_loop3A_1542 : vector<16xf32>
        %parallel_loop3A_1544 = arith.subf %parallel_loop3A_1467, %parallel_loop3A_1481 : vector<16xf32>
        %parallel_loop3A_1545 = arith.mulf %parallel_loop3A_1544, %parallel_loop3A_1544 : vector<16xf32>
        %parallel_loop3A_1546 = arith.mulf %parallel_loop3A_1545, %parallel_loop3A_1523 : vector<16xf32>
        %parallel_loop3A_1547 = math.exp %parallel_loop3A_1546 : vector<16xf32>
        %parallel_loop3A_1548 = arith.subf %parallel_loop3A_1471, %parallel_loop3A_1481 : vector<16xf32>
        %parallel_loop3A_1549 = arith.mulf %parallel_loop3A_1548, %parallel_loop3A_1548 : vector<16xf32>
        %parallel_loop3A_1550 = arith.mulf %parallel_loop3A_1549, %parallel_loop3A_1523 : vector<16xf32>
        %parallel_loop3A_1551 = math.exp %parallel_loop3A_1550 : vector<16xf32>
        %parallel_loop3A_1552 = arith.maximumf %parallel_loop3A_1527, %parallel_loop3A_1539 : vector<16xf32>
        %parallel_loop3A_1553 = arith.maximumf %parallel_loop3A_1531, %parallel_loop3A_1543 : vector<16xf32>
        %parallel_loop3A_1554 = arith.minimumf %parallel_loop3A_1552, %parallel_loop3A_1553 : vector<16xf32>
        %parallel_loop3A_1555 = arith.maximumf %parallel_loop3A_1531, %parallel_loop3A_1547 : vector<16xf32>
        %parallel_loop3A_1556 = arith.maximumf %parallel_loop3A_1535, %parallel_loop3A_1551 : vector<16xf32>
        %parallel_loop3A_1557 = arith.minimumf %parallel_loop3A_1555, %parallel_loop3A_1556 : vector<16xf32>
        %parallel_loop3A_1558 = arith.minimumf %parallel_loop3A_1554, %parallel_loop3A_1557 : vector<16xf32>
        %parallel_loop3A_1559 = arith.addf %parallel_loop3A_1527, %parallel_loop3A_1539 : vector<16xf32>
        %parallel_loop3A_1560 = arith.addf %parallel_loop3A_1531, %parallel_loop3A_1543 : vector<16xf32>
        %parallel_loop3A_1561 = arith.addf %parallel_loop3A_1531, %parallel_loop3A_1547 : vector<16xf32>
        %parallel_loop3A_1562 = arith.addf %parallel_loop3A_1535, %parallel_loop3A_1551 : vector<16xf32>
        %parallel_loop3A_1563 = arith.addf %parallel_loop3A_1558, %parallel_loop3A_1558 : vector<16xf32>
        %parallel_loop3A_1564 = arith.cmpf oge, %parallel_loop3A_1560, %parallel_loop3A_1563 : vector<16xf32>
        %parallel_loop3A_1565 = arith.constant dense<true> : vector<16xi1>
        %parallel_loop3A_1566 = arith.xori %parallel_loop3A_1564, %parallel_loop3A_1565 : vector<16xi1>
        %parallel_loop3A_1567 = arith.constant 1.000000e-03 : f32
        %parallel_loop3A_1568 = vector.broadcast %parallel_loop3A_1567 : f32 to vector<16xf32>
        %parallel_loop3A_1569 = arith.cmpf olt, %parallel_loop3A_1509, %parallel_loop3A_1568 : vector<16xf32>
        %parallel_loop3A_1570 = arith.andi %parallel_loop3A_1566, %parallel_loop3A_1569 : vector<16xi1>
        %parallel_loop3A_1571 = arith.mulf %parallel_loop3A_1559, %parallel_loop3A_1459 : vector<16xf32>
        %parallel_loop3A_1572 = arith.mulf %parallel_loop3A_1560, %parallel_loop3A_1463 : vector<16xf32>
        %parallel_loop3A_1573 = arith.addf %parallel_loop3A_1571, %parallel_loop3A_1572 : vector<16xf32>
        %parallel_loop3A_1574 = arith.mulf %parallel_loop3A_1561, %parallel_loop3A_1467 : vector<16xf32>
        %parallel_loop3A_1575 = arith.mulf %parallel_loop3A_1562, %parallel_loop3A_1471 : vector<16xf32>
        %parallel_loop3A_1576 = arith.addf %parallel_loop3A_1574, %parallel_loop3A_1575 : vector<16xf32>
        %parallel_loop3A_1577 = arith.addf %parallel_loop3A_1573, %parallel_loop3A_1576 : vector<16xf32>
        %parallel_loop3A_1578 = arith.addf %parallel_loop3A_1559, %parallel_loop3A_1560 : vector<16xf32>
        %parallel_loop3A_1579 = arith.addf %parallel_loop3A_1561, %parallel_loop3A_1562 : vector<16xf32>
        %parallel_loop3A_1580 = arith.addf %parallel_loop3A_1578, %parallel_loop3A_1579 : vector<16xf32>
        %parallel_loop3A_1581 = arith.divf %parallel_loop3A_1577, %parallel_loop3A_1580 : vector<16xf32>
        %parallel_loop3A_1582 = arith.select %parallel_loop3A_1570, %parallel_loop3A_1485, %parallel_loop3A_1581 : vector<16xi1>, vector<16xf32>
        %parallel_loop3A_1583 = arith.select %parallel_loop3A_1564, %parallel_loop3A_1481, %parallel_loop3A_1582 : vector<16xi1>, vector<16xf32>
        %parallel_loop3A_1584 = arith.index_cast %parallel_loop3A_627 : i32 to index
        %parallel_loop3A_1585 = arith.constant 96 : index
        %parallel_loop3A_1586 = tpu.vector_load %arg7[%parallel_loop3A_1584, %parallel_loop3A_1585] {strides = array<i32>} : memref<8x112xf32, #tpu.memory_space<vmem>>, vector<16xf32>,
        tpu.vector_store %arg7[%parallel_loop3A_1584, %parallel_loop3A_1585], %parallel_loop3A_1583 {strides = array<i32>} : memref<8x112xf32, #tpu.memory_space<vmem>>, vector<16xf32>,
      } {sc.loop_unroll_factor = 2 : i64, sc.parallel_access}
      %add3A_444 = arith.constant 1 : i32
      %add3A_445 = arith.addi %add3A_231, %add3A_444 : i32
      %jit3A_446 = arith.constant 14 : i32
      %div3A_447 = arith.divsi %add3A_445, %jit3A_446 : i32
      %sign3A_448 = arith.constant 0 : i32
      %sign3A_449 = arith.cmpi sgt, %add3A_445, %sign3A_448 : i32
      %sign3A_450 = arith.extui %sign3A_449 : i1 to i32
      %sign3A_451 = arith.constant 0 : i32
      %sign3A_452 = arith.cmpi slt, %add3A_445, %sign3A_451 : i32
      %sign3A_453 = arith.extui %sign3A_452 : i1 to i32
      %sign3A_454 = arith.subi %sign3A_450, %sign3A_453 : i32
      %sign3A_455 = arith.constant 0 : i32
      %sign3A_456 = arith.cmpi sgt, %jit3A_446, %sign3A_455 : i32
      %sign3A_457 = arith.extui %sign3A_456 : i1 to i32
      %sign3A_458 = arith.constant 0 : i32
      %sign3A_459 = arith.cmpi slt, %jit3A_446, %sign3A_458 : i32
      %sign3A_460 = arith.extui %sign3A_459 : i1 to i32
      %sign3A_461 = arith.subi %sign3A_457, %sign3A_460 : i32
      %ne3A_462 = arith.cmpi ne, %sign3A_454, %sign3A_461 : i32
      %rem3A_463 = arith.remsi %add3A_445, %jit3A_446 : i32
      %ne3A_464 = arith.constant 0 : i32
      %ne3A_465 = arith.cmpi ne, %rem3A_463, %ne3A_464 : i32
      %and3A_466 = arith.andi %ne3A_462, %ne3A_465 : i1
      %sub3A_467 = arith.constant 1 : i32
      %sub3A_468 = arith.subi %div3A_447, %sub3A_467 : i32
      %select_n3A_469 = arith.select %and3A_466, %sub3A_468, %div3A_447 : i32
      %jit3A_470 = arith.constant 14 : i32
      %eq3A_471 = arith.constant 0 : i32
      %eq3A_472 = arith.cmpi eq, %jit3A_470, %eq3A_471 : i32
      %jit3A_473 = arith.constant 1 : i32
      %select_n3A_474 = arith.select %eq3A_472, %jit3A_473, %jit3A_470 : i32
      %rem3A_475 = arith.remsi %add3A_445, %select_n3A_474 : i32
      %ne3A_476 = arith.constant 0 : i32
      %ne3A_477 = arith.cmpi ne, %rem3A_475, %ne3A_476 : i32
      %lt3A_478 = arith.constant 0 : i32
      %lt3A_479 = arith.cmpi slt, %rem3A_475, %lt3A_478 : i32
      %lt3A_480 = arith.constant 0 : i32
      %lt3A_481 = arith.cmpi slt, %select_n3A_474, %lt3A_480 : i32
      %ne3A_482 = arith.xori %lt3A_479, %lt3A_481 : i1
      %and3A_483 = arith.andi %ne3A_482, %ne3A_477 : i1
      %add3A_484 = arith.addi %rem3A_475, %select_n3A_474 : i32
      %select_n3A_485 = arith.select %and3A_483, %add3A_484, %rem3A_475 : i32
      %jit3A_486 = arith.constant 56 : i32
      %div3A_487 = arith.divsi %select_n3A_469, %jit3A_486 : i32
      %sign3A_488 = arith.constant 0 : i32
      %sign3A_489 = arith.cmpi sgt, %select_n3A_469, %sign3A_488 : i32
      %sign3A_490 = arith.extui %sign3A_489 : i1 to i32
      %sign3A_491 = arith.constant 0 : i32
      %sign3A_492 = arith.cmpi slt, %select_n3A_469, %sign3A_491 : i32
      %sign3A_493 = arith.extui %sign3A_492 : i1 to i32
      %sign3A_494 = arith.subi %sign3A_490, %sign3A_493 : i32
      %sign3A_495 = arith.constant 0 : i32
      %sign3A_496 = arith.cmpi sgt, %jit3A_486, %sign3A_495 : i32
      %sign3A_497 = arith.extui %sign3A_496 : i1 to i32
      %sign3A_498 = arith.constant 0 : i32
      %sign3A_499 = arith.cmpi slt, %jit3A_486, %sign3A_498 : i32
      %sign3A_500 = arith.extui %sign3A_499 : i1 to i32
      %sign3A_501 = arith.subi %sign3A_497, %sign3A_500 : i32
      %ne3A_502 = arith.cmpi ne, %sign3A_494, %sign3A_501 : i32
      %rem3A_503 = arith.remsi %select_n3A_469, %jit3A_486 : i32
      %ne3A_504 = arith.constant 0 : i32
      %ne3A_505 = arith.cmpi ne, %rem3A_503, %ne3A_504 : i32
      %and3A_506 = arith.andi %ne3A_502, %ne3A_505 : i1
      %sub3A_507 = arith.constant 1 : i32
      %sub3A_508 = arith.subi %div3A_487, %sub3A_507 : i32
      %select_n3A_509 = arith.select %and3A_506, %sub3A_508, %div3A_487 : i32
      %jit3A_510 = arith.constant 56 : i32
      %eq3A_511 = arith.constant 0 : i32
      %eq3A_512 = arith.cmpi eq, %jit3A_510, %eq3A_511 : i32
      %jit3A_513 = arith.constant 1 : i32
      %select_n3A_514 = arith.select %eq3A_512, %jit3A_513, %jit3A_510 : i32
      %rem3A_515 = arith.remsi %select_n3A_469, %select_n3A_514 : i32
      %ne3A_516 = arith.constant 0 : i32
      %ne3A_517 = arith.cmpi ne, %rem3A_515, %ne3A_516 : i32
      %lt3A_518 = arith.constant 0 : i32
      %lt3A_519 = arith.cmpi slt, %rem3A_515, %lt3A_518 : i32
      %lt3A_520 = arith.constant 0 : i32
      %lt3A_521 = arith.cmpi slt, %select_n3A_514, %lt3A_520 : i32
      %ne3A_522 = arith.xori %lt3A_519, %lt3A_521 : i1
      %and3A_523 = arith.andi %ne3A_522, %ne3A_517 : i1
      %add3A_524 = arith.addi %rem3A_515, %select_n3A_514 : i32
      %select_n3A_525 = arith.select %and3A_523, %add3A_524, %rem3A_515 : i32
      %mul3A_526 = arith.constant 8 : i32
      %mul3A_527 = arith.muli %select_n3A_485, %mul3A_526 : i32
      %dma_start3A_528 = arith.constant 0 : i32
      %dma_start3A_529 = tpu.memref_slice %arg3[%select_n3A_509, %select_n3A_525, %mul3A_527, %dma_start3A_528] : memref<4x56x112x112xf32, #tpu.memory_space<hbm>> -> memref<1x1x8x112xf32, #tpu.memory_space<hbm>>
      %dma_start3A_530 = tpu.memref_squeeze %dma_start3A_529 : memref<1x1x8x112xf32, #tpu.memory_space<hbm>> -> memref<8x112xf32, #tpu.memory_space<hbm>>
      %dma_start3A_531 = arith.constant 0 : i32
      %dma_start3A_532 = tpu.memref_slice %arg3[%select_n3A_509, %select_n3A_525, %mul3A_527, %dma_start3A_531] : memref<4x56x112x112xf32, #tpu.memory_space<hbm>> -> memref<1x1x8x112xf32, #tpu.memory_space<hbm>>
      %dma_start3A_533 = tpu.memref_squeeze %dma_start3A_532 : memref<1x1x8x112xf32, #tpu.memory_space<hbm>> -> memref<8x112xf32, #tpu.memory_space<hbm>>
      tpu.enqueue_dma source(%arg7 : memref<8x112xf32, #tpu.memory_space<vmem>>) target(%dma_start3A_533 : memref<8x112xf32, #tpu.memory_space<hbm>>) target_semaphore(%arg11 : memref<!tpu.dma_semaphore, #tpu.memory_space<semaphore_mem>>)
      %add3A_534 = arith.constant 3 : i32
      %add3A_535 = arith.addi %add3A_231, %add3A_534 : i32
      %min3A_536 = arith.minsi %add3A_535, %sub3A_11 : i32
      %jit3A_537 = arith.constant 14 : i32
      %div3A_538 = arith.divsi %min3A_536, %jit3A_537 : i32
      %sign3A_539 = arith.constant 0 : i32
      %sign3A_540 = arith.cmpi sgt, %min3A_536, %sign3A_539 : i32
      %sign3A_541 = arith.extui %sign3A_540 : i1 to i32
      %sign3A_542 = arith.constant 0 : i32
      %sign3A_543 = arith.cmpi slt, %min3A_536, %sign3A_542 : i32
      %sign3A_544 = arith.extui %sign3A_543 : i1 to i32
      %sign3A_545 = arith.subi %sign3A_541, %sign3A_544 : i32
      %sign3A_546 = arith.constant 0 : i32
      %sign3A_547 = arith.cmpi sgt, %jit3A_537, %sign3A_546 : i32
      %sign3A_548 = arith.extui %sign3A_547 : i1 to i32
      %sign3A_549 = arith.constant 0 : i32
      %sign3A_550 = arith.cmpi slt, %jit3A_537, %sign3A_549 : i32
      %sign3A_551 = arith.extui %sign3A_550 : i1 to i32
      %sign3A_552 = arith.subi %sign3A_548, %sign3A_551 : i32
      %ne3A_553 = arith.cmpi ne, %sign3A_545, %sign3A_552 : i32
      %rem3A_554 = arith.remsi %min3A_536, %jit3A_537 : i32
      %ne3A_555 = arith.constant 0 : i32
      %ne3A_556 = arith.cmpi ne, %rem3A_554, %ne3A_555 : i32
      %and3A_557 = arith.andi %ne3A_553, %ne3A_556 : i1
      %sub3A_558 = arith.constant 1 : i32
      %sub3A_559 = arith.subi %div3A_538, %sub3A_558 : i32
      %select_n3A_560 = arith.select %and3A_557, %sub3A_559, %div3A_538 : i32
      %jit3A_561 = arith.constant 14 : i32
      %eq3A_562 = arith.constant 0 : i32
      %eq3A_563 = arith.cmpi eq, %jit3A_561, %eq3A_562 : i32
      %jit3A_564 = arith.constant 1 : i32
      %select_n3A_565 = arith.select %eq3A_563, %jit3A_564, %jit3A_561 : i32
      %rem3A_566 = arith.remsi %min3A_536, %select_n3A_565 : i32
      %ne3A_567 = arith.constant 0 : i32
      %ne3A_568 = arith.cmpi ne, %rem3A_566, %ne3A_567 : i32
      %lt3A_569 = arith.constant 0 : i32
      %lt3A_570 = arith.cmpi slt, %rem3A_566, %lt3A_569 : i32
      %lt3A_571 = arith.constant 0 : i32
      %lt3A_572 = arith.cmpi slt, %select_n3A_565, %lt3A_571 : i32
      %ne3A_573 = arith.xori %lt3A_570, %lt3A_572 : i1
      %and3A_574 = arith.andi %ne3A_573, %ne3A_568 : i1
      %add3A_575 = arith.addi %rem3A_566, %select_n3A_565 : i32
      %select_n3A_576 = arith.select %and3A_574, %add3A_575, %rem3A_566 : i32
      %jit3A_577 = arith.constant 56 : i32
      %div3A_578 = arith.divsi %select_n3A_560, %jit3A_577 : i32
      %sign3A_579 = arith.constant 0 : i32
      %sign3A_580 = arith.cmpi sgt, %select_n3A_560, %sign3A_579 : i32
      %sign3A_581 = arith.extui %sign3A_580 : i1 to i32
      %sign3A_582 = arith.constant 0 : i32
      %sign3A_583 = arith.cmpi slt, %select_n3A_560, %sign3A_582 : i32
      %sign3A_584 = arith.extui %sign3A_583 : i1 to i32
      %sign3A_585 = arith.subi %sign3A_581, %sign3A_584 : i32
      %sign3A_586 = arith.constant 0 : i32
      %sign3A_587 = arith.cmpi sgt, %jit3A_577, %sign3A_586 : i32
      %sign3A_588 = arith.extui %sign3A_587 : i1 to i32
      %sign3A_589 = arith.constant 0 : i32
      %sign3A_590 = arith.cmpi slt, %jit3A_577, %sign3A_589 : i32
      %sign3A_591 = arith.extui %sign3A_590 : i1 to i32
      %sign3A_592 = arith.subi %sign3A_588, %sign3A_591 : i32
      %ne3A_593 = arith.cmpi ne, %sign3A_585, %sign3A_592 : i32
      %rem3A_594 = arith.remsi %select_n3A_560, %jit3A_577 : i32
      %ne3A_595 = arith.constant 0 : i32
      %ne3A_596 = arith.cmpi ne, %rem3A_594, %ne3A_595 : i32
      %and3A_597 = arith.andi %ne3A_593, %ne3A_596 : i1
      %sub3A_598 = arith.constant 1 : i32
      %sub3A_599 = arith.subi %div3A_578, %sub3A_598 : i32
      %select_n3A_600 = arith.select %and3A_597, %sub3A_599, %div3A_578 : i32
      %jit3A_601 = arith.constant 56 : i32
      %eq3A_602 = arith.constant 0 : i32
      %eq3A_603 = arith.cmpi eq, %jit3A_601, %eq3A_602 : i32
      %jit3A_604 = arith.constant 1 : i32
      %select_n3A_605 = arith.select %eq3A_603, %jit3A_604, %jit3A_601 : i32
      %rem3A_606 = arith.remsi %select_n3A_560, %select_n3A_605 : i32
      %ne3A_607 = arith.constant 0 : i32
      %ne3A_608 = arith.cmpi ne, %rem3A_606, %ne3A_607 : i32
      %lt3A_609 = arith.constant 0 : i32
      %lt3A_610 = arith.cmpi slt, %rem3A_606, %lt3A_609 : i32
      %lt3A_611 = arith.constant 0 : i32
      %lt3A_612 = arith.cmpi slt, %select_n3A_605, %lt3A_611 : i32
      %ne3A_613 = arith.xori %lt3A_610, %lt3A_612 : i1
      %and3A_614 = arith.andi %ne3A_613, %ne3A_608 : i1
      %add3A_615 = arith.addi %rem3A_606, %select_n3A_605 : i32
      %select_n3A_616 = arith.select %and3A_614, %add3A_615, %rem3A_606 : i32
      %add3A_617 = arith.constant 40 : i32
      %add3A_618 = arith.addi %add3A_617, %select_n3A_616 : i32
      %mul3A_619 = arith.constant 16 : i32
      %mul3A_620 = arith.muli %select_n3A_576, %mul3A_619 : i32
      %dma_start3A_621 = arith.constant 0 : i32
      %dma_start3A_622 = tpu.memref_slice %arg2[%select_n3A_600, %add3A_618, %mul3A_620, %dma_start3A_621] : memref<4x96x224x224xf32, #tpu.memory_space<hbm>> -> memref<1x1x16x224xf32, #tpu.memory_space<hbm>>
      %dma_start3A_623 = tpu.memref_squeeze %dma_start3A_622 : memref<1x1x16x224xf32, #tpu.memory_space<hbm>> -> memref<16x224xf32, #tpu.memory_space<hbm>>
      %dma_start3A_624 = arith.constant 0 : i32
      %dma_start3A_625 = tpu.memref_slice %arg2[%select_n3A_600, %add3A_618, %mul3A_620, %dma_start3A_624] : memref<4x96x224x224xf32, #tpu.memory_space<hbm>> -> memref<1x1x16x224xf32, #tpu.memory_space<hbm>>
      %dma_start3A_626 = tpu.memref_squeeze %dma_start3A_625 : memref<1x1x16x224xf32, #tpu.memory_space<hbm>> -> memref<16x224xf32, #tpu.memory_space<hbm>>
      tpu.enqueue_dma source(%dma_start3A_626 : memref<16x224xf32, #tpu.memory_space<hbm>>) target(%arg5 : memref<16x224xf32, #tpu.memory_space<vmem>>) target_semaphore(%arg9 : memref<!tpu.dma_semaphore, #tpu.memory_space<semaphore_mem>>)
    }
    %scan3A_188 = arith.constant 49 : i32
    %dma_wait3A = arith.constant 0 : i32
    %dma_wait3A_189 = arith.constant 0 : i32
    %dma_wait3A_190 = arith.constant 0 : i32
    %dma_wait3A_191 = arith.constant 0 : i32
    %dma_wait3A_192 = tpu.memref_slice %arg3[%dma_wait3A, %dma_wait3A_189, %dma_wait3A_190, %dma_wait3A_191] : memref<4x56x112x112xf32, #tpu.memory_space<hbm>> -> memref<1x1x8x112xf32, #tpu.memory_space<hbm>>
    %dma_wait3A_193 = tpu.memref_squeeze %dma_wait3A_192 : memref<1x1x8x112xf32, #tpu.memory_space<hbm>> -> memref<8x112xf32, #tpu.memory_space<hbm>>
    %dma_wait3A_194 = arith.constant 0 : i32
    %dma_wait3A_195 = arith.constant 0 : i32
    %dma_wait3A_196 = tpu.memref_slice %arg3[%dma_wait3A, %dma_wait3A_189, %dma_wait3A_194, %dma_wait3A_195] : memref<4x56x112x112xf32, #tpu.memory_space<hbm>> -> memref<1x1x8x112xf32, #tpu.memory_space<hbm>>
    %dma_wait3A_197 = tpu.memref_squeeze %dma_wait3A_196 : memref<1x1x8x112xf32, #tpu.memory_space<hbm>> -> memref<8x112xf32, #tpu.memory_space<hbm>>
    tpu.wait_dma2 semaphore(%arg10 : memref<!tpu.dma_semaphore, #tpu.memory_space<semaphore_mem>>) src(%arg6 : memref<8x112xf32, #tpu.memory_space<vmem>>) dst(%dma_wait3A_197 : memref<8x112xf32, #tpu.memory_space<hbm>>)
    %dma_wait3A_198 = arith.constant 0 : i32
    %dma_wait3A_199 = arith.constant 0 : i32
    %dma_wait3A_200 = arith.constant 0 : i32
    %dma_wait3A_201 = arith.constant 0 : i32
    %dma_wait3A_202 = tpu.memref_slice %arg3[%dma_wait3A_198, %dma_wait3A_199, %dma_wait3A_200, %dma_wait3A_201] : memref<4x56x112x112xf32, #tpu.memory_space<hbm>> -> memref<1x1x8x112xf32, #tpu.memory_space<hbm>>
    %dma_wait3A_203 = tpu.memref_squeeze %dma_wait3A_202 : memref<1x1x8x112xf32, #tpu.memory_space<hbm>> -> memref<8x112xf32, #tpu.memory_space<hbm>>
    %dma_wait3A_204 = arith.constant 0 : i32
    %dma_wait3A_205 = arith.constant 0 : i32
    %dma_wait3A_206 = tpu.memref_slice %arg3[%dma_wait3A_198, %dma_wait3A_199, %dma_wait3A_204, %dma_wait3A_205] : memref<4x56x112x112xf32, #tpu.memory_space<hbm>> -> memref<1x1x8x112xf32, #tpu.memory_space<hbm>>
    %dma_wait3A_207 = tpu.memref_squeeze %dma_wait3A_206 : memref<1x1x8x112xf32, #tpu.memory_space<hbm>> -> memref<8x112xf32, #tpu.memory_space<hbm>>
    tpu.wait_dma2 semaphore(%arg11 : memref<!tpu.dma_semaphore, #tpu.memory_space<semaphore_mem>>) src(%arg7 : memref<8x112xf32, #tpu.memory_space<vmem>>) dst(%dma_wait3A_207 : memref<8x112xf32, #tpu.memory_space<hbm>>)
    %dma_wait3A_208 = arith.constant 0 : i32
    %dma_wait3A_209 = arith.constant 0 : i32
    %dma_wait3A_210 = arith.constant 0 : i32
    %dma_wait3A_211 = arith.constant 0 : i32
    %dma_wait3A_212 = tpu.memref_slice %arg2[%dma_wait3A_208, %dma_wait3A_209, %dma_wait3A_210, %dma_wait3A_211] : memref<4x96x224x224xf32, #tpu.memory_space<hbm>> -> memref<1x1x16x224xf32, #tpu.memory_space<hbm>>
    %dma_wait3A_213 = tpu.memref_squeeze %dma_wait3A_212 : memref<1x1x16x224xf32, #tpu.memory_space<hbm>> -> memref<16x224xf32, #tpu.memory_space<hbm>>
    %dma_wait3A_214 = arith.constant 0 : i32
    %dma_wait3A_215 = arith.constant 0 : i32
    %dma_wait3A_216 = tpu.memref_slice %arg2[%dma_wait3A_208, %dma_wait3A_209, %dma_wait3A_214, %dma_wait3A_215] : memref<4x96x224x224xf32, #tpu.memory_space<hbm>> -> memref<1x1x16x224xf32, #tpu.memory_space<hbm>>
    %dma_wait3A_217 = tpu.memref_squeeze %dma_wait3A_216 : memref<1x1x16x224xf32, #tpu.memory_space<hbm>> -> memref<16x224xf32, #tpu.memory_space<hbm>>
    tpu.wait_dma2 semaphore(%arg8 : memref<!tpu.dma_semaphore, #tpu.memory_space<semaphore_mem>>) src(%dma_wait3A_217 : memref<16x224xf32, #tpu.memory_space<hbm>>) dst(%arg4 : memref<16x224xf32, #tpu.memory_space<vmem>>)
    %dma_wait3A_218 = arith.constant 0 : i32
    %dma_wait3A_219 = arith.constant 0 : i32
    %dma_wait3A_220 = arith.constant 0 : i32
    %dma_wait3A_221 = arith.constant 0 : i32
    %dma_wait3A_222 = tpu.memref_slice %arg2[%dma_wait3A_218, %dma_wait3A_219, %dma_wait3A_220, %dma_wait3A_221] : memref<4x96x224x224xf32, #tpu.memory_space<hbm>> -> memref<1x1x16x224xf32, #tpu.memory_space<hbm>>
    %dma_wait3A_223 = tpu.memref_squeeze %dma_wait3A_222 : memref<1x1x16x224xf32, #tpu.memory_space<hbm>> -> memref<16x224xf32, #tpu.memory_space<hbm>>
    %dma_wait3A_224 = arith.constant 0 : i32
    %dma_wait3A_225 = arith.constant 0 : i32
    %dma_wait3A_226 = tpu.memref_slice %arg2[%dma_wait3A_218, %dma_wait3A_219, %dma_wait3A_224, %dma_wait3A_225] : memref<4x96x224x224xf32, #tpu.memory_space<hbm>> -> memref<1x1x16x224xf32, #tpu.memory_space<hbm>>
    %dma_wait3A_227 = tpu.memref_squeeze %dma_wait3A_226 : memref<1x1x16x224xf32, #tpu.memory_space<hbm>> -> memref<16x224xf32, #tpu.memory_space<hbm>>
    tpu.wait_dma2 semaphore(%arg9 : memref<!tpu.dma_semaphore, #tpu.memory_space<semaphore_mem>>) src(%dma_wait3A_227 : memref<16x224xf32, #tpu.memory_space<hbm>>) dst(%arg5 : memref<16x224xf32, #tpu.memory_space<vmem>>)
    return
  }
}

module attributes {stable_mosaic.version = 14 : i64} {
  func.func @_tc_body(%arg0: i32, %arg1: i32, %arg2: memref<1x40x16x224xf32, #tpu.memory_space<vmem>>, %arg3: memref<224x112xf32, #tpu.memory_space<vmem>>, %arg4: memref<224x112xf32, #tpu.memory_space<vmem>>, %arg5: memref<1x40x8x112xf32, #tpu.memory_space<vmem>>) attributes {dimension_semantics = [#tpu.dimension_semantics<arbitrary>, #tpu.dimension_semantics<arbitrary>], iteration_bounds = array<i64: 4, 14>, scalar_prefetch = 0 : i64, scratch_operands = 0 : i64, tpu.core_type = #tpu.core_type<tc>, window_params = [{transform_indices = @transform_0, window_bounds = array<i64: 1, 40, 16, 224>}, {pipeline_mode = #tpu.pipeline_mode<synchronous>, transform_indices = @transform_1, window_bounds = array<i64: 224, 112>}, {pipeline_mode = #tpu.pipeline_mode<synchronous>, transform_indices = @transform_2, window_bounds = array<i64: 224, 112>}, {transform_indices = @transform_3, window_bounds = array<i64: 1, 40, 8, 112>}]} {
    %get3A = arith.constant 0 : index
    %get3A_0 = arith.constant 0 : index
    %get3A_1 = vector.load %arg3[%get3A, %get3A_0] : memref<224x112xf32, #tpu.memory_space<vmem>>, vector<224x112xf32>
    %get3A_2 = arith.constant 0 : index
    %get3A_3 = arith.constant 0 : index
    %get3A_4 = vector.load %arg4[%get3A_2, %get3A_3] : memref<224x112xf32, #tpu.memory_space<vmem>>, vector<224x112xf32>
    %get3A_5 = arith.constant 0 : index
    %get3A_6 = arith.constant 0 : index
    %get3A_7 = arith.constant 0 : index
    %get3A_8 = arith.constant 0 : index
    %get3A_9 = vector.load %arg2[%get3A_5, %get3A_6, %get3A_7, %get3A_8] : memref<1x40x16x224xf32, #tpu.memory_space<vmem>>, vector<1x40x16x224xf32>
    %get3A_10 = vector.shape_cast %get3A_9 : vector<1x40x16x224xf32> to vector<40x16x224xf32>
    %reshape3A = vector.shape_cast %get3A_10 : vector<40x16x224xf32> to vector<640x224xf32>
    %convert_element_type3A = arith.truncf %reshape3A : vector<640x224xf32> to vector<640x224xbf16>
    %convert_element_type3A_11 = arith.extf %convert_element_type3A : vector<640x224xbf16> to vector<640x224xf32>
    %sub3A = arith.subf %reshape3A, %convert_element_type3A_11 : vector<640x224xf32>
    %convert_element_type3A_12 = arith.truncf %sub3A : vector<640x224xf32> to vector<640x224xbf16>
    %convert_element_type3A_13 = arith.extf %convert_element_type3A_12 : vector<640x224xbf16> to vector<640x224xf32>
    %sub3A_14 = arith.subf %sub3A, %convert_element_type3A_13 : vector<640x224xf32>
    %dot_general3A = arith.constant dense<0.000000e+00> : vector<640x112xf32>
    %dot_general3A_15 = tpu.matmul %convert_element_type3A_11, %get3A_1, %dot_general3A {dimension_numbers = #tpu.dot_dimension_numbers<[1], [0], [0], [1], [0, 0, 1, 1], [], []>, transpose_lhs_hint = false} : vector<640x224xf32>, vector<224x112xf32>, vector<640x112xf32> -> vector<640x112xf32>
    %dot_general3A_16 = arith.constant dense<0.000000e+00> : vector<640x112xf32>
    %dot_general3A_17 = tpu.matmul %convert_element_type3A_13, %get3A_1, %dot_general3A_16 {dimension_numbers = #tpu.dot_dimension_numbers<[1], [0], [0], [1], [0, 0, 1, 1], [], []>, transpose_lhs_hint = false} : vector<640x224xf32>, vector<224x112xf32>, vector<640x112xf32> -> vector<640x112xf32>
    %add3A = arith.addf %dot_general3A_15, %dot_general3A_17 : vector<640x112xf32>
    %dot_general3A_18 = arith.constant dense<0.000000e+00> : vector<640x112xf32>
    %dot_general3A_19 = tpu.matmul %sub3A_14, %get3A_1, %dot_general3A_18 {dimension_numbers = #tpu.dot_dimension_numbers<[1], [0], [0], [1], [0, 0, 1, 1], [], []>, transpose_lhs_hint = false} : vector<640x224xf32>, vector<224x112xf32>, vector<640x112xf32> -> vector<640x112xf32>
    %add3A_20 = arith.addf %add3A, %dot_general3A_19 : vector<640x112xf32>
    %reshape3A_21 = vector.shape_cast %add3A_20 : vector<640x112xf32> to vector<40x16x112xf32>
    %dot_general3A_22 = arith.constant dense<0.000000e+00> : vector<640x112xf32>
    %dot_general3A_23 = tpu.matmul %convert_element_type3A_11, %get3A_4, %dot_general3A_22 {dimension_numbers = #tpu.dot_dimension_numbers<[1], [0], [0], [1], [0, 0, 1, 1], [], []>, transpose_lhs_hint = false} : vector<640x224xf32>, vector<224x112xf32>, vector<640x112xf32> -> vector<640x112xf32>
    %dot_general3A_24 = arith.constant dense<0.000000e+00> : vector<640x112xf32>
    %dot_general3A_25 = tpu.matmul %convert_element_type3A_13, %get3A_4, %dot_general3A_24 {dimension_numbers = #tpu.dot_dimension_numbers<[1], [0], [0], [1], [0, 0, 1, 1], [], []>, transpose_lhs_hint = false} : vector<640x224xf32>, vector<224x112xf32>, vector<640x112xf32> -> vector<640x112xf32>
    %add3A_26 = arith.addf %dot_general3A_23, %dot_general3A_25 : vector<640x112xf32>
    %dot_general3A_27 = arith.constant dense<0.000000e+00> : vector<640x112xf32>
    %dot_general3A_28 = tpu.matmul %sub3A_14, %get3A_4, %dot_general3A_27 {dimension_numbers = #tpu.dot_dimension_numbers<[1], [0], [0], [1], [0, 0, 1, 1], [], []>, transpose_lhs_hint = false} : vector<640x224xf32>, vector<224x112xf32>, vector<640x112xf32> -> vector<640x112xf32>
    %add3A_29 = arith.addf %add3A_26, %dot_general3A_28 : vector<640x112xf32>
    %reshape3A_30 = vector.shape_cast %add3A_29 : vector<640x112xf32> to vector<40x16x112xf32>
    %slice3A = vector.extract_strided_slice %reshape3A_21 {offsets = [0, 0, 0], sizes = [40, 1, 112], strides = [1, 1, 1]} : vector<40x16x112xf32> to vector<40x1x112xf32>
    %squeeze3A = vector.shape_cast %slice3A : vector<40x1x112xf32> to vector<40x112xf32>
    %slice3A_31 = vector.extract_strided_slice %reshape3A_30 {offsets = [0, 0, 0], sizes = [40, 1, 112], strides = [1, 1, 1]} : vector<40x16x112xf32> to vector<40x1x112xf32>
    %squeeze3A_32 = vector.shape_cast %slice3A_31 : vector<40x1x112xf32> to vector<40x112xf32>
    %slice3A_33 = vector.extract_strided_slice %reshape3A_21 {offsets = [0, 1, 0], sizes = [40, 1, 112], strides = [1, 1, 1]} : vector<40x16x112xf32> to vector<40x1x112xf32>
    %squeeze3A_34 = vector.shape_cast %slice3A_33 : vector<40x1x112xf32> to vector<40x112xf32>
    %slice3A_35 = vector.extract_strided_slice %reshape3A_30 {offsets = [0, 1, 0], sizes = [40, 1, 112], strides = [1, 1, 1]} : vector<40x16x112xf32> to vector<40x1x112xf32>
    %squeeze3A_36 = vector.shape_cast %slice3A_35 : vector<40x1x112xf32> to vector<40x112xf32>
    %add3A_37 = arith.addf %squeeze3A_32, %squeeze3A_34 : vector<40x112xf32>
    %mul3A = arith.constant 5.000000e-01 : f32
    %mul3A_38 = vector.broadcast %mul3A : f32 to vector<40x112xf32>
    %mul3A_39 = arith.mulf %add3A_37, %mul3A_38 : vector<40x112xf32>
    %add3A_40 = arith.addf %squeeze3A, %squeeze3A_32 : vector<40x112xf32>
    %add3A_41 = arith.addf %squeeze3A_34, %squeeze3A_36 : vector<40x112xf32>
    %add3A_42 = arith.addf %add3A_40, %add3A_41 : vector<40x112xf32>
    %mul3A_43 = arith.constant 2.500000e-01 : f32
    %mul3A_44 = vector.broadcast %mul3A_43 : f32 to vector<40x112xf32>
    %mul3A_45 = arith.mulf %add3A_42, %mul3A_44 : vector<40x112xf32>
    %add3A_46 = arith.addf %mul3A_39, %mul3A_45 : vector<40x112xf32>
    %mul3A_47 = arith.constant 5.000000e-01 : f32
    %mul3A_48 = vector.broadcast %mul3A_47 : f32 to vector<40x112xf32>
    %mul3A_49 = arith.mulf %add3A_46, %mul3A_48 : vector<40x112xf32>
    %sub3A_50 = arith.subf %squeeze3A, %mul3A_49 : vector<40x112xf32>
    %abs3A = math.absf %sub3A_50 : vector<40x112xf32>
    %sub3A_51 = arith.subf %squeeze3A_32, %mul3A_49 : vector<40x112xf32>
    %abs3A_52 = math.absf %sub3A_51 : vector<40x112xf32>
    %sub3A_53 = arith.subf %squeeze3A_34, %mul3A_49 : vector<40x112xf32>
    %abs3A_54 = math.absf %sub3A_53 : vector<40x112xf32>
    %sub3A_55 = arith.subf %squeeze3A_36, %mul3A_49 : vector<40x112xf32>
    %abs3A_56 = math.absf %sub3A_55 : vector<40x112xf32>
    %add3A_57 = arith.addf %abs3A_52, %abs3A_54 : vector<40x112xf32>
    %mul3A_58 = arith.constant 5.000000e-01 : f32
    %mul3A_59 = vector.broadcast %mul3A_58 : f32 to vector<40x112xf32>
    %mul3A_60 = arith.mulf %add3A_57, %mul3A_59 : vector<40x112xf32>
    %add3A_61 = arith.constant 9.99999974E-5 : f32
    %add3A_62 = vector.broadcast %add3A_61 : f32 to vector<40x112xf32>
    %add3A_63 = arith.addf %mul3A_60, %add3A_62 : vector<40x112xf32>
    %add3A_64 = arith.addf %abs3A, %abs3A_52 : vector<40x112xf32>
    %add3A_65 = arith.addf %abs3A_54, %abs3A_56 : vector<40x112xf32>
    %add3A_66 = arith.addf %add3A_64, %add3A_65 : vector<40x112xf32>
    %mul3A_67 = arith.constant 2.500000e-01 : f32
    %mul3A_68 = vector.broadcast %mul3A_67 : f32 to vector<40x112xf32>
    %mul3A_69 = arith.mulf %add3A_66, %mul3A_68 : vector<40x112xf32>
    %add3A_70 = arith.constant 9.99999974E-5 : f32
    %add3A_71 = vector.broadcast %add3A_70 : f32 to vector<40x112xf32>
    %add3A_72 = arith.addf %mul3A_69, %add3A_71 : vector<40x112xf32>
    %div3A = arith.constant 1.000000e+00 : f32
    %div3A_73 = vector.broadcast %div3A : f32 to vector<40x112xf32>
    %div3A_74 = arith.divf %div3A_73, %add3A_63 : vector<40x112xf32>
    %div3A_75 = arith.constant 1.000000e+00 : f32
    %div3A_76 = vector.broadcast %div3A_75 : f32 to vector<40x112xf32>
    %div3A_77 = arith.divf %div3A_76, %add3A_72 : vector<40x112xf32>
    %mul3A_78 = arith.mulf %div3A_74, %div3A_74 : vector<40x112xf32>
    %mul3A_79 = arith.constant -5.000000e-01 : f32
    %mul3A_80 = vector.broadcast %mul3A_79 : f32 to vector<40x112xf32>
    %mul3A_81 = arith.mulf %mul3A_78, %mul3A_80 : vector<40x112xf32>
    %mul3A_82 = arith.mulf %div3A_77, %div3A_77 : vector<40x112xf32>
    %mul3A_83 = arith.constant -5.000000e-01 : f32
    %mul3A_84 = vector.broadcast %mul3A_83 : f32 to vector<40x112xf32>
    %mul3A_85 = arith.mulf %mul3A_82, %mul3A_84 : vector<40x112xf32>
    %sub3A_86 = arith.subf %squeeze3A, %mul3A_39 : vector<40x112xf32>
    %mul3A_87 = arith.mulf %sub3A_86, %sub3A_86 : vector<40x112xf32>
    %mul3A_88 = arith.mulf %mul3A_87, %mul3A_81 : vector<40x112xf32>
    %exp3A = math.exp %mul3A_88 : vector<40x112xf32>
    %sub3A_89 = arith.subf %squeeze3A_32, %mul3A_39 : vector<40x112xf32>
    %mul3A_90 = arith.mulf %sub3A_89, %sub3A_89 : vector<40x112xf32>
    %mul3A_91 = arith.mulf %mul3A_90, %mul3A_81 : vector<40x112xf32>
    %exp3A_92 = math.exp %mul3A_91 : vector<40x112xf32>
    %sub3A_93 = arith.subf %squeeze3A_36, %mul3A_39 : vector<40x112xf32>
    %mul3A_94 = arith.mulf %sub3A_93, %sub3A_93 : vector<40x112xf32>
    %mul3A_95 = arith.mulf %mul3A_94, %mul3A_81 : vector<40x112xf32>
    %exp3A_96 = math.exp %mul3A_95 : vector<40x112xf32>
    %sub3A_97 = arith.subf %squeeze3A, %mul3A_45 : vector<40x112xf32>
    %mul3A_98 = arith.mulf %sub3A_97, %sub3A_97 : vector<40x112xf32>
    %mul3A_99 = arith.mulf %mul3A_98, %mul3A_85 : vector<40x112xf32>
    %exp3A_100 = math.exp %mul3A_99 : vector<40x112xf32>
    %sub3A_101 = arith.subf %squeeze3A_32, %mul3A_45 : vector<40x112xf32>
    %mul3A_102 = arith.mulf %sub3A_101, %sub3A_101 : vector<40x112xf32>
    %mul3A_103 = arith.mulf %mul3A_102, %mul3A_85 : vector<40x112xf32>
    %exp3A_104 = math.exp %mul3A_103 : vector<40x112xf32>
    %sub3A_105 = arith.subf %squeeze3A_34, %mul3A_45 : vector<40x112xf32>
    %mul3A_106 = arith.mulf %sub3A_105, %sub3A_105 : vector<40x112xf32>
    %mul3A_107 = arith.mulf %mul3A_106, %mul3A_85 : vector<40x112xf32>
    %exp3A_108 = math.exp %mul3A_107 : vector<40x112xf32>
    %sub3A_109 = arith.subf %squeeze3A_36, %mul3A_45 : vector<40x112xf32>
    %mul3A_110 = arith.mulf %sub3A_109, %sub3A_109 : vector<40x112xf32>
    %mul3A_111 = arith.mulf %mul3A_110, %mul3A_85 : vector<40x112xf32>
    %exp3A_112 = math.exp %mul3A_111 : vector<40x112xf32>
    %max3A = arith.maximumf %exp3A, %exp3A_100 : vector<40x112xf32>
    %max3A_113 = arith.maximumf %exp3A_92, %exp3A_104 : vector<40x112xf32>
    %min3A = arith.minimumf %max3A, %max3A_113 : vector<40x112xf32>
    %max3A_114 = arith.maximumf %exp3A_92, %exp3A_108 : vector<40x112xf32>
    %max3A_115 = arith.maximumf %exp3A_96, %exp3A_112 : vector<40x112xf32>
    %min3A_116 = arith.minimumf %max3A_114, %max3A_115 : vector<40x112xf32>
    %min3A_117 = arith.minimumf %min3A, %min3A_116 : vector<40x112xf32>
    %add3A_118 = arith.addf %exp3A, %exp3A_100 : vector<40x112xf32>
    %add3A_119 = arith.addf %exp3A_92, %exp3A_104 : vector<40x112xf32>
    %add3A_120 = arith.addf %exp3A_92, %exp3A_108 : vector<40x112xf32>
    %add3A_121 = arith.addf %exp3A_96, %exp3A_112 : vector<40x112xf32>
    %add3A_122 = arith.addf %min3A_117, %min3A_117 : vector<40x112xf32>
    %ge3A = arith.cmpf oge, %add3A_119, %add3A_122 : vector<40x112xf32>
    %not3A = arith.constant dense<true> : vector<40x112xi1>
    %not3A_123 = arith.xori %ge3A, %not3A : vector<40x112xi1>
    %lt3A = arith.constant 1.000000e-03 : f32
    %lt3A_124 = vector.broadcast %lt3A : f32 to vector<40x112xf32>
    %lt3A_125 = arith.cmpf olt, %add3A_72, %lt3A_124 : vector<40x112xf32>
    %and3A = arith.andi %not3A_123, %lt3A_125 : vector<40x112xi1>
    %mul3A_126 = arith.mulf %add3A_118, %squeeze3A : vector<40x112xf32>
    %mul3A_127 = arith.mulf %add3A_119, %squeeze3A_32 : vector<40x112xf32>
    %add3A_128 = arith.addf %mul3A_126, %mul3A_127 : vector<40x112xf32>
    %mul3A_129 = arith.mulf %add3A_120, %squeeze3A_34 : vector<40x112xf32>
    %mul3A_130 = arith.mulf %add3A_121, %squeeze3A_36 : vector<40x112xf32>
    %add3A_131 = arith.addf %mul3A_129, %mul3A_130 : vector<40x112xf32>
    %add3A_132 = arith.addf %add3A_128, %add3A_131 : vector<40x112xf32>
    %add3A_133 = arith.addf %add3A_118, %add3A_119 : vector<40x112xf32>
    %add3A_134 = arith.addf %add3A_120, %add3A_121 : vector<40x112xf32>
    %add3A_135 = arith.addf %add3A_133, %add3A_134 : vector<40x112xf32>
    %div3A_136 = arith.divf %add3A_132, %add3A_135 : vector<40x112xf32>
    %select_n3A = arith.select %and3A, %mul3A_49, %div3A_136 : vector<40x112xi1>, vector<40x112xf32>
    %select_n3A_137 = arith.select %ge3A, %mul3A_45, %select_n3A : vector<40x112xi1>, vector<40x112xf32>
    %swap3A = arith.constant 0 : index
    %swap3A_138 = arith.constant 0 : index
    %swap3A_139 = arith.constant 0 : index
    %swap3A_140 = arith.constant 0 : index
    %swap3A_141 = vector.load %arg5[%swap3A, %swap3A_138, %swap3A_139, %swap3A_140] : memref<1x40x8x112xf32, #tpu.memory_space<vmem>>, vector<1x40x1x112xf32>
    %swap3A_142 = vector.shape_cast %swap3A_141 : vector<1x40x1x112xf32> to vector<40x112xf32>
    %swap3A_143 = vector.shape_cast %select_n3A_137 : vector<40x112xf32> to vector<1x40x1x112xf32>
    tpu.vector_store %arg5[%swap3A, %swap3A_138, %swap3A_139, %swap3A_140], %swap3A_143 {strides = array<i32>} : memref<1x40x8x112xf32, #tpu.memory_space<vmem>>, vector<1x40x1x112xf32>,
    %slice3A_144 = vector.extract_strided_slice %reshape3A_21 {offsets = [0, 2, 0], sizes = [40, 1, 112], strides = [1, 1, 1]} : vector<40x16x112xf32> to vector<40x1x112xf32>
    %squeeze3A_145 = vector.shape_cast %slice3A_144 : vector<40x1x112xf32> to vector<40x112xf32>
    %slice3A_146 = vector.extract_strided_slice %reshape3A_30 {offsets = [0, 2, 0], sizes = [40, 1, 112], strides = [1, 1, 1]} : vector<40x16x112xf32> to vector<40x1x112xf32>
    %squeeze3A_147 = vector.shape_cast %slice3A_146 : vector<40x1x112xf32> to vector<40x112xf32>
    %slice3A_148 = vector.extract_strided_slice %reshape3A_21 {offsets = [0, 3, 0], sizes = [40, 1, 112], strides = [1, 1, 1]} : vector<40x16x112xf32> to vector<40x1x112xf32>
    %squeeze3A_149 = vector.shape_cast %slice3A_148 : vector<40x1x112xf32> to vector<40x112xf32>
    %slice3A_150 = vector.extract_strided_slice %reshape3A_30 {offsets = [0, 3, 0], sizes = [40, 1, 112], strides = [1, 1, 1]} : vector<40x16x112xf32> to vector<40x1x112xf32>
    %squeeze3A_151 = vector.shape_cast %slice3A_150 : vector<40x1x112xf32> to vector<40x112xf32>
    %add3A_152 = arith.addf %squeeze3A_147, %squeeze3A_149 : vector<40x112xf32>
    %mul3A_153 = arith.constant 5.000000e-01 : f32
    %mul3A_154 = vector.broadcast %mul3A_153 : f32 to vector<40x112xf32>
    %mul3A_155 = arith.mulf %add3A_152, %mul3A_154 : vector<40x112xf32>
    %add3A_156 = arith.addf %squeeze3A_145, %squeeze3A_147 : vector<40x112xf32>
    %add3A_157 = arith.addf %squeeze3A_149, %squeeze3A_151 : vector<40x112xf32>
    %add3A_158 = arith.addf %add3A_156, %add3A_157 : vector<40x112xf32>
    %mul3A_159 = arith.constant 2.500000e-01 : f32
    %mul3A_160 = vector.broadcast %mul3A_159 : f32 to vector<40x112xf32>
    %mul3A_161 = arith.mulf %add3A_158, %mul3A_160 : vector<40x112xf32>
    %add3A_162 = arith.addf %mul3A_155, %mul3A_161 : vector<40x112xf32>
    %mul3A_163 = arith.constant 5.000000e-01 : f32
    %mul3A_164 = vector.broadcast %mul3A_163 : f32 to vector<40x112xf32>
    %mul3A_165 = arith.mulf %add3A_162, %mul3A_164 : vector<40x112xf32>
    %sub3A_166 = arith.subf %squeeze3A_145, %mul3A_165 : vector<40x112xf32>
    %abs3A_167 = math.absf %sub3A_166 : vector<40x112xf32>
    %sub3A_168 = arith.subf %squeeze3A_147, %mul3A_165 : vector<40x112xf32>
    %abs3A_169 = math.absf %sub3A_168 : vector<40x112xf32>
    %sub3A_170 = arith.subf %squeeze3A_149, %mul3A_165 : vector<40x112xf32>
    %abs3A_171 = math.absf %sub3A_170 : vector<40x112xf32>
    %sub3A_172 = arith.subf %squeeze3A_151, %mul3A_165 : vector<40x112xf32>
    %abs3A_173 = math.absf %sub3A_172 : vector<40x112xf32>
    %add3A_174 = arith.addf %abs3A_169, %abs3A_171 : vector<40x112xf32>
    %mul3A_175 = arith.constant 5.000000e-01 : f32
    %mul3A_176 = vector.broadcast %mul3A_175 : f32 to vector<40x112xf32>
    %mul3A_177 = arith.mulf %add3A_174, %mul3A_176 : vector<40x112xf32>
    %add3A_178 = arith.constant 9.99999974E-5 : f32
    %add3A_179 = vector.broadcast %add3A_178 : f32 to vector<40x112xf32>
    %add3A_180 = arith.addf %mul3A_177, %add3A_179 : vector<40x112xf32>
    %add3A_181 = arith.addf %abs3A_167, %abs3A_169 : vector<40x112xf32>
    %add3A_182 = arith.addf %abs3A_171, %abs3A_173 : vector<40x112xf32>
    %add3A_183 = arith.addf %add3A_181, %add3A_182 : vector<40x112xf32>
    %mul3A_184 = arith.constant 2.500000e-01 : f32
    %mul3A_185 = vector.broadcast %mul3A_184 : f32 to vector<40x112xf32>
    %mul3A_186 = arith.mulf %add3A_183, %mul3A_185 : vector<40x112xf32>
    %add3A_187 = arith.constant 9.99999974E-5 : f32
    %add3A_188 = vector.broadcast %add3A_187 : f32 to vector<40x112xf32>
    %add3A_189 = arith.addf %mul3A_186, %add3A_188 : vector<40x112xf32>
    %div3A_190 = arith.constant 1.000000e+00 : f32
    %div3A_191 = vector.broadcast %div3A_190 : f32 to vector<40x112xf32>
    %div3A_192 = arith.divf %div3A_191, %add3A_180 : vector<40x112xf32>
    %div3A_193 = arith.constant 1.000000e+00 : f32
    %div3A_194 = vector.broadcast %div3A_193 : f32 to vector<40x112xf32>
    %div3A_195 = arith.divf %div3A_194, %add3A_189 : vector<40x112xf32>
    %mul3A_196 = arith.mulf %div3A_192, %div3A_192 : vector<40x112xf32>
    %mul3A_197 = arith.constant -5.000000e-01 : f32
    %mul3A_198 = vector.broadcast %mul3A_197 : f32 to vector<40x112xf32>
    %mul3A_199 = arith.mulf %mul3A_196, %mul3A_198 : vector<40x112xf32>
    %mul3A_200 = arith.mulf %div3A_195, %div3A_195 : vector<40x112xf32>
    %mul3A_201 = arith.constant -5.000000e-01 : f32
    %mul3A_202 = vector.broadcast %mul3A_201 : f32 to vector<40x112xf32>
    %mul3A_203 = arith.mulf %mul3A_200, %mul3A_202 : vector<40x112xf32>
    %sub3A_204 = arith.subf %squeeze3A_145, %mul3A_155 : vector<40x112xf32>
    %mul3A_205 = arith.mulf %sub3A_204, %sub3A_204 : vector<40x112xf32>
    %mul3A_206 = arith.mulf %mul3A_205, %mul3A_199 : vector<40x112xf32>
    %exp3A_207 = math.exp %mul3A_206 : vector<40x112xf32>
    %sub3A_208 = arith.subf %squeeze3A_147, %mul3A_155 : vector<40x112xf32>
    %mul3A_209 = arith.mulf %sub3A_208, %sub3A_208 : vector<40x112xf32>
    %mul3A_210 = arith.mulf %mul3A_209, %mul3A_199 : vector<40x112xf32>
    %exp3A_211 = math.exp %mul3A_210 : vector<40x112xf32>
    %sub3A_212 = arith.subf %squeeze3A_151, %mul3A_155 : vector<40x112xf32>
    %mul3A_213 = arith.mulf %sub3A_212, %sub3A_212 : vector<40x112xf32>
    %mul3A_214 = arith.mulf %mul3A_213, %mul3A_199 : vector<40x112xf32>
    %exp3A_215 = math.exp %mul3A_214 : vector<40x112xf32>
    %sub3A_216 = arith.subf %squeeze3A_145, %mul3A_161 : vector<40x112xf32>
    %mul3A_217 = arith.mulf %sub3A_216, %sub3A_216 : vector<40x112xf32>
    %mul3A_218 = arith.mulf %mul3A_217, %mul3A_203 : vector<40x112xf32>
    %exp3A_219 = math.exp %mul3A_218 : vector<40x112xf32>
    %sub3A_220 = arith.subf %squeeze3A_147, %mul3A_161 : vector<40x112xf32>
    %mul3A_221 = arith.mulf %sub3A_220, %sub3A_220 : vector<40x112xf32>
    %mul3A_222 = arith.mulf %mul3A_221, %mul3A_203 : vector<40x112xf32>
    %exp3A_223 = math.exp %mul3A_222 : vector<40x112xf32>
    %sub3A_224 = arith.subf %squeeze3A_149, %mul3A_161 : vector<40x112xf32>
    %mul3A_225 = arith.mulf %sub3A_224, %sub3A_224 : vector<40x112xf32>
    %mul3A_226 = arith.mulf %mul3A_225, %mul3A_203 : vector<40x112xf32>
    %exp3A_227 = math.exp %mul3A_226 : vector<40x112xf32>
    %sub3A_228 = arith.subf %squeeze3A_151, %mul3A_161 : vector<40x112xf32>
    %mul3A_229 = arith.mulf %sub3A_228, %sub3A_228 : vector<40x112xf32>
    %mul3A_230 = arith.mulf %mul3A_229, %mul3A_203 : vector<40x112xf32>
    %exp3A_231 = math.exp %mul3A_230 : vector<40x112xf32>
    %max3A_232 = arith.maximumf %exp3A_207, %exp3A_219 : vector<40x112xf32>
    %max3A_233 = arith.maximumf %exp3A_211, %exp3A_223 : vector<40x112xf32>
    %min3A_234 = arith.minimumf %max3A_232, %max3A_233 : vector<40x112xf32>
    %max3A_235 = arith.maximumf %exp3A_211, %exp3A_227 : vector<40x112xf32>
    %max3A_236 = arith.maximumf %exp3A_215, %exp3A_231 : vector<40x112xf32>
    %min3A_237 = arith.minimumf %max3A_235, %max3A_236 : vector<40x112xf32>
    %min3A_238 = arith.minimumf %min3A_234, %min3A_237 : vector<40x112xf32>
    %add3A_239 = arith.addf %exp3A_207, %exp3A_219 : vector<40x112xf32>
    %add3A_240 = arith.addf %exp3A_211, %exp3A_223 : vector<40x112xf32>
    %add3A_241 = arith.addf %exp3A_211, %exp3A_227 : vector<40x112xf32>
    %add3A_242 = arith.addf %exp3A_215, %exp3A_231 : vector<40x112xf32>
    %add3A_243 = arith.addf %min3A_238, %min3A_238 : vector<40x112xf32>
    %ge3A_244 = arith.cmpf oge, %add3A_240, %add3A_243 : vector<40x112xf32>
    %not3A_245 = arith.constant dense<true> : vector<40x112xi1>
    %not3A_246 = arith.xori %ge3A_244, %not3A_245 : vector<40x112xi1>
    %lt3A_247 = arith.constant 1.000000e-03 : f32
    %lt3A_248 = vector.broadcast %lt3A_247 : f32 to vector<40x112xf32>
    %lt3A_249 = arith.cmpf olt, %add3A_189, %lt3A_248 : vector<40x112xf32>
    %and3A_250 = arith.andi %not3A_246, %lt3A_249 : vector<40x112xi1>
    %mul3A_251 = arith.mulf %add3A_239, %squeeze3A_145 : vector<40x112xf32>
    %mul3A_252 = arith.mulf %add3A_240, %squeeze3A_147 : vector<40x112xf32>
    %add3A_253 = arith.addf %mul3A_251, %mul3A_252 : vector<40x112xf32>
    %mul3A_254 = arith.mulf %add3A_241, %squeeze3A_149 : vector<40x112xf32>
    %mul3A_255 = arith.mulf %add3A_242, %squeeze3A_151 : vector<40x112xf32>
    %add3A_256 = arith.addf %mul3A_254, %mul3A_255 : vector<40x112xf32>
    %add3A_257 = arith.addf %add3A_253, %add3A_256 : vector<40x112xf32>
    %add3A_258 = arith.addf %add3A_239, %add3A_240 : vector<40x112xf32>
    %add3A_259 = arith.addf %add3A_241, %add3A_242 : vector<40x112xf32>
    %add3A_260 = arith.addf %add3A_258, %add3A_259 : vector<40x112xf32>
    %div3A_261 = arith.divf %add3A_257, %add3A_260 : vector<40x112xf32>
    %select_n3A_262 = arith.select %and3A_250, %mul3A_165, %div3A_261 : vector<40x112xi1>, vector<40x112xf32>
    %select_n3A_263 = arith.select %ge3A_244, %mul3A_161, %select_n3A_262 : vector<40x112xi1>, vector<40x112xf32>
    %swap3A_264 = arith.constant 0 : index
    %swap3A_265 = arith.constant 0 : index
    %swap3A_266 = arith.constant 1 : index
    %swap3A_267 = arith.constant 0 : index
    %swap3A_268 = vector.load %arg5[%swap3A_264, %swap3A_265, %swap3A_266, %swap3A_267] : memref<1x40x8x112xf32, #tpu.memory_space<vmem>>, vector<1x40x1x112xf32>
    %swap3A_269 = vector.shape_cast %swap3A_268 : vector<1x40x1x112xf32> to vector<40x112xf32>
    %swap3A_270 = vector.shape_cast %select_n3A_263 : vector<40x112xf32> to vector<1x40x1x112xf32>
    tpu.vector_store %arg5[%swap3A_264, %swap3A_265, %swap3A_266, %swap3A_267], %swap3A_270 {strides = array<i32>} : memref<1x40x8x112xf32, #tpu.memory_space<vmem>>, vector<1x40x1x112xf32>,
    %slice3A_271 = vector.extract_strided_slice %reshape3A_21 {offsets = [0, 4, 0], sizes = [40, 1, 112], strides = [1, 1, 1]} : vector<40x16x112xf32> to vector<40x1x112xf32>
    %squeeze3A_272 = vector.shape_cast %slice3A_271 : vector<40x1x112xf32> to vector<40x112xf32>
    %slice3A_273 = vector.extract_strided_slice %reshape3A_30 {offsets = [0, 4, 0], sizes = [40, 1, 112], strides = [1, 1, 1]} : vector<40x16x112xf32> to vector<40x1x112xf32>
    %squeeze3A_274 = vector.shape_cast %slice3A_273 : vector<40x1x112xf32> to vector<40x112xf32>
    %slice3A_275 = vector.extract_strided_slice %reshape3A_21 {offsets = [0, 5, 0], sizes = [40, 1, 112], strides = [1, 1, 1]} : vector<40x16x112xf32> to vector<40x1x112xf32>
    %squeeze3A_276 = vector.shape_cast %slice3A_275 : vector<40x1x112xf32> to vector<40x112xf32>
    %slice3A_277 = vector.extract_strided_slice %reshape3A_30 {offsets = [0, 5, 0], sizes = [40, 1, 112], strides = [1, 1, 1]} : vector<40x16x112xf32> to vector<40x1x112xf32>
    %squeeze3A_278 = vector.shape_cast %slice3A_277 : vector<40x1x112xf32> to vector<40x112xf32>
    %add3A_279 = arith.addf %squeeze3A_274, %squeeze3A_276 : vector<40x112xf32>
    %mul3A_280 = arith.constant 5.000000e-01 : f32
    %mul3A_281 = vector.broadcast %mul3A_280 : f32 to vector<40x112xf32>
    %mul3A_282 = arith.mulf %add3A_279, %mul3A_281 : vector<40x112xf32>
    %add3A_283 = arith.addf %squeeze3A_272, %squeeze3A_274 : vector<40x112xf32>
    %add3A_284 = arith.addf %squeeze3A_276, %squeeze3A_278 : vector<40x112xf32>
    %add3A_285 = arith.addf %add3A_283, %add3A_284 : vector<40x112xf32>
    %mul3A_286 = arith.constant 2.500000e-01 : f32
    %mul3A_287 = vector.broadcast %mul3A_286 : f32 to vector<40x112xf32>
    %mul3A_288 = arith.mulf %add3A_285, %mul3A_287 : vector<40x112xf32>
    %add3A_289 = arith.addf %mul3A_282, %mul3A_288 : vector<40x112xf32>
    %mul3A_290 = arith.constant 5.000000e-01 : f32
    %mul3A_291 = vector.broadcast %mul3A_290 : f32 to vector<40x112xf32>
    %mul3A_292 = arith.mulf %add3A_289, %mul3A_291 : vector<40x112xf32>
    %sub3A_293 = arith.subf %squeeze3A_272, %mul3A_292 : vector<40x112xf32>
    %abs3A_294 = math.absf %sub3A_293 : vector<40x112xf32>
    %sub3A_295 = arith.subf %squeeze3A_274, %mul3A_292 : vector<40x112xf32>
    %abs3A_296 = math.absf %sub3A_295 : vector<40x112xf32>
    %sub3A_297 = arith.subf %squeeze3A_276, %mul3A_292 : vector<40x112xf32>
    %abs3A_298 = math.absf %sub3A_297 : vector<40x112xf32>
    %sub3A_299 = arith.subf %squeeze3A_278, %mul3A_292 : vector<40x112xf32>
    %abs3A_300 = math.absf %sub3A_299 : vector<40x112xf32>
    %add3A_301 = arith.addf %abs3A_296, %abs3A_298 : vector<40x112xf32>
    %mul3A_302 = arith.constant 5.000000e-01 : f32
    %mul3A_303 = vector.broadcast %mul3A_302 : f32 to vector<40x112xf32>
    %mul3A_304 = arith.mulf %add3A_301, %mul3A_303 : vector<40x112xf32>
    %add3A_305 = arith.constant 9.99999974E-5 : f32
    %add3A_306 = vector.broadcast %add3A_305 : f32 to vector<40x112xf32>
    %add3A_307 = arith.addf %mul3A_304, %add3A_306 : vector<40x112xf32>
    %add3A_308 = arith.addf %abs3A_294, %abs3A_296 : vector<40x112xf32>
    %add3A_309 = arith.addf %abs3A_298, %abs3A_300 : vector<40x112xf32>
    %add3A_310 = arith.addf %add3A_308, %add3A_309 : vector<40x112xf32>
    %mul3A_311 = arith.constant 2.500000e-01 : f32
    %mul3A_312 = vector.broadcast %mul3A_311 : f32 to vector<40x112xf32>
    %mul3A_313 = arith.mulf %add3A_310, %mul3A_312 : vector<40x112xf32>
    %add3A_314 = arith.constant 9.99999974E-5 : f32
    %add3A_315 = vector.broadcast %add3A_314 : f32 to vector<40x112xf32>
    %add3A_316 = arith.addf %mul3A_313, %add3A_315 : vector<40x112xf32>
    %div3A_317 = arith.constant 1.000000e+00 : f32
    %div3A_318 = vector.broadcast %div3A_317 : f32 to vector<40x112xf32>
    %div3A_319 = arith.divf %div3A_318, %add3A_307 : vector<40x112xf32>
    %div3A_320 = arith.constant 1.000000e+00 : f32
    %div3A_321 = vector.broadcast %div3A_320 : f32 to vector<40x112xf32>
    %div3A_322 = arith.divf %div3A_321, %add3A_316 : vector<40x112xf32>
    %mul3A_323 = arith.mulf %div3A_319, %div3A_319 : vector<40x112xf32>
    %mul3A_324 = arith.constant -5.000000e-01 : f32
    %mul3A_325 = vector.broadcast %mul3A_324 : f32 to vector<40x112xf32>
    %mul3A_326 = arith.mulf %mul3A_323, %mul3A_325 : vector<40x112xf32>
    %mul3A_327 = arith.mulf %div3A_322, %div3A_322 : vector<40x112xf32>
    %mul3A_328 = arith.constant -5.000000e-01 : f32
    %mul3A_329 = vector.broadcast %mul3A_328 : f32 to vector<40x112xf32>
    %mul3A_330 = arith.mulf %mul3A_327, %mul3A_329 : vector<40x112xf32>
    %sub3A_331 = arith.subf %squeeze3A_272, %mul3A_282 : vector<40x112xf32>
    %mul3A_332 = arith.mulf %sub3A_331, %sub3A_331 : vector<40x112xf32>
    %mul3A_333 = arith.mulf %mul3A_332, %mul3A_326 : vector<40x112xf32>
    %exp3A_334 = math.exp %mul3A_333 : vector<40x112xf32>
    %sub3A_335 = arith.subf %squeeze3A_274, %mul3A_282 : vector<40x112xf32>
    %mul3A_336 = arith.mulf %sub3A_335, %sub3A_335 : vector<40x112xf32>
    %mul3A_337 = arith.mulf %mul3A_336, %mul3A_326 : vector<40x112xf32>
    %exp3A_338 = math.exp %mul3A_337 : vector<40x112xf32>
    %sub3A_339 = arith.subf %squeeze3A_278, %mul3A_282 : vector<40x112xf32>
    %mul3A_340 = arith.mulf %sub3A_339, %sub3A_339 : vector<40x112xf32>
    %mul3A_341 = arith.mulf %mul3A_340, %mul3A_326 : vector<40x112xf32>
    %exp3A_342 = math.exp %mul3A_341 : vector<40x112xf32>
    %sub3A_343 = arith.subf %squeeze3A_272, %mul3A_288 : vector<40x112xf32>
    %mul3A_344 = arith.mulf %sub3A_343, %sub3A_343 : vector<40x112xf32>
    %mul3A_345 = arith.mulf %mul3A_344, %mul3A_330 : vector<40x112xf32>
    %exp3A_346 = math.exp %mul3A_345 : vector<40x112xf32>
    %sub3A_347 = arith.subf %squeeze3A_274, %mul3A_288 : vector<40x112xf32>
    %mul3A_348 = arith.mulf %sub3A_347, %sub3A_347 : vector<40x112xf32>
    %mul3A_349 = arith.mulf %mul3A_348, %mul3A_330 : vector<40x112xf32>
    %exp3A_350 = math.exp %mul3A_349 : vector<40x112xf32>
    %sub3A_351 = arith.subf %squeeze3A_276, %mul3A_288 : vector<40x112xf32>
    %mul3A_352 = arith.mulf %sub3A_351, %sub3A_351 : vector<40x112xf32>
    %mul3A_353 = arith.mulf %mul3A_352, %mul3A_330 : vector<40x112xf32>
    %exp3A_354 = math.exp %mul3A_353 : vector<40x112xf32>
    %sub3A_355 = arith.subf %squeeze3A_278, %mul3A_288 : vector<40x112xf32>
    %mul3A_356 = arith.mulf %sub3A_355, %sub3A_355 : vector<40x112xf32>
    %mul3A_357 = arith.mulf %mul3A_356, %mul3A_330 : vector<40x112xf32>
    %exp3A_358 = math.exp %mul3A_357 : vector<40x112xf32>
    %max3A_359 = arith.maximumf %exp3A_334, %exp3A_346 : vector<40x112xf32>
    %max3A_360 = arith.maximumf %exp3A_338, %exp3A_350 : vector<40x112xf32>
    %min3A_361 = arith.minimumf %max3A_359, %max3A_360 : vector<40x112xf32>
    %max3A_362 = arith.maximumf %exp3A_338, %exp3A_354 : vector<40x112xf32>
    %max3A_363 = arith.maximumf %exp3A_342, %exp3A_358 : vector<40x112xf32>
    %min3A_364 = arith.minimumf %max3A_362, %max3A_363 : vector<40x112xf32>
    %min3A_365 = arith.minimumf %min3A_361, %min3A_364 : vector<40x112xf32>
    %add3A_366 = arith.addf %exp3A_334, %exp3A_346 : vector<40x112xf32>
    %add3A_367 = arith.addf %exp3A_338, %exp3A_350 : vector<40x112xf32>
    %add3A_368 = arith.addf %exp3A_338, %exp3A_354 : vector<40x112xf32>
    %add3A_369 = arith.addf %exp3A_342, %exp3A_358 : vector<40x112xf32>
    %add3A_370 = arith.addf %min3A_365, %min3A_365 : vector<40x112xf32>
    %ge3A_371 = arith.cmpf oge, %add3A_367, %add3A_370 : vector<40x112xf32>
    %not3A_372 = arith.constant dense<true> : vector<40x112xi1>
    %not3A_373 = arith.xori %ge3A_371, %not3A_372 : vector<40x112xi1>
    %lt3A_374 = arith.constant 1.000000e-03 : f32
    %lt3A_375 = vector.broadcast %lt3A_374 : f32 to vector<40x112xf32>
    %lt3A_376 = arith.cmpf olt, %add3A_316, %lt3A_375 : vector<40x112xf32>
    %and3A_377 = arith.andi %not3A_373, %lt3A_376 : vector<40x112xi1>
    %mul3A_378 = arith.mulf %add3A_366, %squeeze3A_272 : vector<40x112xf32>
    %mul3A_379 = arith.mulf %add3A_367, %squeeze3A_274 : vector<40x112xf32>
    %add3A_380 = arith.addf %mul3A_378, %mul3A_379 : vector<40x112xf32>
    %mul3A_381 = arith.mulf %add3A_368, %squeeze3A_276 : vector<40x112xf32>
    %mul3A_382 = arith.mulf %add3A_369, %squeeze3A_278 : vector<40x112xf32>
    %add3A_383 = arith.addf %mul3A_381, %mul3A_382 : vector<40x112xf32>
    %add3A_384 = arith.addf %add3A_380, %add3A_383 : vector<40x112xf32>
    %add3A_385 = arith.addf %add3A_366, %add3A_367 : vector<40x112xf32>
    %add3A_386 = arith.addf %add3A_368, %add3A_369 : vector<40x112xf32>
    %add3A_387 = arith.addf %add3A_385, %add3A_386 : vector<40x112xf32>
    %div3A_388 = arith.divf %add3A_384, %add3A_387 : vector<40x112xf32>
    %select_n3A_389 = arith.select %and3A_377, %mul3A_292, %div3A_388 : vector<40x112xi1>, vector<40x112xf32>
    %select_n3A_390 = arith.select %ge3A_371, %mul3A_288, %select_n3A_389 : vector<40x112xi1>, vector<40x112xf32>
    %swap3A_391 = arith.constant 0 : index
    %swap3A_392 = arith.constant 0 : index
    %swap3A_393 = arith.constant 2 : index
    %swap3A_394 = arith.constant 0 : index
    %swap3A_395 = vector.load %arg5[%swap3A_391, %swap3A_392, %swap3A_393, %swap3A_394] : memref<1x40x8x112xf32, #tpu.memory_space<vmem>>, vector<1x40x1x112xf32>
    %swap3A_396 = vector.shape_cast %swap3A_395 : vector<1x40x1x112xf32> to vector<40x112xf32>
    %swap3A_397 = vector.shape_cast %select_n3A_390 : vector<40x112xf32> to vector<1x40x1x112xf32>
    tpu.vector_store %arg5[%swap3A_391, %swap3A_392, %swap3A_393, %swap3A_394], %swap3A_397 {strides = array<i32>} : memref<1x40x8x112xf32, #tpu.memory_space<vmem>>, vector<1x40x1x112xf32>,
    %slice3A_398 = vector.extract_strided_slice %reshape3A_21 {offsets = [0, 6, 0], sizes = [40, 1, 112], strides = [1, 1, 1]} : vector<40x16x112xf32> to vector<40x1x112xf32>
    %squeeze3A_399 = vector.shape_cast %slice3A_398 : vector<40x1x112xf32> to vector<40x112xf32>
    %slice3A_400 = vector.extract_strided_slice %reshape3A_30 {offsets = [0, 6, 0], sizes = [40, 1, 112], strides = [1, 1, 1]} : vector<40x16x112xf32> to vector<40x1x112xf32>
    %squeeze3A_401 = vector.shape_cast %slice3A_400 : vector<40x1x112xf32> to vector<40x112xf32>
    %slice3A_402 = vector.extract_strided_slice %reshape3A_21 {offsets = [0, 7, 0], sizes = [40, 1, 112], strides = [1, 1, 1]} : vector<40x16x112xf32> to vector<40x1x112xf32>
    %squeeze3A_403 = vector.shape_cast %slice3A_402 : vector<40x1x112xf32> to vector<40x112xf32>
    %slice3A_404 = vector.extract_strided_slice %reshape3A_30 {offsets = [0, 7, 0], sizes = [40, 1, 112], strides = [1, 1, 1]} : vector<40x16x112xf32> to vector<40x1x112xf32>
    %squeeze3A_405 = vector.shape_cast %slice3A_404 : vector<40x1x112xf32> to vector<40x112xf32>
    %add3A_406 = arith.addf %squeeze3A_401, %squeeze3A_403 : vector<40x112xf32>
    %mul3A_407 = arith.constant 5.000000e-01 : f32
    %mul3A_408 = vector.broadcast %mul3A_407 : f32 to vector<40x112xf32>
    %mul3A_409 = arith.mulf %add3A_406, %mul3A_408 : vector<40x112xf32>
    %add3A_410 = arith.addf %squeeze3A_399, %squeeze3A_401 : vector<40x112xf32>
    %add3A_411 = arith.addf %squeeze3A_403, %squeeze3A_405 : vector<40x112xf32>
    %add3A_412 = arith.addf %add3A_410, %add3A_411 : vector<40x112xf32>
    %mul3A_413 = arith.constant 2.500000e-01 : f32
    %mul3A_414 = vector.broadcast %mul3A_413 : f32 to vector<40x112xf32>
    %mul3A_415 = arith.mulf %add3A_412, %mul3A_414 : vector<40x112xf32>
    %add3A_416 = arith.addf %mul3A_409, %mul3A_415 : vector<40x112xf32>
    %mul3A_417 = arith.constant 5.000000e-01 : f32
    %mul3A_418 = vector.broadcast %mul3A_417 : f32 to vector<40x112xf32>
    %mul3A_419 = arith.mulf %add3A_416, %mul3A_418 : vector<40x112xf32>
    %sub3A_420 = arith.subf %squeeze3A_399, %mul3A_419 : vector<40x112xf32>
    %abs3A_421 = math.absf %sub3A_420 : vector<40x112xf32>
    %sub3A_422 = arith.subf %squeeze3A_401, %mul3A_419 : vector<40x112xf32>
    %abs3A_423 = math.absf %sub3A_422 : vector<40x112xf32>
    %sub3A_424 = arith.subf %squeeze3A_403, %mul3A_419 : vector<40x112xf32>
    %abs3A_425 = math.absf %sub3A_424 : vector<40x112xf32>
    %sub3A_426 = arith.subf %squeeze3A_405, %mul3A_419 : vector<40x112xf32>
    %abs3A_427 = math.absf %sub3A_426 : vector<40x112xf32>
    %add3A_428 = arith.addf %abs3A_423, %abs3A_425 : vector<40x112xf32>
    %mul3A_429 = arith.constant 5.000000e-01 : f32
    %mul3A_430 = vector.broadcast %mul3A_429 : f32 to vector<40x112xf32>
    %mul3A_431 = arith.mulf %add3A_428, %mul3A_430 : vector<40x112xf32>
    %add3A_432 = arith.constant 9.99999974E-5 : f32
    %add3A_433 = vector.broadcast %add3A_432 : f32 to vector<40x112xf32>
    %add3A_434 = arith.addf %mul3A_431, %add3A_433 : vector<40x112xf32>
    %add3A_435 = arith.addf %abs3A_421, %abs3A_423 : vector<40x112xf32>
    %add3A_436 = arith.addf %abs3A_425, %abs3A_427 : vector<40x112xf32>
    %add3A_437 = arith.addf %add3A_435, %add3A_436 : vector<40x112xf32>
    %mul3A_438 = arith.constant 2.500000e-01 : f32
    %mul3A_439 = vector.broadcast %mul3A_438 : f32 to vector<40x112xf32>
    %mul3A_440 = arith.mulf %add3A_437, %mul3A_439 : vector<40x112xf32>
    %add3A_441 = arith.constant 9.99999974E-5 : f32
    %add3A_442 = vector.broadcast %add3A_441 : f32 to vector<40x112xf32>
    %add3A_443 = arith.addf %mul3A_440, %add3A_442 : vector<40x112xf32>
    %div3A_444 = arith.constant 1.000000e+00 : f32
    %div3A_445 = vector.broadcast %div3A_444 : f32 to vector<40x112xf32>
    %div3A_446 = arith.divf %div3A_445, %add3A_434 : vector<40x112xf32>
    %div3A_447 = arith.constant 1.000000e+00 : f32
    %div3A_448 = vector.broadcast %div3A_447 : f32 to vector<40x112xf32>
    %div3A_449 = arith.divf %div3A_448, %add3A_443 : vector<40x112xf32>
    %mul3A_450 = arith.mulf %div3A_446, %div3A_446 : vector<40x112xf32>
    %mul3A_451 = arith.constant -5.000000e-01 : f32
    %mul3A_452 = vector.broadcast %mul3A_451 : f32 to vector<40x112xf32>
    %mul3A_453 = arith.mulf %mul3A_450, %mul3A_452 : vector<40x112xf32>
    %mul3A_454 = arith.mulf %div3A_449, %div3A_449 : vector<40x112xf32>
    %mul3A_455 = arith.constant -5.000000e-01 : f32
    %mul3A_456 = vector.broadcast %mul3A_455 : f32 to vector<40x112xf32>
    %mul3A_457 = arith.mulf %mul3A_454, %mul3A_456 : vector<40x112xf32>
    %sub3A_458 = arith.subf %squeeze3A_399, %mul3A_409 : vector<40x112xf32>
    %mul3A_459 = arith.mulf %sub3A_458, %sub3A_458 : vector<40x112xf32>
    %mul3A_460 = arith.mulf %mul3A_459, %mul3A_453 : vector<40x112xf32>
    %exp3A_461 = math.exp %mul3A_460 : vector<40x112xf32>
    %sub3A_462 = arith.subf %squeeze3A_401, %mul3A_409 : vector<40x112xf32>
    %mul3A_463 = arith.mulf %sub3A_462, %sub3A_462 : vector<40x112xf32>
    %mul3A_464 = arith.mulf %mul3A_463, %mul3A_453 : vector<40x112xf32>
    %exp3A_465 = math.exp %mul3A_464 : vector<40x112xf32>
    %sub3A_466 = arith.subf %squeeze3A_405, %mul3A_409 : vector<40x112xf32>
    %mul3A_467 = arith.mulf %sub3A_466, %sub3A_466 : vector<40x112xf32>
    %mul3A_468 = arith.mulf %mul3A_467, %mul3A_453 : vector<40x112xf32>
    %exp3A_469 = math.exp %mul3A_468 : vector<40x112xf32>
    %sub3A_470 = arith.subf %squeeze3A_399, %mul3A_415 : vector<40x112xf32>
    %mul3A_471 = arith.mulf %sub3A_470, %sub3A_470 : vector<40x112xf32>
    %mul3A_472 = arith.mulf %mul3A_471, %mul3A_457 : vector<40x112xf32>
    %exp3A_473 = math.exp %mul3A_472 : vector<40x112xf32>
    %sub3A_474 = arith.subf %squeeze3A_401, %mul3A_415 : vector<40x112xf32>
    %mul3A_475 = arith.mulf %sub3A_474, %sub3A_474 : vector<40x112xf32>
    %mul3A_476 = arith.mulf %mul3A_475, %mul3A_457 : vector<40x112xf32>
    %exp3A_477 = math.exp %mul3A_476 : vector<40x112xf32>
    %sub3A_478 = arith.subf %squeeze3A_403, %mul3A_415 : vector<40x112xf32>
    %mul3A_479 = arith.mulf %sub3A_478, %sub3A_478 : vector<40x112xf32>
    %mul3A_480 = arith.mulf %mul3A_479, %mul3A_457 : vector<40x112xf32>
    %exp3A_481 = math.exp %mul3A_480 : vector<40x112xf32>
    %sub3A_482 = arith.subf %squeeze3A_405, %mul3A_415 : vector<40x112xf32>
    %mul3A_483 = arith.mulf %sub3A_482, %sub3A_482 : vector<40x112xf32>
    %mul3A_484 = arith.mulf %mul3A_483, %mul3A_457 : vector<40x112xf32>
    %exp3A_485 = math.exp %mul3A_484 : vector<40x112xf32>
    %max3A_486 = arith.maximumf %exp3A_461, %exp3A_473 : vector<40x112xf32>
    %max3A_487 = arith.maximumf %exp3A_465, %exp3A_477 : vector<40x112xf32>
    %min3A_488 = arith.minimumf %max3A_486, %max3A_487 : vector<40x112xf32>
    %max3A_489 = arith.maximumf %exp3A_465, %exp3A_481 : vector<40x112xf32>
    %max3A_490 = arith.maximumf %exp3A_469, %exp3A_485 : vector<40x112xf32>
    %min3A_491 = arith.minimumf %max3A_489, %max3A_490 : vector<40x112xf32>
    %min3A_492 = arith.minimumf %min3A_488, %min3A_491 : vector<40x112xf32>
    %add3A_493 = arith.addf %exp3A_461, %exp3A_473 : vector<40x112xf32>
    %add3A_494 = arith.addf %exp3A_465, %exp3A_477 : vector<40x112xf32>
    %add3A_495 = arith.addf %exp3A_465, %exp3A_481 : vector<40x112xf32>
    %add3A_496 = arith.addf %exp3A_469, %exp3A_485 : vector<40x112xf32>
    %add3A_497 = arith.addf %min3A_492, %min3A_492 : vector<40x112xf32>
    %ge3A_498 = arith.cmpf oge, %add3A_494, %add3A_497 : vector<40x112xf32>
    %not3A_499 = arith.constant dense<true> : vector<40x112xi1>
    %not3A_500 = arith.xori %ge3A_498, %not3A_499 : vector<40x112xi1>
    %lt3A_501 = arith.constant 1.000000e-03 : f32
    %lt3A_502 = vector.broadcast %lt3A_501 : f32 to vector<40x112xf32>
    %lt3A_503 = arith.cmpf olt, %add3A_443, %lt3A_502 : vector<40x112xf32>
    %and3A_504 = arith.andi %not3A_500, %lt3A_503 : vector<40x112xi1>
    %mul3A_505 = arith.mulf %add3A_493, %squeeze3A_399 : vector<40x112xf32>
    %mul3A_506 = arith.mulf %add3A_494, %squeeze3A_401 : vector<40x112xf32>
    %add3A_507 = arith.addf %mul3A_505, %mul3A_506 : vector<40x112xf32>
    %mul3A_508 = arith.mulf %add3A_495, %squeeze3A_403 : vector<40x112xf32>
    %mul3A_509 = arith.mulf %add3A_496, %squeeze3A_405 : vector<40x112xf32>
    %add3A_510 = arith.addf %mul3A_508, %mul3A_509 : vector<40x112xf32>
    %add3A_511 = arith.addf %add3A_507, %add3A_510 : vector<40x112xf32>
    %add3A_512 = arith.addf %add3A_493, %add3A_494 : vector<40x112xf32>
    %add3A_513 = arith.addf %add3A_495, %add3A_496 : vector<40x112xf32>
    %add3A_514 = arith.addf %add3A_512, %add3A_513 : vector<40x112xf32>
    %div3A_515 = arith.divf %add3A_511, %add3A_514 : vector<40x112xf32>
    %select_n3A_516 = arith.select %and3A_504, %mul3A_419, %div3A_515 : vector<40x112xi1>, vector<40x112xf32>
    %select_n3A_517 = arith.select %ge3A_498, %mul3A_415, %select_n3A_516 : vector<40x112xi1>, vector<40x112xf32>
    %swap3A_518 = arith.constant 0 : index
    %swap3A_519 = arith.constant 0 : index
    %swap3A_520 = arith.constant 3 : index
    %swap3A_521 = arith.constant 0 : index
    %swap3A_522 = vector.load %arg5[%swap3A_518, %swap3A_519, %swap3A_520, %swap3A_521] : memref<1x40x8x112xf32, #tpu.memory_space<vmem>>, vector<1x40x1x112xf32>
    %swap3A_523 = vector.shape_cast %swap3A_522 : vector<1x40x1x112xf32> to vector<40x112xf32>
    %swap3A_524 = vector.shape_cast %select_n3A_517 : vector<40x112xf32> to vector<1x40x1x112xf32>
    tpu.vector_store %arg5[%swap3A_518, %swap3A_519, %swap3A_520, %swap3A_521], %swap3A_524 {strides = array<i32>} : memref<1x40x8x112xf32, #tpu.memory_space<vmem>>, vector<1x40x1x112xf32>,
    %slice3A_525 = vector.extract_strided_slice %reshape3A_21 {offsets = [0, 8, 0], sizes = [40, 1, 112], strides = [1, 1, 1]} : vector<40x16x112xf32> to vector<40x1x112xf32>
    %squeeze3A_526 = vector.shape_cast %slice3A_525 : vector<40x1x112xf32> to vector<40x112xf32>
    %slice3A_527 = vector.extract_strided_slice %reshape3A_30 {offsets = [0, 8, 0], sizes = [40, 1, 112], strides = [1, 1, 1]} : vector<40x16x112xf32> to vector<40x1x112xf32>
    %squeeze3A_528 = vector.shape_cast %slice3A_527 : vector<40x1x112xf32> to vector<40x112xf32>
    %slice3A_529 = vector.extract_strided_slice %reshape3A_21 {offsets = [0, 9, 0], sizes = [40, 1, 112], strides = [1, 1, 1]} : vector<40x16x112xf32> to vector<40x1x112xf32>
    %squeeze3A_530 = vector.shape_cast %slice3A_529 : vector<40x1x112xf32> to vector<40x112xf32>
    %slice3A_531 = vector.extract_strided_slice %reshape3A_30 {offsets = [0, 9, 0], sizes = [40, 1, 112], strides = [1, 1, 1]} : vector<40x16x112xf32> to vector<40x1x112xf32>
    %squeeze3A_532 = vector.shape_cast %slice3A_531 : vector<40x1x112xf32> to vector<40x112xf32>
    %add3A_533 = arith.addf %squeeze3A_528, %squeeze3A_530 : vector<40x112xf32>
    %mul3A_534 = arith.constant 5.000000e-01 : f32
    %mul3A_535 = vector.broadcast %mul3A_534 : f32 to vector<40x112xf32>
    %mul3A_536 = arith.mulf %add3A_533, %mul3A_535 : vector<40x112xf32>
    %add3A_537 = arith.addf %squeeze3A_526, %squeeze3A_528 : vector<40x112xf32>
    %add3A_538 = arith.addf %squeeze3A_530, %squeeze3A_532 : vector<40x112xf32>
    %add3A_539 = arith.addf %add3A_537, %add3A_538 : vector<40x112xf32>
    %mul3A_540 = arith.constant 2.500000e-01 : f32
    %mul3A_541 = vector.broadcast %mul3A_540 : f32 to vector<40x112xf32>
    %mul3A_542 = arith.mulf %add3A_539, %mul3A_541 : vector<40x112xf32>
    %add3A_543 = arith.addf %mul3A_536, %mul3A_542 : vector<40x112xf32>
    %mul3A_544 = arith.constant 5.000000e-01 : f32
    %mul3A_545 = vector.broadcast %mul3A_544 : f32 to vector<40x112xf32>
    %mul3A_546 = arith.mulf %add3A_543, %mul3A_545 : vector<40x112xf32>
    %sub3A_547 = arith.subf %squeeze3A_526, %mul3A_546 : vector<40x112xf32>
    %abs3A_548 = math.absf %sub3A_547 : vector<40x112xf32>
    %sub3A_549 = arith.subf %squeeze3A_528, %mul3A_546 : vector<40x112xf32>
    %abs3A_550 = math.absf %sub3A_549 : vector<40x112xf32>
    %sub3A_551 = arith.subf %squeeze3A_530, %mul3A_546 : vector<40x112xf32>
    %abs3A_552 = math.absf %sub3A_551 : vector<40x112xf32>
    %sub3A_553 = arith.subf %squeeze3A_532, %mul3A_546 : vector<40x112xf32>
    %abs3A_554 = math.absf %sub3A_553 : vector<40x112xf32>
    %add3A_555 = arith.addf %abs3A_550, %abs3A_552 : vector<40x112xf32>
    %mul3A_556 = arith.constant 5.000000e-01 : f32
    %mul3A_557 = vector.broadcast %mul3A_556 : f32 to vector<40x112xf32>
    %mul3A_558 = arith.mulf %add3A_555, %mul3A_557 : vector<40x112xf32>
    %add3A_559 = arith.constant 9.99999974E-5 : f32
    %add3A_560 = vector.broadcast %add3A_559 : f32 to vector<40x112xf32>
    %add3A_561 = arith.addf %mul3A_558, %add3A_560 : vector<40x112xf32>
    %add3A_562 = arith.addf %abs3A_548, %abs3A_550 : vector<40x112xf32>
    %add3A_563 = arith.addf %abs3A_552, %abs3A_554 : vector<40x112xf32>
    %add3A_564 = arith.addf %add3A_562, %add3A_563 : vector<40x112xf32>
    %mul3A_565 = arith.constant 2.500000e-01 : f32
    %mul3A_566 = vector.broadcast %mul3A_565 : f32 to vector<40x112xf32>
    %mul3A_567 = arith.mulf %add3A_564, %mul3A_566 : vector<40x112xf32>
    %add3A_568 = arith.constant 9.99999974E-5 : f32
    %add3A_569 = vector.broadcast %add3A_568 : f32 to vector<40x112xf32>
    %add3A_570 = arith.addf %mul3A_567, %add3A_569 : vector<40x112xf32>
    %div3A_571 = arith.constant 1.000000e+00 : f32
    %div3A_572 = vector.broadcast %div3A_571 : f32 to vector<40x112xf32>
    %div3A_573 = arith.divf %div3A_572, %add3A_561 : vector<40x112xf32>
    %div3A_574 = arith.constant 1.000000e+00 : f32
    %div3A_575 = vector.broadcast %div3A_574 : f32 to vector<40x112xf32>
    %div3A_576 = arith.divf %div3A_575, %add3A_570 : vector<40x112xf32>
    %mul3A_577 = arith.mulf %div3A_573, %div3A_573 : vector<40x112xf32>
    %mul3A_578 = arith.constant -5.000000e-01 : f32
    %mul3A_579 = vector.broadcast %mul3A_578 : f32 to vector<40x112xf32>
    %mul3A_580 = arith.mulf %mul3A_577, %mul3A_579 : vector<40x112xf32>
    %mul3A_581 = arith.mulf %div3A_576, %div3A_576 : vector<40x112xf32>
    %mul3A_582 = arith.constant -5.000000e-01 : f32
    %mul3A_583 = vector.broadcast %mul3A_582 : f32 to vector<40x112xf32>
    %mul3A_584 = arith.mulf %mul3A_581, %mul3A_583 : vector<40x112xf32>
    %sub3A_585 = arith.subf %squeeze3A_526, %mul3A_536 : vector<40x112xf32>
    %mul3A_586 = arith.mulf %sub3A_585, %sub3A_585 : vector<40x112xf32>
    %mul3A_587 = arith.mulf %mul3A_586, %mul3A_580 : vector<40x112xf32>
    %exp3A_588 = math.exp %mul3A_587 : vector<40x112xf32>
    %sub3A_589 = arith.subf %squeeze3A_528, %mul3A_536 : vector<40x112xf32>
    %mul3A_590 = arith.mulf %sub3A_589, %sub3A_589 : vector<40x112xf32>
    %mul3A_591 = arith.mulf %mul3A_590, %mul3A_580 : vector<40x112xf32>
    %exp3A_592 = math.exp %mul3A_591 : vector<40x112xf32>
    %sub3A_593 = arith.subf %squeeze3A_532, %mul3A_536 : vector<40x112xf32>
    %mul3A_594 = arith.mulf %sub3A_593, %sub3A_593 : vector<40x112xf32>
    %mul3A_595 = arith.mulf %mul3A_594, %mul3A_580 : vector<40x112xf32>
    %exp3A_596 = math.exp %mul3A_595 : vector<40x112xf32>
    %sub3A_597 = arith.subf %squeeze3A_526, %mul3A_542 : vector<40x112xf32>
    %mul3A_598 = arith.mulf %sub3A_597, %sub3A_597 : vector<40x112xf32>
    %mul3A_599 = arith.mulf %mul3A_598, %mul3A_584 : vector<40x112xf32>
    %exp3A_600 = math.exp %mul3A_599 : vector<40x112xf32>
    %sub3A_601 = arith.subf %squeeze3A_528, %mul3A_542 : vector<40x112xf32>
    %mul3A_602 = arith.mulf %sub3A_601, %sub3A_601 : vector<40x112xf32>
    %mul3A_603 = arith.mulf %mul3A_602, %mul3A_584 : vector<40x112xf32>
    %exp3A_604 = math.exp %mul3A_603 : vector<40x112xf32>
    %sub3A_605 = arith.subf %squeeze3A_530, %mul3A_542 : vector<40x112xf32>
    %mul3A_606 = arith.mulf %sub3A_605, %sub3A_605 : vector<40x112xf32>
    %mul3A_607 = arith.mulf %mul3A_606, %mul3A_584 : vector<40x112xf32>
    %exp3A_608 = math.exp %mul3A_607 : vector<40x112xf32>
    %sub3A_609 = arith.subf %squeeze3A_532, %mul3A_542 : vector<40x112xf32>
    %mul3A_610 = arith.mulf %sub3A_609, %sub3A_609 : vector<40x112xf32>
    %mul3A_611 = arith.mulf %mul3A_610, %mul3A_584 : vector<40x112xf32>
    %exp3A_612 = math.exp %mul3A_611 : vector<40x112xf32>
    %max3A_613 = arith.maximumf %exp3A_588, %exp3A_600 : vector<40x112xf32>
    %max3A_614 = arith.maximumf %exp3A_592, %exp3A_604 : vector<40x112xf32>
    %min3A_615 = arith.minimumf %max3A_613, %max3A_614 : vector<40x112xf32>
    %max3A_616 = arith.maximumf %exp3A_592, %exp3A_608 : vector<40x112xf32>
    %max3A_617 = arith.maximumf %exp3A_596, %exp3A_612 : vector<40x112xf32>
    %min3A_618 = arith.minimumf %max3A_616, %max3A_617 : vector<40x112xf32>
    %min3A_619 = arith.minimumf %min3A_615, %min3A_618 : vector<40x112xf32>
    %add3A_620 = arith.addf %exp3A_588, %exp3A_600 : vector<40x112xf32>
    %add3A_621 = arith.addf %exp3A_592, %exp3A_604 : vector<40x112xf32>
    %add3A_622 = arith.addf %exp3A_592, %exp3A_608 : vector<40x112xf32>
    %add3A_623 = arith.addf %exp3A_596, %exp3A_612 : vector<40x112xf32>
    %add3A_624 = arith.addf %min3A_619, %min3A_619 : vector<40x112xf32>
    %ge3A_625 = arith.cmpf oge, %add3A_621, %add3A_624 : vector<40x112xf32>
    %not3A_626 = arith.constant dense<true> : vector<40x112xi1>
    %not3A_627 = arith.xori %ge3A_625, %not3A_626 : vector<40x112xi1>
    %lt3A_628 = arith.constant 1.000000e-03 : f32
    %lt3A_629 = vector.broadcast %lt3A_628 : f32 to vector<40x112xf32>
    %lt3A_630 = arith.cmpf olt, %add3A_570, %lt3A_629 : vector<40x112xf32>
    %and3A_631 = arith.andi %not3A_627, %lt3A_630 : vector<40x112xi1>
    %mul3A_632 = arith.mulf %add3A_620, %squeeze3A_526 : vector<40x112xf32>
    %mul3A_633 = arith.mulf %add3A_621, %squeeze3A_528 : vector<40x112xf32>
    %add3A_634 = arith.addf %mul3A_632, %mul3A_633 : vector<40x112xf32>
    %mul3A_635 = arith.mulf %add3A_622, %squeeze3A_530 : vector<40x112xf32>
    %mul3A_636 = arith.mulf %add3A_623, %squeeze3A_532 : vector<40x112xf32>
    %add3A_637 = arith.addf %mul3A_635, %mul3A_636 : vector<40x112xf32>
    %add3A_638 = arith.addf %add3A_634, %add3A_637 : vector<40x112xf32>
    %add3A_639 = arith.addf %add3A_620, %add3A_621 : vector<40x112xf32>
    %add3A_640 = arith.addf %add3A_622, %add3A_623 : vector<40x112xf32>
    %add3A_641 = arith.addf %add3A_639, %add3A_640 : vector<40x112xf32>
    %div3A_642 = arith.divf %add3A_638, %add3A_641 : vector<40x112xf32>
    %select_n3A_643 = arith.select %and3A_631, %mul3A_546, %div3A_642 : vector<40x112xi1>, vector<40x112xf32>
    %select_n3A_644 = arith.select %ge3A_625, %mul3A_542, %select_n3A_643 : vector<40x112xi1>, vector<40x112xf32>
    %swap3A_645 = arith.constant 0 : index
    %swap3A_646 = arith.constant 0 : index
    %swap3A_647 = arith.constant 4 : index
    %swap3A_648 = arith.constant 0 : index
    %swap3A_649 = vector.load %arg5[%swap3A_645, %swap3A_646, %swap3A_647, %swap3A_648] : memref<1x40x8x112xf32, #tpu.memory_space<vmem>>, vector<1x40x1x112xf32>
    %swap3A_650 = vector.shape_cast %swap3A_649 : vector<1x40x1x112xf32> to vector<40x112xf32>
    %swap3A_651 = vector.shape_cast %select_n3A_644 : vector<40x112xf32> to vector<1x40x1x112xf32>
    tpu.vector_store %arg5[%swap3A_645, %swap3A_646, %swap3A_647, %swap3A_648], %swap3A_651 {strides = array<i32>} : memref<1x40x8x112xf32, #tpu.memory_space<vmem>>, vector<1x40x1x112xf32>,
    %slice3A_652 = vector.extract_strided_slice %reshape3A_21 {offsets = [0, 10, 0], sizes = [40, 1, 112], strides = [1, 1, 1]} : vector<40x16x112xf32> to vector<40x1x112xf32>
    %squeeze3A_653 = vector.shape_cast %slice3A_652 : vector<40x1x112xf32> to vector<40x112xf32>
    %slice3A_654 = vector.extract_strided_slice %reshape3A_30 {offsets = [0, 10, 0], sizes = [40, 1, 112], strides = [1, 1, 1]} : vector<40x16x112xf32> to vector<40x1x112xf32>
    %squeeze3A_655 = vector.shape_cast %slice3A_654 : vector<40x1x112xf32> to vector<40x112xf32>
    %slice3A_656 = vector.extract_strided_slice %reshape3A_21 {offsets = [0, 11, 0], sizes = [40, 1, 112], strides = [1, 1, 1]} : vector<40x16x112xf32> to vector<40x1x112xf32>
    %squeeze3A_657 = vector.shape_cast %slice3A_656 : vector<40x1x112xf32> to vector<40x112xf32>
    %slice3A_658 = vector.extract_strided_slice %reshape3A_30 {offsets = [0, 11, 0], sizes = [40, 1, 112], strides = [1, 1, 1]} : vector<40x16x112xf32> to vector<40x1x112xf32>
    %squeeze3A_659 = vector.shape_cast %slice3A_658 : vector<40x1x112xf32> to vector<40x112xf32>
    %add3A_660 = arith.addf %squeeze3A_655, %squeeze3A_657 : vector<40x112xf32>
    %mul3A_661 = arith.constant 5.000000e-01 : f32
    %mul3A_662 = vector.broadcast %mul3A_661 : f32 to vector<40x112xf32>
    %mul3A_663 = arith.mulf %add3A_660, %mul3A_662 : vector<40x112xf32>
    %add3A_664 = arith.addf %squeeze3A_653, %squeeze3A_655 : vector<40x112xf32>
    %add3A_665 = arith.addf %squeeze3A_657, %squeeze3A_659 : vector<40x112xf32>
    %add3A_666 = arith.addf %add3A_664, %add3A_665 : vector<40x112xf32>
    %mul3A_667 = arith.constant 2.500000e-01 : f32
    %mul3A_668 = vector.broadcast %mul3A_667 : f32 to vector<40x112xf32>
    %mul3A_669 = arith.mulf %add3A_666, %mul3A_668 : vector<40x112xf32>
    %add3A_670 = arith.addf %mul3A_663, %mul3A_669 : vector<40x112xf32>
    %mul3A_671 = arith.constant 5.000000e-01 : f32
    %mul3A_672 = vector.broadcast %mul3A_671 : f32 to vector<40x112xf32>
    %mul3A_673 = arith.mulf %add3A_670, %mul3A_672 : vector<40x112xf32>
    %sub3A_674 = arith.subf %squeeze3A_653, %mul3A_673 : vector<40x112xf32>
    %abs3A_675 = math.absf %sub3A_674 : vector<40x112xf32>
    %sub3A_676 = arith.subf %squeeze3A_655, %mul3A_673 : vector<40x112xf32>
    %abs3A_677 = math.absf %sub3A_676 : vector<40x112xf32>
    %sub3A_678 = arith.subf %squeeze3A_657, %mul3A_673 : vector<40x112xf32>
    %abs3A_679 = math.absf %sub3A_678 : vector<40x112xf32>
    %sub3A_680 = arith.subf %squeeze3A_659, %mul3A_673 : vector<40x112xf32>
    %abs3A_681 = math.absf %sub3A_680 : vector<40x112xf32>
    %add3A_682 = arith.addf %abs3A_677, %abs3A_679 : vector<40x112xf32>
    %mul3A_683 = arith.constant 5.000000e-01 : f32
    %mul3A_684 = vector.broadcast %mul3A_683 : f32 to vector<40x112xf32>
    %mul3A_685 = arith.mulf %add3A_682, %mul3A_684 : vector<40x112xf32>
    %add3A_686 = arith.constant 9.99999974E-5 : f32
    %add3A_687 = vector.broadcast %add3A_686 : f32 to vector<40x112xf32>
    %add3A_688 = arith.addf %mul3A_685, %add3A_687 : vector<40x112xf32>
    %add3A_689 = arith.addf %abs3A_675, %abs3A_677 : vector<40x112xf32>
    %add3A_690 = arith.addf %abs3A_679, %abs3A_681 : vector<40x112xf32>
    %add3A_691 = arith.addf %add3A_689, %add3A_690 : vector<40x112xf32>
    %mul3A_692 = arith.constant 2.500000e-01 : f32
    %mul3A_693 = vector.broadcast %mul3A_692 : f32 to vector<40x112xf32>
    %mul3A_694 = arith.mulf %add3A_691, %mul3A_693 : vector<40x112xf32>
    %add3A_695 = arith.constant 9.99999974E-5 : f32
    %add3A_696 = vector.broadcast %add3A_695 : f32 to vector<40x112xf32>
    %add3A_697 = arith.addf %mul3A_694, %add3A_696 : vector<40x112xf32>
    %div3A_698 = arith.constant 1.000000e+00 : f32
    %div3A_699 = vector.broadcast %div3A_698 : f32 to vector<40x112xf32>
    %div3A_700 = arith.divf %div3A_699, %add3A_688 : vector<40x112xf32>
    %div3A_701 = arith.constant 1.000000e+00 : f32
    %div3A_702 = vector.broadcast %div3A_701 : f32 to vector<40x112xf32>
    %div3A_703 = arith.divf %div3A_702, %add3A_697 : vector<40x112xf32>
    %mul3A_704 = arith.mulf %div3A_700, %div3A_700 : vector<40x112xf32>
    %mul3A_705 = arith.constant -5.000000e-01 : f32
    %mul3A_706 = vector.broadcast %mul3A_705 : f32 to vector<40x112xf32>
    %mul3A_707 = arith.mulf %mul3A_704, %mul3A_706 : vector<40x112xf32>
    %mul3A_708 = arith.mulf %div3A_703, %div3A_703 : vector<40x112xf32>
    %mul3A_709 = arith.constant -5.000000e-01 : f32
    %mul3A_710 = vector.broadcast %mul3A_709 : f32 to vector<40x112xf32>
    %mul3A_711 = arith.mulf %mul3A_708, %mul3A_710 : vector<40x112xf32>
    %sub3A_712 = arith.subf %squeeze3A_653, %mul3A_663 : vector<40x112xf32>
    %mul3A_713 = arith.mulf %sub3A_712, %sub3A_712 : vector<40x112xf32>
    %mul3A_714 = arith.mulf %mul3A_713, %mul3A_707 : vector<40x112xf32>
    %exp3A_715 = math.exp %mul3A_714 : vector<40x112xf32>
    %sub3A_716 = arith.subf %squeeze3A_655, %mul3A_663 : vector<40x112xf32>
    %mul3A_717 = arith.mulf %sub3A_716, %sub3A_716 : vector<40x112xf32>
    %mul3A_718 = arith.mulf %mul3A_717, %mul3A_707 : vector<40x112xf32>
    %exp3A_719 = math.exp %mul3A_718 : vector<40x112xf32>
    %sub3A_720 = arith.subf %squeeze3A_659, %mul3A_663 : vector<40x112xf32>
    %mul3A_721 = arith.mulf %sub3A_720, %sub3A_720 : vector<40x112xf32>
    %mul3A_722 = arith.mulf %mul3A_721, %mul3A_707 : vector<40x112xf32>
    %exp3A_723 = math.exp %mul3A_722 : vector<40x112xf32>
    %sub3A_724 = arith.subf %squeeze3A_653, %mul3A_669 : vector<40x112xf32>
    %mul3A_725 = arith.mulf %sub3A_724, %sub3A_724 : vector<40x112xf32>
    %mul3A_726 = arith.mulf %mul3A_725, %mul3A_711 : vector<40x112xf32>
    %exp3A_727 = math.exp %mul3A_726 : vector<40x112xf32>
    %sub3A_728 = arith.subf %squeeze3A_655, %mul3A_669 : vector<40x112xf32>
    %mul3A_729 = arith.mulf %sub3A_728, %sub3A_728 : vector<40x112xf32>
    %mul3A_730 = arith.mulf %mul3A_729, %mul3A_711 : vector<40x112xf32>
    %exp3A_731 = math.exp %mul3A_730 : vector<40x112xf32>
    %sub3A_732 = arith.subf %squeeze3A_657, %mul3A_669 : vector<40x112xf32>
    %mul3A_733 = arith.mulf %sub3A_732, %sub3A_732 : vector<40x112xf32>
    %mul3A_734 = arith.mulf %mul3A_733, %mul3A_711 : vector<40x112xf32>
    %exp3A_735 = math.exp %mul3A_734 : vector<40x112xf32>
    %sub3A_736 = arith.subf %squeeze3A_659, %mul3A_669 : vector<40x112xf32>
    %mul3A_737 = arith.mulf %sub3A_736, %sub3A_736 : vector<40x112xf32>
    %mul3A_738 = arith.mulf %mul3A_737, %mul3A_711 : vector<40x112xf32>
    %exp3A_739 = math.exp %mul3A_738 : vector<40x112xf32>
    %max3A_740 = arith.maximumf %exp3A_715, %exp3A_727 : vector<40x112xf32>
    %max3A_741 = arith.maximumf %exp3A_719, %exp3A_731 : vector<40x112xf32>
    %min3A_742 = arith.minimumf %max3A_740, %max3A_741 : vector<40x112xf32>
    %max3A_743 = arith.maximumf %exp3A_719, %exp3A_735 : vector<40x112xf32>
    %max3A_744 = arith.maximumf %exp3A_723, %exp3A_739 : vector<40x112xf32>
    %min3A_745 = arith.minimumf %max3A_743, %max3A_744 : vector<40x112xf32>
    %min3A_746 = arith.minimumf %min3A_742, %min3A_745 : vector<40x112xf32>
    %add3A_747 = arith.addf %exp3A_715, %exp3A_727 : vector<40x112xf32>
    %add3A_748 = arith.addf %exp3A_719, %exp3A_731 : vector<40x112xf32>
    %add3A_749 = arith.addf %exp3A_719, %exp3A_735 : vector<40x112xf32>
    %add3A_750 = arith.addf %exp3A_723, %exp3A_739 : vector<40x112xf32>
    %add3A_751 = arith.addf %min3A_746, %min3A_746 : vector<40x112xf32>
    %ge3A_752 = arith.cmpf oge, %add3A_748, %add3A_751 : vector<40x112xf32>
    %not3A_753 = arith.constant dense<true> : vector<40x112xi1>
    %not3A_754 = arith.xori %ge3A_752, %not3A_753 : vector<40x112xi1>
    %lt3A_755 = arith.constant 1.000000e-03 : f32
    %lt3A_756 = vector.broadcast %lt3A_755 : f32 to vector<40x112xf32>
    %lt3A_757 = arith.cmpf olt, %add3A_697, %lt3A_756 : vector<40x112xf32>
    %and3A_758 = arith.andi %not3A_754, %lt3A_757 : vector<40x112xi1>
    %mul3A_759 = arith.mulf %add3A_747, %squeeze3A_653 : vector<40x112xf32>
    %mul3A_760 = arith.mulf %add3A_748, %squeeze3A_655 : vector<40x112xf32>
    %add3A_761 = arith.addf %mul3A_759, %mul3A_760 : vector<40x112xf32>
    %mul3A_762 = arith.mulf %add3A_749, %squeeze3A_657 : vector<40x112xf32>
    %mul3A_763 = arith.mulf %add3A_750, %squeeze3A_659 : vector<40x112xf32>
    %add3A_764 = arith.addf %mul3A_762, %mul3A_763 : vector<40x112xf32>
    %add3A_765 = arith.addf %add3A_761, %add3A_764 : vector<40x112xf32>
    %add3A_766 = arith.addf %add3A_747, %add3A_748 : vector<40x112xf32>
    %add3A_767 = arith.addf %add3A_749, %add3A_750 : vector<40x112xf32>
    %add3A_768 = arith.addf %add3A_766, %add3A_767 : vector<40x112xf32>
    %div3A_769 = arith.divf %add3A_765, %add3A_768 : vector<40x112xf32>
    %select_n3A_770 = arith.select %and3A_758, %mul3A_673, %div3A_769 : vector<40x112xi1>, vector<40x112xf32>
    %select_n3A_771 = arith.select %ge3A_752, %mul3A_669, %select_n3A_770 : vector<40x112xi1>, vector<40x112xf32>
    %swap3A_772 = arith.constant 0 : index
    %swap3A_773 = arith.constant 0 : index
    %swap3A_774 = arith.constant 5 : index
    %swap3A_775 = arith.constant 0 : index
    %swap3A_776 = vector.load %arg5[%swap3A_772, %swap3A_773, %swap3A_774, %swap3A_775] : memref<1x40x8x112xf32, #tpu.memory_space<vmem>>, vector<1x40x1x112xf32>
    %swap3A_777 = vector.shape_cast %swap3A_776 : vector<1x40x1x112xf32> to vector<40x112xf32>
    %swap3A_778 = vector.shape_cast %select_n3A_771 : vector<40x112xf32> to vector<1x40x1x112xf32>
    tpu.vector_store %arg5[%swap3A_772, %swap3A_773, %swap3A_774, %swap3A_775], %swap3A_778 {strides = array<i32>} : memref<1x40x8x112xf32, #tpu.memory_space<vmem>>, vector<1x40x1x112xf32>,
    %slice3A_779 = vector.extract_strided_slice %reshape3A_21 {offsets = [0, 12, 0], sizes = [40, 1, 112], strides = [1, 1, 1]} : vector<40x16x112xf32> to vector<40x1x112xf32>
    %squeeze3A_780 = vector.shape_cast %slice3A_779 : vector<40x1x112xf32> to vector<40x112xf32>
    %slice3A_781 = vector.extract_strided_slice %reshape3A_30 {offsets = [0, 12, 0], sizes = [40, 1, 112], strides = [1, 1, 1]} : vector<40x16x112xf32> to vector<40x1x112xf32>
    %squeeze3A_782 = vector.shape_cast %slice3A_781 : vector<40x1x112xf32> to vector<40x112xf32>
    %slice3A_783 = vector.extract_strided_slice %reshape3A_21 {offsets = [0, 13, 0], sizes = [40, 1, 112], strides = [1, 1, 1]} : vector<40x16x112xf32> to vector<40x1x112xf32>
    %squeeze3A_784 = vector.shape_cast %slice3A_783 : vector<40x1x112xf32> to vector<40x112xf32>
    %slice3A_785 = vector.extract_strided_slice %reshape3A_30 {offsets = [0, 13, 0], sizes = [40, 1, 112], strides = [1, 1, 1]} : vector<40x16x112xf32> to vector<40x1x112xf32>
    %squeeze3A_786 = vector.shape_cast %slice3A_785 : vector<40x1x112xf32> to vector<40x112xf32>
    %add3A_787 = arith.addf %squeeze3A_782, %squeeze3A_784 : vector<40x112xf32>
    %mul3A_788 = arith.constant 5.000000e-01 : f32
    %mul3A_789 = vector.broadcast %mul3A_788 : f32 to vector<40x112xf32>
    %mul3A_790 = arith.mulf %add3A_787, %mul3A_789 : vector<40x112xf32>
    %add3A_791 = arith.addf %squeeze3A_780, %squeeze3A_782 : vector<40x112xf32>
    %add3A_792 = arith.addf %squeeze3A_784, %squeeze3A_786 : vector<40x112xf32>
    %add3A_793 = arith.addf %add3A_791, %add3A_792 : vector<40x112xf32>
    %mul3A_794 = arith.constant 2.500000e-01 : f32
    %mul3A_795 = vector.broadcast %mul3A_794 : f32 to vector<40x112xf32>
    %mul3A_796 = arith.mulf %add3A_793, %mul3A_795 : vector<40x112xf32>
    %add3A_797 = arith.addf %mul3A_790, %mul3A_796 : vector<40x112xf32>
    %mul3A_798 = arith.constant 5.000000e-01 : f32
    %mul3A_799 = vector.broadcast %mul3A_798 : f32 to vector<40x112xf32>
    %mul3A_800 = arith.mulf %add3A_797, %mul3A_799 : vector<40x112xf32>
    %sub3A_801 = arith.subf %squeeze3A_780, %mul3A_800 : vector<40x112xf32>
    %abs3A_802 = math.absf %sub3A_801 : vector<40x112xf32>
    %sub3A_803 = arith.subf %squeeze3A_782, %mul3A_800 : vector<40x112xf32>
    %abs3A_804 = math.absf %sub3A_803 : vector<40x112xf32>
    %sub3A_805 = arith.subf %squeeze3A_784, %mul3A_800 : vector<40x112xf32>
    %abs3A_806 = math.absf %sub3A_805 : vector<40x112xf32>
    %sub3A_807 = arith.subf %squeeze3A_786, %mul3A_800 : vector<40x112xf32>
    %abs3A_808 = math.absf %sub3A_807 : vector<40x112xf32>
    %add3A_809 = arith.addf %abs3A_804, %abs3A_806 : vector<40x112xf32>
    %mul3A_810 = arith.constant 5.000000e-01 : f32
    %mul3A_811 = vector.broadcast %mul3A_810 : f32 to vector<40x112xf32>
    %mul3A_812 = arith.mulf %add3A_809, %mul3A_811 : vector<40x112xf32>
    %add3A_813 = arith.constant 9.99999974E-5 : f32
    %add3A_814 = vector.broadcast %add3A_813 : f32 to vector<40x112xf32>
    %add3A_815 = arith.addf %mul3A_812, %add3A_814 : vector<40x112xf32>
    %add3A_816 = arith.addf %abs3A_802, %abs3A_804 : vector<40x112xf32>
    %add3A_817 = arith.addf %abs3A_806, %abs3A_808 : vector<40x112xf32>
    %add3A_818 = arith.addf %add3A_816, %add3A_817 : vector<40x112xf32>
    %mul3A_819 = arith.constant 2.500000e-01 : f32
    %mul3A_820 = vector.broadcast %mul3A_819 : f32 to vector<40x112xf32>
    %mul3A_821 = arith.mulf %add3A_818, %mul3A_820 : vector<40x112xf32>
    %add3A_822 = arith.constant 9.99999974E-5 : f32
    %add3A_823 = vector.broadcast %add3A_822 : f32 to vector<40x112xf32>
    %add3A_824 = arith.addf %mul3A_821, %add3A_823 : vector<40x112xf32>
    %div3A_825 = arith.constant 1.000000e+00 : f32
    %div3A_826 = vector.broadcast %div3A_825 : f32 to vector<40x112xf32>
    %div3A_827 = arith.divf %div3A_826, %add3A_815 : vector<40x112xf32>
    %div3A_828 = arith.constant 1.000000e+00 : f32
    %div3A_829 = vector.broadcast %div3A_828 : f32 to vector<40x112xf32>
    %div3A_830 = arith.divf %div3A_829, %add3A_824 : vector<40x112xf32>
    %mul3A_831 = arith.mulf %div3A_827, %div3A_827 : vector<40x112xf32>
    %mul3A_832 = arith.constant -5.000000e-01 : f32
    %mul3A_833 = vector.broadcast %mul3A_832 : f32 to vector<40x112xf32>
    %mul3A_834 = arith.mulf %mul3A_831, %mul3A_833 : vector<40x112xf32>
    %mul3A_835 = arith.mulf %div3A_830, %div3A_830 : vector<40x112xf32>
    %mul3A_836 = arith.constant -5.000000e-01 : f32
    %mul3A_837 = vector.broadcast %mul3A_836 : f32 to vector<40x112xf32>
    %mul3A_838 = arith.mulf %mul3A_835, %mul3A_837 : vector<40x112xf32>
    %sub3A_839 = arith.subf %squeeze3A_780, %mul3A_790 : vector<40x112xf32>
    %mul3A_840 = arith.mulf %sub3A_839, %sub3A_839 : vector<40x112xf32>
    %mul3A_841 = arith.mulf %mul3A_840, %mul3A_834 : vector<40x112xf32>
    %exp3A_842 = math.exp %mul3A_841 : vector<40x112xf32>
    %sub3A_843 = arith.subf %squeeze3A_782, %mul3A_790 : vector<40x112xf32>
    %mul3A_844 = arith.mulf %sub3A_843, %sub3A_843 : vector<40x112xf32>
    %mul3A_845 = arith.mulf %mul3A_844, %mul3A_834 : vector<40x112xf32>
    %exp3A_846 = math.exp %mul3A_845 : vector<40x112xf32>
    %sub3A_847 = arith.subf %squeeze3A_786, %mul3A_790 : vector<40x112xf32>
    %mul3A_848 = arith.mulf %sub3A_847, %sub3A_847 : vector<40x112xf32>
    %mul3A_849 = arith.mulf %mul3A_848, %mul3A_834 : vector<40x112xf32>
    %exp3A_850 = math.exp %mul3A_849 : vector<40x112xf32>
    %sub3A_851 = arith.subf %squeeze3A_780, %mul3A_796 : vector<40x112xf32>
    %mul3A_852 = arith.mulf %sub3A_851, %sub3A_851 : vector<40x112xf32>
    %mul3A_853 = arith.mulf %mul3A_852, %mul3A_838 : vector<40x112xf32>
    %exp3A_854 = math.exp %mul3A_853 : vector<40x112xf32>
    %sub3A_855 = arith.subf %squeeze3A_782, %mul3A_796 : vector<40x112xf32>
    %mul3A_856 = arith.mulf %sub3A_855, %sub3A_855 : vector<40x112xf32>
    %mul3A_857 = arith.mulf %mul3A_856, %mul3A_838 : vector<40x112xf32>
    %exp3A_858 = math.exp %mul3A_857 : vector<40x112xf32>
    %sub3A_859 = arith.subf %squeeze3A_784, %mul3A_796 : vector<40x112xf32>
    %mul3A_860 = arith.mulf %sub3A_859, %sub3A_859 : vector<40x112xf32>
    %mul3A_861 = arith.mulf %mul3A_860, %mul3A_838 : vector<40x112xf32>
    %exp3A_862 = math.exp %mul3A_861 : vector<40x112xf32>
    %sub3A_863 = arith.subf %squeeze3A_786, %mul3A_796 : vector<40x112xf32>
    %mul3A_864 = arith.mulf %sub3A_863, %sub3A_863 : vector<40x112xf32>
    %mul3A_865 = arith.mulf %mul3A_864, %mul3A_838 : vector<40x112xf32>
    %exp3A_866 = math.exp %mul3A_865 : vector<40x112xf32>
    %max3A_867 = arith.maximumf %exp3A_842, %exp3A_854 : vector<40x112xf32>
    %max3A_868 = arith.maximumf %exp3A_846, %exp3A_858 : vector<40x112xf32>
    %min3A_869 = arith.minimumf %max3A_867, %max3A_868 : vector<40x112xf32>
    %max3A_870 = arith.maximumf %exp3A_846, %exp3A_862 : vector<40x112xf32>
    %max3A_871 = arith.maximumf %exp3A_850, %exp3A_866 : vector<40x112xf32>
    %min3A_872 = arith.minimumf %max3A_870, %max3A_871 : vector<40x112xf32>
    %min3A_873 = arith.minimumf %min3A_869, %min3A_872 : vector<40x112xf32>
    %add3A_874 = arith.addf %exp3A_842, %exp3A_854 : vector<40x112xf32>
    %add3A_875 = arith.addf %exp3A_846, %exp3A_858 : vector<40x112xf32>
    %add3A_876 = arith.addf %exp3A_846, %exp3A_862 : vector<40x112xf32>
    %add3A_877 = arith.addf %exp3A_850, %exp3A_866 : vector<40x112xf32>
    %add3A_878 = arith.addf %min3A_873, %min3A_873 : vector<40x112xf32>
    %ge3A_879 = arith.cmpf oge, %add3A_875, %add3A_878 : vector<40x112xf32>
    %not3A_880 = arith.constant dense<true> : vector<40x112xi1>
    %not3A_881 = arith.xori %ge3A_879, %not3A_880 : vector<40x112xi1>
    %lt3A_882 = arith.constant 1.000000e-03 : f32
    %lt3A_883 = vector.broadcast %lt3A_882 : f32 to vector<40x112xf32>
    %lt3A_884 = arith.cmpf olt, %add3A_824, %lt3A_883 : vector<40x112xf32>
    %and3A_885 = arith.andi %not3A_881, %lt3A_884 : vector<40x112xi1>
    %mul3A_886 = arith.mulf %add3A_874, %squeeze3A_780 : vector<40x112xf32>
    %mul3A_887 = arith.mulf %add3A_875, %squeeze3A_782 : vector<40x112xf32>
    %add3A_888 = arith.addf %mul3A_886, %mul3A_887 : vector<40x112xf32>
    %mul3A_889 = arith.mulf %add3A_876, %squeeze3A_784 : vector<40x112xf32>
    %mul3A_890 = arith.mulf %add3A_877, %squeeze3A_786 : vector<40x112xf32>
    %add3A_891 = arith.addf %mul3A_889, %mul3A_890 : vector<40x112xf32>
    %add3A_892 = arith.addf %add3A_888, %add3A_891 : vector<40x112xf32>
    %add3A_893 = arith.addf %add3A_874, %add3A_875 : vector<40x112xf32>
    %add3A_894 = arith.addf %add3A_876, %add3A_877 : vector<40x112xf32>
    %add3A_895 = arith.addf %add3A_893, %add3A_894 : vector<40x112xf32>
    %div3A_896 = arith.divf %add3A_892, %add3A_895 : vector<40x112xf32>
    %select_n3A_897 = arith.select %and3A_885, %mul3A_800, %div3A_896 : vector<40x112xi1>, vector<40x112xf32>
    %select_n3A_898 = arith.select %ge3A_879, %mul3A_796, %select_n3A_897 : vector<40x112xi1>, vector<40x112xf32>
    %swap3A_899 = arith.constant 0 : index
    %swap3A_900 = arith.constant 0 : index
    %swap3A_901 = arith.constant 6 : index
    %swap3A_902 = arith.constant 0 : index
    %swap3A_903 = vector.load %arg5[%swap3A_899, %swap3A_900, %swap3A_901, %swap3A_902] : memref<1x40x8x112xf32, #tpu.memory_space<vmem>>, vector<1x40x1x112xf32>
    %swap3A_904 = vector.shape_cast %swap3A_903 : vector<1x40x1x112xf32> to vector<40x112xf32>
    %swap3A_905 = vector.shape_cast %select_n3A_898 : vector<40x112xf32> to vector<1x40x1x112xf32>
    tpu.vector_store %arg5[%swap3A_899, %swap3A_900, %swap3A_901, %swap3A_902], %swap3A_905 {strides = array<i32>} : memref<1x40x8x112xf32, #tpu.memory_space<vmem>>, vector<1x40x1x112xf32>,
    %slice3A_906 = vector.extract_strided_slice %reshape3A_21 {offsets = [0, 14, 0], sizes = [40, 1, 112], strides = [1, 1, 1]} : vector<40x16x112xf32> to vector<40x1x112xf32>
    %squeeze3A_907 = vector.shape_cast %slice3A_906 : vector<40x1x112xf32> to vector<40x112xf32>
    %slice3A_908 = vector.extract_strided_slice %reshape3A_30 {offsets = [0, 14, 0], sizes = [40, 1, 112], strides = [1, 1, 1]} : vector<40x16x112xf32> to vector<40x1x112xf32>
    %squeeze3A_909 = vector.shape_cast %slice3A_908 : vector<40x1x112xf32> to vector<40x112xf32>
    %slice3A_910 = vector.extract_strided_slice %reshape3A_21 {offsets = [0, 15, 0], sizes = [40, 1, 112], strides = [1, 1, 1]} : vector<40x16x112xf32> to vector<40x1x112xf32>
    %squeeze3A_911 = vector.shape_cast %slice3A_910 : vector<40x1x112xf32> to vector<40x112xf32>
    %slice3A_912 = vector.extract_strided_slice %reshape3A_30 {offsets = [0, 15, 0], sizes = [40, 1, 112], strides = [1, 1, 1]} : vector<40x16x112xf32> to vector<40x1x112xf32>
    %squeeze3A_913 = vector.shape_cast %slice3A_912 : vector<40x1x112xf32> to vector<40x112xf32>
    %add3A_914 = arith.addf %squeeze3A_909, %squeeze3A_911 : vector<40x112xf32>
    %mul3A_915 = arith.constant 5.000000e-01 : f32
    %mul3A_916 = vector.broadcast %mul3A_915 : f32 to vector<40x112xf32>
    %mul3A_917 = arith.mulf %add3A_914, %mul3A_916 : vector<40x112xf32>
    %add3A_918 = arith.addf %squeeze3A_907, %squeeze3A_909 : vector<40x112xf32>
    %add3A_919 = arith.addf %squeeze3A_911, %squeeze3A_913 : vector<40x112xf32>
    %add3A_920 = arith.addf %add3A_918, %add3A_919 : vector<40x112xf32>
    %mul3A_921 = arith.constant 2.500000e-01 : f32
    %mul3A_922 = vector.broadcast %mul3A_921 : f32 to vector<40x112xf32>
    %mul3A_923 = arith.mulf %add3A_920, %mul3A_922 : vector<40x112xf32>
    %add3A_924 = arith.addf %mul3A_917, %mul3A_923 : vector<40x112xf32>
    %mul3A_925 = arith.constant 5.000000e-01 : f32
    %mul3A_926 = vector.broadcast %mul3A_925 : f32 to vector<40x112xf32>
    %mul3A_927 = arith.mulf %add3A_924, %mul3A_926 : vector<40x112xf32>
    %sub3A_928 = arith.subf %squeeze3A_907, %mul3A_927 : vector<40x112xf32>
    %abs3A_929 = math.absf %sub3A_928 : vector<40x112xf32>
    %sub3A_930 = arith.subf %squeeze3A_909, %mul3A_927 : vector<40x112xf32>
    %abs3A_931 = math.absf %sub3A_930 : vector<40x112xf32>
    %sub3A_932 = arith.subf %squeeze3A_911, %mul3A_927 : vector<40x112xf32>
    %abs3A_933 = math.absf %sub3A_932 : vector<40x112xf32>
    %sub3A_934 = arith.subf %squeeze3A_913, %mul3A_927 : vector<40x112xf32>
    %abs3A_935 = math.absf %sub3A_934 : vector<40x112xf32>
    %add3A_936 = arith.addf %abs3A_931, %abs3A_933 : vector<40x112xf32>
    %mul3A_937 = arith.constant 5.000000e-01 : f32
    %mul3A_938 = vector.broadcast %mul3A_937 : f32 to vector<40x112xf32>
    %mul3A_939 = arith.mulf %add3A_936, %mul3A_938 : vector<40x112xf32>
    %add3A_940 = arith.constant 9.99999974E-5 : f32
    %add3A_941 = vector.broadcast %add3A_940 : f32 to vector<40x112xf32>
    %add3A_942 = arith.addf %mul3A_939, %add3A_941 : vector<40x112xf32>
    %add3A_943 = arith.addf %abs3A_929, %abs3A_931 : vector<40x112xf32>
    %add3A_944 = arith.addf %abs3A_933, %abs3A_935 : vector<40x112xf32>
    %add3A_945 = arith.addf %add3A_943, %add3A_944 : vector<40x112xf32>
    %mul3A_946 = arith.constant 2.500000e-01 : f32
    %mul3A_947 = vector.broadcast %mul3A_946 : f32 to vector<40x112xf32>
    %mul3A_948 = arith.mulf %add3A_945, %mul3A_947 : vector<40x112xf32>
    %add3A_949 = arith.constant 9.99999974E-5 : f32
    %add3A_950 = vector.broadcast %add3A_949 : f32 to vector<40x112xf32>
    %add3A_951 = arith.addf %mul3A_948, %add3A_950 : vector<40x112xf32>
    %div3A_952 = arith.constant 1.000000e+00 : f32
    %div3A_953 = vector.broadcast %div3A_952 : f32 to vector<40x112xf32>
    %div3A_954 = arith.divf %div3A_953, %add3A_942 : vector<40x112xf32>
    %div3A_955 = arith.constant 1.000000e+00 : f32
    %div3A_956 = vector.broadcast %div3A_955 : f32 to vector<40x112xf32>
    %div3A_957 = arith.divf %div3A_956, %add3A_951 : vector<40x112xf32>
    %mul3A_958 = arith.mulf %div3A_954, %div3A_954 : vector<40x112xf32>
    %mul3A_959 = arith.constant -5.000000e-01 : f32
    %mul3A_960 = vector.broadcast %mul3A_959 : f32 to vector<40x112xf32>
    %mul3A_961 = arith.mulf %mul3A_958, %mul3A_960 : vector<40x112xf32>
    %mul3A_962 = arith.mulf %div3A_957, %div3A_957 : vector<40x112xf32>
    %mul3A_963 = arith.constant -5.000000e-01 : f32
    %mul3A_964 = vector.broadcast %mul3A_963 : f32 to vector<40x112xf32>
    %mul3A_965 = arith.mulf %mul3A_962, %mul3A_964 : vector<40x112xf32>
    %sub3A_966 = arith.subf %squeeze3A_907, %mul3A_917 : vector<40x112xf32>
    %mul3A_967 = arith.mulf %sub3A_966, %sub3A_966 : vector<40x112xf32>
    %mul3A_968 = arith.mulf %mul3A_967, %mul3A_961 : vector<40x112xf32>
    %exp3A_969 = math.exp %mul3A_968 : vector<40x112xf32>
    %sub3A_970 = arith.subf %squeeze3A_909, %mul3A_917 : vector<40x112xf32>
    %mul3A_971 = arith.mulf %sub3A_970, %sub3A_970 : vector<40x112xf32>
    %mul3A_972 = arith.mulf %mul3A_971, %mul3A_961 : vector<40x112xf32>
    %exp3A_973 = math.exp %mul3A_972 : vector<40x112xf32>
    %sub3A_974 = arith.subf %squeeze3A_913, %mul3A_917 : vector<40x112xf32>
    %mul3A_975 = arith.mulf %sub3A_974, %sub3A_974 : vector<40x112xf32>
    %mul3A_976 = arith.mulf %mul3A_975, %mul3A_961 : vector<40x112xf32>
    %exp3A_977 = math.exp %mul3A_976 : vector<40x112xf32>
    %sub3A_978 = arith.subf %squeeze3A_907, %mul3A_923 : vector<40x112xf32>
    %mul3A_979 = arith.mulf %sub3A_978, %sub3A_978 : vector<40x112xf32>
    %mul3A_980 = arith.mulf %mul3A_979, %mul3A_965 : vector<40x112xf32>
    %exp3A_981 = math.exp %mul3A_980 : vector<40x112xf32>
    %sub3A_982 = arith.subf %squeeze3A_909, %mul3A_923 : vector<40x112xf32>
    %mul3A_983 = arith.mulf %sub3A_982, %sub3A_982 : vector<40x112xf32>
    %mul3A_984 = arith.mulf %mul3A_983, %mul3A_965 : vector<40x112xf32>
    %exp3A_985 = math.exp %mul3A_984 : vector<40x112xf32>
    %sub3A_986 = arith.subf %squeeze3A_911, %mul3A_923 : vector<40x112xf32>
    %mul3A_987 = arith.mulf %sub3A_986, %sub3A_986 : vector<40x112xf32>
    %mul3A_988 = arith.mulf %mul3A_987, %mul3A_965 : vector<40x112xf32>
    %exp3A_989 = math.exp %mul3A_988 : vector<40x112xf32>
    %sub3A_990 = arith.subf %squeeze3A_913, %mul3A_923 : vector<40x112xf32>
    %mul3A_991 = arith.mulf %sub3A_990, %sub3A_990 : vector<40x112xf32>
    %mul3A_992 = arith.mulf %mul3A_991, %mul3A_965 : vector<40x112xf32>
    %exp3A_993 = math.exp %mul3A_992 : vector<40x112xf32>
    %max3A_994 = arith.maximumf %exp3A_969, %exp3A_981 : vector<40x112xf32>
    %max3A_995 = arith.maximumf %exp3A_973, %exp3A_985 : vector<40x112xf32>
    %min3A_996 = arith.minimumf %max3A_994, %max3A_995 : vector<40x112xf32>
    %max3A_997 = arith.maximumf %exp3A_973, %exp3A_989 : vector<40x112xf32>
    %max3A_998 = arith.maximumf %exp3A_977, %exp3A_993 : vector<40x112xf32>
    %min3A_999 = arith.minimumf %max3A_997, %max3A_998 : vector<40x112xf32>
    %min3A_1000 = arith.minimumf %min3A_996, %min3A_999 : vector<40x112xf32>
    %add3A_1001 = arith.addf %exp3A_969, %exp3A_981 : vector<40x112xf32>
    %add3A_1002 = arith.addf %exp3A_973, %exp3A_985 : vector<40x112xf32>
    %add3A_1003 = arith.addf %exp3A_973, %exp3A_989 : vector<40x112xf32>
    %add3A_1004 = arith.addf %exp3A_977, %exp3A_993 : vector<40x112xf32>
    %add3A_1005 = arith.addf %min3A_1000, %min3A_1000 : vector<40x112xf32>
    %ge3A_1006 = arith.cmpf oge, %add3A_1002, %add3A_1005 : vector<40x112xf32>
    %not3A_1007 = arith.constant dense<true> : vector<40x112xi1>
    %not3A_1008 = arith.xori %ge3A_1006, %not3A_1007 : vector<40x112xi1>
    %lt3A_1009 = arith.constant 1.000000e-03 : f32
    %lt3A_1010 = vector.broadcast %lt3A_1009 : f32 to vector<40x112xf32>
    %lt3A_1011 = arith.cmpf olt, %add3A_951, %lt3A_1010 : vector<40x112xf32>
    %and3A_1012 = arith.andi %not3A_1008, %lt3A_1011 : vector<40x112xi1>
    %mul3A_1013 = arith.mulf %add3A_1001, %squeeze3A_907 : vector<40x112xf32>
    %mul3A_1014 = arith.mulf %add3A_1002, %squeeze3A_909 : vector<40x112xf32>
    %add3A_1015 = arith.addf %mul3A_1013, %mul3A_1014 : vector<40x112xf32>
    %mul3A_1016 = arith.mulf %add3A_1003, %squeeze3A_911 : vector<40x112xf32>
    %mul3A_1017 = arith.mulf %add3A_1004, %squeeze3A_913 : vector<40x112xf32>
    %add3A_1018 = arith.addf %mul3A_1016, %mul3A_1017 : vector<40x112xf32>
    %add3A_1019 = arith.addf %add3A_1015, %add3A_1018 : vector<40x112xf32>
    %add3A_1020 = arith.addf %add3A_1001, %add3A_1002 : vector<40x112xf32>
    %add3A_1021 = arith.addf %add3A_1003, %add3A_1004 : vector<40x112xf32>
    %add3A_1022 = arith.addf %add3A_1020, %add3A_1021 : vector<40x112xf32>
    %div3A_1023 = arith.divf %add3A_1019, %add3A_1022 : vector<40x112xf32>
    %select_n3A_1024 = arith.select %and3A_1012, %mul3A_927, %div3A_1023 : vector<40x112xi1>, vector<40x112xf32>
    %select_n3A_1025 = arith.select %ge3A_1006, %mul3A_923, %select_n3A_1024 : vector<40x112xi1>, vector<40x112xf32>
    %swap3A_1026 = arith.constant 0 : index
    %swap3A_1027 = arith.constant 0 : index
    %swap3A_1028 = arith.constant 7 : index
    %swap3A_1029 = arith.constant 0 : index
    %swap3A_1030 = vector.load %arg5[%swap3A_1026, %swap3A_1027, %swap3A_1028, %swap3A_1029] : memref<1x40x8x112xf32, #tpu.memory_space<vmem>>, vector<1x40x1x112xf32>
    %swap3A_1031 = vector.shape_cast %swap3A_1030 : vector<1x40x1x112xf32> to vector<40x112xf32>
    %swap3A_1032 = vector.shape_cast %select_n3A_1025 : vector<40x112xf32> to vector<1x40x1x112xf32>
    tpu.vector_store %arg5[%swap3A_1026, %swap3A_1027, %swap3A_1028, %swap3A_1029], %swap3A_1032 {strides = array<i32>} : memref<1x40x8x112xf32, #tpu.memory_space<vmem>>, vector<1x40x1x112xf32>,
    return
  }
  func.func @transform_0(%arg0: i32, %arg1: i32) -> (i32, i32, i32, i32) {
    %c0_i32 = arith.constant 0 : i32
    %c0_i32_0 = arith.constant 0 : i32
    %c0_i32_1 = arith.constant 0 : i32
    return %arg0, %c0_i32, %arg1, %c0_i32_0 : i32, i32, i32, i32
  }
  func.func @transform_1(%arg0: i32, %arg1: i32) -> (i32, i32) {
    %c0_i32 = arith.constant 0 : i32
    %c0_i32_0 = arith.constant 0 : i32
    %c0_i32_1 = arith.constant 0 : i32
    return %c0_i32, %c0_i32_0 : i32, i32
  }
  func.func @transform_2(%arg0: i32, %arg1: i32) -> (i32, i32) {
    %c0_i32 = arith.constant 0 : i32
    %c0_i32_0 = arith.constant 0 : i32
    %c0_i32_1 = arith.constant 0 : i32
    return %c0_i32, %c0_i32_0 : i32, i32
  }
  func.func @transform_3(%arg0: i32, %arg1: i32) -> (i32, i32, i32, i32) {
    %c0_i32 = arith.constant 0 : i32
    %c0_i32_0 = arith.constant 0 : i32
    %c0_i32_1 = arith.constant 0 : i32
    return %arg0, %c0_i32, %arg1, %c0_i32_0 : i32, i32, i32, i32
  }
}

</mosaic_0001>

<sc_bundles>
// kernel: kernel.4.cloned.1.call-start
scs
__scs_entry_jumppad:
0x0: {  	(pc) =	sbr.rel $0x88, $3  }
0x1: {  	(tag) =	ssettag $0x0;
	lr =	simm.s32 $0x1  }
0x2: {  	[smem:$0x3FA0] =	sst lr;
	_ =	strace $0xD0000000  }
0x3: {  	_ = 	snop  }
0x4: {  	_ = 	snop  }
0x5: {  	_ = 	snop  }
0x6: {  	_ = 	snop  }
0x7: {  	_ = 	snop  }
__scs_overlays_trampoline_lowered:
0x8: {  	[smem:$0x3FAF] =	sst s0  }
0x9: {  	[smem:$0x3FB0] =	sst s1  }
0xa: {  	[smem:$0x3FB1] =	sst s2  }
0xb: {  	[smem:$0x3FB2] =	sst s3  }
0xc: {  	[smem:$0x3FB3] =	sst s4  }
0xd: {  	[smem:$0x3FB4] =	sst s5  }
0xe: {  	[smem:$0x3FB5] =	sst s6  }
0xf: {  	[smem:$0x3FB6] =	sst s7  }
0x10: {  	[smem:$0x3FB7] =	sst s8  }
0x11: {  	[smem:$0x3FB8] =	sst s9;
	s0 =	simm.s32 @!p0 $0x0  }
0x12: {  	s1 =	sld [smem:$0x3F9E];
	s0 =	simm.s32 @p0 $0x1  }
0x13: {  	[smem:$0x3FB9] =	sst s0;
	s0 =	simm.s32 @!p1 $0x0  }
0x14: {  	s2 =	sld [smem:$0x3F9D];
	s0 =	simm.s32 @p1 $0x1  }
0x15: {  	[smem:$0x3FBA] =	sst s0;
	s0 =	simm.s32 @!p2 $0x0  }
0x16: {  	s3 =	sld [smem:$0x3FDB];
	s0 =	simm.s32 @p2 $0x1  }
0x17: {  	s4 =	simm.s32 $0x1BF5;
	[smem:$0x3FBC] =	sst s0  }
0x18: {  	s0 =	sld [smem:$0x3F9F];
	_ =	swait.ge [sflag:s4], $0x0  }
0x19: {  	s7 =	sld [smem:$0x3FA0]  }
0x1a: {  	s8 =	sadd.s32 $0xFFFFE003, lr  }
0x1b: {  	s9 =	sadd.s32 $0xFFFFFEF7, lr;
	s5 =	simm.s32 $0xFFFFFFFF;
	p2 =	slt.u32 s8, $0xFFFFF086  }
0x1c: {  	p1 =	slt.u32 s9, $0xF7A;
	s5 =	simm.s32 @!p2 $0x0  }
0x1d: {  	s5 =	simm.s32 @p1 $0x1;
	p0 =	seq.s32 s7, s2  }
0x1e: {  	s7 =	smul.u32 @!p0 $0xF7A, s2;
	p2 =	seq.s32 @!p0 s5, $0x0  }
0x1f: {  	s9 =	smul.u32 $0xF7A, s1;
	s8 =	simm.s32 @!p0 $0x1BF5;
	p2 =	por !p2, p0  }
0x20: {  	[sflag:s8] =	ssyncset.s32 @!p0 $0xFFFFF086;
	s6 =	sadd.s32 @!p0 s3, s7;
	s7 =	simm.s32 @!p0 $0x108  }
0x21: {  	s3 =	sadd.s32 s3, s9;
	s6 =	sadd.s32 @!p0 $0x88, s6;
	s7 =	simm.s32 @p2 $0x1082  }
0x22: {  	[simem:s7], [sflag:s8] =	dma.local @!p0 [hbm:s6], $0xF7A  }
0x23: {  	s9 =	sor.u32 $0xD0000000, s2;
	s6 =	simm.s32 $0x108;
	_ =	swait.ge @!p0 [sflag:s8], $0x0  }
0x24: {  	s3 =	sadd.s32 $0x88, s3;
	s6 =	simm.s32 @!p1 $0x1082;
	[sflag:s4] =	ssyncset.s32 $0xFFFFF086  }
0x25: {  	[simem:s6], [sflag:s4] =	dma.local [hbm:s3], $0xF7A  }
0x26: {  	[smem:$0x3FA0] =	sst s1;
	(tag) =	ssettag s2;
	_ =	strace s9  }
0x27: {  	s1 =	sld [smem:$0x3FB0]  }
0x28: {  	s2 =	sld [smem:$0x3FB1]  }
0x29: {  	s4 =	sld [smem:$0x3FB3]  }
0x2a: {  	p0 =	seq.s32 s5, $0x0;
	s5 =	sld [smem:$0x3FB4]  }
0x2b: {  	s6 =	sld [smem:$0x3FB5]  }
0x2c: {  	s7 =	sld [smem:$0x3FB6]  }
0x2d: {  	s3 =	simm.s32 $0x108;
	s8 =	sld [smem:$0x3FB7]  }
0x2e: {  	s3 =	simm.s32 @!p0 $0x1082;
	s9 =	sld [smem:$0x3FB8]  }
0x2f: {  	lr =	sadd.s32 s0, s3;
	s0 =	sld [smem:$0x3FAF]  }
0x30: {  	s3 =	sld [smem:$0x3FB2]  }
0x31: {  	[smem:$0x3FBB] =	sst s10  }
0x32: {  	s10 =	sld [smem:$0x3FB9];
	_ =	sdelay $0x3  }
0x33: {  	p0 =	seq.s32 s10, $0x1;
	s10 =	sld [smem:$0x3FBB];
	_ =	sdelay $0x3  }
0x34: {  	[smem:$0x3FBB] =	sst s10  }
0x35: {  	s10 =	sld [smem:$0x3FBA];
	_ =	sdelay $0x3  }
0x36: {  	p1 =	seq.s32 s10, $0x1;
	s10 =	sld [smem:$0x3FBB];
	_ =	sdelay $0x3  }
0x37: {  	[smem:$0x3FBB] =	sst s10  }
0x38: {  	s10 =	sld [smem:$0x3FBC]  }
0x39: {  	_ = 	snop;
	(pc) =	sbr.ind lr, $3  }
0x3a: {  	_ = 	snop  }
0x3b: {  	_ = 	snop  }
0x3c: {  	p2 =	seq.s32 s10, $0x1;
	s10 =	sld [smem:$0x3FBB]  }
0x3d: {  	_ =	shalt  }
0x3e: {  	_ =	shalt  }
0x3f: {  	_ =	shalt  }
0x40: {  	_ =	shalt  }
0x41: {  	_ =	shalt  }
0x42: {  	_ =	shalt  }
0x43: {  	_ =	shalt  }
0x44: {  	_ =	shalt  }
0x45: {  	_ =	shalt  }
0x46: {  	_ =	shalt  }
0x47: {  	_ =	shalt  }
0x48: {  	_ =	shalt  }
0x49: {  	_ =	shalt  }
0x4a: {  	_ =	shalt  }
0x4b: {  	_ =	shalt  }
0x4c: {  	_ =	shalt  }
0x4d: {  	_ =	shalt  }
0x4e: {  	_ =	shalt  }
0x4f: {  	_ =	shalt  }
0x50: {  	_ =	shalt  }
0x51: {  	_ =	shalt  }
0x52: {  	_ =	shalt  }
0x53: {  	_ =	shalt  }
0x54: {  	_ =	shalt  }
0x55: {  	_ =	shalt  }
0x56: {  	_ =	shalt  }
0x57: {  	_ =	shalt  }
0x58: {  	_ =	shalt  }
0x59: {  	_ =	shalt  }
0x5a: {  	_ =	shalt  }
0x5b: {  	_ =	shalt  }
0x5c: {  	_ =	shalt  }
0x5d: {  	_ =	shalt  }
0x5e: {  	_ =	shalt  }
0x5f: {  	_ =	shalt  }
0x60: {  	_ =	shalt  }
0x61: {  	_ =	shalt  }
0x62: {  	_ =	shalt  }
0x63: {  	_ =	shalt  }
0x64: {  	_ =	shalt  }
0x65: {  	_ =	shalt  }
0x66: {  	_ =	shalt  }
0x67: {  	_ =	shalt  }
0x68: {  	_ =	shalt  }
0x69: {  	_ =	shalt  }
0x6a: {  	_ =	shalt  }
0x6b: {  	_ =	shalt  }
0x6c: {  	_ =	shalt  }
0x6d: {  	_ =	shalt  }
0x6e: {  	_ =	shalt  }
0x6f: {  	_ =	shalt  }
0x70: {  	_ =	shalt  }
0x71: {  	_ =	shalt  }
0x72: {  	_ =	shalt  }
0x73: {  	_ =	shalt  }
0x74: {  	_ =	shalt  }
0x75: {  	_ =	shalt  }
0x76: {  	_ =	shalt  }
0x77: {  	_ =	shalt  }
0x78: {  	_ =	shalt  }
0x79: {  	_ =	shalt  }
0x7a: {  	_ =	shalt  }
0x7b: {  	_ =	shalt  }
0x7c: {  	_ =	shalt  }
0x7d: {  	_ =	shalt  }
0x7e: {  	_ =	shalt  }
0x7f: {  	_ =	shalt  }
0x80: {  	_ =	shalt  }
0x81: {  	_ =	shalt  }
0x82: {  	_ =	shalt  }
0x83: {  	_ =	shalt  }
0x84: {  	_ =	shalt  }
0x85: {  	_ =	shalt  }
0x86: {  	_ =	shalt  }
0x87: {  	_ =	shalt  }
.Lfunc_end0:
.L_simem_size_0:
called_computation_lowered:
.L_overlay_start_0:
0x88: {  	s2 =	sld [smem:$0x3FD9]  }
0x89: {  	s3 =	sld [smem:$0x3FFE];
	_ =	sdelay $0x1  }
0x8a: {  	s1 =	srdreg.scid  }
0x8b: {  	s0 =	sand.u32 $0x1, s1  }
0x8c: {  	s17 =	sshll.u32 s0, $0xA;
	s2 =	sadd.s32 s3, s2  }
0x8d: {  	s2 =	sadd.s32 s2, s17  }
0x8e: {  	[smem:$0x3FC7] =	sst s2  }
0x8f: {  	_ = 	snop  }
0x90: {  	s2 =	sld [smem:$0x3FC9];
	(tm) =	ssettm $0x1  }
0x91: {  	s18 =	sld [smem:$0x3FFB];
	_ =	sdelay $0x3  }
0x92: {  	_ =	strace s18  }
0x93: {  	s3 =	sld [smem:$0x3FFC];
	_ =	sdelay $0x3  }
0x94: {  	_ =	strace s3  }
0x95: {  	s3 =	sld [smem:$0x3FFD];
	_ =	sdelay $0x3  }
0x96: {  	_ =	strace s3  }
0x97: {  	_ =	strace $0x8FFFFFFF  }
0x98: {  	s19 =	sld [smem:$0x3FDB];
	_ =	sdelay $0x1  }
0x99: {  	s4 =	simm.s32 $_scs_section_size  }
0x9a: {  	s5 =	simm.s32 $_size__tile_overlayer_lowered;
	s6 =	simm.s32 $_tile_overlayer_lowered  }
0x9b: {  	s22 =	simm.s32 $0x1BFF;
	s21 =	sshll.u32 s6, $0x1;
	s3 =	sadd.s32 s4, s19  }
0x9c: {  	s7 =	simm.s32 $0x0;
	s20 =	sshll.u32 s5, $0x1;
	s5 =	sadd.s32 s21, s3  }
0x9d: {  	[timem:s7], [sflag:s22] =	dma.local [hbm:s5], s20  }
0x9e: {  	_ =	swait.ge [sflag:s22], s20  }
0x9f: {  	s4 =	ssub.s32 $0x0, s20;
	[sflag:s22] =	ssyncset.done $0x0  }
0xa0: {  	[sflag:s22] =	ssyncadd.s32 s4;
	_ =	sdelay $0x1  }
0xa1: {  	s23 =	simm.s32 $0x1B8B  }
0xa2: {  	_ =	swait.ge [sflag:s23], $0x1  }
0xa3: {  	[sflag:s23] =	ssyncset.done $0x0  }
0xa4: {  	s25 =	simm.s32 $0x1B8E;
	s24 =	sld [smem:$0x3FFE];
	[sflag:s23] =	ssyncadd.s32 $0xFFFFFFFF  }
0xa5: {  	s26 =	simm.s32 $execute0_lowered;
	[smem:$0x3FD2] =	sst s25  }
0xa6: {  	s5 =	sshll.u32 s26, $0x1;
	_ =	strace $0x80000046;
	[dreg:$0x1] =	wrdreg $0xFFFFFFFF  }
0xa7: {  	s28 =	simm.s32 $_size_execute0_lowered;
	s3 =	sadd.s32 s3, s5;
	[dreg:$0x0] =	wrdreg $0x0  }
0xa8: {  	s5 =	sshll.u32 s28, $0x1;
	[dreg:$0x2] =	wrdreg s3  }
0xa9: {  	[dreg:$0x3] =	wrdreg s5  }
0xaa: {  	[dreg:$0x4] =	wrdreg $0xC0  }
0xab: {  	_ =	task [dreg:s7], $0x5FFFF  }
0xac: {  	[dreg:$0x1] =	wrdreg $0xFFFFFFFF  }
0xad: {  	[dreg:$0x0] =	wrdreg $0x60  }
0xae: {  	[dreg:$0x2] =	wrdreg s2  }
0xaf: {  	[dreg:$0x3] =	wrdreg s24  }
0xb0: {  	[dreg:$0x4] =	wrdreg $0x9  }
0xb1: {  	_ =	task.clear_ibuf [dreg:s7], $0x5FFFF;
	_ =	strace $0x90000046  }
0xb2: {  	s29 =	simm.s32 $0x9;
	_ =	strace $0x80000048  }
0xb3: {  	_ =	swait.ge [sflag:s29], $0x1  }
0xb4: {  	[sflag:s29] =	ssyncadd.s32 $0xFFFFFFFF  }
0xb5: {  	_ =	strace $0x90000048  }
0xb6: {  	_ =	sfence  }
0xb7: {  	s30 =	sld [smem:$0x0];
	_ =	sdelay $0x2  }
0xb8: {  	s31 =	sshll.u32 s1, $0xD;
	s1 =	sshrl.u32 s1, $0x2  }
0xb9: {  	s3 =	sand.u32 $0x4000, s31;
	s1 =	sadd.s32 s1, s30  }
0xba: {  	s0 =	sor.u32 s3, s0;
	s1 =	sshll.u32 s1, $0x11  }
0xbb: {  	s0 =	sor.u32 s1, s0  }
0xbc: {  	s0 =	sadd.s32 $0x8F2B, s0  }
0xbd: {  	[sflag:s0] =	ssyncadd.remote.s32 $0x1  }
0xbe: {  	_ =	sfence.sel $0xFFFF  }
0xbf: {  	[dreg:$0x0] =	wrdreg $0xFFFFFFFF;
	(pc) =	sbr.abs _section_cstart, $3  }
0xc0: {  	[dreg:$0x1] =	wrdreg $0xFFFFFFFF  }
0xc1: {  	_ =	task.clear_ibuf [dreg:s7], $0x2FFFF;
	_ =	strace $0x9FFFFFFF  }
0xc2: {  	(tm) =	ssettm $0x7FFFFFFF  }
0xc3: {  	_ =	shalt  }
tec
execute0_lowered:
.L_overlay_start_1:
0x0: {  	(tag) =	ssettag $0x1  }
0x1: {  	s1 =	srdreg.scid;
	s0 =	stileid.u32  }
0x2: {  	s5 =	sand.u32 $0x1, s1;
	s24 =	sshll.u32 s0, $0x1  }
0x3: {  	s1 =	sor.u32 s5, s24  }
0x4: {  	s4 =	smul.u32 $0x7, s1;
	_ =	sdelay $0x1  }
0x5: {  	s3 =	rddreg [dreg:$0x0];
	s2 =	sshrl.u32 s4, $0x3  }
0x6: {  	s8 =	rddreg [dreg:$0x1];
	s11 =	simm.s32 $0x1;
	s2 =	smul.u32 $0x25, s2  }
0x7: {  	s12 =	simm.s32 $0x2000;
	s13 =	simm.s32 $0x2;
	s1 =	smul.u32 $0x62, s1  }
0x8: {  	s14 =	simm.s32 $0x2400;
	s15 =	simm.s32 $0x3;
	s2 =	sshrl.u32 s2, $0x8  }
0x9: {  	s16 =	simm.s32 $0x4;
	s7 =	sor.u32 $0x1, s1;
	s6 =	smul.u32 $0x38, s2  }
0xa: {  	s17 =	simm.s32 $0x0;
	s10 =	sshrl.u32 s0, $0x2;
	s9 =	smul.u32 $0x124A, s7  }
0xb: {  	s25 =	smul.u32 $0x540000, s10;
	s28 =	ssub.s32 $0x2, s5;
	s4 =	ssub.s32 s4, s6  }
0xc: {  	s5 =	sadd.s32 $0x800, s8;
	s9 =	sshrl.u32 s9, $0xF;
	s26 =	sand.u32 $0xFF, s4  }
0xd: {  	s29 =	sshrl.u32 s28, $0x1;
	s9 =	sand.u32 $0xE, s9;
	s10 =	smul.u32 $0xE000, s26  }
0xe: {  	s2 =	rddreg [dreg:$0x2];
	s7 =	sadd.s32 s9, s7;
	s9 =	ssub.s32 s28, s29  }
0xf: {  	v0 =	vlaneseq.u32;
	s7 =	sshll.u32 s7, $0xC;
	s4 =	simm.s32 $0x0;
	s6 =	sadd.s32 s10, s25  }
0x10: {  	v0 =	vmul.u32 $0x2, v0;
	s7 =	sand.u32 $0xF000, s7;
	[smem:$0x7FF] =	sst s4;
	s6 =	sadd.s32 $0x230000, s6  }
0x11: {  	s9 =	smax.u32 s9, $0x1;
	_ =	strace $0x80000047;
	s7 =	sadd.s32 s7, s6  }
0x12: {  	v1 =	vor.u32 $0x1, v0;
	s10 =	simm.s32 $0x1000;
	s30 =	sshrl.u32 s6, $0x3;
	s31 =	sshrl.u32 s7, $0x3  }
0x13: {  	s6 =	sadd.s32 $0x61, s1;
	s7 =	sadd.s32 s3, s30;
	s8 =	sadd.s32 s3, s31  }
.LBB2_1:
0x14: {  	[tilespmem:s4], [sflag:$0x1] =	stream.linear.gather [hbm4b:s7+s4], $0x1000, $0x38;
	[tilespmem:$0x2800] =	vst v63  }
0x15: {  	s18 =	simm.s32 $0x0  }
0x16: {  	[tilespmem:s10], [sflag:$0x2] =	stream.linear.gather [hbm4b:s8+s4], $0x1000, $0x38;
	[tilespmem:$0x2800] =	vst v63  }
.LBB2_2:
0x17: {  	_ =	swait.ge [sflag:s11], $0x1000  }
0x18: {  	p0 =	seq.s32 s18, $0x0;
	[sflag:s11] =	ssyncset.done $0x0  }
0x19: {  	s19 =	sshll.u32 s18, $0x1;
	s20 =	simm.s32 @!p0 $0x3;
	[sflag:s11] =	ssyncadd.s32 $0xFFFFF000  }
0x1a: {  	s21 =	simm.s32 $0x0;
	p1 =	por $0x0, $0x0;
	_ =	swait.ge @!p0 [sflag:s20], $0x400  }
0x1b: {  	s22 =	simm.s32 $0x0;
	s23 =	simm.s32 $0x0;
	[sflag:s20] =	ssyncset.done @!p0 $0x0  }
0x1c: {  	s19 =	sadd.s32 s1, s19;
	[sflag:s20] =	ssyncadd.s32 @!p0 $0xFFFFFC00;
	s20 =	simm.s32 $0xFFFFFFFE  }
.LBB2_3:
0x1d: {  	s25 =	sand.u32 $0x800, s22;
	s24 =	sand.u32 $0x200, s23  }
0x1e: {  	s26 =	sor.u32 s24, s25  }
0x1f: {  	v2 =	vld.idx.msk [tilespmem:v0+s26+$0x0], $0xffff  }
0x20: {  	v3 =	vld.idx.msk [tilespmem:v1+s26+$0x0], $0xffff;
	s24 =	sor.u32 $0x80, s26  }
0x21: {  	v4 =	vld.idx.msk [tilespmem:v0+s24+$0x0], $0xffff  }
0x22: {  	v5 =	vld.idx.msk [tilespmem:v1+s24+$0x0], $0xffff;
	_ =	sdelay $0x4  }
0x23: {  	v6 =	vadd.f32 v3, v2;
	v7 =	vadd.f32 v5, v4;
	_ =	sdelay $0x1  }
0x24: {  	v8 =	vadd.f32 v4, v3;
	v6 =	vadd.f32 v7, v6;
	_ =	sdelay $0x1  }
0x25: {  	v26 =	vmul.f32 $5.000000000e-01, v8;
	v6 =	vmul.f32 $2.500000000e-01, v6;
	_ =	sdelay $0x1  }
0x26: {  	v8 =	vadd.f32 v6, v26;
	_ =	sdelay $0x1  }
0x27: {  	v8 =	vmul.f32 $5.000000000e-01, v8;
	_ =	sdelay $0x1  }
0x28: {  	v9 =	vsub.f32 v3, v8;
	v10 =	vsub.f32 v4, v8  }
0x29: {  	v11 =	vsub.f32 v2, v8;
	v12 =	vsub.f32 v5, v8  }
0x2a: {  	v9 =	vand.u32 $0x7FFFFFFF, v9;
	v10 =	vand.u32 $0x7FFFFFFF, v10  }
0x2b: {  	v11 =	vand.u32 $0x7FFFFFFF, v11;
	v12 =	vand.u32 $0x7FFFFFFF, v12;
	v13 =	vadd.f32 v10, v9  }
0x2c: {  	v9 =	vadd.f32 v9, v11;
	v10 =	vadd.f32 v12, v10  }
0x2d: {  	v13 =	vmul.f32 $5.000000000e-01, v13  }
0x2e: {  	v9 =	vadd.f32 v10, v9  }
0x2f: {  	v27 =	vadd.f32 $9.999999740e-05, v13  }
0x30: {  	v9 =	vmul.f32 $2.500000000e-01, v9  }
0x31: {  	(erf) = vrcp.f32 v27  }
0x32: {  	v9 =	vadd.f32 $9.999999740e-05, v9;
	_ =	sdelay $0x1  }
0x33: {  	(erf) = vrcp.f32 v9;
	_ =	sdelay $0x4  }
0x34: {  	v7 =	vsub.f32 v5, v26  }
0x35: {  	v29 =	vsub.f32 v2, v26;
	v33 =	vsub.f32 v2, v6;
	v28 =	vpop (erf)  }
0x36: {  	v30 =	vsub.f32 v3, v26;
	v7 =	vmul.f32 v7, v7;
	v10 =	vmul.f32 v28, v28  }
0x37: {  	v34 =	vsub.f32 v3, v6;
	v35 =	vmul.f32 v33, v33;
	v11 =	vmul.f32 v29, v29  }
0x38: {  	v12 =	vmul.f32 v30, v30;
	v31 =	vpop (erf);
	v10 =	vmul.f32 $-5.000000000e-01, v10  }
0x39: {  	v37 =	vmul.f32 v34, v34;
	v13 =	vmul.f32 v31, v31  }
0x3a: {  	v36 =	vsub.f32 v4, v6;
	v11 =	vmul.f32 v10, v11;
	v12 =	vmul.f32 v10, v12  }
0x3b: {  	v7 =	vmul.f32 v10, v7;
	v32 =	vmul.f32 $-5.000000000e-01, v13  }
0x3c: {  	v38 =	vsub.f32 v5, v6;
	v13 =	vmul.f32 v36, v36;
	v11 =	vmul.f32 $1.442695020e+00, v11  }
0x3d: {  	v12 =	vmul.f32 $1.442695020e+00, v12;
	v7 =	vmul.f32 $1.442695020e+00, v7  }
0x3e: {  	(erf) = vpow2.f32 v11;
	v11 =	vmul.f32 v38, v38  }
0x3f: {  	(erf) = vpow2.f32 v12;
	v12 =	vmul.f32 v32, v35  }
0x40: {  	(erf) = vpow2.f32 v7;
	v7 =	vmul.f32 v32, v37  }
0x41: {  	v13 =	vmul.f32 v32, v13;
	v12 =	vmul.f32 $1.442695020e+00, v12  }
0x42: {  	v10 =	vmul.f32 v32, v11;
	v7 =	vmul.f32 $1.442695020e+00, v7  }
0x43: {  	v39 =	vmul.f32 $1.442695020e+00, v13;
	(erf) = vpow2.f32 v12  }
0x44: {  	v40 =	vmul.f32 $1.442695020e+00, v10;
	(erf) = vpow2.f32 v7  }
0x45: {  	(erf) = vpow2.f32 v39  }
0x46: {  	(erf) = vpow2.f32 v40;
	_ =	sdelay $0x2  }
0x47: {  	v41 =	vpop (erf)  }
0x48: {  	v42 =	vpop (erf)  }
0x49: {  	v43 =	vpop (erf)  }
0x4a: {  	v12 =	vpop (erf)  }
0x4b: {  	v44 =	vpop (erf)  }
0x4c: {  	v14 =	vpop (erf)  }
0x4d: {  	v16 =	vadd.f32 v12, v41;
	v17 =	vadd.f32 v44, v42;
	v15 =	vpop (erf)  }
0x4e: {  	v18 =	vadd.f32 v14, v42;
	v19 =	vadd.f32 v15, v43;
	_ =	sdelay $0x1  }
0x4f: {  	v20 =	vadd.f32 v17, v16;
	v21 =	vadd.f32 v19, v18;
	_ =	sdelay $0x1  }
0x50: {  	v20 =	vadd.f32 v21, v20;
	_ =	sdelay $0x1  }
0x51: {  	(erf) = vrcp.f32 v20;
	_ =	sdelay $0x1  }
0x52: {  	v7 =	vmax.f32 v41, v12;
	v2 =	vmul.f32 v16, v2;
	v3 =	vmul.f32 v17, v3  }
0x53: {  	v45 =	vmax.f32 v42, v44;
	v4 =	vmul.f32 v18, v4;
	v5 =	vmul.f32 v19, v5  }
0x54: {  	v10 =	vmax.f32 v42, v14;
	v7 =	vmin.f32 v7, v45;
	v11 =	vmax.f32 v43, v15  }
0x55: {  	v10 =	vmin.f32 v10, v11;
	v2 =	vadd.f32 v3, v2;
	v3 =	vadd.f32 v5, v4  }
0x56: {  	v7 =	vmin.f32 v7, v10  }
0x57: {  	v46 =	vadd.f32 v7, v7  }
0x58: {  	v2 =	vadd.f32 v3, v2  }
0x59: {  	vm0 =	vge.f32 v17, v46;
	v3 =	vpop (erf)  }
0x5a: {  	vm1 =	vlt.f32 v9, $1.000000050e-03;
	vm0 =	vmneg vm0;
	v2 =	vmul.f32 v3, v2  }
0x5b: {  	vm1 =	vmand vm1, vm0  }
0x5c: {  	v2 =	vsel vm1, v8, v2  }
0x5d: {  	s24 =	sshra.s32 s22, $0x2;
	v2 =	vsel vm0, v2, v6  }
0x5e: {  	s28 =	sor.u32 $0x20, s26;
	[tilespmem:s24+$0x2000] =	vst v2  }
0x5f: {  	v2 =	vld.idx.msk [tilespmem:v0+s28+$0x0], $0xffff  }
0x60: {  	s29 =	sor.u32 $0xA0, s26;
	v3 =	vld.idx.msk [tilespmem:v1+s28+$0x0], $0xffff  }
0x61: {  	v47 =	vld.idx.msk [tilespmem:v0+s29+$0x0], $0xffff  }
0x62: {  	v48 =	vld.idx.msk [tilespmem:v1+s29+$0x0], $0xffff;
	_ =	sdelay $0x4  }
0x63: {  	v49 =	vadd.f32 v3, v2;
	v50 =	vadd.f32 v48, v47;
	_ =	sdelay $0x1  }
0x64: {  	v51 =	vadd.f32 v47, v3;
	v6 =	vadd.f32 v50, v49;
	_ =	sdelay $0x1  }
0x65: {  	v52 =	vmul.f32 $5.000000000e-01, v51;
	v6 =	vmul.f32 $2.500000000e-01, v6;
	_ =	sdelay $0x1  }
0x66: {  	v8 =	vadd.f32 v6, v52;
	_ =	sdelay $0x1  }
0x67: {  	v8 =	vmul.f32 $5.000000000e-01, v8;
	_ =	sdelay $0x1  }
0x68: {  	v53 =	vsub.f32 v3, v8;
	v54 =	vsub.f32 v47, v8  }
0x69: {  	v55 =	vsub.f32 v2, v8;
	v56 =	vsub.f32 v48, v8  }
0x6a: {  	v9 =	vand.u32 $0x7FFFFFFF, v53;
	v10 =	vand.u32 $0x7FFFFFFF, v54  }
0x6b: {  	v11 =	vand.u32 $0x7FFFFFFF, v55;
	v12 =	vand.u32 $0x7FFFFFFF, v56;
	v57 =	vadd.f32 v10, v9  }
0x6c: {  	v9 =	vadd.f32 v9, v11;
	v10 =	vadd.f32 v12, v10  }
0x6d: {  	v13 =	vmul.f32 $5.000000000e-01, v57  }
0x6e: {  	v9 =	vadd.f32 v10, v9  }
0x6f: {  	v58 =	vadd.f32 $9.999999740e-05, v13  }
0x70: {  	v9 =	vmul.f32 $2.500000000e-01, v9  }
0x71: {  	(erf) = vrcp.f32 v58  }
0x72: {  	v9 =	vadd.f32 $9.999999740e-05, v9;
	_ =	sdelay $0x1  }
0x73: {  	(erf) = vrcp.f32 v9;
	_ =	sdelay $0x4  }
0x74: {  	v7 =	vsub.f32 v48, v52  }
0x75: {  	v60 =	vsub.f32 v2, v52;
	v16 =	vsub.f32 v2, v6;
	v59 =	vpop (erf)  }
0x76: {  	v61 =	vsub.f32 v3, v52;
	v7 =	vmul.f32 v7, v7;
	v10 =	vmul.f32 v59, v59  }
0x77: {  	v17 =	vsub.f32 v3, v6;
	v18 =	vmul.f32 v16, v16;
	v11 =	vmul.f32 v60, v60  }
0x78: {  	v12 =	vmul.f32 v61, v61;
	v62 =	vpop (erf);
	v10 =	vmul.f32 $-5.000000000e-01, v10  }
0x79: {  	v20 =	vmul.f32 v17, v17;
	v13 =	vmul.f32 v62, v62  }
0x7a: {  	v19 =	vsub.f32 v47, v6;
	v11 =	vmul.f32 v10, v11;
	v12 =	vmul.f32 v10, v12  }
0x7b: {  	v7 =	vmul.f32 v10, v7;
	v63 =	vmul.f32 $-5.000000000e-01, v13  }
0x7c: {  	v21 =	vsub.f32 v48, v6;
	v13 =	vmul.f32 v19, v19;
	v11 =	vmul.f32 $1.442695020e+00, v11  }
0x7d: {  	v12 =	vmul.f32 $1.442695020e+00, v12;
	v7 =	vmul.f32 $1.442695020e+00, v7  }
0x7e: {  	(erf) = vpow2.f32 v11;
	v11 =	vmul.f32 v21, v21  }
0x7f: {  	(erf) = vpow2.f32 v12;
	v12 =	vmul.f32 v63, v18  }
0x80: {  	(erf) = vpow2.f32 v7;
	v7 =	vmul.f32 v63, v20  }
0x81: {  	v13 =	vmul.f32 v63, v13;
	v12 =	vmul.f32 $1.442695020e+00, v12  }
0x82: {  	v10 =	vmul.f32 v63, v11;
	v7 =	vmul.f32 $1.442695020e+00, v7  }
0x83: {  	v22 =	vmul.f32 $1.442695020e+00, v13;
	(erf) = vpow2.f32 v12  }
0x84: {  	v23 =	vmul.f32 $1.442695020e+00, v10;
	(erf) = vpow2.f32 v7  }
0x85: {  	(erf) = vpow2.f32 v22  }
0x86: {  	(erf) = vpow2.f32 v23;
	_ =	sdelay $0x2  }
0x87: {  	v24 =	vpop (erf)  }
0x88: {  	v25 =	vpop (erf)  }
0x89: {  	v26 =	vpop (erf)  }
0x8a: {  	v12 =	vpop (erf)  }
0x8b: {  	v27 =	vpop (erf)  }
0x8c: {  	v28 =	vpop (erf)  }
0x8d: {  	v30 =	vadd.f32 v12, v24;
	v31 =	vadd.f32 v27, v25;
	v29 =	vpop (erf)  }
0x8e: {  	v32 =	vadd.f32 v28, v25;
	v33 =	vadd.f32 v29, v26;
	_ =	sdelay $0x1  }
0x8f: {  	v34 =	vadd.f32 v31, v30;
	v35 =	vadd.f32 v33, v32;
	_ =	sdelay $0x1  }
0x90: {  	v20 =	vadd.f32 v35, v34;
	_ =	sdelay $0x1  }
0x91: {  	(erf) = vrcp.f32 v20;
	_ =	sdelay $0x1  }
0x92: {  	v7 =	vmax.f32 v24, v12;
	v2 =	vmul.f32 v30, v2;
	v3 =	vmul.f32 v31, v3  }
0x93: {  	v36 =	vmax.f32 v25, v27;
	v4 =	vmul.f32 v32, v47;
	v5 =	vmul.f32 v33, v48  }
0x94: {  	v10 =	vmax.f32 v25, v28;
	v7 =	vmin.f32 v7, v36;
	v11 =	vmax.f32 v26, v29  }
0x95: {  	v10 =	vmin.f32 v10, v11;
	v2 =	vadd.f32 v3, v2;
	v3 =	vadd.f32 v5, v4  }
0x96: {  	v7 =	vmin.f32 v7, v10  }
0x97: {  	v37 =	vadd.f32 v7, v7  }
0x98: {  	v2 =	vadd.f32 v3, v2  }
0x99: {  	vm15 =	vge.f32 v31, v37;
	v3 =	vpop (erf)  }
0x9a: {  	vm4 =	vlt.f32 v9, $1.000000050e-03;
	vm0 =	vmneg vm15;
	v2 =	vmul.f32 v3, v2  }
0x9b: {  	vm1 =	vmand vm4, vm0  }
0x9c: {  	v2 =	vsel vm1, v8, v2  }
0x9d: {  	v2 =	vsel vm0, v2, v6  }
0x9e: {  	s30 =	sor.u32 $0x40, s26;
	[tilespmem:s24+$0x2010] =	vst v2  }
0x9f: {  	v2 =	vld.idx.msk [tilespmem:v0+s30+$0x0], $0xffff  }
0xa0: {  	s31 =	sor.u32 $0xC0, s26;
	v3 =	vld.idx.msk [tilespmem:v1+s30+$0x0], $0xffff  }
0xa1: {  	v38 =	vld.idx.msk [tilespmem:v0+s31+$0x0], $0xffff  }
0xa2: {  	v39 =	vld.idx.msk [tilespmem:v1+s31+$0x0], $0xffff;
	_ =	sdelay $0x4  }
0xa3: {  	v40 =	vadd.f32 v3, v2;
	v41 =	vadd.f32 v39, v38;
	_ =	sdelay $0x1  }
0xa4: {  	v42 =	vadd.f32 v38, v3;
	v6 =	vadd.f32 v41, v40;
	_ =	sdelay $0x1  }
0xa5: {  	v43 =	vmul.f32 $5.000000000e-01, v42;
	v6 =	vmul.f32 $2.500000000e-01, v6;
	_ =	sdelay $0x1  }
0xa6: {  	v8 =	vadd.f32 v6, v43;
	_ =	sdelay $0x1  }
0xa7: {  	v8 =	vmul.f32 $5.000000000e-01, v8;
	_ =	sdelay $0x1  }
0xa8: {  	v44 =	vsub.f32 v3, v8;
	v45 =	vsub.f32 v38, v8  }
0xa9: {  	v46 =	vsub.f32 v2, v8;
	v47 =	vsub.f32 v39, v8  }
0xaa: {  	v9 =	vand.u32 $0x7FFFFFFF, v44;
	v10 =	vand.u32 $0x7FFFFFFF, v45  }
0xab: {  	v11 =	vand.u32 $0x7FFFFFFF, v46;
	v12 =	vand.u32 $0x7FFFFFFF, v47;
	v48 =	vadd.f32 v10, v9  }
0xac: {  	v9 =	vadd.f32 v9, v11;
	v10 =	vadd.f32 v12, v10  }
0xad: {  	v13 =	vmul.f32 $5.000000000e-01, v48  }
0xae: {  	v9 =	vadd.f32 v10, v9  }
0xaf: {  	v49 =	vadd.f32 $9.999999740e-05, v13  }
0xb0: {  	v9 =	vmul.f32 $2.500000000e-01, v9  }
0xb1: {  	(erf) = vrcp.f32 v49  }
0xb2: {  	v9 =	vadd.f32 $9.999999740e-05, v9;
	_ =	sdelay $0x1  }
0xb3: {  	(erf) = vrcp.f32 v9;
	_ =	sdelay $0x4  }
0xb4: {  	v7 =	vsub.f32 v39, v43  }
0xb5: {  	v51 =	vsub.f32 v2, v43;
	v55 =	vsub.f32 v2, v6;
	v50 =	vpop (erf)  }
0xb6: {  	v52 =	vsub.f32 v3, v43;
	v7 =	vmul.f32 v7, v7;
	v10 =	vmul.f32 v50, v50  }
0xb7: {  	v56 =	vsub.f32 v3, v6;
	v57 =	vmul.f32 v55, v55;
	v11 =	vmul.f32 v51, v51  }
0xb8: {  	v12 =	vmul.f32 v52, v52;
	v53 =	vpop (erf);
	v10 =	vmul.f32 $-5.000000000e-01, v10  }
0xb9: {  	v59 =	vmul.f32 v56, v56;
	v13 =	vmul.f32 v53, v53  }
0xba: {  	v58 =	vsub.f32 v38, v6;
	v11 =	vmul.f32 v10, v11;
	v12 =	vmul.f32 v10, v12  }
0xbb: {  	v7 =	vmul.f32 v10, v7;
	v54 =	vmul.f32 $-5.000000000e-01, v13  }
0xbc: {  	v60 =	vsub.f32 v39, v6;
	v13 =	vmul.f32 v58, v58;
	v11 =	vmul.f32 $1.442695020e+00, v11  }
0xbd: {  	v12 =	vmul.f32 $1.442695020e+00, v12;
	v7 =	vmul.f32 $1.442695020e+00, v7  }
0xbe: {  	(erf) = vpow2.f32 v11;
	v11 =	vmul.f32 v60, v60  }
0xbf: {  	(erf) = vpow2.f32 v12;
	v12 =	vmul.f32 v54, v57  }
0xc0: {  	(erf) = vpow2.f32 v7;
	v7 =	vmul.f32 v54, v59  }
0xc1: {  	v13 =	vmul.f32 v54, v13;
	v12 =	vmul.f32 $1.442695020e+00, v12  }
0xc2: {  	v10 =	vmul.f32 v54, v11;
	v7 =	vmul.f32 $1.442695020e+00, v7  }
0xc3: {  	v61 =	vmul.f32 $1.442695020e+00, v13;
	(erf) = vpow2.f32 v12  }
0xc4: {  	v62 =	vmul.f32 $1.442695020e+00, v10;
	(erf) = vpow2.f32 v7  }
0xc5: {  	(erf) = vpow2.f32 v61  }
0xc6: {  	(erf) = vpow2.f32 v62;
	_ =	sdelay $0x2  }
0xc7: {  	v63 =	vpop (erf)  }
0xc8: {  	v24 =	vpop (erf)  }
0xc9: {  	v25 =	vpop (erf)  }
0xca: {  	v12 =	vpop (erf)  }
0xcb: {  	v26 =	vpop (erf)  }
0xcc: {  	v27 =	vpop (erf)  }
0xcd: {  	v29 =	vadd.f32 v12, v63;
	v30 =	vadd.f32 v26, v24;
	v28 =	vpop (erf)  }
0xce: {  	v31 =	vadd.f32 v27, v24;
	v32 =	vadd.f32 v28, v25;
	_ =	sdelay $0x1  }
0xcf: {  	v33 =	vadd.f32 v30, v29;
	v34 =	vadd.f32 v32, v31;
	_ =	sdelay $0x1  }
0xd0: {  	v20 =	vadd.f32 v34, v33;
	_ =	sdelay $0x1  }
0xd1: {  	(erf) = vrcp.f32 v20;
	_ =	sdelay $0x1  }
0xd2: {  	v7 =	vmax.f32 v63, v12;
	v2 =	vmul.f32 v29, v2;
	v3 =	vmul.f32 v30, v3  }
0xd3: {  	v35 =	vmax.f32 v24, v26;
	v4 =	vmul.f32 v31, v38;
	v5 =	vmul.f32 v32, v39  }
0xd4: {  	v10 =	vmax.f32 v24, v27;
	v7 =	vmin.f32 v7, v35;
	v11 =	vmax.f32 v25, v28  }
0xd5: {  	v10 =	vmin.f32 v10, v11;
	v2 =	vadd.f32 v3, v2;
	v3 =	vadd.f32 v5, v4  }
0xd6: {  	v7 =	vmin.f32 v7, v10  }
0xd7: {  	v36 =	vadd.f32 v7, v7  }
0xd8: {  	v2 =	vadd.f32 v3, v2  }
0xd9: {  	vm5 =	vge.f32 v30, v36;
	v3 =	vpop (erf)  }
0xda: {  	vm6 =	vlt.f32 v9, $1.000000050e-03;
	vm0 =	vmneg vm5;
	v2 =	vmul.f32 v3, v2  }
0xdb: {  	vm1 =	vmand vm6, vm0  }
0xdc: {  	v2 =	vsel vm1, v8, v2  }
0xdd: {  	v2 =	vsel vm0, v2, v6  }
0xde: {  	s29 =	sor.u32 $0x60, s26;
	[tilespmem:s24+$0x2020] =	vst v2  }
0xdf: {  	v2 =	vld.idx.msk [tilespmem:v0+s29+$0x0], $0xffff  }
0xe0: {  	s26 =	sor.u32 $0xE0, s26;
	v3 =	vld.idx.msk [tilespmem:v1+s29+$0x0], $0xffff  }
0xe1: {  	v37 =	vld.idx.msk [tilespmem:v0+s26+$0x0], $0xffff  }
0xe2: {  	v38 =	vld.idx.msk [tilespmem:v1+s26+$0x0], $0xffff;
	_ =	sdelay $0x4  }
0xe3: {  	v39 =	vadd.f32 v3, v2;
	v40 =	vadd.f32 v38, v37;
	_ =	sdelay $0x1  }
0xe4: {  	v41 =	vadd.f32 v37, v3;
	v6 =	vadd.f32 v40, v39;
	_ =	sdelay $0x1  }
0xe5: {  	v42 =	vmul.f32 $5.000000000e-01, v41;
	v6 =	vmul.f32 $2.500000000e-01, v6;
	_ =	sdelay $0x1  }
0xe6: {  	v8 =	vadd.f32 v6, v42;
	_ =	sdelay $0x1  }
0xe7: {  	v8 =	vmul.f32 $5.000000000e-01, v8;
	_ =	sdelay $0x1  }
0xe8: {  	v43 =	vsub.f32 v3, v8;
	v44 =	vsub.f32 v37, v8  }
0xe9: {  	v45 =	vsub.f32 v2, v8;
	v46 =	vsub.f32 v38, v8  }
0xea: {  	v9 =	vand.u32 $0x7FFFFFFF, v43;
	v10 =	vand.u32 $0x7FFFFFFF, v44  }
0xeb: {  	v11 =	vand.u32 $0x7FFFFFFF, v45;
	v12 =	vand.u32 $0x7FFFFFFF, v46;
	v47 =	vadd.f32 v10, v9  }
0xec: {  	v9 =	vadd.f32 v9, v11;
	v10 =	vadd.f32 v12, v10  }
0xed: {  	v13 =	vmul.f32 $5.000000000e-01, v47  }
0xee: {  	v9 =	vadd.f32 v10, v9  }
0xef: {  	v48 =	vadd.f32 $9.999999740e-05, v13  }
0xf0: {  	v9 =	vmul.f32 $2.500000000e-01, v9  }
0xf1: {  	(erf) = vrcp.f32 v48  }
0xf2: {  	v9 =	vadd.f32 $9.999999740e-05, v9;
	_ =	sdelay $0x1  }
0xf3: {  	(erf) = vrcp.f32 v9;
	_ =	sdelay $0x4  }
0xf4: {  	v7 =	vsub.f32 v38, v42  }
0xf5: {  	v50 =	vsub.f32 v2, v42;
	v54 =	vsub.f32 v2, v6;
	v49 =	vpop (erf)  }
0xf6: {  	v51 =	vsub.f32 v3, v42;
	v7 =	vmul.f32 v7, v7;
	v10 =	vmul.f32 v49, v49  }
0xf7: {  	v55 =	vsub.f32 v3, v6;
	v56 =	vmul.f32 v54, v54;
	v11 =	vmul.f32 v50, v50  }
0xf8: {  	v12 =	vmul.f32 v51, v51;
	v52 =	vpop (erf);
	v10 =	vmul.f32 $-5.000000000e-01, v10  }
0xf9: {  	v58 =	vmul.f32 v55, v55;
	v13 =	vmul.f32 v52, v52  }
0xfa: {  	v57 =	vsub.f32 v37, v6;
	v11 =	vmul.f32 v10, v11;
	v12 =	vmul.f32 v10, v12  }
0xfb: {  	v7 =	vmul.f32 v10, v7;
	v53 =	vmul.f32 $-5.000000000e-01, v13  }
0xfc: {  	v59 =	vsub.f32 v38, v6;
	v13 =	vmul.f32 v57, v57;
	v11 =	vmul.f32 $1.442695020e+00, v11  }
0xfd: {  	v12 =	vmul.f32 $1.442695020e+00, v12;
	v7 =	vmul.f32 $1.442695020e+00, v7  }
0xfe: {  	(erf) = vpow2.f32 v11;
	v11 =	vmul.f32 v59, v59  }
0xff: {  	(erf) = vpow2.f32 v12;
	v12 =	vmul.f32 v53, v56  }
0x100: {  	(erf) = vpow2.f32 v7;
	v7 =	vmul.f32 v53, v58  }
0x101: {  	v13 =	vmul.f32 v53, v13;
	v12 =	vmul.f32 $1.442695020e+00, v12  }
0x102: {  	v10 =	vmul.f32 v53, v11;
	v7 =	vmul.f32 $1.442695020e+00, v7  }
0x103: {  	v60 =	vmul.f32 $1.442695020e+00, v13;
	(erf) = vpow2.f32 v12  }
0x104: {  	v61 =	vmul.f32 $1.442695020e+00, v10;
	(erf) = vpow2.f32 v7  }
0x105: {  	(erf) = vpow2.f32 v60  }
0x106: {  	(erf) = vpow2.f32 v61;
	_ =	sdelay $0x2  }
0x107: {  	v62 =	vpop (erf)  }
0x108: {  	v63 =	vpop (erf)  }
0x109: {  	v24 =	vpop (erf)  }
0x10a: {  	v12 =	vpop (erf)  }
0x10b: {  	v25 =	vpop (erf)  }
0x10c: {  	v26 =	vpop (erf)  }
0x10d: {  	v28 =	vadd.f32 v12, v62;
	v29 =	vadd.f32 v25, v63;
	v27 =	vpop (erf)  }
0x10e: {  	v30 =	vadd.f32 v26, v63;
	v31 =	vadd.f32 v27, v24;
	_ =	sdelay $0x1  }
0x10f: {  	v32 =	vadd.f32 v29, v28;
	v33 =	vadd.f32 v31, v30;
	_ =	sdelay $0x1  }
0x110: {  	v20 =	vadd.f32 v33, v32;
	_ =	sdelay $0x1  }
0x111: {  	(erf) = vrcp.f32 v20;
	_ =	sdelay $0x1  }
0x112: {  	v7 =	vmax.f32 v62, v12;
	v2 =	vmul.f32 v28, v2;
	v3 =	vmul.f32 v29, v3  }
0x113: {  	v34 =	vmax.f32 v63, v25;
	v4 =	vmul.f32 v30, v37;
	v5 =	vmul.f32 v31, v38  }
0x114: {  	v10 =	vmax.f32 v63, v26;
	v7 =	vmin.f32 v7, v34;
	v11 =	vmax.f32 v24, v27  }
0x115: {  	v10 =	vmin.f32 v10, v11;
	v2 =	vadd.f32 v3, v2;
	v3 =	vadd.f32 v5, v4  }
0x116: {  	v7 =	vmin.f32 v7, v10  }
0x117: {  	v35 =	vadd.f32 v7, v7  }
0x118: {  	v2 =	vadd.f32 v3, v2  }
0x119: {  	vm7 =	vge.f32 v29, v35;
	v3 =	vpop (erf)  }
0x11a: {  	s26 =	simm.s32 $0x1;
	vm8 =	vlt.f32 v9, $1.000000050e-03;
	vm0 =	vmneg vm7;
	v2 =	vmul.f32 v3, v2  }
0x11b: {  	s26 =	simm.s32 @!p1 $0x0;
	vm1 =	vmand vm8, vm0  }
0x11c: {  	s26 =	sshll.u32 s26, $0x9;
	v2 =	vsel vm1, v8, v2  }
0x11d: {  	s26 =	sadd.s32 s22, s26;
	v2 =	vsel vm0, v2, v6  }
0x11e: {  	s29 =	sor.u32 $0x400, s26;
	[tilespmem:s24+$0x2030] =	vst v2  }
0x11f: {  	s28 =	sadd.s32 $0x80, s26;
	v2 =	vld.idx.msk [tilespmem:v0+s29+$0x0], $0xffff  }
0x120: {  	s30 =	sor.u32 $0x400, s28;
	v3 =	vld.idx.msk [tilespmem:v1+s29+$0x0], $0xffff  }
0x121: {  	v36 =	vld.idx.msk [tilespmem:v0+s30+$0x0], $0xffff  }
0x122: {  	v37 =	vld.idx.msk [tilespmem:v1+s30+$0x0], $0xffff;
	_ =	sdelay $0x4  }
0x123: {  	v38 =	vadd.f32 v3, v2;
	v39 =	vadd.f32 v37, v36;
	_ =	sdelay $0x1  }
0x124: {  	v40 =	vadd.f32 v36, v3;
	v6 =	vadd.f32 v39, v38;
	_ =	sdelay $0x1  }
0x125: {  	v41 =	vmul.f32 $5.000000000e-01, v40;
	v6 =	vmul.f32 $2.500000000e-01, v6;
	_ =	sdelay $0x1  }
0x126: {  	v8 =	vadd.f32 v6, v41;
	_ =	sdelay $0x1  }
0x127: {  	v8 =	vmul.f32 $5.000000000e-01, v8;
	_ =	sdelay $0x1  }
0x128: {  	v42 =	vsub.f32 v3, v8;
	v43 =	vsub.f32 v36, v8  }
0x129: {  	v44 =	vsub.f32 v2, v8;
	v45 =	vsub.f32 v37, v8  }
0x12a: {  	v9 =	vand.u32 $0x7FFFFFFF, v42;
	v10 =	vand.u32 $0x7FFFFFFF, v43  }
0x12b: {  	v11 =	vand.u32 $0x7FFFFFFF, v44;
	v12 =	vand.u32 $0x7FFFFFFF, v45;
	v46 =	vadd.f32 v10, v9  }
0x12c: {  	v9 =	vadd.f32 v9, v11;
	v10 =	vadd.f32 v12, v10  }
0x12d: {  	v13 =	vmul.f32 $5.000000000e-01, v46  }
0x12e: {  	v9 =	vadd.f32 v10, v9  }
0x12f: {  	v47 =	vadd.f32 $9.999999740e-05, v13  }
0x130: {  	v9 =	vmul.f32 $2.500000000e-01, v9  }
0x131: {  	(erf) = vrcp.f32 v47  }
0x132: {  	v9 =	vadd.f32 $9.999999740e-05, v9;
	_ =	sdelay $0x1  }
0x133: {  	(erf) = vrcp.f32 v9;
	_ =	sdelay $0x4  }
0x134: {  	v7 =	vsub.f32 v37, v41  }
0x135: {  	v49 =	vsub.f32 v2, v41;
	v53 =	vsub.f32 v2, v6;
	v48 =	vpop (erf)  }
0x136: {  	v50 =	vsub.f32 v3, v41;
	v7 =	vmul.f32 v7, v7;
	v10 =	vmul.f32 v48, v48  }
0x137: {  	v54 =	vsub.f32 v3, v6;
	v55 =	vmul.f32 v53, v53;
	v11 =	vmul.f32 v49, v49  }
0x138: {  	v12 =	vmul.f32 v50, v50;
	v51 =	vpop (erf);
	v10 =	vmul.f32 $-5.000000000e-01, v10  }
0x139: {  	v57 =	vmul.f32 v54, v54;
	v13 =	vmul.f32 v51, v51  }
0x13a: {  	v56 =	vsub.f32 v36, v6;
	v11 =	vmul.f32 v10, v11;
	v12 =	vmul.f32 v10, v12  }
0x13b: {  	v7 =	vmul.f32 v10, v7;
	v52 =	vmul.f32 $-5.000000000e-01, v13  }
0x13c: {  	v58 =	vsub.f32 v37, v6;
	v13 =	vmul.f32 v56, v56;
	v11 =	vmul.f32 $1.442695020e+00, v11  }
0x13d: {  	v12 =	vmul.f32 $1.442695020e+00, v12;
	v7 =	vmul.f32 $1.442695020e+00, v7  }
0x13e: {  	(erf) = vpow2.f32 v11;
	v11 =	vmul.f32 v58, v58  }
0x13f: {  	(erf) = vpow2.f32 v12;
	v12 =	vmul.f32 v52, v55  }
0x140: {  	(erf) = vpow2.f32 v7;
	v7 =	vmul.f32 v52, v57  }
0x141: {  	v13 =	vmul.f32 v52, v13;
	v12 =	vmul.f32 $1.442695020e+00, v12  }
0x142: {  	v10 =	vmul.f32 v52, v11;
	v7 =	vmul.f32 $1.442695020e+00, v7  }
0x143: {  	v59 =	vmul.f32 $1.442695020e+00, v13;
	(erf) = vpow2.f32 v12  }
0x144: {  	v60 =	vmul.f32 $1.442695020e+00, v10;
	(erf) = vpow2.f32 v7  }
0x145: {  	(erf) = vpow2.f32 v59  }
0x146: {  	(erf) = vpow2.f32 v60;
	_ =	sdelay $0x2  }
0x147: {  	v61 =	vpop (erf)  }
0x148: {  	v62 =	vpop (erf)  }
0x149: {  	v63 =	vpop (erf)  }
0x14a: {  	v12 =	vpop (erf)  }
0x14b: {  	v24 =	vpop (erf)  }
0x14c: {  	v25 =	vpop (erf)  }
0x14d: {  	v27 =	vadd.f32 v12, v61;
	v28 =	vadd.f32 v24, v62;
	v26 =	vpop (erf)  }
0x14e: {  	v29 =	vadd.f32 v25, v62;
	v30 =	vadd.f32 v26, v63;
	_ =	sdelay $0x1  }
0x14f: {  	v31 =	vadd.f32 v28, v27;
	v32 =	vadd.f32 v30, v29;
	_ =	sdelay $0x1  }
0x150: {  	v20 =	vadd.f32 v32, v31;
	_ =	sdelay $0x1  }
0x151: {  	(erf) = vrcp.f32 v20;
	_ =	sdelay $0x1  }
0x152: {  	v7 =	vmax.f32 v61, v12;
	v2 =	vmul.f32 v27, v2;
	v3 =	vmul.f32 v28, v3  }
0x153: {  	v33 =	vmax.f32 v62, v24;
	v4 =	vmul.f32 v29, v36;
	v5 =	vmul.f32 v30, v37  }
0x154: {  	v10 =	vmax.f32 v62, v25;
	v7 =	vmin.f32 v7, v33;
	v11 =	vmax.f32 v63, v26  }
0x155: {  	v10 =	vmin.f32 v10, v11;
	v2 =	vadd.f32 v3, v2;
	v3 =	vadd.f32 v5, v4  }
0x156: {  	v7 =	vmin.f32 v7, v10  }
0x157: {  	v34 =	vadd.f32 v7, v7  }
0x158: {  	v2 =	vadd.f32 v3, v2  }
0x159: {  	vm9 =	vge.f32 v28, v34;
	v3 =	vpop (erf)  }
0x15a: {  	vm10 =	vlt.f32 v9, $1.000000050e-03;
	vm0 =	vmneg vm9;
	v2 =	vmul.f32 v3, v2  }
0x15b: {  	vm1 =	vmand vm10, vm0  }
0x15c: {  	v2 =	vsel vm1, v8, v2  }
0x15d: {  	v2 =	vsel vm0, v2, v6  }
0x15e: {  	s31 =	sor.u32 $0x420, s26;
	[tilespmem:s24+$0x2040] =	vst v2  }
0x15f: {  	v2 =	vld.idx.msk [tilespmem:v0+s31+$0x0], $0xffff  }
0x160: {  	s30 =	sor.u32 $0x420, s28;
	v3 =	vld.idx.msk [tilespmem:v1+s31+$0x0], $0xffff  }
0x161: {  	v35 =	vld.idx.msk [tilespmem:v0+s30+$0x0], $0xffff  }
0x162: {  	v36 =	vld.idx.msk [tilespmem:v1+s30+$0x0], $0xffff;
	_ =	sdelay $0x4  }
0x163: {  	v37 =	vadd.f32 v3, v2;
	v38 =	vadd.f32 v36, v35;
	_ =	sdelay $0x1  }
0x164: {  	v39 =	vadd.f32 v35, v3;
	v6 =	vadd.f32 v38, v37;
	_ =	sdelay $0x1  }
0x165: {  	v40 =	vmul.f32 $5.000000000e-01, v39;
	v6 =	vmul.f32 $2.500000000e-01, v6;
	_ =	sdelay $0x1  }
0x166: {  	v8 =	vadd.f32 v6, v40;
	_ =	sdelay $0x1  }
0x167: {  	v8 =	vmul.f32 $5.000000000e-01, v8;
	_ =	sdelay $0x1  }
0x168: {  	v41 =	vsub.f32 v3, v8;
	v42 =	vsub.f32 v35, v8  }
0x169: {  	v43 =	vsub.f32 v2, v8;
	v44 =	vsub.f32 v36, v8  }
0x16a: {  	v9 =	vand.u32 $0x7FFFFFFF, v41;
	v10 =	vand.u32 $0x7FFFFFFF, v42  }
0x16b: {  	v11 =	vand.u32 $0x7FFFFFFF, v43;
	v12 =	vand.u32 $0x7FFFFFFF, v44;
	v45 =	vadd.f32 v10, v9  }
0x16c: {  	v9 =	vadd.f32 v9, v11;
	v10 =	vadd.f32 v12, v10  }
0x16d: {  	v13 =	vmul.f32 $5.000000000e-01, v45  }
0x16e: {  	v9 =	vadd.f32 v10, v9  }
0x16f: {  	v46 =	vadd.f32 $9.999999740e-05, v13  }
0x170: {  	v9 =	vmul.f32 $2.500000000e-01, v9  }
0x171: {  	(erf) = vrcp.f32 v46  }
0x172: {  	v9 =	vadd.f32 $9.999999740e-05, v9;
	_ =	sdelay $0x1  }
0x173: {  	(erf) = vrcp.f32 v9;
	_ =	sdelay $0x4  }
0x174: {  	v7 =	vsub.f32 v36, v40  }
0x175: {  	v48 =	vsub.f32 v2, v40;
	v52 =	vsub.f32 v2, v6;
	v47 =	vpop (erf)  }
0x176: {  	v49 =	vsub.f32 v3, v40;
	v7 =	vmul.f32 v7, v7;
	v10 =	vmul.f32 v47, v47  }
0x177: {  	v53 =	vsub.f32 v3, v6;
	v54 =	vmul.f32 v52, v52;
	v11 =	vmul.f32 v48, v48  }
0x178: {  	v12 =	vmul.f32 v49, v49;
	v50 =	vpop (erf);
	v10 =	vmul.f32 $-5.000000000e-01, v10  }
0x179: {  	v56 =	vmul.f32 v53, v53;
	v13 =	vmul.f32 v50, v50  }
0x17a: {  	v55 =	vsub.f32 v35, v6;
	v11 =	vmul.f32 v10, v11;
	v12 =	vmul.f32 v10, v12  }
0x17b: {  	v7 =	vmul.f32 v10, v7;
	v51 =	vmul.f32 $-5.000000000e-01, v13  }
0x17c: {  	v57 =	vsub.f32 v36, v6;
	v13 =	vmul.f32 v55, v55;
	v11 =	vmul.f32 $1.442695020e+00, v11  }
0x17d: {  	v12 =	vmul.f32 $1.442695020e+00, v12;
	v7 =	vmul.f32 $1.442695020e+00, v7  }
0x17e: {  	(erf) = vpow2.f32 v11;
	v11 =	vmul.f32 v57, v57  }
0x17f: {  	(erf) = vpow2.f32 v12;
	v12 =	vmul.f32 v51, v54  }
0x180: {  	(erf) = vpow2.f32 v7;
	v7 =	vmul.f32 v51, v56  }
0x181: {  	v13 =	vmul.f32 v51, v13;
	v12 =	vmul.f32 $1.442695020e+00, v12  }
0x182: {  	v10 =	vmul.f32 v51, v11;
	v7 =	vmul.f32 $1.442695020e+00, v7  }
0x183: {  	v58 =	vmul.f32 $1.442695020e+00, v13;
	(erf) = vpow2.f32 v12  }
0x184: {  	v59 =	vmul.f32 $1.442695020e+00, v10;
	(erf) = vpow2.f32 v7  }
0x185: {  	(erf) = vpow2.f32 v58  }
0x186: {  	(erf) = vpow2.f32 v59;
	_ =	sdelay $0x2  }
0x187: {  	v60 =	vpop (erf)  }
0x188: {  	v61 =	vpop (erf)  }
0x189: {  	v62 =	vpop (erf)  }
0x18a: {  	v12 =	vpop (erf)  }
0x18b: {  	v63 =	vpop (erf)  }
0x18c: {  	v24 =	vpop (erf)  }
0x18d: {  	v26 =	vadd.f32 v12, v60;
	v27 =	vadd.f32 v63, v61;
	v25 =	vpop (erf)  }
0x18e: {  	v28 =	vadd.f32 v24, v61;
	v29 =	vadd.f32 v25, v62;
	_ =	sdelay $0x1  }
0x18f: {  	v30 =	vadd.f32 v27, v26;
	v31 =	vadd.f32 v29, v28;
	_ =	sdelay $0x1  }
0x190: {  	v20 =	vadd.f32 v31, v30;
	_ =	sdelay $0x1  }
0x191: {  	(erf) = vrcp.f32 v20;
	_ =	sdelay $0x1  }
0x192: {  	v7 =	vmax.f32 v60, v12;
	v2 =	vmul.f32 v26, v2;
	v3 =	vmul.f32 v27, v3  }
0x193: {  	v32 =	vmax.f32 v61, v63;
	v4 =	vmul.f32 v28, v35;
	v5 =	vmul.f32 v29, v36  }
0x194: {  	v10 =	vmax.f32 v61, v24;
	v7 =	vmin.f32 v7, v32;
	v11 =	vmax.f32 v62, v25  }
0x195: {  	v10 =	vmin.f32 v10, v11;
	v2 =	vadd.f32 v3, v2;
	v3 =	vadd.f32 v5, v4  }
0x196: {  	v7 =	vmin.f32 v7, v10  }
0x197: {  	v33 =	vadd.f32 v7, v7  }
0x198: {  	v2 =	vadd.f32 v3, v2  }
0x199: {  	vm11 =	vge.f32 v27, v33;
	v3 =	vpop (erf)  }
0x19a: {  	vm12 =	vlt.f32 v9, $1.000000050e-03;
	vm0 =	vmneg vm11;
	v2 =	vmul.f32 v3, v2  }
0x19b: {  	vm1 =	vmand vm12, vm0  }
0x19c: {  	v2 =	vsel vm1, v8, v2  }
0x19d: {  	v2 =	vsel vm0, v2, v6  }
0x19e: {  	s26 =	sor.u32 $0x440, s26;
	[tilespmem:s24+$0x2050] =	vst v2  }
0x19f: {  	v6 =	vld.idx.msk [tilespmem:v0+s26+$0x0], $0xffff  }
0x1a0: {  	s31 =	sor.u32 $0x440, s28;
	v4 =	vld.idx.msk [tilespmem:v1+s26+$0x0], $0xffff  }
0x1a1: {  	v7 =	vld.idx.msk [tilespmem:v0+s31+$0x0], $0xffff  }
0x1a2: {  	v5 =	vld.idx.msk [tilespmem:v1+s31+$0x0], $0xffff;
	_ =	sdelay $0x4  }
0x1a3: {  	v2 =	vadd.f32 v4, v6;
	v3 =	vadd.f32 v5, v7;
	_ =	sdelay $0x1  }
0x1a4: {  	v34 =	vadd.f32 v7, v4;
	v2 =	vadd.f32 v3, v2;
	_ =	sdelay $0x1  }
0x1a5: {  	v35 =	vmul.f32 $5.000000000e-01, v34;
	v2 =	vmul.f32 $2.500000000e-01, v2;
	_ =	sdelay $0x1  }
0x1a6: {  	v3 =	vadd.f32 v2, v35;
	_ =	sdelay $0x1  }
0x1a7: {  	v3 =	vmul.f32 $5.000000000e-01, v3;
	_ =	sdelay $0x1  }
0x1a8: {  	v36 =	vsub.f32 v4, v3;
	v37 =	vsub.f32 v7, v3  }
0x1a9: {  	v38 =	vsub.f32 v6, v3;
	v39 =	vsub.f32 v5, v3  }
0x1aa: {  	v8 =	vand.u32 $0x7FFFFFFF, v36;
	v10 =	vand.u32 $0x7FFFFFFF, v37  }
0x1ab: {  	v11 =	vand.u32 $0x7FFFFFFF, v38;
	v12 =	vand.u32 $0x7FFFFFFF, v39;
	v40 =	vadd.f32 v10, v8  }
0x1ac: {  	v8 =	vadd.f32 v8, v11;
	v10 =	vadd.f32 v12, v10  }
0x1ad: {  	v13 =	vmul.f32 $5.000000000e-01, v40  }
0x1ae: {  	v8 =	vadd.f32 v10, v8  }
0x1af: {  	v41 =	vadd.f32 $9.999999740e-05, v13  }
0x1b0: {  	v8 =	vmul.f32 $2.500000000e-01, v8  }
0x1b1: {  	(erf) = vrcp.f32 v41  }
0x1b2: {  	v8 =	vadd.f32 $9.999999740e-05, v8;
	_ =	sdelay $0x1  }
0x1b3: {  	(erf) = vrcp.f32 v8;
	_ =	sdelay $0x4  }
0x1b4: {  	v9 =	vsub.f32 v5, v35  }
0x1b5: {  	v43 =	vsub.f32 v6, v35;
	v47 =	vsub.f32 v6, v2;
	v42 =	vpop (erf)  }
0x1b6: {  	v44 =	vsub.f32 v4, v35;
	v9 =	vmul.f32 v9, v9;
	v10 =	vmul.f32 v42, v42  }
0x1b7: {  	s28 =	sadd.s32 $0x100, s23;
	v48 =	vsub.f32 v4, v2;
	v49 =	vmul.f32 v47, v47;
	v11 =	vmul.f32 v43, v43  }
0x1b8: {  	s26 =	sand.u32 $0x300, s28;
	v12 =	vmul.f32 v44, v44;
	v45 =	vpop (erf);
	v10 =	vmul.f32 $-5.000000000e-01, v10  }
0x1b9: {  	s25 =	sor.u32 s26, s25;
	v51 =	vmul.f32 v48, v48;
	v13 =	vmul.f32 v45, v45  }
0x1ba: {  	v53 =	vld.idx.msk [tilespmem:v0+s25+$0x0], $0xffff;
	v50 =	vsub.f32 v7, v2;
	v11 =	vmul.f32 v10, v11;
	v12 =	vmul.f32 v10, v12  }
0x1bb: {  	v22 =	vld.idx.msk [tilespmem:v1+s25+$0x0], $0xffff;
	s26 =	sor.u32 $0x80, s25;
	v9 =	vmul.f32 v10, v9;
	v46 =	vmul.f32 $-5.000000000e-01, v13  }
0x1bc: {  	v23 =	vld.idx.msk [tilespmem:v0+s26+$0x0], $0xffff;
	v52 =	vsub.f32 v5, v2;
	v13 =	vmul.f32 v50, v50;
	v11 =	vmul.f32 $1.442695020e+00, v11  }
0x1bd: {  	v24 =	vld.idx.msk [tilespmem:v1+s26+$0x0], $0xffff;
	v12 =	vmul.f32 $1.442695020e+00, v12;
	v9 =	vmul.f32 $1.442695020e+00, v9  }
0x1be: {  	(erf) = vpow2.f32 v11;
	v11 =	vmul.f32 v52, v52  }
0x1bf: {  	(erf) = vpow2.f32 v12;
	v12 =	vmul.f32 v46, v49  }
0x1c0: {  	(erf) = vpow2.f32 v9;
	v9 =	vmul.f32 v46, v51  }
0x1c1: {  	v56 =	vadd.f32 v22, v53;
	v13 =	vmul.f32 v46, v13;
	v12 =	vmul.f32 $1.442695020e+00, v12  }
0x1c2: {  	v57 =	vadd.f32 v24, v23;
	v10 =	vmul.f32 v46, v11;
	v9 =	vmul.f32 $1.442695020e+00, v9  }
0x1c3: {  	v58 =	vadd.f32 v23, v22;
	v54 =	vmul.f32 $1.442695020e+00, v13;
	(erf) = vpow2.f32 v12  }
0x1c4: {  	v55 =	vmul.f32 $1.442695020e+00, v10;
	(erf) = vpow2.f32 v9;
	v9 =	vadd.f32 v57, v56  }
0x1c5: {  	v25 =	vmul.f32 $5.000000000e-01, v58;
	(erf) = vpow2.f32 v54  }
0x1c6: {  	(erf) = vpow2.f32 v55;
	v26 =	vmul.f32 $2.500000000e-01, v9;
	_ =	sdelay $0x1  }
0x1c7: {  	v13 =	vadd.f32 v26, v25  }
0x1c8: {  	v12 =	vpop (erf)  }
0x1c9: {  	v11 =	vpop (erf);
	v27 =	vmul.f32 $5.000000000e-01, v13  }
0x1ca: {  	v10 =	vpop (erf)  }
0x1cb: {  	v19 =	vpop (erf);
	v13 =	vsub.f32 v22, v27;
	v28 =	vsub.f32 v23, v27  }
0x1cc: {  	v31 =	vsub.f32 v53, v27;
	v32 =	vsub.f32 v24, v27;
	v20 =	vpop (erf)  }
0x1cd: {  	v17 =	vadd.f32 v19, v12;
	v16 =	vpop (erf);
	v9 =	vadd.f32 v20, v11;
	v13 =	vand.u32 $0x7FFFFFFF, v13  }
0x1ce: {  	v28 =	vand.u32 $0x7FFFFFFF, v28;
	v59 =	vand.u32 $0x7FFFFFFF, v31;
	v14 =	vpop (erf);
	v18 =	vadd.f32 v16, v11  }
0x1cf: {  	v60 =	vand.u32 $0x7FFFFFFF, v32;
	v33 =	vadd.f32 v28, v13;
	v15 =	vadd.f32 v14, v10  }
0x1d0: {  	v13 =	vadd.f32 v13, v59;
	v28 =	vadd.f32 v60, v28  }
0x1d1: {  	v29 =	vadd.f32 v9, v17;
	v30 =	vadd.f32 v15, v18  }
0x1d2: {  	v61 =	vmul.f32 $5.000000000e-01, v33;
	v13 =	vadd.f32 v28, v13  }
0x1d3: {  	v29 =	vadd.f32 v30, v29  }
0x1d4: {  	v62 =	vadd.f32 $9.999999740e-05, v61;
	v13 =	vmul.f32 $2.500000000e-01, v13  }
0x1d5: {  	(erf) = vrcp.f32 v29  }
0x1d6: {  	v63 =	vadd.f32 $9.999999740e-05, v13;
	(erf) = vrcp.f32 v62;
	_ =	sdelay $0x1  }
0x1d7: {  	(erf) = vrcp.f32 v63;
	_ =	sdelay $0x4  }
0x1d8: {  	v35 =	vsub.f32 v53, v25  }
0x1d9: {  	v36 =	vsub.f32 v22, v25;
	v25 =	vsub.f32 v24, v25;
	v13 =	vpop (erf)  }
0x1da: {  	v39 =	vsub.f32 v53, v26;
	v34 =	vpop (erf)  }
0x1db: {  	v25 =	vmul.f32 v25, v25;
	v29 =	vmul.f32 v34, v34  }
0x1dc: {  	v40 =	vsub.f32 v22, v26;
	v41 =	vmul.f32 v39, v39;
	v30 =	vmul.f32 v35, v35;
	v37 =	vpop (erf)  }
0x1dd: {  	v32 =	vmul.f32 v37, v37;
	v29 =	vmul.f32 $-5.000000000e-01, v29  }
0x1de: {  	v43 =	vmul.f32 v40, v40;
	v31 =	vmul.f32 v36, v36  }
0x1df: {  	v42 =	vsub.f32 v23, v26;
	v38 =	vmul.f32 $-5.000000000e-01, v32;
	v30 =	vmul.f32 v29, v30  }
0x1e0: {  	v31 =	vmul.f32 v29, v31;
	v25 =	vmul.f32 v29, v25  }
0x1e1: {  	v44 =	vsub.f32 v24, v26;
	v32 =	vmul.f32 v42, v42;
	v30 =	vmul.f32 $1.442695020e+00, v30  }
0x1e2: {  	v31 =	vmul.f32 $1.442695020e+00, v31;
	v25 =	vmul.f32 $1.442695020e+00, v25  }
0x1e3: {  	(erf) = vpow2.f32 v30;
	v30 =	vmul.f32 v44, v44  }
0x1e4: {  	(erf) = vpow2.f32 v31;
	v31 =	vmul.f32 v38, v41  }
0x1e5: {  	(erf) = vpow2.f32 v25;
	v25 =	vmul.f32 v38, v43  }
0x1e6: {  	v32 =	vmul.f32 v38, v32;
	v31 =	vmul.f32 $1.442695020e+00, v31  }
0x1e7: {  	v29 =	vmul.f32 v38, v30;
	v25 =	vmul.f32 $1.442695020e+00, v25  }
0x1e8: {  	v45 =	vmul.f32 $1.442695020e+00, v32;
	(erf) = vpow2.f32 v31  }
0x1e9: {  	v46 =	vmul.f32 $1.442695020e+00, v29;
	(erf) = vpow2.f32 v25  }
0x1ea: {  	(erf) = vpow2.f32 v45  }
0x1eb: {  	(erf) = vpow2.f32 v46;
	_ =	sdelay $0x2  }
0x1ec: {  	v47 =	vpop (erf)  }
0x1ed: {  	v48 =	vpop (erf)  }
0x1ee: {  	v49 =	vpop (erf)  }
0x1ef: {  	v31 =	vpop (erf)  }
0x1f0: {  	v50 =	vpop (erf)  }
0x1f1: {  	v51 =	vpop (erf)  }
0x1f2: {  	v35 =	vadd.f32 v31, v47;
	v36 =	vadd.f32 v50, v48;
	v34 =	vpop (erf)  }
0x1f3: {  	v37 =	vadd.f32 v51, v48;
	v38 =	vadd.f32 v34, v49;
	_ =	sdelay $0x1  }
0x1f4: {  	v39 =	vadd.f32 v36, v35;
	v40 =	vadd.f32 v38, v37;
	_ =	sdelay $0x1  }
0x1f5: {  	v39 =	vadd.f32 v40, v39;
	_ =	sdelay $0x1  }
0x1f6: {  	(erf) = vrcp.f32 v39;
	_ =	sdelay $0x1  }
0x1f7: {  	v25 =	vmax.f32 v47, v31;
	v52 =	vmax.f32 v48, v50  }
0x1f8: {  	v29 =	vmax.f32 v48, v51;
	v21 =	vmul.f32 v35, v53;
	v22 =	vmul.f32 v36, v22  }
0x1f9: {  	v30 =	vmax.f32 v49, v34;
	v23 =	vmul.f32 v37, v23;
	v24 =	vmul.f32 v38, v24  }
0x1fa: {  	v25 =	vmin.f32 v25, v52;
	v29 =	vmin.f32 v29, v30  }
0x1fb: {  	v25 =	vmin.f32 v25, v29;
	v21 =	vadd.f32 v22, v21;
	v53 =	vadd.f32 v24, v23  }
0x1fc: {  	v54 =	vadd.f32 v25, v25  }
0x1fd: {  	v21 =	vadd.f32 v53, v21  }
0x1fe: {  	vm13 =	vge.f32 v36, v54;
	v55 =	vpop (erf)  }
0x1ff: {  	vm14 =	vlt.f32 v63, $1.000000050e-03;
	vm0 =	vmneg vm13;
	v21 =	vmul.f32 v55, v21  }
0x200: {  	vm1 =	vmand vm14, vm0  }
0x201: {  	v21 =	vsel vm1, v27, v21  }
0x202: {  	v21 =	vsel vm0, v21, v26  }
0x203: {  	s29 =	sor.u32 $0x20, s25;
	[tilespmem:s24+$0x2080] =	vst v21  }
0x204: {  	v21 =	vld.idx.msk [tilespmem:v0+s29+$0x0], $0xffff  }
0x205: {  	s30 =	sor.u32 $0xA0, s25;
	v22 =	vld.idx.msk [tilespmem:v1+s29+$0x0], $0xffff  }
0x206: {  	v23 =	vld.idx.msk [tilespmem:v0+s30+$0x0], $0xffff  }
0x207: {  	v24 =	vld.idx.msk [tilespmem:v1+s30+$0x0], $0xffff;
	_ =	sdelay $0x4  }
0x208: {  	v56 =	vadd.f32 v22, v21;
	v57 =	vadd.f32 v24, v23;
	_ =	sdelay $0x1  }
0x209: {  	v58 =	vadd.f32 v23, v22;
	v25 =	vadd.f32 v57, v56;
	_ =	sdelay $0x1  }
0x20a: {  	v59 =	vmul.f32 $5.000000000e-01, v58;
	v25 =	vmul.f32 $2.500000000e-01, v25;
	_ =	sdelay $0x1  }
0x20b: {  	v27 =	vadd.f32 v25, v59;
	_ =	sdelay $0x1  }
0x20c: {  	v27 =	vmul.f32 $5.000000000e-01, v27;
	_ =	sdelay $0x1  }
0x20d: {  	v60 =	vsub.f32 v22, v27;
	v61 =	vsub.f32 v23, v27  }
0x20e: {  	v62 =	vsub.f32 v21, v27;
	v63 =	vsub.f32 v24, v27  }
0x20f: {  	v28 =	vand.u32 $0x7FFFFFFF, v60;
	v29 =	vand.u32 $0x7FFFFFFF, v61  }
0x210: {  	v30 =	vand.u32 $0x7FFFFFFF, v62;
	v31 =	vand.u32 $0x7FFFFFFF, v63;
	v36 =	vadd.f32 v29, v28  }
0x211: {  	v28 =	vadd.f32 v28, v30;
	v29 =	vadd.f32 v31, v29  }
0x212: {  	v32 =	vmul.f32 $5.000000000e-01, v36  }
0x213: {  	v28 =	vadd.f32 v29, v28  }
0x214: {  	v37 =	vadd.f32 $9.999999740e-05, v32  }
0x215: {  	v28 =	vmul.f32 $2.500000000e-01, v28  }
0x216: {  	(erf) = vrcp.f32 v37  }
0x217: {  	v28 =	vadd.f32 $9.999999740e-05, v28;
	_ =	sdelay $0x1  }
0x218: {  	(erf) = vrcp.f32 v28;
	_ =	sdelay $0x4  }
0x219: {  	v26 =	vsub.f32 v24, v59  }
0x21a: {  	v39 =	vsub.f32 v21, v59;
	v43 =	vsub.f32 v21, v25;
	v38 =	vpop (erf)  }
0x21b: {  	v40 =	vsub.f32 v22, v59;
	v26 =	vmul.f32 v26, v26;
	v29 =	vmul.f32 v38, v38  }
0x21c: {  	v44 =	vsub.f32 v22, v25;
	v45 =	vmul.f32 v43, v43;
	v30 =	vmul.f32 v39, v39  }
0x21d: {  	v31 =	vmul.f32 v40, v40;
	v41 =	vpop (erf);
	v29 =	vmul.f32 $-5.000000000e-01, v29  }
0x21e: {  	v47 =	vmul.f32 v44, v44;
	v32 =	vmul.f32 v41, v41  }
0x21f: {  	v46 =	vsub.f32 v23, v25;
	v30 =	vmul.f32 v29, v30;
	v31 =	vmul.f32 v29, v31  }
0x220: {  	v26 =	vmul.f32 v29, v26;
	v42 =	vmul.f32 $-5.000000000e-01, v32  }
0x221: {  	v48 =	vsub.f32 v24, v25;
	v32 =	vmul.f32 v46, v46;
	v30 =	vmul.f32 $1.442695020e+00, v30  }
0x222: {  	v31 =	vmul.f32 $1.442695020e+00, v31;
	v26 =	vmul.f32 $1.442695020e+00, v26  }
0x223: {  	(erf) = vpow2.f32 v30;
	v30 =	vmul.f32 v48, v48  }
0x224: {  	(erf) = vpow2.f32 v31;
	v31 =	vmul.f32 v42, v45  }
0x225: {  	(erf) = vpow2.f32 v26;
	v26 =	vmul.f32 v42, v47  }
0x226: {  	v32 =	vmul.f32 v42, v32;
	v31 =	vmul.f32 $1.442695020e+00, v31  }
0x227: {  	v29 =	vmul.f32 v42, v30;
	v26 =	vmul.f32 $1.442695020e+00, v26  }
0x228: {  	v49 =	vmul.f32 $1.442695020e+00, v32;
	(erf) = vpow2.f32 v31  }
0x229: {  	v50 =	vmul.f32 $1.442695020e+00, v29;
	(erf) = vpow2.f32 v26  }
0x22a: {  	(erf) = vpow2.f32 v49  }
0x22b: {  	(erf) = vpow2.f32 v50;
	_ =	sdelay $0x2  }
0x22c: {  	v51 =	vpop (erf)  }
0x22d: {  	v52 =	vpop (erf)  }
0x22e: {  	v53 =	vpop (erf)  }
0x22f: {  	v31 =	vpop (erf)  }
0x230: {  	v54 =	vpop (erf)  }
0x231: {  	v55 =	vpop (erf)  }
0x232: {  	v57 =	vadd.f32 v31, v51;
	v58 =	vadd.f32 v54, v52;
	v56 =	vpop (erf)  }
0x233: {  	v59 =	vadd.f32 v55, v52;
	v60 =	vadd.f32 v56, v53;
	_ =	sdelay $0x1  }
0x234: {  	v61 =	vadd.f32 v58, v57;
	v62 =	vadd.f32 v60, v59;
	_ =	sdelay $0x1  }
0x235: {  	v39 =	vadd.f32 v62, v61;
	_ =	sdelay $0x1  }
0x236: {  	(erf) = vrcp.f32 v39;
	_ =	sdelay $0x1  }
0x237: {  	v26 =	vmax.f32 v51, v31;
	v63 =	vmax.f32 v52, v54  }
0x238: {  	v29 =	vmax.f32 v52, v55;
	v21 =	vmul.f32 v57, v21;
	v22 =	vmul.f32 v58, v22  }
0x239: {  	v30 =	vmax.f32 v53, v56;
	v23 =	vmul.f32 v59, v23;
	v24 =	vmul.f32 v60, v24  }
0x23a: {  	v26 =	vmin.f32 v26, v63;
	v29 =	vmin.f32 v29, v30  }
0x23b: {  	v26 =	vmin.f32 v26, v29;
	v21 =	vadd.f32 v22, v21;
	v34 =	vadd.f32 v24, v23  }
0x23c: {  	v35 =	vadd.f32 v26, v26  }
0x23d: {  	v21 =	vadd.f32 v34, v21  }
0x23e: {  	vm15 =	vge.f32 v58, v35;
	v36 =	vpop (erf)  }
0x23f: {  	vm4 =	vlt.f32 v28, $1.000000050e-03;
	vm0 =	vmneg vm15;
	v21 =	vmul.f32 v36, v21  }
0x240: {  	vm1 =	vmand vm4, vm0  }
0x241: {  	v21 =	vsel vm1, v27, v21  }
0x242: {  	v21 =	vsel vm0, v21, v25  }
0x243: {  	s31 =	sor.u32 $0x40, s25;
	[tilespmem:s24+$0x2090] =	vst v21  }
0x244: {  	v21 =	vld.idx.msk [tilespmem:v0+s31+$0x0], $0xffff  }
0x245: {  	s28 =	sor.u32 $0xC0, s25;
	v22 =	vld.idx.msk [tilespmem:v1+s31+$0x0], $0xffff  }
0x246: {  	v23 =	vld.idx.msk [tilespmem:v0+s28+$0x0], $0xffff  }
0x247: {  	v24 =	vld.idx.msk [tilespmem:v1+s28+$0x0], $0xffff;
	_ =	sdelay $0x4  }
0x248: {  	v37 =	vadd.f32 v22, v21;
	v38 =	vadd.f32 v24, v23;
	_ =	sdelay $0x1  }
0x249: {  	v39 =	vadd.f32 v23, v22;
	v25 =	vadd.f32 v38, v37;
	_ =	sdelay $0x1  }
0x24a: {  	v40 =	vmul.f32 $5.000000000e-01, v39;
	v25 =	vmul.f32 $2.500000000e-01, v25;
	_ =	sdelay $0x1  }
0x24b: {  	v27 =	vadd.f32 v25, v40;
	_ =	sdelay $0x1  }
0x24c: {  	v27 =	vmul.f32 $5.000000000e-01, v27;
	_ =	sdelay $0x1  }
0x24d: {  	v41 =	vsub.f32 v22, v27;
	v42 =	vsub.f32 v23, v27  }
0x24e: {  	v43 =	vsub.f32 v21, v27;
	v44 =	vsub.f32 v24, v27  }
0x24f: {  	v28 =	vand.u32 $0x7FFFFFFF, v41;
	v29 =	vand.u32 $0x7FFFFFFF, v42  }
0x250: {  	v30 =	vand.u32 $0x7FFFFFFF, v43;
	v31 =	vand.u32 $0x7FFFFFFF, v44;
	v45 =	vadd.f32 v29, v28  }
0x251: {  	v28 =	vadd.f32 v28, v30;
	v29 =	vadd.f32 v31, v29  }
0x252: {  	v32 =	vmul.f32 $5.000000000e-01, v45  }
0x253: {  	v28 =	vadd.f32 v29, v28  }
0x254: {  	v46 =	vadd.f32 $9.999999740e-05, v32  }
0x255: {  	v28 =	vmul.f32 $2.500000000e-01, v28  }
0x256: {  	(erf) = vrcp.f32 v46  }
0x257: {  	v28 =	vadd.f32 $9.999999740e-05, v28;
	_ =	sdelay $0x1  }
0x258: {  	(erf) = vrcp.f32 v28;
	_ =	sdelay $0x4  }
0x259: {  	v26 =	vsub.f32 v24, v40  }
0x25a: {  	v48 =	vsub.f32 v21, v40;
	v52 =	vsub.f32 v21, v25;
	v47 =	vpop (erf)  }
0x25b: {  	v49 =	vsub.f32 v22, v40;
	v26 =	vmul.f32 v26, v26;
	v29 =	vmul.f32 v47, v47  }
0x25c: {  	v53 =	vsub.f32 v22, v25;
	v54 =	vmul.f32 v52, v52;
	v30 =	vmul.f32 v48, v48  }
0x25d: {  	v31 =	vmul.f32 v49, v49;
	v50 =	vpop (erf);
	v29 =	vmul.f32 $-5.000000000e-01, v29  }
0x25e: {  	v56 =	vmul.f32 v53, v53;
	v32 =	vmul.f32 v50, v50  }
0x25f: {  	v55 =	vsub.f32 v23, v25;
	v30 =	vmul.f32 v29, v30;
	v31 =	vmul.f32 v29, v31  }
0x260: {  	v26 =	vmul.f32 v29, v26;
	v51 =	vmul.f32 $-5.000000000e-01, v32  }
0x261: {  	v57 =	vsub.f32 v24, v25;
	v32 =	vmul.f32 v55, v55;
	v30 =	vmul.f32 $1.442695020e+00, v30  }
0x262: {  	v31 =	vmul.f32 $1.442695020e+00, v31;
	v26 =	vmul.f32 $1.442695020e+00, v26  }
0x263: {  	(erf) = vpow2.f32 v30;
	v30 =	vmul.f32 v57, v57  }
0x264: {  	(erf) = vpow2.f32 v31;
	v31 =	vmul.f32 v51, v54  }
0x265: {  	(erf) = vpow2.f32 v26;
	v26 =	vmul.f32 v51, v56  }
0x266: {  	v32 =	vmul.f32 v51, v32;
	v31 =	vmul.f32 $1.442695020e+00, v31  }
0x267: {  	v29 =	vmul.f32 v51, v30;
	v26 =	vmul.f32 $1.442695020e+00, v26  }
0x268: {  	v58 =	vmul.f32 $1.442695020e+00, v32;
	(erf) = vpow2.f32 v31  }
0x269: {  	v59 =	vmul.f32 $1.442695020e+00, v29;
	(erf) = vpow2.f32 v26  }
0x26a: {  	(erf) = vpow2.f32 v58  }
0x26b: {  	(erf) = vpow2.f32 v59;
	_ =	sdelay $0x2  }
0x26c: {  	v60 =	vpop (erf)  }
0x26d: {  	v61 =	vpop (erf)  }
0x26e: {  	v62 =	vpop (erf)  }
0x26f: {  	v31 =	vpop (erf)  }
0x270: {  	v63 =	vpop (erf)  }
0x271: {  	v44 =	vpop (erf)  }
0x272: {  	v46 =	vadd.f32 v31, v60;
	v47 =	vadd.f32 v63, v61;
	v45 =	vpop (erf)  }
0x273: {  	v48 =	vadd.f32 v44, v61;
	v49 =	vadd.f32 v45, v62;
	_ =	sdelay $0x1  }
0x274: {  	v50 =	vadd.f32 v47, v46;
	v51 =	vadd.f32 v49, v48;
	_ =	sdelay $0x1  }
0x275: {  	v39 =	vadd.f32 v51, v50;
	_ =	sdelay $0x1  }
0x276: {  	(erf) = vrcp.f32 v39;
	_ =	sdelay $0x1  }
0x277: {  	v26 =	vmax.f32 v60, v31;
	v52 =	vmax.f32 v61, v63  }
0x278: {  	v29 =	vmax.f32 v61, v44;
	v21 =	vmul.f32 v46, v21;
	v22 =	vmul.f32 v47, v22  }
0x279: {  	v30 =	vmax.f32 v62, v45;
	v23 =	vmul.f32 v48, v23;
	v24 =	vmul.f32 v49, v24  }
0x27a: {  	v26 =	vmin.f32 v26, v52;
	v29 =	vmin.f32 v29, v30  }
0x27b: {  	v26 =	vmin.f32 v26, v29;
	v21 =	vadd.f32 v22, v21;
	v53 =	vadd.f32 v24, v23  }
0x27c: {  	v54 =	vadd.f32 v26, v26  }
0x27d: {  	v21 =	vadd.f32 v53, v21  }
0x27e: {  	vm5 =	vge.f32 v47, v54;
	v55 =	vpop (erf)  }
0x27f: {  	vm6 =	vlt.f32 v28, $1.000000050e-03;
	vm0 =	vmneg vm5;
	v21 =	vmul.f32 v55, v21  }
0x280: {  	vm1 =	vmand vm6, vm0  }
0x281: {  	v21 =	vsel vm1, v27, v21  }
0x282: {  	v21 =	vsel vm0, v21, v25  }
0x283: {  	s29 =	sor.u32 $0x60, s25;
	[tilespmem:s24+$0x20A0] =	vst v21  }
0x284: {  	v21 =	vld.idx.msk [tilespmem:v0+s29+$0x0], $0xffff  }
0x285: {  	s25 =	sor.u32 $0xE0, s25;
	v22 =	vld.idx.msk [tilespmem:v1+s29+$0x0], $0xffff  }
0x286: {  	v23 =	vld.idx.msk [tilespmem:v0+s25+$0x0], $0xffff  }
0x287: {  	v24 =	vld.idx.msk [tilespmem:v1+s25+$0x0], $0xffff;
	_ =	sdelay $0x4  }
0x288: {  	v56 =	vadd.f32 v22, v21;
	v57 =	vadd.f32 v24, v23;
	_ =	sdelay $0x1  }
0x289: {  	v58 =	vadd.f32 v23, v22;
	v25 =	vadd.f32 v57, v56;
	_ =	sdelay $0x1  }
0x28a: {  	v59 =	vmul.f32 $5.000000000e-01, v58;
	v25 =	vmul.f32 $2.500000000e-01, v25;
	_ =	sdelay $0x1  }
0x28b: {  	v27 =	vadd.f32 v25, v59;
	_ =	sdelay $0x1  }
0x28c: {  	v27 =	vmul.f32 $5.000000000e-01, v27;
	_ =	sdelay $0x1  }
0x28d: {  	v60 =	vsub.f32 v22, v27;
	v61 =	vsub.f32 v23, v27  }
0x28e: {  	v62 =	vsub.f32 v21, v27;
	v63 =	vsub.f32 v24, v27  }
0x28f: {  	v28 =	vand.u32 $0x7FFFFFFF, v60;
	v29 =	vand.u32 $0x7FFFFFFF, v61  }
0x290: {  	v30 =	vand.u32 $0x7FFFFFFF, v62;
	v31 =	vand.u32 $0x7FFFFFFF, v63;
	v36 =	vadd.f32 v29, v28  }
0x291: {  	v28 =	vadd.f32 v28, v30;
	v29 =	vadd.f32 v31, v29  }
0x292: {  	v32 =	vmul.f32 $5.000000000e-01, v36  }
0x293: {  	v28 =	vadd.f32 v29, v28  }
0x294: {  	v37 =	vadd.f32 $9.999999740e-05, v32  }
0x295: {  	v28 =	vmul.f32 $2.500000000e-01, v28  }
0x296: {  	(erf) = vrcp.f32 v37  }
0x297: {  	v28 =	vadd.f32 $9.999999740e-05, v28;
	_ =	sdelay $0x1  }
0x298: {  	(erf) = vrcp.f32 v28;
	_ =	sdelay $0x4  }
0x299: {  	v26 =	vsub.f32 v24, v59  }
0x29a: {  	v39 =	vsub.f32 v21, v59;
	v43 =	vsub.f32 v21, v25;
	v38 =	vpop (erf)  }
0x29b: {  	v40 =	vsub.f32 v22, v59;
	v26 =	vmul.f32 v26, v26;
	v29 =	vmul.f32 v38, v38  }
0x29c: {  	v44 =	vsub.f32 v22, v25;
	v45 =	vmul.f32 v43, v43;
	v30 =	vmul.f32 v39, v39  }
0x29d: {  	v31 =	vmul.f32 v40, v40;
	v41 =	vpop (erf);
	v29 =	vmul.f32 $-5.000000000e-01, v29  }
0x29e: {  	v47 =	vmul.f32 v44, v44;
	v32 =	vmul.f32 v41, v41  }
0x29f: {  	v46 =	vsub.f32 v23, v25;
	v30 =	vmul.f32 v29, v30;
	v31 =	vmul.f32 v29, v31  }
0x2a0: {  	v26 =	vmul.f32 v29, v26;
	v42 =	vmul.f32 $-5.000000000e-01, v32  }
0x2a1: {  	v48 =	vsub.f32 v24, v25;
	v32 =	vmul.f32 v46, v46;
	v30 =	vmul.f32 $1.442695020e+00, v30  }
0x2a2: {  	v31 =	vmul.f32 $1.442695020e+00, v31;
	v26 =	vmul.f32 $1.442695020e+00, v26  }
0x2a3: {  	(erf) = vpow2.f32 v30;
	v30 =	vmul.f32 v48, v48  }
0x2a4: {  	(erf) = vpow2.f32 v31;
	v31 =	vmul.f32 v42, v45  }
0x2a5: {  	(erf) = vpow2.f32 v26;
	v26 =	vmul.f32 v42, v47  }
0x2a6: {  	v32 =	vmul.f32 v42, v32;
	v31 =	vmul.f32 $1.442695020e+00, v31  }
0x2a7: {  	v29 =	vmul.f32 v42, v30;
	v26 =	vmul.f32 $1.442695020e+00, v26  }
0x2a8: {  	v49 =	vmul.f32 $1.442695020e+00, v32;
	(erf) = vpow2.f32 v31  }
0x2a9: {  	v50 =	vmul.f32 $1.442695020e+00, v29;
	(erf) = vpow2.f32 v26  }
0x2aa: {  	(erf) = vpow2.f32 v49  }
0x2ab: {  	(erf) = vpow2.f32 v50;
	_ =	sdelay $0x2  }
0x2ac: {  	v51 =	vpop (erf)  }
0x2ad: {  	v52 =	vpop (erf)  }
0x2ae: {  	v53 =	vpop (erf)  }
0x2af: {  	v31 =	vpop (erf)  }
0x2b0: {  	v54 =	vpop (erf)  }
0x2b1: {  	v55 =	vpop (erf)  }
0x2b2: {  	v57 =	vadd.f32 v31, v51;
	v58 =	vadd.f32 v54, v52;
	v56 =	vpop (erf)  }
0x2b3: {  	v59 =	vadd.f32 v55, v52;
	v60 =	vadd.f32 v56, v53;
	_ =	sdelay $0x1  }
0x2b4: {  	v61 =	vadd.f32 v58, v57;
	v62 =	vadd.f32 v60, v59;
	_ =	sdelay $0x1  }
0x2b5: {  	v39 =	vadd.f32 v62, v61;
	_ =	sdelay $0x1  }
0x2b6: {  	(erf) = vrcp.f32 v39;
	_ =	sdelay $0x1  }
0x2b7: {  	v26 =	vmax.f32 v51, v31;
	v63 =	vmax.f32 v52, v54  }
0x2b8: {  	v29 =	vmax.f32 v52, v55;
	v21 =	vmul.f32 v57, v21;
	v22 =	vmul.f32 v58, v22  }
0x2b9: {  	v30 =	vmax.f32 v53, v56;
	v23 =	vmul.f32 v59, v23;
	v24 =	vmul.f32 v60, v24  }
0x2ba: {  	v26 =	vmin.f32 v26, v63;
	v29 =	vmin.f32 v29, v30  }
0x2bb: {  	v26 =	vmin.f32 v26, v29;
	v21 =	vadd.f32 v22, v21;
	v34 =	vadd.f32 v24, v23  }
0x2bc: {  	v35 =	vadd.f32 v26, v26  }
0x2bd: {  	v21 =	vadd.f32 v34, v21  }
0x2be: {  	vm7 =	vge.f32 v58, v35;
	v36 =	vpop (erf)  }
0x2bf: {  	s30 =	sand.u32 $0x3, s21;
	vm8 =	vlt.f32 v28, $1.000000050e-03;
	vm0 =	vmneg vm7;
	v21 =	vmul.f32 v36, v21  }
0x2c0: {  	s25 =	sshll.u32 s30, $0x8;
	vm1 =	vmand vm8, vm0  }
0x2c1: {  	s25 =	sadd.s32 s22, s25;
	v21 =	vsel vm1, v27, v21  }
0x2c2: {  	s26 =	sadd.s32 $0x100, s25;
	v21 =	vsel vm0, v21, v25  }
0x2c3: {  	s31 =	sor.u32 $0x400, s26;
	[tilespmem:s24+$0x20B0] =	vst v21  }
0x2c4: {  	s25 =	sadd.s32 $0x180, s25;
	v21 =	vld.idx.msk [tilespmem:v0+s31+$0x0], $0xffff  }
0x2c5: {  	s29 =	sor.u32 $0x400, s25;
	v22 =	vld.idx.msk [tilespmem:v1+s31+$0x0], $0xffff  }
0x2c6: {  	v23 =	vld.idx.msk [tilespmem:v0+s29+$0x0], $0xffff  }
0x2c7: {  	v24 =	vld.idx.msk [tilespmem:v1+s29+$0x0], $0xffff;
	_ =	sdelay $0x4  }
0x2c8: {  	v37 =	vadd.f32 v22, v21;
	v38 =	vadd.f32 v24, v23;
	_ =	sdelay $0x1  }
0x2c9: {  	v39 =	vadd.f32 v23, v22;
	v25 =	vadd.f32 v38, v37;
	_ =	sdelay $0x1  }
0x2ca: {  	v40 =	vmul.f32 $5.000000000e-01, v39;
	v25 =	vmul.f32 $2.500000000e-01, v25;
	_ =	sdelay $0x1  }
0x2cb: {  	v27 =	vadd.f32 v25, v40;
	_ =	sdelay $0x1  }
0x2cc: {  	v27 =	vmul.f32 $5.000000000e-01, v27;
	_ =	sdelay $0x1  }
0x2cd: {  	v41 =	vsub.f32 v22, v27;
	v42 =	vsub.f32 v23, v27  }
0x2ce: {  	v43 =	vsub.f32 v21, v27;
	v44 =	vsub.f32 v24, v27  }
0x2cf: {  	v28 =	vand.u32 $0x7FFFFFFF, v41;
	v29 =	vand.u32 $0x7FFFFFFF, v42  }
0x2d0: {  	v30 =	vand.u32 $0x7FFFFFFF, v43;
	v31 =	vand.u32 $0x7FFFFFFF, v44;
	v45 =	vadd.f32 v29, v28  }
0x2d1: {  	v28 =	vadd.f32 v28, v30;
	v29 =	vadd.f32 v31, v29  }
0x2d2: {  	v32 =	vmul.f32 $5.000000000e-01, v45  }
0x2d3: {  	v28 =	vadd.f32 v29, v28  }
0x2d4: {  	v46 =	vadd.f32 $9.999999740e-05, v32  }
0x2d5: {  	v28 =	vmul.f32 $2.500000000e-01, v28  }
0x2d6: {  	(erf) = vrcp.f32 v46  }
0x2d7: {  	v28 =	vadd.f32 $9.999999740e-05, v28;
	_ =	sdelay $0x1  }
0x2d8: {  	(erf) = vrcp.f32 v28;
	_ =	sdelay $0x4  }
0x2d9: {  	v26 =	vsub.f32 v24, v40  }
0x2da: {  	v48 =	vsub.f32 v21, v40;
	v52 =	vsub.f32 v21, v25;
	v47 =	vpop (erf)  }
0x2db: {  	v49 =	vsub.f32 v22, v40;
	v26 =	vmul.f32 v26, v26;
	v29 =	vmul.f32 v47, v47  }
0x2dc: {  	v53 =	vsub.f32 v22, v25;
	v54 =	vmul.f32 v52, v52;
	v30 =	vmul.f32 v48, v48  }
0x2dd: {  	v31 =	vmul.f32 v49, v49;
	v50 =	vpop (erf);
	v29 =	vmul.f32 $-5.000000000e-01, v29  }
0x2de: {  	v56 =	vmul.f32 v53, v53;
	v32 =	vmul.f32 v50, v50  }
0x2df: {  	v55 =	vsub.f32 v23, v25;
	v30 =	vmul.f32 v29, v30;
	v31 =	vmul.f32 v29, v31  }
0x2e0: {  	v26 =	vmul.f32 v29, v26;
	v51 =	vmul.f32 $-5.000000000e-01, v32  }
0x2e1: {  	v57 =	vsub.f32 v24, v25;
	v32 =	vmul.f32 v55, v55;
	v30 =	vmul.f32 $1.442695020e+00, v30  }
0x2e2: {  	v31 =	vmul.f32 $1.442695020e+00, v31;
	v26 =	vmul.f32 $1.442695020e+00, v26  }
0x2e3: {  	(erf) = vpow2.f32 v30;
	v30 =	vmul.f32 v57, v57  }
0x2e4: {  	(erf) = vpow2.f32 v31;
	v31 =	vmul.f32 v51, v54  }
0x2e5: {  	(erf) = vpow2.f32 v26;
	v26 =	vmul.f32 v51, v56  }
0x2e6: {  	v32 =	vmul.f32 v51, v32;
	v31 =	vmul.f32 $1.442695020e+00, v31  }
0x2e7: {  	v29 =	vmul.f32 v51, v30;
	v26 =	vmul.f32 $1.442695020e+00, v26  }
0x2e8: {  	v58 =	vmul.f32 $1.442695020e+00, v32;
	(erf) = vpow2.f32 v31  }
0x2e9: {  	v59 =	vmul.f32 $1.442695020e+00, v29;
	(erf) = vpow2.f32 v26  }
0x2ea: {  	(erf) = vpow2.f32 v58  }
0x2eb: {  	(erf) = vpow2.f32 v59;
	_ =	sdelay $0x2  }
0x2ec: {  	v60 =	vpop (erf)  }
0x2ed: {  	v61 =	vpop (erf)  }
0x2ee: {  	v62 =	vpop (erf)  }
0x2ef: {  	v31 =	vpop (erf)  }
0x2f0: {  	v63 =	vpop (erf)  }
0x2f1: {  	v44 =	vpop (erf)  }
0x2f2: {  	v46 =	vadd.f32 v31, v60;
	v47 =	vadd.f32 v63, v61;
	v45 =	vpop (erf)  }
0x2f3: {  	v48 =	vadd.f32 v44, v61;
	v49 =	vadd.f32 v45, v62;
	_ =	sdelay $0x1  }
0x2f4: {  	v50 =	vadd.f32 v47, v46;
	v51 =	vadd.f32 v49, v48;
	_ =	sdelay $0x1  }
0x2f5: {  	v39 =	vadd.f32 v51, v50;
	_ =	sdelay $0x1  }
0x2f6: {  	(erf) = vrcp.f32 v39;
	_ =	sdelay $0x1  }
0x2f7: {  	v26 =	vmax.f32 v60, v31;
	v52 =	vmax.f32 v61, v63  }
0x2f8: {  	v29 =	vmax.f32 v61, v44;
	v21 =	vmul.f32 v46, v21;
	v22 =	vmul.f32 v47, v22  }
0x2f9: {  	v30 =	vmax.f32 v62, v45;
	v23 =	vmul.f32 v48, v23;
	v24 =	vmul.f32 v49, v24  }
0x2fa: {  	v26 =	vmin.f32 v26, v52;
	v29 =	vmin.f32 v29, v30  }
0x2fb: {  	v26 =	vmin.f32 v26, v29;
	v21 =	vadd.f32 v22, v21;
	v53 =	vadd.f32 v24, v23  }
0x2fc: {  	v54 =	vadd.f32 v26, v26  }
0x2fd: {  	v21 =	vadd.f32 v53, v21  }
0x2fe: {  	vm9 =	vge.f32 v47, v54;
	v55 =	vpop (erf)  }
0x2ff: {  	vm10 =	vlt.f32 v28, $1.000000050e-03;
	vm0 =	vmneg vm9;
	v21 =	vmul.f32 v55, v21  }
0x300: {  	vm1 =	vmand vm10, vm0  }
0x301: {  	v21 =	vsel vm1, v27, v21  }
0x302: {  	v21 =	vsel vm0, v21, v25  }
0x303: {  	s30 =	sor.u32 $0x420, s26;
	[tilespmem:s24+$0x20C0] =	vst v21  }
0x304: {  	v21 =	vld.idx.msk [tilespmem:v0+s30+$0x0], $0xffff  }
0x305: {  	s31 =	sor.u32 $0x420, s25;
	v22 =	vld.idx.msk [tilespmem:v1+s30+$0x0], $0xffff  }
0x306: {  	v23 =	vld.idx.msk [tilespmem:v0+s31+$0x0], $0xffff  }
0x307: {  	v24 =	vld.idx.msk [tilespmem:v1+s31+$0x0], $0xffff;
	_ =	sdelay $0x4  }
0x308: {  	v56 =	vadd.f32 v22, v21;
	v57 =	vadd.f32 v24, v23;
	_ =	sdelay $0x1  }
0x309: {  	v58 =	vadd.f32 v23, v22;
	v25 =	vadd.f32 v57, v56;
	_ =	sdelay $0x1  }
0x30a: {  	v59 =	vmul.f32 $5.000000000e-01, v58;
	v25 =	vmul.f32 $2.500000000e-01, v25;
	_ =	sdelay $0x1  }
0x30b: {  	v27 =	vadd.f32 v25, v59;
	_ =	sdelay $0x1  }
0x30c: {  	v27 =	vmul.f32 $5.000000000e-01, v27;
	_ =	sdelay $0x1  }
0x30d: {  	v60 =	vsub.f32 v22, v27;
	v61 =	vsub.f32 v23, v27  }
0x30e: {  	v62 =	vsub.f32 v21, v27;
	v63 =	vsub.f32 v24, v27  }
0x30f: {  	v28 =	vand.u32 $0x7FFFFFFF, v60;
	v29 =	vand.u32 $0x7FFFFFFF, v61  }
0x310: {  	v30 =	vand.u32 $0x7FFFFFFF, v62;
	v31 =	vand.u32 $0x7FFFFFFF, v63;
	v36 =	vadd.f32 v29, v28  }
0x311: {  	v28 =	vadd.f32 v28, v30;
	v29 =	vadd.f32 v31, v29  }
0x312: {  	v32 =	vmul.f32 $5.000000000e-01, v36  }
0x313: {  	v28 =	vadd.f32 v29, v28  }
0x314: {  	v37 =	vadd.f32 $9.999999740e-05, v32  }
0x315: {  	v28 =	vmul.f32 $2.500000000e-01, v28  }
0x316: {  	(erf) = vrcp.f32 v37  }
0x317: {  	v28 =	vadd.f32 $9.999999740e-05, v28;
	_ =	sdelay $0x1  }
0x318: {  	(erf) = vrcp.f32 v28;
	_ =	sdelay $0x4  }
0x319: {  	v26 =	vsub.f32 v24, v59  }
0x31a: {  	v39 =	vsub.f32 v21, v59;
	v43 =	vsub.f32 v21, v25;
	v38 =	vpop (erf)  }
0x31b: {  	v40 =	vsub.f32 v22, v59;
	v26 =	vmul.f32 v26, v26;
	v29 =	vmul.f32 v38, v38  }
0x31c: {  	v44 =	vsub.f32 v22, v25;
	v45 =	vmul.f32 v43, v43;
	v30 =	vmul.f32 v39, v39  }
0x31d: {  	v31 =	vmul.f32 v40, v40;
	v41 =	vpop (erf);
	v29 =	vmul.f32 $-5.000000000e-01, v29  }
0x31e: {  	v47 =	vmul.f32 v44, v44;
	v32 =	vmul.f32 v41, v41  }
0x31f: {  	v46 =	vsub.f32 v23, v25;
	v30 =	vmul.f32 v29, v30;
	v31 =	vmul.f32 v29, v31  }
0x320: {  	v26 =	vmul.f32 v29, v26;
	v42 =	vmul.f32 $-5.000000000e-01, v32  }
0x321: {  	v48 =	vsub.f32 v24, v25;
	v32 =	vmul.f32 v46, v46;
	v30 =	vmul.f32 $1.442695020e+00, v30  }
0x322: {  	v31 =	vmul.f32 $1.442695020e+00, v31;
	v26 =	vmul.f32 $1.442695020e+00, v26  }
0x323: {  	(erf) = vpow2.f32 v30;
	v30 =	vmul.f32 v48, v48  }
0x324: {  	(erf) = vpow2.f32 v31;
	v31 =	vmul.f32 v42, v45  }
0x325: {  	(erf) = vpow2.f32 v26;
	v26 =	vmul.f32 v42, v47  }
0x326: {  	v32 =	vmul.f32 v42, v32;
	v31 =	vmul.f32 $1.442695020e+00, v31  }
0x327: {  	v29 =	vmul.f32 v42, v30;
	v26 =	vmul.f32 $1.442695020e+00, v26  }
0x328: {  	v49 =	vmul.f32 $1.442695020e+00, v32;
	(erf) = vpow2.f32 v31  }
0x329: {  	v50 =	vmul.f32 $1.442695020e+00, v29;
	(erf) = vpow2.f32 v26  }
0x32a: {  	(erf) = vpow2.f32 v49  }
0x32b: {  	(erf) = vpow2.f32 v50;
	_ =	sdelay $0x2  }
0x32c: {  	v51 =	vpop (erf)  }
0x32d: {  	v52 =	vpop (erf)  }
0x32e: {  	v53 =	vpop (erf)  }
0x32f: {  	v31 =	vpop (erf)  }
0x330: {  	v54 =	vpop (erf)  }
0x331: {  	v55 =	vpop (erf)  }
0x332: {  	v57 =	vadd.f32 v31, v51;
	v58 =	vadd.f32 v54, v52;
	v56 =	vpop (erf)  }
0x333: {  	v59 =	vadd.f32 v55, v52;
	v60 =	vadd.f32 v56, v53;
	_ =	sdelay $0x1  }
0x334: {  	v61 =	vadd.f32 v58, v57;
	v62 =	vadd.f32 v60, v59;
	_ =	sdelay $0x1  }
0x335: {  	v39 =	vadd.f32 v62, v61;
	_ =	sdelay $0x1  }
0x336: {  	(erf) = vrcp.f32 v39;
	_ =	sdelay $0x1  }
0x337: {  	v26 =	vmax.f32 v51, v31;
	v63 =	vmax.f32 v52, v54  }
0x338: {  	v29 =	vmax.f32 v52, v55;
	v21 =	vmul.f32 v57, v21;
	v22 =	vmul.f32 v58, v22  }
0x339: {  	v30 =	vmax.f32 v53, v56;
	v23 =	vmul.f32 v59, v23;
	v24 =	vmul.f32 v60, v24  }
0x33a: {  	v26 =	vmin.f32 v26, v63;
	v29 =	vmin.f32 v29, v30  }
0x33b: {  	v26 =	vmin.f32 v26, v29;
	v21 =	vadd.f32 v22, v21;
	v32 =	vadd.f32 v24, v23  }
0x33c: {  	v33 =	vadd.f32 v26, v26  }
0x33d: {  	v21 =	vadd.f32 v32, v21  }
0x33e: {  	vm11 =	vge.f32 v58, v33;
	v34 =	vpop (erf)  }
0x33f: {  	vm12 =	vlt.f32 v28, $1.000000050e-03;
	vm0 =	vmneg vm11;
	v21 =	vmul.f32 v34, v21  }
0x340: {  	vm1 =	vmand vm12, vm0  }
0x341: {  	v21 =	vsel vm1, v27, v21  }
0x342: {  	v21 =	vsel vm0, v21, v25  }
0x343: {  	s26 =	sor.u32 $0x440, s26;
	[tilespmem:s24+$0x20D0] =	vst v21  }
0x344: {  	v21 =	vld.idx.msk [tilespmem:v0+s26+$0x0], $0xffff  }
0x345: {  	s25 =	sor.u32 $0x440, s25;
	v22 =	vld.idx.msk [tilespmem:v1+s26+$0x0], $0xffff  }
0x346: {  	v23 =	vld.idx.msk [tilespmem:v0+s25+$0x0], $0xffff  }
0x347: {  	v24 =	vld.idx.msk [tilespmem:v1+s25+$0x0], $0xffff;
	_ =	sdelay $0x4  }
0x348: {  	v35 =	vadd.f32 v22, v21;
	v36 =	vadd.f32 v24, v23;
	_ =	sdelay $0x1  }
0x349: {  	v37 =	vadd.f32 v23, v22;
	v25 =	vadd.f32 v36, v35;
	_ =	sdelay $0x1  }
0x34a: {  	v38 =	vmul.f32 $5.000000000e-01, v37;
	v25 =	vmul.f32 $2.500000000e-01, v25;
	_ =	sdelay $0x1  }
0x34b: {  	v27 =	vadd.f32 v25, v38;
	_ =	sdelay $0x1  }
0x34c: {  	v27 =	vmul.f32 $5.000000000e-01, v27;
	_ =	sdelay $0x1  }
0x34d: {  	v39 =	vsub.f32 v22, v27;
	v40 =	vsub.f32 v23, v27  }
0x34e: {  	v41 =	vsub.f32 v21, v27;
	v42 =	vsub.f32 v24, v27  }
0x34f: {  	v28 =	vand.u32 $0x7FFFFFFF, v39;
	v29 =	vand.u32 $0x7FFFFFFF, v40  }
0x350: {  	v30 =	vand.u32 $0x7FFFFFFF, v41;
	v31 =	vand.u32 $0x7FFFFFFF, v42;
	v43 =	vadd.f32 v29, v28  }
0x351: {  	v28 =	vadd.f32 v28, v30;
	v29 =	vadd.f32 v31, v29  }
0x352: {  	v32 =	vmul.f32 $5.000000000e-01, v43  }
0x353: {  	v28 =	vadd.f32 v29, v28  }
0x354: {  	v44 =	vadd.f32 $9.999999740e-05, v32  }
0x355: {  	v28 =	vmul.f32 $2.500000000e-01, v28  }
0x356: {  	(erf) = vrcp.f32 v44  }
0x357: {  	v28 =	vadd.f32 $9.999999740e-05, v28;
	_ =	sdelay $0x1  }
0x358: {  	(erf) = vrcp.f32 v28;
	_ =	sdelay $0x4  }
0x359: {  	v26 =	vsub.f32 v24, v38  }
0x35a: {  	v46 =	vsub.f32 v21, v38;
	v50 =	vsub.f32 v21, v25;
	v45 =	vpop (erf)  }
0x35b: {  	v47 =	vsub.f32 v22, v38;
	v26 =	vmul.f32 v26, v26;
	v29 =	vmul.f32 v45, v45  }
0x35c: {  	v51 =	vsub.f32 v22, v25;
	v52 =	vmul.f32 v50, v50;
	v30 =	vmul.f32 v46, v46  }
0x35d: {  	v31 =	vmul.f32 v47, v47;
	v48 =	vpop (erf);
	v29 =	vmul.f32 $-5.000000000e-01, v29  }
0x35e: {  	v54 =	vmul.f32 v51, v51;
	v32 =	vmul.f32 v48, v48  }
0x35f: {  	v53 =	vsub.f32 v23, v25;
	v30 =	vmul.f32 v29, v30;
	v31 =	vmul.f32 v29, v31  }
0x360: {  	v26 =	vmul.f32 v29, v26;
	v49 =	vmul.f32 $-5.000000000e-01, v32  }
0x361: {  	v55 =	vsub.f32 v24, v25;
	v32 =	vmul.f32 v53, v53;
	v30 =	vmul.f32 $1.442695020e+00, v30  }
0x362: {  	v31 =	vmul.f32 $1.442695020e+00, v31;
	v26 =	vmul.f32 $1.442695020e+00, v26  }
0x363: {  	(erf) = vpow2.f32 v30;
	v30 =	vmul.f32 v55, v55  }
0x364: {  	(erf) = vpow2.f32 v31;
	v31 =	vmul.f32 v49, v52  }
0x365: {  	(erf) = vpow2.f32 v26;
	v26 =	vmul.f32 v49, v54  }
0x366: {  	v32 =	vmul.f32 v49, v32;
	v31 =	vmul.f32 $1.442695020e+00, v31  }
0x367: {  	v29 =	vmul.f32 v49, v30;
	v26 =	vmul.f32 $1.442695020e+00, v26  }
0x368: {  	v56 =	vmul.f32 $1.442695020e+00, v32;
	(erf) = vpow2.f32 v31  }
0x369: {  	v57 =	vmul.f32 $1.442695020e+00, v29;
	(erf) = vpow2.f32 v26  }
0x36a: {  	(erf) = vpow2.f32 v56  }
0x36b: {  	(erf) = vpow2.f32 v57;
	_ =	sdelay $0x2  }
0x36c: {  	v58 =	vpop (erf)  }
0x36d: {  	v59 =	vpop (erf)  }
0x36e: {  	v60 =	vpop (erf)  }
0x36f: {  	v31 =	vpop (erf)  }
0x370: {  	v61 =	vpop (erf)  }
0x371: {  	v62 =	vpop (erf)  }
0x372: {  	v42 =	vadd.f32 v31, v58;
	v43 =	vadd.f32 v61, v59;
	v63 =	vpop (erf)  }
0x373: {  	v44 =	vadd.f32 v62, v59;
	v45 =	vadd.f32 v63, v60;
	_ =	sdelay $0x1  }
0x374: {  	v47 =	vadd.f32 v43, v42;
	v48 =	vadd.f32 v45, v44  }
0x375: {  	v6 =	vmul.f32 v17, v6;
	v4 =	vmul.f32 v9, v4  }
0x376: {  	v12 =	vmax.f32 v12, v19;
	v10 =	vmax.f32 v10, v14;
	v49 =	vadd.f32 v48, v47  }
0x377: {  	v7 =	vmul.f32 v18, v7;
	v5 =	vmul.f32 v15, v5;
	v4 =	vadd.f32 v4, v6  }
0x378: {  	v46 =	vmax.f32 v11, v20;
	v11 =	vmax.f32 v11, v16;
	(erf) = vrcp.f32 v49  }
0x379: {  	v5 =	vadd.f32 v5, v7;
	v12 =	vmin.f32 v12, v46;
	v10 =	vmin.f32 v11, v10  }
0x37a: {  	v10 =	vmin.f32 v12, v10;
	v50 =	vmax.f32 v58, v31;
	v51 =	vmax.f32 v59, v61  }
0x37b: {  	v52 =	vmax.f32 v59, v62;
	v53 =	vmul.f32 v42, v21;
	v57 =	vmul.f32 v43, v22  }
0x37c: {  	v55 =	vmax.f32 v60, v63;
	v54 =	vmul.f32 v44, v23;
	v56 =	vmul.f32 v45, v24  }
0x37d: {  	v10 =	vadd.f32 v10, v10;
	v6 =	vmin.f32 v50, v51;
	v58 =	vmin.f32 v52, v55  }
0x37e: {  	v6 =	vmin.f32 v6, v58;
	v59 =	vadd.f32 v57, v53;
	v60 =	vadd.f32 v56, v54  }
0x37f: {  	v4 =	vadd.f32 v5, v4;
	vm13 =	vge.f32 v9, v10;
	v61 =	vadd.f32 v6, v6  }
0x380: {  	s20 =	sadd.s32 $0x2, s20;
	vm14 =	vlt.f32 v8, $1.000000050e-03;
	vm0 =	vmneg vm13;
	v62 =	vadd.f32 v60, v59  }
0x381: {  	p2 =	slt.u32 s20, $0x6;
	v4 =	vmul.f32 v13, v4;
	vm1 =	vmand vm14, vm0;
	vm2 =	vge.f32 v43, v61;
	v63 =	vpop (erf)  }
.Ltmp0:
0x382: {  	vm3 =	vlt.f32 v28, $1.000000050e-03;
	vm2 =	vmneg vm2;
	v5 =	vmul.f32 v63, v62;
	(pc) =	sbr.rel @p2 .LBB2_3-.Ltmp0, $4  }
0x383: {  	v3 =	vsel vm1, v3, v4;
	vm15 =	vmand vm3, vm2  }
0x384: {  	v2 =	vsel vm0, v3, v2;
	v3 =	vsel vm15, v27, v5  }
0x385: {  	p1 =	por !p1, !p1;
	[tilespmem:s24+$0x2060] =	vst v2;
	v2 =	vsel vm2, v3, v25  }
0x386: {  	s23 =	sadd.s32 $0x200, s23;
	s21 =	sadd.s32 $0x2, s21;
	s22 =	sadd.s32 $0x400, s22;
	[tilespmem:s24+$0x20E0] =	vst v2  }
0x387: {  	s20 =	smulhi.u32 $0x92492493, s19;
	_ =	sdelay $0x1  }
0x388: {  	s20 =	sshrl.u32 s20, $0x3  }
0x389: {  	s21 =	smulhi.u32 $0x12492493, s20;
	_ =	sdelay $0x1  }
0x38a: {  	s21 =	sshrl.u32 s21, $0x2  }
0x38b: {  	s21 =	smul.u32 $0x38, s21;
	_ =	sdelay $0x1  }
0x38c: {  	s21 =	ssub.s32 s20, s21  }
0x38d: {  	p1 =	slt.u32 s19, $0xE;
	p2 =	sne.s32 s21, $0x0  }
0x38e: {  	s22 =	smulhi.u32 $0x5397829D, s19;
	p1 =	por !p1, !p2  }
0x38f: {  	s23 =	simm.s32 $0x1;
	p1 =	por !p1, !p1  }
0x390: {  	s22 =	sshrl.u32 s22, $0x8;
	s20 =	smul.u32 $0xE, s20;
	s23 =	simm.s32 @!p1 $0x0  }
0x391: {  	s26 =	sadd.s32 $0x2, s19;
	s21 =	smul.u32 $0x3800, s21;
	s22 =	ssub.s32 s22, s23  }
0x392: {  	s23 =	smin.u32 s26, s6;
	s22 =	smul.u32 $0xC4000, s22  }
0x393: {  	s24 =	ssub.s32 s19, s20;
	s25 =	smulhi.u32 $0x12492493, s23  }
0x394: {  	s28 =	sshll.u32 s24, $0xA;
	s20 =	sadd.s32 s21, s22  }
0x395: {  	s29 =	smulhi.u32 $0x4924925, s25;
	s21 =	sadd.s32 s28, s20  }
0x396: {  	s21 =	sshrl.u32 s21, $0x3  }
0x397: {  	s22 =	smul.u32 $0x38, s29;
	s21 =	sadd.s32 s5, s21  }
0x398: {  	[hbm4b:s21+s4] =	stream.linear.scatter [tilespmem:s12], [sflag:$0x3], $0x400, $0x38;
	[tilespmem:$0x2800] =	vst v63  }
0x399: {  	s30 =	ssub.s32 s25, s22  }
0x39a: {  	p5 =	slt.u32 s23, $0xE;
	p6 =	sne.s32 s30, $0x0  }
0x39b: {  	s31 =	smulhi.u32 $0x539783, s23;
	p1 =	por !p5, !p6  }
0x39c: {  	s24 =	simm.s32 $0x1;
	s25 =	smul.u32 $0xE, s25;
	p1 =	por !p1, !p1  }
0x39d: {  	s24 =	simm.s32 @!p1 $0x0  }
0x39e: {  	s21 =	smul.u32 $0xE000, s30;
	s23 =	ssub.s32 s23, s25;
	s22 =	ssub.s32 s31, s24  }
0x39f: {  	s23 =	sshll.u32 s23, $0xC;
	s22 =	smul.u32 $0x540000, s22  }
0x3a0: {  	s21 =	sadd.s32 s23, s21  }
0x3a1: {  	s21 =	sadd.s32 s22, s21  }
0x3a2: {  	s21 =	sadd.s32 $0x230000, s21  }
0x3a3: {  	s21 =	sshrl.u32 s21, $0x3  }
0x3a4: {  	s21 =	sadd.s32 s3, s21  }
0x3a5: {  	[tilespmem:s4], [sflag:$0x1] =	stream.linear.gather [hbm4b:s21+s4], $0x1000, $0x38;
	[tilespmem:$0x2800] =	vst v63  }
0x3a6: {  	_ =	swait.ge [sflag:s13], $0x1000  }
0x3a7: {  	[sflag:s13] =	ssyncset.done $0x0  }
0x3a8: {  	s21 =	simm.s32 @!p0 $0x4;
	[sflag:s13] =	ssyncadd.s32 $0xFFFFF000  }
0x3a9: {  	s23 =	simm.s32 $0x0;
	_ =	swait.ge @!p0 [sflag:s21], $0x400  }
0x3aa: {  	s24 =	simm.s32 $0x0;
	s22 =	simm.s32 $0x0;
	[sflag:s21] =	ssyncset.done @!p0 $0x0  }
0x3ab: {  	[sflag:s21] =	ssyncadd.s32 @!p0 $0xFFFFFC00;
	s21 =	simm.s32 $0xFFFFFFFE;
	p0 =	por $0x0, $0x0  }
.LBB2_5:
0x3ac: {  	s25 =	sand.u32 $0x800, s23  }
0x3ad: {  	s28 =	sand.u32 $0x200, s24;
	s26 =	sor.u32 $0x1000, s25  }
0x3ae: {  	s28 =	sor.u32 s28, s26  }
0x3af: {  	v2 =	vld.idx.msk [tilespmem:v0+s28+$0x0], $0xffff  }
0x3b0: {  	v3 =	vld.idx.msk [tilespmem:v1+s28+$0x0], $0xffff;
	s30 =	sor.u32 $0x80, s28  }
0x3b1: {  	v4 =	vld.idx.msk [tilespmem:v0+s30+$0x0], $0xffff  }
0x3b2: {  	v5 =	vld.idx.msk [tilespmem:v1+s30+$0x0], $0xffff;
	_ =	sdelay $0x4  }
0x3b3: {  	v6 =	vadd.f32 v3, v2;
	v7 =	vadd.f32 v5, v4;
	_ =	sdelay $0x1  }
0x3b4: {  	v8 =	vadd.f32 v4, v3;
	v6 =	vadd.f32 v7, v6;
	_ =	sdelay $0x1  }
0x3b5: {  	v26 =	vmul.f32 $5.000000000e-01, v8;
	v6 =	vmul.f32 $2.500000000e-01, v6;
	_ =	sdelay $0x1  }
0x3b6: {  	v8 =	vadd.f32 v6, v26;
	_ =	sdelay $0x1  }
0x3b7: {  	v8 =	vmul.f32 $5.000000000e-01, v8;
	_ =	sdelay $0x1  }
0x3b8: {  	v9 =	vsub.f32 v3, v8;
	v10 =	vsub.f32 v4, v8  }
0x3b9: {  	v11 =	vsub.f32 v2, v8;
	v12 =	vsub.f32 v5, v8  }
0x3ba: {  	v9 =	vand.u32 $0x7FFFFFFF, v9;
	v10 =	vand.u32 $0x7FFFFFFF, v10  }
0x3bb: {  	v11 =	vand.u32 $0x7FFFFFFF, v11;
	v12 =	vand.u32 $0x7FFFFFFF, v12;
	v13 =	vadd.f32 v10, v9  }
0x3bc: {  	v9 =	vadd.f32 v9, v11;
	v10 =	vadd.f32 v12, v10  }
0x3bd: {  	v13 =	vmul.f32 $5.000000000e-01, v13  }
0x3be: {  	v9 =	vadd.f32 v10, v9  }
0x3bf: {  	v27 =	vadd.f32 $9.999999740e-05, v13  }
0x3c0: {  	v9 =	vmul.f32 $2.500000000e-01, v9  }
0x3c1: {  	(erf) = vrcp.f32 v27  }
0x3c2: {  	v9 =	vadd.f32 $9.999999740e-05, v9;
	_ =	sdelay $0x1  }
0x3c3: {  	(erf) = vrcp.f32 v9;
	_ =	sdelay $0x4  }
0x3c4: {  	v7 =	vsub.f32 v5, v26  }
0x3c5: {  	v29 =	vsub.f32 v2, v26;
	v33 =	vsub.f32 v2, v6;
	v28 =	vpop (erf)  }
0x3c6: {  	v30 =	vsub.f32 v3, v26;
	v7 =	vmul.f32 v7, v7;
	v10 =	vmul.f32 v28, v28  }
0x3c7: {  	v34 =	vsub.f32 v3, v6;
	v35 =	vmul.f32 v33, v33;
	v11 =	vmul.f32 v29, v29  }
0x3c8: {  	v12 =	vmul.f32 v30, v30;
	v31 =	vpop (erf);
	v10 =	vmul.f32 $-5.000000000e-01, v10  }
0x3c9: {  	v37 =	vmul.f32 v34, v34;
	v13 =	vmul.f32 v31, v31  }
0x3ca: {  	v36 =	vsub.f32 v4, v6;
	v11 =	vmul.f32 v10, v11;
	v12 =	vmul.f32 v10, v12  }
0x3cb: {  	v7 =	vmul.f32 v10, v7;
	v32 =	vmul.f32 $-5.000000000e-01, v13  }
0x3cc: {  	v38 =	vsub.f32 v5, v6;
	v13 =	vmul.f32 v36, v36;
	v11 =	vmul.f32 $1.442695020e+00, v11  }
0x3cd: {  	v12 =	vmul.f32 $1.442695020e+00, v12;
	v7 =	vmul.f32 $1.442695020e+00, v7  }
0x3ce: {  	(erf) = vpow2.f32 v11;
	v11 =	vmul.f32 v38, v38  }
0x3cf: {  	(erf) = vpow2.f32 v12;
	v12 =	vmul.f32 v32, v35  }
0x3d0: {  	(erf) = vpow2.f32 v7;
	v7 =	vmul.f32 v32, v37  }
0x3d1: {  	v13 =	vmul.f32 v32, v13;
	v12 =	vmul.f32 $1.442695020e+00, v12  }
0x3d2: {  	v10 =	vmul.f32 v32, v11;
	v7 =	vmul.f32 $1.442695020e+00, v7  }
0x3d3: {  	v39 =	vmul.f32 $1.442695020e+00, v13;
	(erf) = vpow2.f32 v12  }
0x3d4: {  	v40 =	vmul.f32 $1.442695020e+00, v10;
	(erf) = vpow2.f32 v7  }
0x3d5: {  	(erf) = vpow2.f32 v39  }
0x3d6: {  	(erf) = vpow2.f32 v40;
	_ =	sdelay $0x2  }
0x3d7: {  	v41 =	vpop (erf)  }
0x3d8: {  	v42 =	vpop (erf)  }
0x3d9: {  	v43 =	vpop (erf)  }
0x3da: {  	v12 =	vpop (erf)  }
0x3db: {  	v44 =	vpop (erf)  }
0x3dc: {  	v14 =	vpop (erf)  }
0x3dd: {  	v16 =	vadd.f32 v12, v41;
	v17 =	vadd.f32 v44, v42;
	v15 =	vpop (erf)  }
0x3de: {  	v18 =	vadd.f32 v14, v42;
	v19 =	vadd.f32 v15, v43;
	_ =	sdelay $0x1  }
0x3df: {  	v20 =	vadd.f32 v17, v16;
	v21 =	vadd.f32 v19, v18;
	_ =	sdelay $0x1  }
0x3e0: {  	v20 =	vadd.f32 v21, v20;
	_ =	sdelay $0x1  }
0x3e1: {  	(erf) = vrcp.f32 v20;
	_ =	sdelay $0x1  }
0x3e2: {  	v7 =	vmax.f32 v41, v12;
	v2 =	vmul.f32 v16, v2;
	v3 =	vmul.f32 v17, v3  }
0x3e3: {  	v45 =	vmax.f32 v42, v44;
	v4 =	vmul.f32 v18, v4;
	v5 =	vmul.f32 v19, v5  }
0x3e4: {  	v10 =	vmax.f32 v42, v14;
	v7 =	vmin.f32 v7, v45;
	v11 =	vmax.f32 v43, v15  }
0x3e5: {  	v10 =	vmin.f32 v10, v11;
	v2 =	vadd.f32 v3, v2;
	v3 =	vadd.f32 v5, v4  }
0x3e6: {  	v7 =	vmin.f32 v7, v10  }
0x3e7: {  	v46 =	vadd.f32 v7, v7  }
0x3e8: {  	v2 =	vadd.f32 v3, v2  }
0x3e9: {  	vm0 =	vge.f32 v17, v46;
	v3 =	vpop (erf)  }
0x3ea: {  	vm1 =	vlt.f32 v9, $1.000000050e-03;
	vm0 =	vmneg vm0;
	v2 =	vmul.f32 v3, v2  }
0x3eb: {  	vm1 =	vmand vm1, vm0  }
0x3ec: {  	v2 =	vsel vm1, v8, v2  }
0x3ed: {  	s25 =	sshra.s32 s23, $0x2;
	v2 =	vsel vm0, v2, v6  }
0x3ee: {  	s29 =	sor.u32 $0x20, s28;
	[tilespmem:s25+$0x2400] =	vst v2  }
0x3ef: {  	v2 =	vld.idx.msk [tilespmem:v0+s29+$0x0], $0xffff  }
0x3f0: {  	s31 =	sor.u32 $0xA0, s28;
	v3 =	vld.idx.msk [tilespmem:v1+s29+$0x0], $0xffff  }
0x3f1: {  	v47 =	vld.idx.msk [tilespmem:v0+s31+$0x0], $0xffff  }
0x3f2: {  	v48 =	vld.idx.msk [tilespmem:v1+s31+$0x0], $0xffff;
	_ =	sdelay $0x4  }
0x3f3: {  	v49 =	vadd.f32 v3, v2;
	v50 =	vadd.f32 v48, v47;
	_ =	sdelay $0x1  }
0x3f4: {  	v51 =	vadd.f32 v47, v3;
	v6 =	vadd.f32 v50, v49;
	_ =	sdelay $0x1  }
0x3f5: {  	v52 =	vmul.f32 $5.000000000e-01, v51;
	v6 =	vmul.f32 $2.500000000e-01, v6;
	_ =	sdelay $0x1  }
0x3f6: {  	v8 =	vadd.f32 v6, v52;
	_ =	sdelay $0x1  }
0x3f7: {  	v8 =	vmul.f32 $5.000000000e-01, v8;
	_ =	sdelay $0x1  }
0x3f8: {  	v53 =	vsub.f32 v3, v8;
	v54 =	vsub.f32 v47, v8  }
0x3f9: {  	v55 =	vsub.f32 v2, v8;
	v56 =	vsub.f32 v48, v8  }
0x3fa: {  	v9 =	vand.u32 $0x7FFFFFFF, v53;
	v10 =	vand.u32 $0x7FFFFFFF, v54  }
0x3fb: {  	v11 =	vand.u32 $0x7FFFFFFF, v55;
	v12 =	vand.u32 $0x7FFFFFFF, v56;
	v57 =	vadd.f32 v10, v9  }
0x3fc: {  	v9 =	vadd.f32 v9, v11;
	v10 =	vadd.f32 v12, v10  }
0x3fd: {  	v13 =	vmul.f32 $5.000000000e-01, v57  }
0x3fe: {  	v9 =	vadd.f32 v10, v9  }
0x3ff: {  	v58 =	vadd.f32 $9.999999740e-05, v13  }
0x400: {  	v9 =	vmul.f32 $2.500000000e-01, v9  }
0x401: {  	(erf) = vrcp.f32 v58  }
0x402: {  	v9 =	vadd.f32 $9.999999740e-05, v9;
	_ =	sdelay $0x1  }
0x403: {  	(erf) = vrcp.f32 v9;
	_ =	sdelay $0x4  }
0x404: {  	v7 =	vsub.f32 v48, v52  }
0x405: {  	v60 =	vsub.f32 v2, v52;
	v16 =	vsub.f32 v2, v6;
	v59 =	vpop (erf)  }
0x406: {  	v61 =	vsub.f32 v3, v52;
	v7 =	vmul.f32 v7, v7;
	v10 =	vmul.f32 v59, v59  }
0x407: {  	v17 =	vsub.f32 v3, v6;
	v18 =	vmul.f32 v16, v16;
	v11 =	vmul.f32 v60, v60  }
0x408: {  	v12 =	vmul.f32 v61, v61;
	v62 =	vpop (erf);
	v10 =	vmul.f32 $-5.000000000e-01, v10  }
0x409: {  	v20 =	vmul.f32 v17, v17;
	v13 =	vmul.f32 v62, v62  }
0x40a: {  	v19 =	vsub.f32 v47, v6;
	v11 =	vmul.f32 v10, v11;
	v12 =	vmul.f32 v10, v12  }
0x40b: {  	v7 =	vmul.f32 v10, v7;
	v63 =	vmul.f32 $-5.000000000e-01, v13  }
0x40c: {  	v21 =	vsub.f32 v48, v6;
	v13 =	vmul.f32 v19, v19;
	v11 =	vmul.f32 $1.442695020e+00, v11  }
0x40d: {  	v12 =	vmul.f32 $1.442695020e+00, v12;
	v7 =	vmul.f32 $1.442695020e+00, v7  }
0x40e: {  	(erf) = vpow2.f32 v11;
	v11 =	vmul.f32 v21, v21  }
0x40f: {  	(erf) = vpow2.f32 v12;
	v12 =	vmul.f32 v63, v18  }
0x410: {  	(erf) = vpow2.f32 v7;
	v7 =	vmul.f32 v63, v20  }
0x411: {  	v13 =	vmul.f32 v63, v13;
	v12 =	vmul.f32 $1.442695020e+00, v12  }
0x412: {  	v10 =	vmul.f32 v63, v11;
	v7 =	vmul.f32 $1.442695020e+00, v7  }
0x413: {  	v22 =	vmul.f32 $1.442695020e+00, v13;
	(erf) = vpow2.f32 v12  }
0x414: {  	v23 =	vmul.f32 $1.442695020e+00, v10;
	(erf) = vpow2.f32 v7  }
0x415: {  	(erf) = vpow2.f32 v22  }
0x416: {  	(erf) = vpow2.f32 v23;
	_ =	sdelay $0x2  }
0x417: {  	v24 =	vpop (erf)  }
0x418: {  	v25 =	vpop (erf)  }
0x419: {  	v26 =	vpop (erf)  }
0x41a: {  	v12 =	vpop (erf)  }
0x41b: {  	v27 =	vpop (erf)  }
0x41c: {  	v28 =	vpop (erf)  }
0x41d: {  	v30 =	vadd.f32 v12, v24;
	v31 =	vadd.f32 v27, v25;
	v29 =	vpop (erf)  }
0x41e: {  	v32 =	vadd.f32 v28, v25;
	v33 =	vadd.f32 v29, v26;
	_ =	sdelay $0x1  }
0x41f: {  	v34 =	vadd.f32 v31, v30;
	v35 =	vadd.f32 v33, v32;
	_ =	sdelay $0x1  }
0x420: {  	v20 =	vadd.f32 v35, v34;
	_ =	sdelay $0x1  }
0x421: {  	(erf) = vrcp.f32 v20;
	_ =	sdelay $0x1  }
0x422: {  	v7 =	vmax.f32 v24, v12;
	v2 =	vmul.f32 v30, v2;
	v3 =	vmul.f32 v31, v3  }
0x423: {  	v36 =	vmax.f32 v25, v27;
	v4 =	vmul.f32 v32, v47;
	v5 =	vmul.f32 v33, v48  }
0x424: {  	v10 =	vmax.f32 v25, v28;
	v7 =	vmin.f32 v7, v36;
	v11 =	vmax.f32 v26, v29  }
0x425: {  	v10 =	vmin.f32 v10, v11;
	v2 =	vadd.f32 v3, v2;
	v3 =	vadd.f32 v5, v4  }
0x426: {  	v7 =	vmin.f32 v7, v10  }
0x427: {  	v37 =	vadd.f32 v7, v7  }
0x428: {  	v2 =	vadd.f32 v3, v2  }
0x429: {  	vm15 =	vge.f32 v31, v37;
	v3 =	vpop (erf)  }
0x42a: {  	vm4 =	vlt.f32 v9, $1.000000050e-03;
	vm0 =	vmneg vm15;
	v2 =	vmul.f32 v3, v2  }
0x42b: {  	vm1 =	vmand vm4, vm0  }
0x42c: {  	v2 =	vsel vm1, v8, v2  }
0x42d: {  	v2 =	vsel vm0, v2, v6  }
0x42e: {  	s30 =	sor.u32 $0x40, s28;
	[tilespmem:s25+$0x2410] =	vst v2  }
0x42f: {  	v2 =	vld.idx.msk [tilespmem:v0+s30+$0x0], $0xffff  }
0x430: {  	s31 =	sor.u32 $0xC0, s28;
	v3 =	vld.idx.msk [tilespmem:v1+s30+$0x0], $0xffff  }
0x431: {  	v38 =	vld.idx.msk [tilespmem:v0+s31+$0x0], $0xffff  }
0x432: {  	v39 =	vld.idx.msk [tilespmem:v1+s31+$0x0], $0xffff;
	_ =	sdelay $0x4  }
0x433: {  	v40 =	vadd.f32 v3, v2;
	v41 =	vadd.f32 v39, v38;
	_ =	sdelay $0x1  }
0x434: {  	v42 =	vadd.f32 v38, v3;
	v6 =	vadd.f32 v41, v40;
	_ =	sdelay $0x1  }
0x435: {  	v43 =	vmul.f32 $5.000000000e-01, v42;
	v6 =	vmul.f32 $2.500000000e-01, v6;
	_ =	sdelay $0x1  }
0x436: {  	v8 =	vadd.f32 v6, v43;
	_ =	sdelay $0x1  }
0x437: {  	v8 =	vmul.f32 $5.000000000e-01, v8;
	_ =	sdelay $0x1  }
0x438: {  	v44 =	vsub.f32 v3, v8;
	v45 =	vsub.f32 v38, v8  }
0x439: {  	v46 =	vsub.f32 v2, v8;
	v47 =	vsub.f32 v39, v8  }
0x43a: {  	v9 =	vand.u32 $0x7FFFFFFF, v44;
	v10 =	vand.u32 $0x7FFFFFFF, v45  }
0x43b: {  	v11 =	vand.u32 $0x7FFFFFFF, v46;
	v12 =	vand.u32 $0x7FFFFFFF, v47;
	v48 =	vadd.f32 v10, v9  }
0x43c: {  	v9 =	vadd.f32 v9, v11;
	v10 =	vadd.f32 v12, v10  }
0x43d: {  	v13 =	vmul.f32 $5.000000000e-01, v48  }
0x43e: {  	v9 =	vadd.f32 v10, v9  }
0x43f: {  	v49 =	vadd.f32 $9.999999740e-05, v13  }
0x440: {  	v9 =	vmul.f32 $2.500000000e-01, v9  }
0x441: {  	(erf) = vrcp.f32 v49  }
0x442: {  	v9 =	vadd.f32 $9.999999740e-05, v9;
	_ =	sdelay $0x1  }
0x443: {  	(erf) = vrcp.f32 v9;
	_ =	sdelay $0x4  }
0x444: {  	v7 =	vsub.f32 v39, v43  }
0x445: {  	v51 =	vsub.f32 v2, v43;
	v55 =	vsub.f32 v2, v6;
	v50 =	vpop (erf)  }
0x446: {  	v52 =	vsub.f32 v3, v43;
	v7 =	vmul.f32 v7, v7;
	v10 =	vmul.f32 v50, v50  }
0x447: {  	v56 =	vsub.f32 v3, v6;
	v57 =	vmul.f32 v55, v55;
	v11 =	vmul.f32 v51, v51  }
0x448: {  	v12 =	vmul.f32 v52, v52;
	v53 =	vpop (erf);
	v10 =	vmul.f32 $-5.000000000e-01, v10  }
0x449: {  	v59 =	vmul.f32 v56, v56;
	v13 =	vmul.f32 v53, v53  }
0x44a: {  	v58 =	vsub.f32 v38, v6;
	v11 =	vmul.f32 v10, v11;
	v12 =	vmul.f32 v10, v12  }
0x44b: {  	v7 =	vmul.f32 v10, v7;
	v54 =	vmul.f32 $-5.000000000e-01, v13  }
0x44c: {  	v60 =	vsub.f32 v39, v6;
	v13 =	vmul.f32 v58, v58;
	v11 =	vmul.f32 $1.442695020e+00, v11  }
0x44d: {  	v12 =	vmul.f32 $1.442695020e+00, v12;
	v7 =	vmul.f32 $1.442695020e+00, v7  }
0x44e: {  	(erf) = vpow2.f32 v11;
	v11 =	vmul.f32 v60, v60  }
0x44f: {  	(erf) = vpow2.f32 v12;
	v12 =	vmul.f32 v54, v57  }
0x450: {  	(erf) = vpow2.f32 v7;
	v7 =	vmul.f32 v54, v59  }
0x451: {  	v13 =	vmul.f32 v54, v13;
	v12 =	vmul.f32 $1.442695020e+00, v12  }
0x452: {  	v10 =	vmul.f32 v54, v11;
	v7 =	vmul.f32 $1.442695020e+00, v7  }
0x453: {  	v61 =	vmul.f32 $1.442695020e+00, v13;
	(erf) = vpow2.f32 v12  }
0x454: {  	v62 =	vmul.f32 $1.442695020e+00, v10;
	(erf) = vpow2.f32 v7  }
0x455: {  	(erf) = vpow2.f32 v61  }
0x456: {  	(erf) = vpow2.f32 v62;
	_ =	sdelay $0x2  }
0x457: {  	v63 =	vpop (erf)  }
0x458: {  	v24 =	vpop (erf)  }
0x459: {  	v25 =	vpop (erf)  }
0x45a: {  	v12 =	vpop (erf)  }
0x45b: {  	v26 =	vpop (erf)  }
0x45c: {  	v27 =	vpop (erf)  }
0x45d: {  	v29 =	vadd.f32 v12, v63;
	v30 =	vadd.f32 v26, v24;
	v28 =	vpop (erf)  }
0x45e: {  	v31 =	vadd.f32 v27, v24;
	v32 =	vadd.f32 v28, v25;
	_ =	sdelay $0x1  }
0x45f: {  	v33 =	vadd.f32 v30, v29;
	v34 =	vadd.f32 v32, v31;
	_ =	sdelay $0x1  }
0x460: {  	v20 =	vadd.f32 v34, v33;
	_ =	sdelay $0x1  }
0x461: {  	(erf) = vrcp.f32 v20;
	_ =	sdelay $0x1  }
0x462: {  	v7 =	vmax.f32 v63, v12;
	v2 =	vmul.f32 v29, v2;
	v3 =	vmul.f32 v30, v3  }
0x463: {  	v35 =	vmax.f32 v24, v26;
	v4 =	vmul.f32 v31, v38;
	v5 =	vmul.f32 v32, v39  }
0x464: {  	v10 =	vmax.f32 v24, v27;
	v7 =	vmin.f32 v7, v35;
	v11 =	vmax.f32 v25, v28  }
0x465: {  	v10 =	vmin.f32 v10, v11;
	v2 =	vadd.f32 v3, v2;
	v3 =	vadd.f32 v5, v4  }
0x466: {  	v7 =	vmin.f32 v7, v10  }
0x467: {  	v36 =	vadd.f32 v7, v7  }
0x468: {  	v2 =	vadd.f32 v3, v2  }
0x469: {  	vm5 =	vge.f32 v30, v36;
	v3 =	vpop (erf)  }
0x46a: {  	vm6 =	vlt.f32 v9, $1.000000050e-03;
	vm0 =	vmneg vm5;
	v2 =	vmul.f32 v3, v2  }
0x46b: {  	vm1 =	vmand vm6, vm0  }
0x46c: {  	v2 =	vsel vm1, v8, v2  }
0x46d: {  	v2 =	vsel vm0, v2, v6  }
0x46e: {  	s30 =	sor.u32 $0x60, s28;
	[tilespmem:s25+$0x2420] =	vst v2  }
0x46f: {  	v2 =	vld.idx.msk [tilespmem:v0+s30+$0x0], $0xffff  }
0x470: {  	s28 =	sor.u32 $0xE0, s28;
	v3 =	vld.idx.msk [tilespmem:v1+s30+$0x0], $0xffff  }
0x471: {  	v37 =	vld.idx.msk [tilespmem:v0+s28+$0x0], $0xffff  }
0x472: {  	v38 =	vld.idx.msk [tilespmem:v1+s28+$0x0], $0xffff;
	_ =	sdelay $0x4  }
0x473: {  	v39 =	vadd.f32 v3, v2;
	v40 =	vadd.f32 v38, v37;
	_ =	sdelay $0x1  }
0x474: {  	v41 =	vadd.f32 v37, v3;
	v6 =	vadd.f32 v40, v39;
	_ =	sdelay $0x1  }
0x475: {  	v42 =	vmul.f32 $5.000000000e-01, v41;
	v6 =	vmul.f32 $2.500000000e-01, v6;
	_ =	sdelay $0x1  }
0x476: {  	v8 =	vadd.f32 v6, v42;
	_ =	sdelay $0x1  }
0x477: {  	v8 =	vmul.f32 $5.000000000e-01, v8;
	_ =	sdelay $0x1  }
0x478: {  	v43 =	vsub.f32 v3, v8;
	v44 =	vsub.f32 v37, v8  }
0x479: {  	v45 =	vsub.f32 v2, v8;
	v46 =	vsub.f32 v38, v8  }
0x47a: {  	v9 =	vand.u32 $0x7FFFFFFF, v43;
	v10 =	vand.u32 $0x7FFFFFFF, v44  }
0x47b: {  	v11 =	vand.u32 $0x7FFFFFFF, v45;
	v12 =	vand.u32 $0x7FFFFFFF, v46;
	v47 =	vadd.f32 v10, v9  }
0x47c: {  	v9 =	vadd.f32 v9, v11;
	v10 =	vadd.f32 v12, v10  }
0x47d: {  	v13 =	vmul.f32 $5.000000000e-01, v47  }
0x47e: {  	v9 =	vadd.f32 v10, v9  }
0x47f: {  	v48 =	vadd.f32 $9.999999740e-05, v13  }
0x480: {  	v9 =	vmul.f32 $2.500000000e-01, v9  }
0x481: {  	(erf) = vrcp.f32 v48  }
0x482: {  	v9 =	vadd.f32 $9.999999740e-05, v9;
	_ =	sdelay $0x1  }
0x483: {  	(erf) = vrcp.f32 v9;
	_ =	sdelay $0x4  }
0x484: {  	v7 =	vsub.f32 v38, v42  }
0x485: {  	v50 =	vsub.f32 v2, v42;
	v54 =	vsub.f32 v2, v6;
	v49 =	vpop (erf)  }
0x486: {  	v51 =	vsub.f32 v3, v42;
	v7 =	vmul.f32 v7, v7;
	v10 =	vmul.f32 v49, v49  }
0x487: {  	v55 =	vsub.f32 v3, v6;
	v56 =	vmul.f32 v54, v54;
	v11 =	vmul.f32 v50, v50  }
0x488: {  	v12 =	vmul.f32 v51, v51;
	v52 =	vpop (erf);
	v10 =	vmul.f32 $-5.000000000e-01, v10  }
0x489: {  	v58 =	vmul.f32 v55, v55;
	v13 =	vmul.f32 v52, v52  }
0x48a: {  	v57 =	vsub.f32 v37, v6;
	v11 =	vmul.f32 v10, v11;
	v12 =	vmul.f32 v10, v12  }
0x48b: {  	v7 =	vmul.f32 v10, v7;
	v53 =	vmul.f32 $-5.000000000e-01, v13  }
0x48c: {  	v59 =	vsub.f32 v38, v6;
	v13 =	vmul.f32 v57, v57;
	v11 =	vmul.f32 $1.442695020e+00, v11  }
0x48d: {  	v12 =	vmul.f32 $1.442695020e+00, v12;
	v7 =	vmul.f32 $1.442695020e+00, v7  }
0x48e: {  	(erf) = vpow2.f32 v11;
	v11 =	vmul.f32 v59, v59  }
0x48f: {  	(erf) = vpow2.f32 v12;
	v12 =	vmul.f32 v53, v56  }
0x490: {  	(erf) = vpow2.f32 v7;
	v7 =	vmul.f32 v53, v58  }
0x491: {  	v13 =	vmul.f32 v53, v13;
	v12 =	vmul.f32 $1.442695020e+00, v12  }
0x492: {  	v10 =	vmul.f32 v53, v11;
	v7 =	vmul.f32 $1.442695020e+00, v7  }
0x493: {  	v60 =	vmul.f32 $1.442695020e+00, v13;
	(erf) = vpow2.f32 v12  }
0x494: {  	v61 =	vmul.f32 $1.442695020e+00, v10;
	(erf) = vpow2.f32 v7  }
0x495: {  	(erf) = vpow2.f32 v60  }
0x496: {  	(erf) = vpow2.f32 v61;
	_ =	sdelay $0x2  }
0x497: {  	v62 =	vpop (erf)  }
0x498: {  	v63 =	vpop (erf)  }
0x499: {  	v24 =	vpop (erf)  }
0x49a: {  	v12 =	vpop (erf)  }
0x49b: {  	v25 =	vpop (erf)  }
0x49c: {  	v26 =	vpop (erf)  }
0x49d: {  	v28 =	vadd.f32 v12, v62;
	v29 =	vadd.f32 v25, v63;
	v27 =	vpop (erf)  }
0x49e: {  	v30 =	vadd.f32 v26, v63;
	v31 =	vadd.f32 v27, v24;
	_ =	sdelay $0x1  }
0x49f: {  	v32 =	vadd.f32 v29, v28;
	v33 =	vadd.f32 v31, v30;
	_ =	sdelay $0x1  }
0x4a0: {  	v20 =	vadd.f32 v33, v32;
	_ =	sdelay $0x1  }
0x4a1: {  	(erf) = vrcp.f32 v20;
	_ =	sdelay $0x1  }
0x4a2: {  	v7 =	vmax.f32 v62, v12;
	v2 =	vmul.f32 v28, v2;
	v3 =	vmul.f32 v29, v3  }
0x4a3: {  	v34 =	vmax.f32 v63, v25;
	v4 =	vmul.f32 v30, v37;
	v5 =	vmul.f32 v31, v38  }
0x4a4: {  	v10 =	vmax.f32 v63, v26;
	v7 =	vmin.f32 v7, v34;
	v11 =	vmax.f32 v24, v27  }
0x4a5: {  	v10 =	vmin.f32 v10, v11;
	v2 =	vadd.f32 v3, v2;
	v3 =	vadd.f32 v5, v4  }
0x4a6: {  	v7 =	vmin.f32 v7, v10  }
0x4a7: {  	v35 =	vadd.f32 v7, v7  }
0x4a8: {  	v2 =	vadd.f32 v3, v2  }
0x4a9: {  	vm7 =	vge.f32 v29, v35;
	v3 =	vpop (erf)  }
0x4aa: {  	s28 =	simm.s32 $0x1;
	vm8 =	vlt.f32 v9, $1.000000050e-03;
	vm0 =	vmneg vm7;
	v2 =	vmul.f32 v3, v2  }
0x4ab: {  	s28 =	simm.s32 @!p0 $0x0;
	vm1 =	vmand vm8, vm0  }
0x4ac: {  	s28 =	sshll.u32 s28, $0x9;
	v2 =	vsel vm1, v8, v2  }
0x4ad: {  	s28 =	sadd.s32 s23, s28;
	v2 =	vsel vm0, v2, v6  }
0x4ae: {  	s30 =	sor.u32 $0x400, s28;
	[tilespmem:s25+$0x2430] =	vst v2  }
0x4af: {  	s29 =	sadd.s32 $0x80, s28;
	v2 =	vld.idx.msk [tilespmem:v0+s30+$0x1000], $0xffff  }
0x4b0: {  	s31 =	sor.u32 $0x400, s29;
	v3 =	vld.idx.msk [tilespmem:v1+s30+$0x1000], $0xffff  }
0x4b1: {  	v36 =	vld.idx.msk [tilespmem:v0+s31+$0x1000], $0xffff  }
0x4b2: {  	v37 =	vld.idx.msk [tilespmem:v1+s31+$0x1000], $0xffff;
	_ =	sdelay $0x4  }
0x4b3: {  	v38 =	vadd.f32 v3, v2;
	v39 =	vadd.f32 v37, v36;
	_ =	sdelay $0x1  }
0x4b4: {  	v40 =	vadd.f32 v36, v3;
	v6 =	vadd.f32 v39, v38;
	_ =	sdelay $0x1  }
0x4b5: {  	v41 =	vmul.f32 $5.000000000e-01, v40;
	v6 =	vmul.f32 $2.500000000e-01, v6;
	_ =	sdelay $0x1  }
0x4b6: {  	v8 =	vadd.f32 v6, v41;
	_ =	sdelay $0x1  }
0x4b7: {  	v8 =	vmul.f32 $5.000000000e-01, v8;
	_ =	sdelay $0x1  }
0x4b8: {  	v42 =	vsub.f32 v3, v8;
	v43 =	vsub.f32 v36, v8  }
0x4b9: {  	v44 =	vsub.f32 v2, v8;
	v45 =	vsub.f32 v37, v8  }
0x4ba: {  	v9 =	vand.u32 $0x7FFFFFFF, v42;
	v10 =	vand.u32 $0x7FFFFFFF, v43  }
0x4bb: {  	v11 =	vand.u32 $0x7FFFFFFF, v44;
	v12 =	vand.u32 $0x7FFFFFFF, v45;
	v46 =	vadd.f32 v10, v9  }
0x4bc: {  	v9 =	vadd.f32 v9, v11;
	v10 =	vadd.f32 v12, v10  }
0x4bd: {  	v13 =	vmul.f32 $5.000000000e-01, v46  }
0x4be: {  	v9 =	vadd.f32 v10, v9  }
0x4bf: {  	v47 =	vadd.f32 $9.999999740e-05, v13  }
0x4c0: {  	v9 =	vmul.f32 $2.500000000e-01, v9  }
0x4c1: {  	(erf) = vrcp.f32 v47  }
0x4c2: {  	v9 =	vadd.f32 $9.999999740e-05, v9;
	_ =	sdelay $0x1  }
0x4c3: {  	(erf) = vrcp.f32 v9;
	_ =	sdelay $0x4  }
0x4c4: {  	v7 =	vsub.f32 v37, v41  }
0x4c5: {  	v49 =	vsub.f32 v2, v41;
	v53 =	vsub.f32 v2, v6;
	v48 =	vpop (erf)  }
0x4c6: {  	v50 =	vsub.f32 v3, v41;
	v7 =	vmul.f32 v7, v7;
	v10 =	vmul.f32 v48, v48  }
0x4c7: {  	v54 =	vsub.f32 v3, v6;
	v55 =	vmul.f32 v53, v53;
	v11 =	vmul.f32 v49, v49  }
0x4c8: {  	v12 =	vmul.f32 v50, v50;
	v51 =	vpop (erf);
	v10 =	vmul.f32 $-5.000000000e-01, v10  }
0x4c9: {  	v57 =	vmul.f32 v54, v54;
	v13 =	vmul.f32 v51, v51  }
0x4ca: {  	v56 =	vsub.f32 v36, v6;
	v11 =	vmul.f32 v10, v11;
	v12 =	vmul.f32 v10, v12  }
0x4cb: {  	v7 =	vmul.f32 v10, v7;
	v52 =	vmul.f32 $-5.000000000e-01, v13  }
0x4cc: {  	v58 =	vsub.f32 v37, v6;
	v13 =	vmul.f32 v56, v56;
	v11 =	vmul.f32 $1.442695020e+00, v11  }
0x4cd: {  	v12 =	vmul.f32 $1.442695020e+00, v12;
	v7 =	vmul.f32 $1.442695020e+00, v7  }
0x4ce: {  	(erf) = vpow2.f32 v11;
	v11 =	vmul.f32 v58, v58  }
0x4cf: {  	(erf) = vpow2.f32 v12;
	v12 =	vmul.f32 v52, v55  }
0x4d0: {  	(erf) = vpow2.f32 v7;
	v7 =	vmul.f32 v52, v57  }
0x4d1: {  	v13 =	vmul.f32 v52, v13;
	v12 =	vmul.f32 $1.442695020e+00, v12  }
0x4d2: {  	v10 =	vmul.f32 v52, v11;
	v7 =	vmul.f32 $1.442695020e+00, v7  }
0x4d3: {  	v59 =	vmul.f32 $1.442695020e+00, v13;
	(erf) = vpow2.f32 v12  }
0x4d4: {  	v60 =	vmul.f32 $1.442695020e+00, v10;
	(erf) = vpow2.f32 v7  }
0x4d5: {  	(erf) = vpow2.f32 v59  }
0x4d6: {  	(erf) = vpow2.f32 v60;
	_ =	sdelay $0x2  }
0x4d7: {  	v61 =	vpop (erf)  }
0x4d8: {  	v62 =	vpop (erf)  }
0x4d9: {  	v63 =	vpop (erf)  }
0x4da: {  	v12 =	vpop (erf)  }
0x4db: {  	v24 =	vpop (erf)  }
0x4dc: {  	v25 =	vpop (erf)  }
0x4dd: {  	v27 =	vadd.f32 v12, v61;
	v28 =	vadd.f32 v24, v62;
	v26 =	vpop (erf)  }
0x4de: {  	v29 =	vadd.f32 v25, v62;
	v30 =	vadd.f32 v26, v63;
	_ =	sdelay $0x1  }
0x4df: {  	v31 =	vadd.f32 v28, v27;
	v32 =	vadd.f32 v30, v29;
	_ =	sdelay $0x1  }
0x4e0: {  	v20 =	vadd.f32 v32, v31;
	_ =	sdelay $0x1  }
0x4e1: {  	(erf) = vrcp.f32 v20;
	_ =	sdelay $0x1  }
0x4e2: {  	v7 =	vmax.f32 v61, v12;
	v2 =	vmul.f32 v27, v2;
	v3 =	vmul.f32 v28, v3  }
0x4e3: {  	v33 =	vmax.f32 v62, v24;
	v4 =	vmul.f32 v29, v36;
	v5 =	vmul.f32 v30, v37  }
0x4e4: {  	v10 =	vmax.f32 v62, v25;
	v7 =	vmin.f32 v7, v33;
	v11 =	vmax.f32 v63, v26  }
0x4e5: {  	v10 =	vmin.f32 v10, v11;
	v2 =	vadd.f32 v3, v2;
	v3 =	vadd.f32 v5, v4  }
0x4e6: {  	v7 =	vmin.f32 v7, v10  }
0x4e7: {  	v34 =	vadd.f32 v7, v7  }
0x4e8: {  	v2 =	vadd.f32 v3, v2  }
0x4e9: {  	vm9 =	vge.f32 v28, v34;
	v3 =	vpop (erf)  }
0x4ea: {  	vm10 =	vlt.f32 v9, $1.000000050e-03;
	vm0 =	vmneg vm9;
	v2 =	vmul.f32 v3, v2  }
0x4eb: {  	vm1 =	vmand vm10, vm0  }
0x4ec: {  	v2 =	vsel vm1, v8, v2  }
0x4ed: {  	v2 =	vsel vm0, v2, v6  }
0x4ee: {  	s31 =	sor.u32 $0x420, s28;
	[tilespmem:s25+$0x2440] =	vst v2  }
0x4ef: {  	v2 =	vld.idx.msk [tilespmem:v0+s31+$0x1000], $0xffff  }
0x4f0: {  	v3 =	vld.idx.msk [tilespmem:v1+s31+$0x1000], $0xffff;
	s31 =	sor.u32 $0x420, s29  }
0x4f1: {  	v35 =	vld.idx.msk [tilespmem:v0+s31+$0x1000], $0xffff  }
0x4f2: {  	v36 =	vld.idx.msk [tilespmem:v1+s31+$0x1000], $0xffff;
	_ =	sdelay $0x4  }
0x4f3: {  	v37 =	vadd.f32 v3, v2;
	v38 =	vadd.f32 v36, v35;
	_ =	sdelay $0x1  }
0x4f4: {  	v39 =	vadd.f32 v35, v3;
	v6 =	vadd.f32 v38, v37;
	_ =	sdelay $0x1  }
0x4f5: {  	v40 =	vmul.f32 $5.000000000e-01, v39;
	v6 =	vmul.f32 $2.500000000e-01, v6;
	_ =	sdelay $0x1  }
0x4f6: {  	v8 =	vadd.f32 v6, v40;
	_ =	sdelay $0x1  }
0x4f7: {  	v8 =	vmul.f32 $5.000000000e-01, v8;
	_ =	sdelay $0x1  }
0x4f8: {  	v41 =	vsub.f32 v3, v8;
	v42 =	vsub.f32 v35, v8  }
0x4f9: {  	v43 =	vsub.f32 v2, v8;
	v44 =	vsub.f32 v36, v8  }
0x4fa: {  	v9 =	vand.u32 $0x7FFFFFFF, v41;
	v10 =	vand.u32 $0x7FFFFFFF, v42  }
0x4fb: {  	v11 =	vand.u32 $0x7FFFFFFF, v43;
	v12 =	vand.u32 $0x7FFFFFFF, v44;
	v45 =	vadd.f32 v10, v9  }
0x4fc: {  	v9 =	vadd.f32 v9, v11;
	v10 =	vadd.f32 v12, v10  }
0x4fd: {  	v13 =	vmul.f32 $5.000000000e-01, v45  }
0x4fe: {  	v9 =	vadd.f32 v10, v9  }
0x4ff: {  	v46 =	vadd.f32 $9.999999740e-05, v13  }
0x500: {  	v9 =	vmul.f32 $2.500000000e-01, v9  }
0x501: {  	(erf) = vrcp.f32 v46  }
0x502: {  	v9 =	vadd.f32 $9.999999740e-05, v9;
	_ =	sdelay $0x1  }
0x503: {  	(erf) = vrcp.f32 v9;
	_ =	sdelay $0x4  }
0x504: {  	v7 =	vsub.f32 v36, v40  }
0x505: {  	v48 =	vsub.f32 v2, v40;
	v52 =	vsub.f32 v2, v6;
	v47 =	vpop (erf)  }
0x506: {  	v49 =	vsub.f32 v3, v40;
	v7 =	vmul.f32 v7, v7;
	v10 =	vmul.f32 v47, v47  }
0x507: {  	v53 =	vsub.f32 v3, v6;
	v54 =	vmul.f32 v52, v52;
	v11 =	vmul.f32 v48, v48  }
0x508: {  	v12 =	vmul.f32 v49, v49;
	v50 =	vpop (erf);
	v10 =	vmul.f32 $-5.000000000e-01, v10  }
0x509: {  	v56 =	vmul.f32 v53, v53;
	v13 =	vmul.f32 v50, v50  }
0x50a: {  	v55 =	vsub.f32 v35, v6;
	v11 =	vmul.f32 v10, v11;
	v12 =	vmul.f32 v10, v12  }
0x50b: {  	v7 =	vmul.f32 v10, v7;
	v51 =	vmul.f32 $-5.000000000e-01, v13  }
0x50c: {  	v57 =	vsub.f32 v36, v6;
	v13 =	vmul.f32 v55, v55;
	v11 =	vmul.f32 $1.442695020e+00, v11  }
0x50d: {  	v12 =	vmul.f32 $1.442695020e+00, v12;
	v7 =	vmul.f32 $1.442695020e+00, v7  }
0x50e: {  	(erf) = vpow2.f32 v11;
	v11 =	vmul.f32 v57, v57  }
0x50f: {  	(erf) = vpow2.f32 v12;
	v12 =	vmul.f32 v51, v54  }
0x510: {  	(erf) = vpow2.f32 v7;
	v7 =	vmul.f32 v51, v56  }
0x511: {  	v13 =	vmul.f32 v51, v13;
	v12 =	vmul.f32 $1.442695020e+00, v12  }
0x512: {  	v10 =	vmul.f32 v51, v11;
	v7 =	vmul.f32 $1.442695020e+00, v7  }
0x513: {  	v58 =	vmul.f32 $1.442695020e+00, v13;
	(erf) = vpow2.f32 v12  }
0x514: {  	v59 =	vmul.f32 $1.442695020e+00, v10;
	(erf) = vpow2.f32 v7  }
0x515: {  	(erf) = vpow2.f32 v58  }
0x516: {  	(erf) = vpow2.f32 v59;
	_ =	sdelay $0x2  }
0x517: {  	v60 =	vpop (erf)  }
0x518: {  	v61 =	vpop (erf)  }
0x519: {  	v62 =	vpop (erf)  }
0x51a: {  	v12 =	vpop (erf)  }
0x51b: {  	v63 =	vpop (erf)  }
0x51c: {  	v24 =	vpop (erf)  }
0x51d: {  	v26 =	vadd.f32 v12, v60;
	v27 =	vadd.f32 v63, v61;
	v25 =	vpop (erf)  }
0x51e: {  	v28 =	vadd.f32 v24, v61;
	v29 =	vadd.f32 v25, v62;
	_ =	sdelay $0x1  }
0x51f: {  	v30 =	vadd.f32 v27, v26;
	v31 =	vadd.f32 v29, v28;
	_ =	sdelay $0x1  }
0x520: {  	v20 =	vadd.f32 v31, v30;
	_ =	sdelay $0x1  }
0x521: {  	(erf) = vrcp.f32 v20;
	_ =	sdelay $0x1  }
0x522: {  	v7 =	vmax.f32 v60, v12;
	v2 =	vmul.f32 v26, v2;
	v3 =	vmul.f32 v27, v3  }
0x523: {  	v32 =	vmax.f32 v61, v63;
	v4 =	vmul.f32 v28, v35;
	v5 =	vmul.f32 v29, v36  }
0x524: {  	v10 =	vmax.f32 v61, v24;
	v7 =	vmin.f32 v7, v32;
	v11 =	vmax.f32 v62, v25  }
0x525: {  	v10 =	vmin.f32 v10, v11;
	v2 =	vadd.f32 v3, v2;
	v3 =	vadd.f32 v5, v4  }
0x526: {  	v7 =	vmin.f32 v7, v10  }
0x527: {  	v33 =	vadd.f32 v7, v7  }
0x528: {  	v2 =	vadd.f32 v3, v2  }
0x529: {  	vm11 =	vge.f32 v27, v33;
	v3 =	vpop (erf)  }
0x52a: {  	vm12 =	vlt.f32 v9, $1.000000050e-03;
	vm0 =	vmneg vm11;
	v2 =	vmul.f32 v3, v2  }
0x52b: {  	vm1 =	vmand vm12, vm0  }
0x52c: {  	v2 =	vsel vm1, v8, v2  }
0x52d: {  	v2 =	vsel vm0, v2, v6  }
0x52e: {  	s28 =	sor.u32 $0x440, s28;
	[tilespmem:s25+$0x2450] =	vst v2  }
0x52f: {  	v6 =	vld.idx.msk [tilespmem:v0+s28+$0x1000], $0xffff  }
0x530: {  	s31 =	sor.u32 $0x440, s29;
	v4 =	vld.idx.msk [tilespmem:v1+s28+$0x1000], $0xffff  }
0x531: {  	v7 =	vld.idx.msk [tilespmem:v0+s31+$0x1000], $0xffff  }
0x532: {  	v5 =	vld.idx.msk [tilespmem:v1+s31+$0x1000], $0xffff;
	_ =	sdelay $0x4  }
0x533: {  	v2 =	vadd.f32 v4, v6;
	v3 =	vadd.f32 v5, v7;
	_ =	sdelay $0x1  }
0x534: {  	v34 =	vadd.f32 v7, v4;
	v2 =	vadd.f32 v3, v2;
	_ =	sdelay $0x1  }
0x535: {  	v35 =	vmul.f32 $5.000000000e-01, v34;
	v2 =	vmul.f32 $2.500000000e-01, v2;
	_ =	sdelay $0x1  }
0x536: {  	v3 =	vadd.f32 v2, v35;
	_ =	sdelay $0x1  }
0x537: {  	v3 =	vmul.f32 $5.000000000e-01, v3;
	_ =	sdelay $0x1  }
0x538: {  	v36 =	vsub.f32 v4, v3;
	v37 =	vsub.f32 v7, v3  }
0x539: {  	v38 =	vsub.f32 v6, v3;
	v39 =	vsub.f32 v5, v3  }
0x53a: {  	v8 =	vand.u32 $0x7FFFFFFF, v36;
	v10 =	vand.u32 $0x7FFFFFFF, v37  }
0x53b: {  	v11 =	vand.u32 $0x7FFFFFFF, v38;
	v12 =	vand.u32 $0x7FFFFFFF, v39;
	v40 =	vadd.f32 v10, v8  }
0x53c: {  	v8 =	vadd.f32 v8, v11;
	v10 =	vadd.f32 v12, v10  }
0x53d: {  	v13 =	vmul.f32 $5.000000000e-01, v40  }
0x53e: {  	v8 =	vadd.f32 v10, v8  }
0x53f: {  	v41 =	vadd.f32 $9.999999740e-05, v13  }
0x540: {  	v8 =	vmul.f32 $2.500000000e-01, v8  }
0x541: {  	(erf) = vrcp.f32 v41  }
0x542: {  	v8 =	vadd.f32 $9.999999740e-05, v8;
	_ =	sdelay $0x1  }
0x543: {  	(erf) = vrcp.f32 v8;
	_ =	sdelay $0x4  }
0x544: {  	v9 =	vsub.f32 v5, v35  }
0x545: {  	v43 =	vsub.f32 v6, v35;
	v47 =	vsub.f32 v6, v2;
	v42 =	vpop (erf)  }
0x546: {  	v44 =	vsub.f32 v4, v35;
	v9 =	vmul.f32 v9, v9;
	v10 =	vmul.f32 v42, v42  }
0x547: {  	s29 =	sadd.s32 $0x100, s24;
	v48 =	vsub.f32 v4, v2;
	v49 =	vmul.f32 v47, v47;
	v11 =	vmul.f32 v43, v43  }
0x548: {  	s28 =	sand.u32 $0x300, s29;
	v12 =	vmul.f32 v44, v44;
	v45 =	vpop (erf);
	v10 =	vmul.f32 $-5.000000000e-01, v10  }
0x549: {  	s26 =	sor.u32 s28, s26;
	v51 =	vmul.f32 v48, v48;
	v13 =	vmul.f32 v45, v45  }
0x54a: {  	v53 =	vld.idx.msk [tilespmem:v0+s26+$0x0], $0xffff;
	v50 =	vsub.f32 v7, v2;
	v11 =	vmul.f32 v10, v11;
	v12 =	vmul.f32 v10, v12  }
0x54b: {  	v22 =	vld.idx.msk [tilespmem:v1+s26+$0x0], $0xffff;
	s28 =	sor.u32 $0x80, s26;
	v9 =	vmul.f32 v10, v9;
	v46 =	vmul.f32 $-5.000000000e-01, v13  }
0x54c: {  	v23 =	vld.idx.msk [tilespmem:v0+s28+$0x0], $0xffff;
	v52 =	vsub.f32 v5, v2;
	v13 =	vmul.f32 v50, v50;
	v11 =	vmul.f32 $1.442695020e+00, v11  }
0x54d: {  	v24 =	vld.idx.msk [tilespmem:v1+s28+$0x0], $0xffff;
	v12 =	vmul.f32 $1.442695020e+00, v12;
	v9 =	vmul.f32 $1.442695020e+00, v9  }
0x54e: {  	(erf) = vpow2.f32 v11;
	v11 =	vmul.f32 v52, v52  }
0x54f: {  	(erf) = vpow2.f32 v12;
	v12 =	vmul.f32 v46, v49  }
0x550: {  	(erf) = vpow2.f32 v9;
	v9 =	vmul.f32 v46, v51  }
0x551: {  	v56 =	vadd.f32 v22, v53;
	v13 =	vmul.f32 v46, v13;
	v12 =	vmul.f32 $1.442695020e+00, v12  }
0x552: {  	v57 =	vadd.f32 v24, v23;
	v10 =	vmul.f32 v46, v11;
	v9 =	vmul.f32 $1.442695020e+00, v9  }
0x553: {  	v58 =	vadd.f32 v23, v22;
	v54 =	vmul.f32 $1.442695020e+00, v13;
	(erf) = vpow2.f32 v12  }
0x554: {  	v55 =	vmul.f32 $1.442695020e+00, v10;
	(erf) = vpow2.f32 v9;
	v9 =	vadd.f32 v57, v56  }
0x555: {  	v25 =	vmul.f32 $5.000000000e-01, v58;
	(erf) = vpow2.f32 v54  }
0x556: {  	(erf) = vpow2.f32 v55;
	v26 =	vmul.f32 $2.500000000e-01, v9;
	_ =	sdelay $0x1  }
0x557: {  	v13 =	vadd.f32 v26, v25  }
0x558: {  	v12 =	vpop (erf)  }
0x559: {  	v11 =	vpop (erf);
	v27 =	vmul.f32 $5.000000000e-01, v13  }
0x55a: {  	v10 =	vpop (erf)  }
0x55b: {  	v19 =	vpop (erf);
	v13 =	vsub.f32 v22, v27;
	v28 =	vsub.f32 v23, v27  }
0x55c: {  	v31 =	vsub.f32 v53, v27;
	v32 =	vsub.f32 v24, v27;
	v20 =	vpop (erf)  }
0x55d: {  	v17 =	vadd.f32 v19, v12;
	v16 =	vpop (erf);
	v9 =	vadd.f32 v20, v11;
	v13 =	vand.u32 $0x7FFFFFFF, v13  }
0x55e: {  	v28 =	vand.u32 $0x7FFFFFFF, v28;
	v59 =	vand.u32 $0x7FFFFFFF, v31;
	v14 =	vpop (erf);
	v18 =	vadd.f32 v16, v11  }
0x55f: {  	v60 =	vand.u32 $0x7FFFFFFF, v32;
	v33 =	vadd.f32 v28, v13;
	v15 =	vadd.f32 v14, v10  }
0x560: {  	v13 =	vadd.f32 v13, v59;
	v28 =	vadd.f32 v60, v28  }
0x561: {  	v29 =	vadd.f32 v9, v17;
	v30 =	vadd.f32 v15, v18  }
0x562: {  	v61 =	vmul.f32 $5.000000000e-01, v33;
	v13 =	vadd.f32 v28, v13  }
0x563: {  	v29 =	vadd.f32 v30, v29  }
0x564: {  	v62 =	vadd.f32 $9.999999740e-05, v61;
	v13 =	vmul.f32 $2.500000000e-01, v13  }
0x565: {  	(erf) = vrcp.f32 v29  }
0x566: {  	v63 =	vadd.f32 $9.999999740e-05, v13;
	(erf) = vrcp.f32 v62;
	_ =	sdelay $0x1  }
0x567: {  	(erf) = vrcp.f32 v63;
	_ =	sdelay $0x4  }
0x568: {  	v35 =	vsub.f32 v53, v25  }
0x569: {  	v36 =	vsub.f32 v22, v25;
	v25 =	vsub.f32 v24, v25;
	v13 =	vpop (erf)  }
0x56a: {  	v39 =	vsub.f32 v53, v26;
	v34 =	vpop (erf)  }
0x56b: {  	v25 =	vmul.f32 v25, v25;
	v29 =	vmul.f32 v34, v34  }
0x56c: {  	v40 =	vsub.f32 v22, v26;
	v41 =	vmul.f32 v39, v39;
	v30 =	vmul.f32 v35, v35;
	v37 =	vpop (erf)  }
0x56d: {  	v32 =	vmul.f32 v37, v37;
	v29 =	vmul.f32 $-5.000000000e-01, v29  }
0x56e: {  	v43 =	vmul.f32 v40, v40;
	v31 =	vmul.f32 v36, v36  }
0x56f: {  	v42 =	vsub.f32 v23, v26;
	v38 =	vmul.f32 $-5.000000000e-01, v32;
	v30 =	vmul.f32 v29, v30  }
0x570: {  	v31 =	vmul.f32 v29, v31;
	v25 =	vmul.f32 v29, v25  }
0x571: {  	v44 =	vsub.f32 v24, v26;
	v32 =	vmul.f32 v42, v42;
	v30 =	vmul.f32 $1.442695020e+00, v30  }
0x572: {  	v31 =	vmul.f32 $1.442695020e+00, v31;
	v25 =	vmul.f32 $1.442695020e+00, v25  }
0x573: {  	(erf) = vpow2.f32 v30;
	v30 =	vmul.f32 v44, v44  }
0x574: {  	(erf) = vpow2.f32 v31;
	v31 =	vmul.f32 v38, v41  }
0x575: {  	(erf) = vpow2.f32 v25;
	v25 =	vmul.f32 v38, v43  }
0x576: {  	v32 =	vmul.f32 v38, v32;
	v31 =	vmul.f32 $1.442695020e+00, v31  }
0x577: {  	v29 =	vmul.f32 v38, v30;
	v25 =	vmul.f32 $1.442695020e+00, v25  }
0x578: {  	v45 =	vmul.f32 $1.442695020e+00, v32;
	(erf) = vpow2.f32 v31  }
0x579: {  	v46 =	vmul.f32 $1.442695020e+00, v29;
	(erf) = vpow2.f32 v25  }
0x57a: {  	(erf) = vpow2.f32 v45  }
0x57b: {  	(erf) = vpow2.f32 v46;
	_ =	sdelay $0x2  }
0x57c: {  	v47 =	vpop (erf)  }
0x57d: {  	v48 =	vpop (erf)  }
0x57e: {  	v49 =	vpop (erf)  }
0x57f: {  	v31 =	vpop (erf)  }
0x580: {  	v50 =	vpop (erf)  }
0x581: {  	v51 =	vpop (erf)  }
0x582: {  	v35 =	vadd.f32 v31, v47;
	v36 =	vadd.f32 v50, v48;
	v34 =	vpop (erf)  }
0x583: {  	v37 =	vadd.f32 v51, v48;
	v38 =	vadd.f32 v34, v49;
	_ =	sdelay $0x1  }
0x584: {  	v39 =	vadd.f32 v36, v35;
	v40 =	vadd.f32 v38, v37;
	_ =	sdelay $0x1  }
0x585: {  	v39 =	vadd.f32 v40, v39;
	_ =	sdelay $0x1  }
0x586: {  	(erf) = vrcp.f32 v39;
	_ =	sdelay $0x1  }
0x587: {  	v25 =	vmax.f32 v47, v31;
	v52 =	vmax.f32 v48, v50  }
0x588: {  	v29 =	vmax.f32 v48, v51;
	v21 =	vmul.f32 v35, v53;
	v22 =	vmul.f32 v36, v22  }
0x589: {  	v30 =	vmax.f32 v49, v34;
	v23 =	vmul.f32 v37, v23;
	v24 =	vmul.f32 v38, v24  }
0x58a: {  	v25 =	vmin.f32 v25, v52;
	v29 =	vmin.f32 v29, v30  }
0x58b: {  	v25 =	vmin.f32 v25, v29;
	v21 =	vadd.f32 v22, v21;
	v53 =	vadd.f32 v24, v23  }
0x58c: {  	v54 =	vadd.f32 v25, v25  }
0x58d: {  	v21 =	vadd.f32 v53, v21  }
0x58e: {  	vm13 =	vge.f32 v36, v54;
	v55 =	vpop (erf)  }
0x58f: {  	vm14 =	vlt.f32 v63, $1.000000050e-03;
	vm0 =	vmneg vm13;
	v21 =	vmul.f32 v55, v21  }
0x590: {  	vm1 =	vmand vm14, vm0  }
0x591: {  	v21 =	vsel vm1, v27, v21  }
0x592: {  	v21 =	vsel vm0, v21, v26  }
0x593: {  	s30 =	sor.u32 $0x20, s26;
	[tilespmem:s25+$0x2480] =	vst v21  }
0x594: {  	v21 =	vld.idx.msk [tilespmem:v0+s30+$0x0], $0xffff  }
0x595: {  	s31 =	sor.u32 $0xA0, s26;
	v22 =	vld.idx.msk [tilespmem:v1+s30+$0x0], $0xffff  }
0x596: {  	v23 =	vld.idx.msk [tilespmem:v0+s31+$0x0], $0xffff  }
0x597: {  	v24 =	vld.idx.msk [tilespmem:v1+s31+$0x0], $0xffff;
	_ =	sdelay $0x4  }
0x598: {  	v56 =	vadd.f32 v22, v21;
	v57 =	vadd.f32 v24, v23;
	_ =	sdelay $0x1  }
0x599: {  	v58 =	vadd.f32 v23, v22;
	v25 =	vadd.f32 v57, v56;
	_ =	sdelay $0x1  }
0x59a: {  	v59 =	vmul.f32 $5.000000000e-01, v58;
	v25 =	vmul.f32 $2.500000000e-01, v25;
	_ =	sdelay $0x1  }
0x59b: {  	v27 =	vadd.f32 v25, v59;
	_ =	sdelay $0x1  }
0x59c: {  	v27 =	vmul.f32 $5.000000000e-01, v27;
	_ =	sdelay $0x1  }
0x59d: {  	v60 =	vsub.f32 v22, v27;
	v61 =	vsub.f32 v23, v27  }
0x59e: {  	v62 =	vsub.f32 v21, v27;
	v63 =	vsub.f32 v24, v27  }
0x59f: {  	v28 =	vand.u32 $0x7FFFFFFF, v60;
	v29 =	vand.u32 $0x7FFFFFFF, v61  }
0x5a0: {  	v30 =	vand.u32 $0x7FFFFFFF, v62;
	v31 =	vand.u32 $0x7FFFFFFF, v63;
	v36 =	vadd.f32 v29, v28  }
0x5a1: {  	v28 =	vadd.f32 v28, v30;
	v29 =	vadd.f32 v31, v29  }
0x5a2: {  	v32 =	vmul.f32 $5.000000000e-01, v36  }
0x5a3: {  	v28 =	vadd.f32 v29, v28  }
0x5a4: {  	v37 =	vadd.f32 $9.999999740e-05, v32  }
0x5a5: {  	v28 =	vmul.f32 $2.500000000e-01, v28  }
0x5a6: {  	(erf) = vrcp.f32 v37  }
0x5a7: {  	v28 =	vadd.f32 $9.999999740e-05, v28;
	_ =	sdelay $0x1  }
0x5a8: {  	(erf) = vrcp.f32 v28;
	_ =	sdelay $0x4  }
0x5a9: {  	v26 =	vsub.f32 v24, v59  }
0x5aa: {  	v39 =	vsub.f32 v21, v59;
	v43 =	vsub.f32 v21, v25;
	v38 =	vpop (erf)  }
0x5ab: {  	v40 =	vsub.f32 v22, v59;
	v26 =	vmul.f32 v26, v26;
	v29 =	vmul.f32 v38, v38  }
0x5ac: {  	v44 =	vsub.f32 v22, v25;
	v45 =	vmul.f32 v43, v43;
	v30 =	vmul.f32 v39, v39  }
0x5ad: {  	v31 =	vmul.f32 v40, v40;
	v41 =	vpop (erf);
	v29 =	vmul.f32 $-5.000000000e-01, v29  }
0x5ae: {  	v47 =	vmul.f32 v44, v44;
	v32 =	vmul.f32 v41, v41  }
0x5af: {  	v46 =	vsub.f32 v23, v25;
	v30 =	vmul.f32 v29, v30;
	v31 =	vmul.f32 v29, v31  }
0x5b0: {  	v26 =	vmul.f32 v29, v26;
	v42 =	vmul.f32 $-5.000000000e-01, v32  }
0x5b1: {  	v48 =	vsub.f32 v24, v25;
	v32 =	vmul.f32 v46, v46;
	v30 =	vmul.f32 $1.442695020e+00, v30  }
0x5b2: {  	v31 =	vmul.f32 $1.442695020e+00, v31;
	v26 =	vmul.f32 $1.442695020e+00, v26  }
0x5b3: {  	(erf) = vpow2.f32 v30;
	v30 =	vmul.f32 v48, v48  }
0x5b4: {  	(erf) = vpow2.f32 v31;
	v31 =	vmul.f32 v42, v45  }
0x5b5: {  	(erf) = vpow2.f32 v26;
	v26 =	vmul.f32 v42, v47  }
0x5b6: {  	v32 =	vmul.f32 v42, v32;
	v31 =	vmul.f32 $1.442695020e+00, v31  }
0x5b7: {  	v29 =	vmul.f32 v42, v30;
	v26 =	vmul.f32 $1.442695020e+00, v26  }
0x5b8: {  	v49 =	vmul.f32 $1.442695020e+00, v32;
	(erf) = vpow2.f32 v31  }
0x5b9: {  	v50 =	vmul.f32 $1.442695020e+00, v29;
	(erf) = vpow2.f32 v26  }
0x5ba: {  	(erf) = vpow2.f32 v49  }
0x5bb: {  	(erf) = vpow2.f32 v50;
	_ =	sdelay $0x2  }
0x5bc: {  	v51 =	vpop (erf)  }
0x5bd: {  	v52 =	vpop (erf)  }
0x5be: {  	v53 =	vpop (erf)  }
0x5bf: {  	v31 =	vpop (erf)  }
0x5c0: {  	v54 =	vpop (erf)  }
0x5c1: {  	v55 =	vpop (erf)  }
0x5c2: {  	v57 =	vadd.f32 v31, v51;
	v58 =	vadd.f32 v54, v52;
	v56 =	vpop (erf)  }
0x5c3: {  	v59 =	vadd.f32 v55, v52;
	v60 =	vadd.f32 v56, v53;
	_ =	sdelay $0x1  }
0x5c4: {  	v61 =	vadd.f32 v58, v57;
	v62 =	vadd.f32 v60, v59;
	_ =	sdelay $0x1  }
0x5c5: {  	v39 =	vadd.f32 v62, v61;
	_ =	sdelay $0x1  }
0x5c6: {  	(erf) = vrcp.f32 v39;
	_ =	sdelay $0x1  }
0x5c7: {  	v26 =	vmax.f32 v51, v31;
	v63 =	vmax.f32 v52, v54  }
0x5c8: {  	v29 =	vmax.f32 v52, v55;
	v21 =	vmul.f32 v57, v21;
	v22 =	vmul.f32 v58, v22  }
0x5c9: {  	v30 =	vmax.f32 v53, v56;
	v23 =	vmul.f32 v59, v23;
	v24 =	vmul.f32 v60, v24  }
0x5ca: {  	v26 =	vmin.f32 v26, v63;
	v29 =	vmin.f32 v29, v30  }
0x5cb: {  	v26 =	vmin.f32 v26, v29;
	v21 =	vadd.f32 v22, v21;
	v34 =	vadd.f32 v24, v23  }
0x5cc: {  	v35 =	vadd.f32 v26, v26  }
0x5cd: {  	v21 =	vadd.f32 v34, v21  }
0x5ce: {  	vm15 =	vge.f32 v58, v35;
	v36 =	vpop (erf)  }
0x5cf: {  	vm4 =	vlt.f32 v28, $1.000000050e-03;
	vm0 =	vmneg vm15;
	v21 =	vmul.f32 v36, v21  }
0x5d0: {  	vm1 =	vmand vm4, vm0  }
0x5d1: {  	v21 =	vsel vm1, v27, v21  }
0x5d2: {  	v21 =	vsel vm0, v21, v25  }
0x5d3: {  	s29 =	sor.u32 $0x40, s26;
	[tilespmem:s25+$0x2490] =	vst v21  }
0x5d4: {  	v21 =	vld.idx.msk [tilespmem:v0+s29+$0x0], $0xffff  }
0x5d5: {  	s30 =	sor.u32 $0xC0, s26;
	v22 =	vld.idx.msk [tilespmem:v1+s29+$0x0], $0xffff  }
0x5d6: {  	v23 =	vld.idx.msk [tilespmem:v0+s30+$0x0], $0xffff  }
0x5d7: {  	v24 =	vld.idx.msk [tilespmem:v1+s30+$0x0], $0xffff;
	_ =	sdelay $0x4  }
0x5d8: {  	v37 =	vadd.f32 v22, v21;
	v38 =	vadd.f32 v24, v23;
	_ =	sdelay $0x1  }
0x5d9: {  	v39 =	vadd.f32 v23, v22;
	v25 =	vadd.f32 v38, v37;
	_ =	sdelay $0x1  }
0x5da: {  	v40 =	vmul.f32 $5.000000000e-01, v39;
	v25 =	vmul.f32 $2.500000000e-01, v25;
	_ =	sdelay $0x1  }
0x5db: {  	v27 =	vadd.f32 v25, v40;
	_ =	sdelay $0x1  }
0x5dc: {  	v27 =	vmul.f32 $5.000000000e-01, v27;
	_ =	sdelay $0x1  }
0x5dd: {  	v41 =	vsub.f32 v22, v27;
	v42 =	vsub.f32 v23, v27  }
0x5de: {  	v43 =	vsub.f32 v21, v27;
	v44 =	vsub.f32 v24, v27  }
0x5df: {  	v28 =	vand.u32 $0x7FFFFFFF, v41;
	v29 =	vand.u32 $0x7FFFFFFF, v42  }
0x5e0: {  	v30 =	vand.u32 $0x7FFFFFFF, v43;
	v31 =	vand.u32 $0x7FFFFFFF, v44;
	v45 =	vadd.f32 v29, v28  }
0x5e1: {  	v28 =	vadd.f32 v28, v30;
	v29 =	vadd.f32 v31, v29  }
0x5e2: {  	v32 =	vmul.f32 $5.000000000e-01, v45  }
0x5e3: {  	v28 =	vadd.f32 v29, v28  }
0x5e4: {  	v46 =	vadd.f32 $9.999999740e-05, v32  }
0x5e5: {  	v28 =	vmul.f32 $2.500000000e-01, v28  }
0x5e6: {  	(erf) = vrcp.f32 v46  }
0x5e7: {  	v28 =	vadd.f32 $9.999999740e-05, v28;
	_ =	sdelay $0x1  }
0x5e8: {  	(erf) = vrcp.f32 v28;
	_ =	sdelay $0x4  }
0x5e9: {  	v26 =	vsub.f32 v24, v40  }
0x5ea: {  	v48 =	vsub.f32 v21, v40;
	v52 =	vsub.f32 v21, v25;
	v47 =	vpop (erf)  }
0x5eb: {  	v49 =	vsub.f32 v22, v40;
	v26 =	vmul.f32 v26, v26;
	v29 =	vmul.f32 v47, v47  }
0x5ec: {  	v53 =	vsub.f32 v22, v25;
	v54 =	vmul.f32 v52, v52;
	v30 =	vmul.f32 v48, v48  }
0x5ed: {  	v31 =	vmul.f32 v49, v49;
	v50 =	vpop (erf);
	v29 =	vmul.f32 $-5.000000000e-01, v29  }
0x5ee: {  	v56 =	vmul.f32 v53, v53;
	v32 =	vmul.f32 v50, v50  }
0x5ef: {  	v55 =	vsub.f32 v23, v25;
	v30 =	vmul.f32 v29, v30;
	v31 =	vmul.f32 v29, v31  }
0x5f0: {  	v26 =	vmul.f32 v29, v26;
	v51 =	vmul.f32 $-5.000000000e-01, v32  }
0x5f1: {  	v57 =	vsub.f32 v24, v25;
	v32 =	vmul.f32 v55, v55;
	v30 =	vmul.f32 $1.442695020e+00, v30  }
0x5f2: {  	v31 =	vmul.f32 $1.442695020e+00, v31;
	v26 =	vmul.f32 $1.442695020e+00, v26  }
0x5f3: {  	(erf) = vpow2.f32 v30;
	v30 =	vmul.f32 v57, v57  }
0x5f4: {  	(erf) = vpow2.f32 v31;
	v31 =	vmul.f32 v51, v54  }
0x5f5: {  	(erf) = vpow2.f32 v26;
	v26 =	vmul.f32 v51, v56  }
0x5f6: {  	v32 =	vmul.f32 v51, v32;
	v31 =	vmul.f32 $1.442695020e+00, v31  }
0x5f7: {  	v29 =	vmul.f32 v51, v30;
	v26 =	vmul.f32 $1.442695020e+00, v26  }
0x5f8: {  	v58 =	vmul.f32 $1.442695020e+00, v32;
	(erf) = vpow2.f32 v31  }
0x5f9: {  	v59 =	vmul.f32 $1.442695020e+00, v29;
	(erf) = vpow2.f32 v26  }
0x5fa: {  	(erf) = vpow2.f32 v58  }
0x5fb: {  	(erf) = vpow2.f32 v59;
	_ =	sdelay $0x2  }
0x5fc: {  	v60 =	vpop (erf)  }
0x5fd: {  	v61 =	vpop (erf)  }
0x5fe: {  	v62 =	vpop (erf)  }
0x5ff: {  	v31 =	vpop (erf)  }
0x600: {  	v63 =	vpop (erf)  }
0x601: {  	v44 =	vpop (erf)  }
0x602: {  	v46 =	vadd.f32 v31, v60;
	v47 =	vadd.f32 v63, v61;
	v45 =	vpop (erf)  }
0x603: {  	v48 =	vadd.f32 v44, v61;
	v49 =	vadd.f32 v45, v62;
	_ =	sdelay $0x1  }
0x604: {  	v50 =	vadd.f32 v47, v46;
	v51 =	vadd.f32 v49, v48;
	_ =	sdelay $0x1  }
0x605: {  	v39 =	vadd.f32 v51, v50;
	_ =	sdelay $0x1  }
0x606: {  	(erf) = vrcp.f32 v39;
	_ =	sdelay $0x1  }
0x607: {  	v26 =	vmax.f32 v60, v31;
	v52 =	vmax.f32 v61, v63  }
0x608: {  	v29 =	vmax.f32 v61, v44;
	v21 =	vmul.f32 v46, v21;
	v22 =	vmul.f32 v47, v22  }
0x609: {  	v30 =	vmax.f32 v62, v45;
	v23 =	vmul.f32 v48, v23;
	v24 =	vmul.f32 v49, v24  }
0x60a: {  	v26 =	vmin.f32 v26, v52;
	v29 =	vmin.f32 v29, v30  }
0x60b: {  	v26 =	vmin.f32 v26, v29;
	v21 =	vadd.f32 v22, v21;
	v53 =	vadd.f32 v24, v23  }
0x60c: {  	v54 =	vadd.f32 v26, v26  }
0x60d: {  	v21 =	vadd.f32 v53, v21  }
0x60e: {  	vm5 =	vge.f32 v47, v54;
	v55 =	vpop (erf)  }
0x60f: {  	vm6 =	vlt.f32 v28, $1.000000050e-03;
	vm0 =	vmneg vm5;
	v21 =	vmul.f32 v55, v21  }
0x610: {  	vm1 =	vmand vm6, vm0  }
0x611: {  	v21 =	vsel vm1, v27, v21  }
0x612: {  	v21 =	vsel vm0, v21, v25  }
0x613: {  	s31 =	sor.u32 $0x60, s26;
	[tilespmem:s25+$0x24A0] =	vst v21  }
0x614: {  	v21 =	vld.idx.msk [tilespmem:v0+s31+$0x0], $0xffff  }
0x615: {  	s26 =	sor.u32 $0xE0, s26;
	v22 =	vld.idx.msk [tilespmem:v1+s31+$0x0], $0xffff  }
0x616: {  	v23 =	vld.idx.msk [tilespmem:v0+s26+$0x0], $0xffff  }
0x617: {  	v24 =	vld.idx.msk [tilespmem:v1+s26+$0x0], $0xffff;
	_ =	sdelay $0x4  }
0x618: {  	v56 =	vadd.f32 v22, v21;
	v57 =	vadd.f32 v24, v23;
	_ =	sdelay $0x1  }
0x619: {  	v58 =	vadd.f32 v23, v22;
	v25 =	vadd.f32 v57, v56;
	_ =	sdelay $0x1  }
0x61a: {  	v59 =	vmul.f32 $5.000000000e-01, v58;
	v25 =	vmul.f32 $2.500000000e-01, v25;
	_ =	sdelay $0x1  }
0x61b: {  	v27 =	vadd.f32 v25, v59;
	_ =	sdelay $0x1  }
0x61c: {  	v27 =	vmul.f32 $5.000000000e-01, v27;
	_ =	sdelay $0x1  }
0x61d: {  	v60 =	vsub.f32 v22, v27;
	v61 =	vsub.f32 v23, v27  }
0x61e: {  	v62 =	vsub.f32 v21, v27;
	v63 =	vsub.f32 v24, v27  }
0x61f: {  	v28 =	vand.u32 $0x7FFFFFFF, v60;
	v29 =	vand.u32 $0x7FFFFFFF, v61  }
0x620: {  	v30 =	vand.u32 $0x7FFFFFFF, v62;
	v31 =	vand.u32 $0x7FFFFFFF, v63;
	v36 =	vadd.f32 v29, v28  }
0x621: {  	v28 =	vadd.f32 v28, v30;
	v29 =	vadd.f32 v31, v29  }
0x622: {  	v32 =	vmul.f32 $5.000000000e-01, v36  }
0x623: {  	v28 =	vadd.f32 v29, v28  }
0x624: {  	v37 =	vadd.f32 $9.999999740e-05, v32  }
0x625: {  	v28 =	vmul.f32 $2.500000000e-01, v28  }
0x626: {  	(erf) = vrcp.f32 v37  }
0x627: {  	v28 =	vadd.f32 $9.999999740e-05, v28;
	_ =	sdelay $0x1  }
0x628: {  	(erf) = vrcp.f32 v28;
	_ =	sdelay $0x4  }
0x629: {  	v26 =	vsub.f32 v24, v59  }
0x62a: {  	v39 =	vsub.f32 v21, v59;
	v43 =	vsub.f32 v21, v25;
	v38 =	vpop (erf)  }
0x62b: {  	v40 =	vsub.f32 v22, v59;
	v26 =	vmul.f32 v26, v26;
	v29 =	vmul.f32 v38, v38  }
0x62c: {  	v44 =	vsub.f32 v22, v25;
	v45 =	vmul.f32 v43, v43;
	v30 =	vmul.f32 v39, v39  }
0x62d: {  	v31 =	vmul.f32 v40, v40;
	v41 =	vpop (erf);
	v29 =	vmul.f32 $-5.000000000e-01, v29  }
0x62e: {  	v47 =	vmul.f32 v44, v44;
	v32 =	vmul.f32 v41, v41  }
0x62f: {  	v46 =	vsub.f32 v23, v25;
	v30 =	vmul.f32 v29, v30;
	v31 =	vmul.f32 v29, v31  }
0x630: {  	v26 =	vmul.f32 v29, v26;
	v42 =	vmul.f32 $-5.000000000e-01, v32  }
0x631: {  	v48 =	vsub.f32 v24, v25;
	v32 =	vmul.f32 v46, v46;
	v30 =	vmul.f32 $1.442695020e+00, v30  }
0x632: {  	v31 =	vmul.f32 $1.442695020e+00, v31;
	v26 =	vmul.f32 $1.442695020e+00, v26  }
0x633: {  	(erf) = vpow2.f32 v30;
	v30 =	vmul.f32 v48, v48  }
0x634: {  	(erf) = vpow2.f32 v31;
	v31 =	vmul.f32 v42, v45  }
0x635: {  	(erf) = vpow2.f32 v26;
	v26 =	vmul.f32 v42, v47  }
0x636: {  	v32 =	vmul.f32 v42, v32;
	v31 =	vmul.f32 $1.442695020e+00, v31  }
0x637: {  	v29 =	vmul.f32 v42, v30;
	v26 =	vmul.f32 $1.442695020e+00, v26  }
0x638: {  	v49 =	vmul.f32 $1.442695020e+00, v32;
	(erf) = vpow2.f32 v31  }
0x639: {  	v50 =	vmul.f32 $1.442695020e+00, v29;
	(erf) = vpow2.f32 v26  }
0x63a: {  	(erf) = vpow2.f32 v49  }
0x63b: {  	(erf) = vpow2.f32 v50;
	_ =	sdelay $0x2  }
0x63c: {  	v51 =	vpop (erf)  }
0x63d: {  	v52 =	vpop (erf)  }
0x63e: {  	v53 =	vpop (erf)  }
0x63f: {  	v31 =	vpop (erf)  }
0x640: {  	v54 =	vpop (erf)  }
0x641: {  	v55 =	vpop (erf)  }
0x642: {  	v57 =	vadd.f32 v31, v51;
	v58 =	vadd.f32 v54, v52;
	v56 =	vpop (erf)  }
0x643: {  	v59 =	vadd.f32 v55, v52;
	v60 =	vadd.f32 v56, v53;
	_ =	sdelay $0x1  }
0x644: {  	v61 =	vadd.f32 v58, v57;
	v62 =	vadd.f32 v60, v59;
	_ =	sdelay $0x1  }
0x645: {  	v39 =	vadd.f32 v62, v61;
	_ =	sdelay $0x1  }
0x646: {  	(erf) = vrcp.f32 v39;
	_ =	sdelay $0x1  }
0x647: {  	v26 =	vmax.f32 v51, v31;
	v63 =	vmax.f32 v52, v54  }
0x648: {  	v29 =	vmax.f32 v52, v55;
	v21 =	vmul.f32 v57, v21;
	v22 =	vmul.f32 v58, v22  }
0x649: {  	v30 =	vmax.f32 v53, v56;
	v23 =	vmul.f32 v59, v23;
	v24 =	vmul.f32 v60, v24  }
0x64a: {  	v26 =	vmin.f32 v26, v63;
	v29 =	vmin.f32 v29, v30  }
0x64b: {  	v26 =	vmin.f32 v26, v29;
	v21 =	vadd.f32 v22, v21;
	v34 =	vadd.f32 v24, v23  }
0x64c: {  	v35 =	vadd.f32 v26, v26  }
0x64d: {  	v21 =	vadd.f32 v34, v21  }
0x64e: {  	vm7 =	vge.f32 v58, v35;
	v36 =	vpop (erf)  }
0x64f: {  	s29 =	sand.u32 $0x3, s22;
	vm8 =	vlt.f32 v28, $1.000000050e-03;
	vm0 =	vmneg vm7;
	v21 =	vmul.f32 v36, v21  }
0x650: {  	s26 =	sshll.u32 s29, $0x8;
	vm1 =	vmand vm8, vm0  }
0x651: {  	s26 =	sadd.s32 s23, s26;
	v21 =	vsel vm1, v27, v21  }
0x652: {  	s28 =	sadd.s32 $0x100, s26;
	v21 =	vsel vm0, v21, v25  }
0x653: {  	s30 =	sor.u32 $0x400, s28;
	[tilespmem:s25+$0x24B0] =	vst v21  }
0x654: {  	s26 =	sadd.s32 $0x180, s26;
	v21 =	vld.idx.msk [tilespmem:v0+s30+$0x1000], $0xffff  }
0x655: {  	s31 =	sor.u32 $0x400, s26;
	v22 =	vld.idx.msk [tilespmem:v1+s30+$0x1000], $0xffff  }
0x656: {  	v23 =	vld.idx.msk [tilespmem:v0+s31+$0x1000], $0xffff  }
0x657: {  	v24 =	vld.idx.msk [tilespmem:v1+s31+$0x1000], $0xffff;
	_ =	sdelay $0x4  }
0x658: {  	v37 =	vadd.f32 v22, v21;
	v38 =	vadd.f32 v24, v23;
	_ =	sdelay $0x1  }
0x659: {  	v39 =	vadd.f32 v23, v22;
	v25 =	vadd.f32 v38, v37;
	_ =	sdelay $0x1  }
0x65a: {  	v40 =	vmul.f32 $5.000000000e-01, v39;
	v25 =	vmul.f32 $2.500000000e-01, v25;
	_ =	sdelay $0x1  }
0x65b: {  	v27 =	vadd.f32 v25, v40;
	_ =	sdelay $0x1  }
0x65c: {  	v27 =	vmul.f32 $5.000000000e-01, v27;
	_ =	sdelay $0x1  }
0x65d: {  	v41 =	vsub.f32 v22, v27;
	v42 =	vsub.f32 v23, v27  }
0x65e: {  	v43 =	vsub.f32 v21, v27;
	v44 =	vsub.f32 v24, v27  }
0x65f: {  	v28 =	vand.u32 $0x7FFFFFFF, v41;
	v29 =	vand.u32 $0x7FFFFFFF, v42  }
0x660: {  	v30 =	vand.u32 $0x7FFFFFFF, v43;
	v31 =	vand.u32 $0x7FFFFFFF, v44;
	v45 =	vadd.f32 v29, v28  }
0x661: {  	v28 =	vadd.f32 v28, v30;
	v29 =	vadd.f32 v31, v29  }
0x662: {  	v32 =	vmul.f32 $5.000000000e-01, v45  }
0x663: {  	v28 =	vadd.f32 v29, v28  }
0x664: {  	v46 =	vadd.f32 $9.999999740e-05, v32  }
0x665: {  	v28 =	vmul.f32 $2.500000000e-01, v28  }
0x666: {  	(erf) = vrcp.f32 v46  }
0x667: {  	v28 =	vadd.f32 $9.999999740e-05, v28;
	_ =	sdelay $0x1  }
0x668: {  	(erf) = vrcp.f32 v28;
	_ =	sdelay $0x4  }
0x669: {  	v26 =	vsub.f32 v24, v40  }
0x66a: {  	v48 =	vsub.f32 v21, v40;
	v52 =	vsub.f32 v21, v25;
	v47 =	vpop (erf)  }
0x66b: {  	v49 =	vsub.f32 v22, v40;
	v26 =	vmul.f32 v26, v26;
	v29 =	vmul.f32 v47, v47  }
0x66c: {  	v53 =	vsub.f32 v22, v25;
	v54 =	vmul.f32 v52, v52;
	v30 =	vmul.f32 v48, v48  }
0x66d: {  	v31 =	vmul.f32 v49, v49;
	v50 =	vpop (erf);
	v29 =	vmul.f32 $-5.000000000e-01, v29  }
0x66e: {  	v56 =	vmul.f32 v53, v53;
	v32 =	vmul.f32 v50, v50  }
0x66f: {  	v55 =	vsub.f32 v23, v25;
	v30 =	vmul.f32 v29, v30;
	v31 =	vmul.f32 v29, v31  }
0x670: {  	v26 =	vmul.f32 v29, v26;
	v51 =	vmul.f32 $-5.000000000e-01, v32  }
0x671: {  	v57 =	vsub.f32 v24, v25;
	v32 =	vmul.f32 v55, v55;
	v30 =	vmul.f32 $1.442695020e+00, v30  }
0x672: {  	v31 =	vmul.f32 $1.442695020e+00, v31;
	v26 =	vmul.f32 $1.442695020e+00, v26  }
0x673: {  	(erf) = vpow2.f32 v30;
	v30 =	vmul.f32 v57, v57  }
0x674: {  	(erf) = vpow2.f32 v31;
	v31 =	vmul.f32 v51, v54  }
0x675: {  	(erf) = vpow2.f32 v26;
	v26 =	vmul.f32 v51, v56  }
0x676: {  	v32 =	vmul.f32 v51, v32;
	v31 =	vmul.f32 $1.442695020e+00, v31  }
0x677: {  	v29 =	vmul.f32 v51, v30;
	v26 =	vmul.f32 $1.442695020e+00, v26  }
0x678: {  	v58 =	vmul.f32 $1.442695020e+00, v32;
	(erf) = vpow2.f32 v31  }
0x679: {  	v59 =	vmul.f32 $1.442695020e+00, v29;
	(erf) = vpow2.f32 v26  }
0x67a: {  	(erf) = vpow2.f32 v58  }
0x67b: {  	(erf) = vpow2.f32 v59;
	_ =	sdelay $0x2  }
0x67c: {  	v60 =	vpop (erf)  }
0x67d: {  	v61 =	vpop (erf)  }
0x67e: {  	v62 =	vpop (erf)  }
0x67f: {  	v31 =	vpop (erf)  }
0x680: {  	v63 =	vpop (erf)  }
0x681: {  	v44 =	vpop (erf)  }
0x682: {  	v46 =	vadd.f32 v31, v60;
	v47 =	vadd.f32 v63, v61;
	v45 =	vpop (erf)  }
0x683: {  	v48 =	vadd.f32 v44, v61;
	v49 =	vadd.f32 v45, v62;
	_ =	sdelay $0x1  }
0x684: {  	v50 =	vadd.f32 v47, v46;
	v51 =	vadd.f32 v49, v48;
	_ =	sdelay $0x1  }
0x685: {  	v39 =	vadd.f32 v51, v50;
	_ =	sdelay $0x1  }
0x686: {  	(erf) = vrcp.f32 v39;
	_ =	sdelay $0x1  }
0x687: {  	v26 =	vmax.f32 v60, v31;
	v52 =	vmax.f32 v61, v63  }
0x688: {  	v29 =	vmax.f32 v61, v44;
	v21 =	vmul.f32 v46, v21;
	v22 =	vmul.f32 v47, v22  }
0x689: {  	v30 =	vmax.f32 v62, v45;
	v23 =	vmul.f32 v48, v23;
	v24 =	vmul.f32 v49, v24  }
0x68a: {  	v26 =	vmin.f32 v26, v52;
	v29 =	vmin.f32 v29, v30  }
0x68b: {  	v26 =	vmin.f32 v26, v29;
	v21 =	vadd.f32 v22, v21;
	v53 =	vadd.f32 v24, v23  }
0x68c: {  	v54 =	vadd.f32 v26, v26  }
0x68d: {  	v21 =	vadd.f32 v53, v21  }
0x68e: {  	vm9 =	vge.f32 v47, v54;
	v55 =	vpop (erf)  }
0x68f: {  	vm10 =	vlt.f32 v28, $1.000000050e-03;
	vm0 =	vmneg vm9;
	v21 =	vmul.f32 v55, v21  }
0x690: {  	vm1 =	vmand vm10, vm0  }
0x691: {  	v21 =	vsel vm1, v27, v21  }
0x692: {  	v21 =	vsel vm0, v21, v25  }
0x693: {  	s30 =	sor.u32 $0x420, s28;
	[tilespmem:s25+$0x24C0] =	vst v21  }
0x694: {  	v21 =	vld.idx.msk [tilespmem:v0+s30+$0x1000], $0xffff  }
0x695: {  	s31 =	sor.u32 $0x420, s26;
	v22 =	vld.idx.msk [tilespmem:v1+s30+$0x1000], $0xffff  }
0x696: {  	v23 =	vld.idx.msk [tilespmem:v0+s31+$0x1000], $0xffff  }
0x697: {  	v24 =	vld.idx.msk [tilespmem:v1+s31+$0x1000], $0xffff;
	_ =	sdelay $0x4  }
0x698: {  	v56 =	vadd.f32 v22, v21;
	v57 =	vadd.f32 v24, v23;
	_ =	sdelay $0x1  }
0x699: {  	v58 =	vadd.f32 v23, v22;
	v25 =	vadd.f32 v57, v56;
	_ =	sdelay $0x1  }
0x69a: {  	v59 =	vmul.f32 $5.000000000e-01, v58;
	v25 =	vmul.f32 $2.500000000e-01, v25;
	_ =	sdelay $0x1  }
0x69b: {  	v27 =	vadd.f32 v25, v59;
	_ =	sdelay $0x1  }
0x69c: {  	v27 =	vmul.f32 $5.000000000e-01, v27;
	_ =	sdelay $0x1  }
0x69d: {  	v60 =	vsub.f32 v22, v27;
	v61 =	vsub.f32 v23, v27  }
0x69e: {  	v62 =	vsub.f32 v21, v27;
	v63 =	vsub.f32 v24, v27  }
0x69f: {  	v28 =	vand.u32 $0x7FFFFFFF, v60;
	v29 =	vand.u32 $0x7FFFFFFF, v61  }
0x6a0: {  	v30 =	vand.u32 $0x7FFFFFFF, v62;
	v31 =	vand.u32 $0x7FFFFFFF, v63;
	v36 =	vadd.f32 v29, v28  }
0x6a1: {  	v28 =	vadd.f32 v28, v30;
	v29 =	vadd.f32 v31, v29  }
0x6a2: {  	v32 =	vmul.f32 $5.000000000e-01, v36  }
0x6a3: {  	v28 =	vadd.f32 v29, v28  }
0x6a4: {  	v37 =	vadd.f32 $9.999999740e-05, v32  }
0x6a5: {  	v28 =	vmul.f32 $2.500000000e-01, v28  }
0x6a6: {  	(erf) = vrcp.f32 v37  }
0x6a7: {  	v28 =	vadd.f32 $9.999999740e-05, v28;
	_ =	sdelay $0x1  }
0x6a8: {  	(erf) = vrcp.f32 v28;
	_ =	sdelay $0x4  }
0x6a9: {  	v26 =	vsub.f32 v24, v59  }
0x6aa: {  	v39 =	vsub.f32 v21, v59;
	v43 =	vsub.f32 v21, v25;
	v38 =	vpop (erf)  }
0x6ab: {  	v40 =	vsub.f32 v22, v59;
	v26 =	vmul.f32 v26, v26;
	v29 =	vmul.f32 v38, v38  }
0x6ac: {  	v44 =	vsub.f32 v22, v25;
	v45 =	vmul.f32 v43, v43;
	v30 =	vmul.f32 v39, v39  }
0x6ad: {  	v31 =	vmul.f32 v40, v40;
	v41 =	vpop (erf);
	v29 =	vmul.f32 $-5.000000000e-01, v29  }
0x6ae: {  	v47 =	vmul.f32 v44, v44;
	v32 =	vmul.f32 v41, v41  }
0x6af: {  	v46 =	vsub.f32 v23, v25;
	v30 =	vmul.f32 v29, v30;
	v31 =	vmul.f32 v29, v31  }
0x6b0: {  	v26 =	vmul.f32 v29, v26;
	v42 =	vmul.f32 $-5.000000000e-01, v32  }
0x6b1: {  	v48 =	vsub.f32 v24, v25;
	v32 =	vmul.f32 v46, v46;
	v30 =	vmul.f32 $1.442695020e+00, v30  }
0x6b2: {  	v31 =	vmul.f32 $1.442695020e+00, v31;
	v26 =	vmul.f32 $1.442695020e+00, v26  }
0x6b3: {  	(erf) = vpow2.f32 v30;
	v30 =	vmul.f32 v48, v48  }
0x6b4: {  	(erf) = vpow2.f32 v31;
	v31 =	vmul.f32 v42, v45  }
0x6b5: {  	(erf) = vpow2.f32 v26;
	v26 =	vmul.f32 v42, v47  }
0x6b6: {  	v32 =	vmul.f32 v42, v32;
	v31 =	vmul.f32 $1.442695020e+00, v31  }
0x6b7: {  	v29 =	vmul.f32 v42, v30;
	v26 =	vmul.f32 $1.442695020e+00, v26  }
0x6b8: {  	v49 =	vmul.f32 $1.442695020e+00, v32;
	(erf) = vpow2.f32 v31  }
0x6b9: {  	v50 =	vmul.f32 $1.442695020e+00, v29;
	(erf) = vpow2.f32 v26  }
0x6ba: {  	(erf) = vpow2.f32 v49  }
0x6bb: {  	(erf) = vpow2.f32 v50;
	_ =	sdelay $0x2  }
0x6bc: {  	v51 =	vpop (erf)  }
0x6bd: {  	v52 =	vpop (erf)  }
0x6be: {  	v53 =	vpop (erf)  }
0x6bf: {  	v31 =	vpop (erf)  }
0x6c0: {  	v54 =	vpop (erf)  }
0x6c1: {  	v55 =	vpop (erf)  }
0x6c2: {  	v57 =	vadd.f32 v31, v51;
	v58 =	vadd.f32 v54, v52;
	v56 =	vpop (erf)  }
0x6c3: {  	v59 =	vadd.f32 v55, v52;
	v60 =	vadd.f32 v56, v53;
	_ =	sdelay $0x1  }
0x6c4: {  	v61 =	vadd.f32 v58, v57;
	v62 =	vadd.f32 v60, v59;
	_ =	sdelay $0x1  }
0x6c5: {  	v39 =	vadd.f32 v62, v61;
	_ =	sdelay $0x1  }
0x6c6: {  	(erf) = vrcp.f32 v39;
	_ =	sdelay $0x1  }
0x6c7: {  	v26 =	vmax.f32 v51, v31;
	v63 =	vmax.f32 v52, v54  }
0x6c8: {  	v29 =	vmax.f32 v52, v55;
	v21 =	vmul.f32 v57, v21;
	v22 =	vmul.f32 v58, v22  }
0x6c9: {  	v30 =	vmax.f32 v53, v56;
	v23 =	vmul.f32 v59, v23;
	v24 =	vmul.f32 v60, v24  }
0x6ca: {  	v26 =	vmin.f32 v26, v63;
	v29 =	vmin.f32 v29, v30  }
0x6cb: {  	v26 =	vmin.f32 v26, v29;
	v21 =	vadd.f32 v22, v21;
	v32 =	vadd.f32 v24, v23  }
0x6cc: {  	v33 =	vadd.f32 v26, v26  }
0x6cd: {  	v21 =	vadd.f32 v32, v21  }
0x6ce: {  	vm11 =	vge.f32 v58, v33;
	v34 =	vpop (erf)  }
0x6cf: {  	vm12 =	vlt.f32 v28, $1.000000050e-03;
	vm0 =	vmneg vm11;
	v21 =	vmul.f32 v34, v21  }
0x6d0: {  	vm1 =	vmand vm12, vm0  }
0x6d1: {  	v21 =	vsel vm1, v27, v21  }
0x6d2: {  	v21 =	vsel vm0, v21, v25  }
0x6d3: {  	s28 =	sor.u32 $0x440, s28;
	[tilespmem:s25+$0x24D0] =	vst v21  }
0x6d4: {  	v21 =	vld.idx.msk [tilespmem:v0+s28+$0x1000], $0xffff  }
0x6d5: {  	s26 =	sor.u32 $0x440, s26;
	v22 =	vld.idx.msk [tilespmem:v1+s28+$0x1000], $0xffff  }
0x6d6: {  	v23 =	vld.idx.msk [tilespmem:v0+s26+$0x1000], $0xffff  }
0x6d7: {  	v24 =	vld.idx.msk [tilespmem:v1+s26+$0x1000], $0xffff;
	_ =	sdelay $0x4  }
0x6d8: {  	v35 =	vadd.f32 v22, v21;
	v36 =	vadd.f32 v24, v23;
	_ =	sdelay $0x1  }
0x6d9: {  	v37 =	vadd.f32 v23, v22;
	v25 =	vadd.f32 v36, v35;
	_ =	sdelay $0x1  }
0x6da: {  	v38 =	vmul.f32 $5.000000000e-01, v37;
	v25 =	vmul.f32 $2.500000000e-01, v25;
	_ =	sdelay $0x1  }
0x6db: {  	v27 =	vadd.f32 v25, v38;
	_ =	sdelay $0x1  }
0x6dc: {  	v27 =	vmul.f32 $5.000000000e-01, v27;
	_ =	sdelay $0x1  }
0x6dd: {  	v39 =	vsub.f32 v22, v27;
	v40 =	vsub.f32 v23, v27  }
0x6de: {  	v41 =	vsub.f32 v21, v27;
	v42 =	vsub.f32 v24, v27  }
0x6df: {  	v28 =	vand.u32 $0x7FFFFFFF, v39;
	v29 =	vand.u32 $0x7FFFFFFF, v40  }
0x6e0: {  	v30 =	vand.u32 $0x7FFFFFFF, v41;
	v31 =	vand.u32 $0x7FFFFFFF, v42;
	v43 =	vadd.f32 v29, v28  }
0x6e1: {  	v28 =	vadd.f32 v28, v30;
	v29 =	vadd.f32 v31, v29  }
0x6e2: {  	v32 =	vmul.f32 $5.000000000e-01, v43  }
0x6e3: {  	v28 =	vadd.f32 v29, v28  }
0x6e4: {  	v44 =	vadd.f32 $9.999999740e-05, v32  }
0x6e5: {  	v28 =	vmul.f32 $2.500000000e-01, v28  }
0x6e6: {  	(erf) = vrcp.f32 v44  }
0x6e7: {  	v28 =	vadd.f32 $9.999999740e-05, v28;
	_ =	sdelay $0x1  }
0x6e8: {  	(erf) = vrcp.f32 v28;
	_ =	sdelay $0x4  }
0x6e9: {  	v26 =	vsub.f32 v24, v38  }
0x6ea: {  	v46 =	vsub.f32 v21, v38;
	v50 =	vsub.f32 v21, v25;
	v45 =	vpop (erf)  }
0x6eb: {  	v47 =	vsub.f32 v22, v38;
	v26 =	vmul.f32 v26, v26;
	v29 =	vmul.f32 v45, v45  }
0x6ec: {  	v51 =	vsub.f32 v22, v25;
	v52 =	vmul.f32 v50, v50;
	v30 =	vmul.f32 v46, v46  }
0x6ed: {  	v31 =	vmul.f32 v47, v47;
	v48 =	vpop (erf);
	v29 =	vmul.f32 $-5.000000000e-01, v29  }
0x6ee: {  	v54 =	vmul.f32 v51, v51;
	v32 =	vmul.f32 v48, v48  }
0x6ef: {  	v53 =	vsub.f32 v23, v25;
	v30 =	vmul.f32 v29, v30;
	v31 =	vmul.f32 v29, v31  }
0x6f0: {  	v26 =	vmul.f32 v29, v26;
	v49 =	vmul.f32 $-5.000000000e-01, v32  }
0x6f1: {  	v55 =	vsub.f32 v24, v25;
	v32 =	vmul.f32 v53, v53;
	v30 =	vmul.f32 $1.442695020e+00, v30  }
0x6f2: {  	v31 =	vmul.f32 $1.442695020e+00, v31;
	v26 =	vmul.f32 $1.442695020e+00, v26  }
0x6f3: {  	(erf) = vpow2.f32 v30;
	v30 =	vmul.f32 v55, v55  }
0x6f4: {  	(erf) = vpow2.f32 v31;
	v31 =	vmul.f32 v49, v52  }
0x6f5: {  	(erf) = vpow2.f32 v26;
	v26 =	vmul.f32 v49, v54  }
0x6f6: {  	v32 =	vmul.f32 v49, v32;
	v31 =	vmul.f32 $1.442695020e+00, v31  }
0x6f7: {  	v29 =	vmul.f32 v49, v30;
	v26 =	vmul.f32 $1.442695020e+00, v26  }
0x6f8: {  	v56 =	vmul.f32 $1.442695020e+00, v32;
	(erf) = vpow2.f32 v31  }
0x6f9: {  	v57 =	vmul.f32 $1.442695020e+00, v29;
	(erf) = vpow2.f32 v26  }
0x6fa: {  	(erf) = vpow2.f32 v56  }
0x6fb: {  	(erf) = vpow2.f32 v57;
	_ =	sdelay $0x2  }
0x6fc: {  	v58 =	vpop (erf)  }
0x6fd: {  	v59 =	vpop (erf)  }
0x6fe: {  	v60 =	vpop (erf)  }
0x6ff: {  	v31 =	vpop (erf)  }
0x700: {  	v61 =	vpop (erf)  }
0x701: {  	v62 =	vpop (erf)  }
0x702: {  	v42 =	vadd.f32 v31, v58;
	v43 =	vadd.f32 v61, v59;
	v63 =	vpop (erf)  }
0x703: {  	v44 =	vadd.f32 v62, v59;
	v45 =	vadd.f32 v63, v60;
	_ =	sdelay $0x1  }
0x704: {  	v47 =	vadd.f32 v43, v42;
	v48 =	vadd.f32 v45, v44  }
0x705: {  	v6 =	vmul.f32 v17, v6;
	v4 =	vmul.f32 v9, v4  }
0x706: {  	v12 =	vmax.f32 v12, v19;
	v10 =	vmax.f32 v10, v14;
	v49 =	vadd.f32 v48, v47  }
0x707: {  	v7 =	vmul.f32 v18, v7;
	v5 =	vmul.f32 v15, v5;
	v4 =	vadd.f32 v4, v6  }
0x708: {  	v46 =	vmax.f32 v11, v20;
	v11 =	vmax.f32 v11, v16;
	(erf) = vrcp.f32 v49  }
0x709: {  	v5 =	vadd.f32 v5, v7;
	v12 =	vmin.f32 v12, v46;
	v10 =	vmin.f32 v11, v10  }
0x70a: {  	v10 =	vmin.f32 v12, v10;
	v50 =	vmax.f32 v58, v31;
	v51 =	vmax.f32 v59, v61  }
0x70b: {  	v52 =	vmax.f32 v59, v62;
	v53 =	vmul.f32 v42, v21;
	v57 =	vmul.f32 v43, v22  }
0x70c: {  	v55 =	vmax.f32 v60, v63;
	v54 =	vmul.f32 v44, v23;
	v56 =	vmul.f32 v45, v24  }
0x70d: {  	v10 =	vadd.f32 v10, v10;
	v6 =	vmin.f32 v50, v51;
	v58 =	vmin.f32 v52, v55  }
0x70e: {  	v6 =	vmin.f32 v6, v58;
	v59 =	vadd.f32 v57, v53;
	v60 =	vadd.f32 v56, v54  }
0x70f: {  	v4 =	vadd.f32 v5, v4;
	vm13 =	vge.f32 v9, v10;
	v61 =	vadd.f32 v6, v6  }
0x710: {  	s21 =	sadd.s32 $0x2, s21;
	vm14 =	vlt.f32 v8, $1.000000050e-03;
	vm0 =	vmneg vm13;
	v62 =	vadd.f32 v60, v59  }
0x711: {  	p1 =	slt.u32 s21, $0x6;
	v4 =	vmul.f32 v13, v4;
	vm1 =	vmand vm14, vm0;
	vm2 =	vge.f32 v43, v61;
	v63 =	vpop (erf)  }
.Ltmp1:
0x712: {  	vm3 =	vlt.f32 v28, $1.000000050e-03;
	vm2 =	vmneg vm2;
	v5 =	vmul.f32 v63, v62;
	(pc) =	sbr.rel @p1 .LBB2_5-.Ltmp1, $4  }
0x713: {  	v3 =	vsel vm1, v3, v4;
	vm15 =	vmand vm3, vm2  }
0x714: {  	v2 =	vsel vm0, v3, v2;
	v3 =	vsel vm15, v27, v5  }
0x715: {  	p0 =	por !p0, !p0;
	[tilespmem:s25+$0x2460] =	vst v2;
	v2 =	vsel vm2, v3, v25  }
0x716: {  	s24 =	sadd.s32 $0x200, s24;
	s22 =	sadd.s32 $0x2, s22;
	s23 =	sadd.s32 $0x400, s23;
	[tilespmem:s25+$0x24E0] =	vst v2  }
0x717: {  	s21 =	sor.u32 $0x1, s19  }
0x718: {  	s26 =	sadd.s32 $0x3, s19;
	s22 =	smulhi.u32 $0x92492493, s21  }
0x719: {  	s19 =	smin.u32 s26, s6  }
0x71a: {  	s28 =	smulhi.u32 $0x12492493, s19;
	s22 =	sshrl.u32 s22, $0x3  }
0x71b: {  	s22 =	smul.u32 $0xE, s22;
	_ =	sdelay $0x1  }
0x71c: {  	s29 =	smulhi.u32 $0x4924925, s28;
	s21 =	ssub.s32 s21, s22  }
0x71d: {  	s21 =	sshll.u32 s21, $0xA  }
0x71e: {  	s20 =	sadd.s32 s21, s20;
	s21 =	smul.u32 $0x38, s29  }
0x71f: {  	s20 =	sshrl.u32 s20, $0x3  }
0x720: {  	s20 =	sadd.s32 s5, s20;
	s30 =	ssub.s32 s28, s21  }
0x721: {  	[hbm4b:s20+s4] =	stream.linear.scatter [tilespmem:s14], [sflag:$0x4], $0x400, $0x38;
	[tilespmem:$0x2800] =	vst v63  }
0x722: {  	p0 =	slt.u32 s19, $0xE;
	p1 =	sne.s32 s30, $0x0  }
0x723: {  	s31 =	smulhi.u32 $0x539783, s19;
	p0 =	por !p0, !p1  }
0x724: {  	s23 =	simm.s32 $0x1;
	s22 =	smul.u32 $0xE, s28;
	p0 =	por !p0, !p0  }
0x725: {  	s23 =	simm.s32 @!p0 $0x0  }
0x726: {  	s19 =	ssub.s32 s19, s22;
	s20 =	smul.u32 $0xE000, s30;
	s21 =	ssub.s32 s31, s23  }
0x727: {  	s18 =	sadd.s32 $0x1, s18;
	s19 =	sshll.u32 s19, $0xC;
	s21 =	smul.u32 $0x540000, s21  }
0x728: {  	s19 =	sadd.s32 s19, s20;
	p0 =	sne.s32 s18, $0x31  }
.Ltmp2:
0x729: {  	s19 =	sadd.s32 s21, s19;
	(pc) =	sbr.rel @p0 .LBB2_2-.Ltmp2, $4  }
0x72a: {  	s19 =	sadd.s32 $0x230000, s19  }
0x72b: {  	s19 =	sshrl.u32 s19, $0x3  }
0x72c: {  	s19 =	sadd.s32 s3, s19  }
0x72d: {  	[tilespmem:s10], [sflag:$0x2] =	stream.linear.gather [hbm4b:s19+s4], $0x1000, $0x38;
	[tilespmem:$0x2800] =	vst v63  }
0x72e: {  	_ =	swait.ge [sflag:s15], $0x400  }
0x72f: {  	[sflag:s15] =	ssyncset.done $0x0  }
0x730: {  	[sflag:s15] =	ssyncadd.s32 $0xFFFFFC00  }
0x731: {  	_ =	swait.ge [sflag:s16], $0x400  }
0x732: {  	[sflag:s16] =	ssyncset.done $0x0  }
0x733: {  	s17 =	sadd.s32 $0x1, s17;
	[sflag:s16] =	ssyncadd.s32 $0xFFFFFC00  }
0x734: {  	p0 =	sne.s32 s17, s9;
	_ =	swait.ge [sflag:s11], $0x1000  }
.Ltmp3:
0x735: {  	[sflag:s11] =	ssyncset.done $0x0;
	(pc) =	sbr.rel @p0 .LBB2_1-.Ltmp3, $4  }
0x736: {  	[sflag:s11] =	ssyncadd.s32 $0xFFFFF000  }
0x737: {  	_ =	swait.ge [sflag:s13], $0x1000  }
0x738: {  	[sflag:s13] =	ssyncset.done $0x0  }
0x739: {  	[sflag:s13] =	ssyncadd.s32 $0xFFFFF000  }
0x73a: {  	_ =	sfence.sel $0x180000  }
0x73b: {  	[bflag:$0x0] =	sbarrier.arrive $0xFFFF  }
0x73c: {  	p0 =	sne.s32 s0, $0x0;
	_ =	strace $0x90000047  }
0x73d: {  	s0 =	sadd.s32 @!p0 $0x100000, s2;
	[bflag:$0x2] =	sbarrier.arrive $0xFFFF  }
0x73e: {  	[sflag:s0] =	ssyncadd.tile.s32 @!p0 $0x1;
	_ =	shalt  }
.Lfunc_end2:
_tile_overlayer_lowered:
.L_overlay_start_2:
0x73f: {  	(tag) =	ssettag $0x2  }
0x740: {  	s0 =	rddreg [dreg:$0x0];
	s2 =	stileid.u32  }
0x741: {  	s1 =	rddreg [dreg:$0x1];
	p0 =	sne.s32 s2, $0x0  }
0x742: {  	s3 =	rddreg [dreg:$0x2];
	[bflag:$0x3] =	sbarrier.arrive $0xFFFF;
	s2 =	simm.s32 @!p0 $0x1C05  }
0x743: {  	[timem:s3], [sflag:s2] =	dma.local @!p0 [hbm:s0], s1  }
0x744: {  	s0 =	simm.s32 @!p0 $0x5  }
0x745: {  	_ =	swait.ge @!p0 [sflag:s0], s1  }
0x746: {  	s1 =	ssub.s32 @!p0 $0x0, s1;
	[sflag:s0] =	ssyncset.done @!p0 $0x0  }
0x747: {  	[sflag:s0] =	ssyncadd.s32 @!p0 s1  }
0x748: {  	[bflag:$0x3] =	sbarrier.arrive $0xFFFF  }
0x749: {  	_ =	shalt  }

</sc_bundles>
